<compile_context>
chip_gen: v7x
topology: tpu7x:2x2x1
jax: 0.10.2.dev20260603
libtpu: 0.0.44.dev20260713+nightly
codegen_flags: <defaults>
</compile_context>

<pallas_src>
import dataclasses
import functools

import jax
import jax.numpy as jnp
from jax.experimental import pallas as pl
from jax.experimental.pallas import tpu as pltpu
from jax.experimental.pallas import tpu_sc as plsc

NUM_ACT = 96
NUM_COEFFS = 256
X_MIN = -2.0
X_MAX = 2.0
GRID = (X_MAX - X_MIN) / (NUM_COEFFS - 1)
INV_GRID = 1.0 / GRID

LANES = 16
H = 224
W = 224
NROWS = 8 * NUM_ACT
BR = 56
BLOCKS_PER_IMG = H // BR


def _sc_spline(x3, coeff_flat, bases3):
    mesh = plsc.VectorSubcoreMesh(core_axis_name="c", subcore_axis_name="s")
    cp = pltpu.CompilerParams()
    if "needs_layout_passes" in pltpu.CompilerParams.__dataclass_fields__:
        cp = dataclasses.replace(cp, needs_layout_passes=False)
    cp = dataclasses.replace(cp, use_tc_tiling_on_sc=True)

    @functools.partial(
        pl.kernel,
        mesh=mesh,
        out_type=jax.ShapeDtypeStruct((NROWS, H, W), jnp.float32),
        scratch_types=[
            pltpu.VMEM((NUM_ACT * NUM_COEFFS,), jnp.float32),
            pltpu.VMEM((NUM_ACT * NUM_COEFFS,), jnp.float32),
        ],
        compiler_params=cp,
    )
    def run(x_hbm, coeff_hbm, bases_hbm, out_hbm, table_vmem, slope_vmem):
        pltpu.sync_copy(coeff_hbm, table_vmem)
        iota = jax.lax.iota(jnp.int32, LANES)
        nt = NUM_ACT * NUM_COEFFS

        @plsc.parallel_loop(0, nt, step=LANES, unroll=4)
        def _(i):
            nxt = plsc.load_gather(table_vmem, [jnp.minimum(iota + (i + 1), nt - 1)])
            slope_vmem[pl.ds(i, LANES)] = nxt - table_vmem[pl.ds(i, LANES)]

        @plsc.parallel_loop(0, nt, step=LANES, unroll=4)
        def _(i):
            knot = ((iota + i) & (NUM_COEFFS - 1)).astype(jnp.float32)
            table_vmem[pl.ds(i, LANES)] = (
                table_vmem[pl.ds(i, LANES)] - knot * slope_vmem[pl.ds(i, LANES)]
            )

        def body(x_vmem, b_vmem, o_vmem):
            base = b_vmem[0, 0, pl.ds(0, LANES)]

            @plsc.parallel_loop(0, BR, step=1, unroll=4)
            def _(r):
                for c in range(0, W, LANES):
                    xv = x_vmem[0, r, pl.ds(c, LANES)]
                    u = (xv - X_MIN) * INV_GRID
                    t = jnp.clip(u, 0.0, float(NUM_COEFFS - 2))
                    idx = t.astype(jnp.int32)
                    g = base + idx
                    a = plsc.load_gather(table_vmem, [g])
                    b = plsc.load_gather(slope_vmem, [g])
                    o_vmem[0, r, pl.ds(c, LANES)] = a + u * b

        pltpu.emit_pipeline(
            body,
            grid=(NROWS, BLOCKS_PER_IMG),
            in_specs=[
                pl.BlockSpec((1, BR, W), lambda i, j: (i, j, 0)),
                pl.BlockSpec((1, 8, 128), lambda i, j: (i, 0, 0)),
            ],
            out_specs=[pl.BlockSpec((1, BR, W), lambda i, j: (i, j, 0))],
            core_axis_name=("c", "s"),
            dimension_semantics=(pltpu.PARALLEL, pltpu.PARALLEL),
        )(x_hbm, bases_hbm, out_hbm)

    return run(x3, coeff_flat, bases3)


def kernel(x, coefficients):
    x3 = x.reshape(NROWS, H, W)
    coeff_flat = coefficients.reshape(-1)
    bases = (jnp.arange(NROWS, dtype=jnp.int32) % NUM_ACT) * NUM_COEFFS
    bases3 = jnp.broadcast_to(bases[:, None, None], (NROWS, 8, 128))
    out = _sc_spline(x3, coeff_flat, bases3)
    return out.reshape(x.shape)

# --- scband reference (transcript-rebuilt; emitter-appended) ---
"""Pipeline reference for scband-linear-spline-42185168781908 (READ-ONLY COPY).

The authoritative reference and input builder live on the scoring server;
editing this copy changes nothing except your own understanding.
"""

import jax, jax.numpy as jnp
import numpy as np

NUM_ACT = 96
NUM_COEFFS = 256
X_MIN = -2.0
X_MAX = 2.0
GRID = (X_MAX - X_MIN) / (NUM_COEFFS - 1)


def setup_inputs(seed: int = 0) -> dict:
    key = jax.random.key(seed)
    kx = jax.random.fold_in(key, 0)
    x = jax.random.normal(kx, (8, 96, 224, 224), dtype=jnp.float32)
    # spline_init='relu': coefficients initialized to relu of the knot grid
    grid_tensor = jnp.linspace(X_MIN, X_MAX, NUM_COEFFS, dtype=jnp.float32)
    coefficients = jnp.array(jnp.broadcast_to(jax.nn.relu(grid_tensor), (NUM_ACT, NUM_COEFFS)), dtype=jnp.float32)
    return {"x": x, "coefficients": coefficients}


def reference(x, coefficients):
    # slope_min/slope_max are None -> projected_coefficients == coefficients
    coeff_vect = coefficients.reshape(-1)
    leftmost = (jnp.arange(NUM_ACT, dtype=jnp.int32) * NUM_COEFFS).reshape(1, -1, 1, 1)
    x_clamped = jnp.clip(x, X_MIN, X_MAX - GRID)
    left_idx = jnp.floor((x_clamped - X_MIN) / GRID)
    left_idx_c = jax.lax.stop_gradient(left_idx)
    indices = (leftmost + left_idx_c).astype(jnp.int32)
    fracs = (x - X_MIN) / GRID - left_idx_c
    out = jnp.take(coeff_vect, indices + 1) * fracs + jnp.take(coeff_vect, indices) * (1.0 - fracs)
    return out

if __name__ == "__main__":
    import jax
    _d = setup_inputs()
    print(jax.jit(kernel)(*tuple(_d.values())))

</pallas_src>

<mosaic_0001>
#map = affine_map<(d0, d1) -> (0, 0, 0)>
#map1 = affine_map<(d0, d1) -> (0)>
module attributes {stable_mosaic.version = 14 : i64} {
  func.func @run(%arg0: i32, %arg1: i32, %arg2: memref<768x224x224xf32, #tpu.memory_space<hbm>>, %arg3: memref<24576xf32, #tpu.memory_space<hbm>>, %arg4: memref<768x8x128xi32, #tpu.memory_space<hbm>>, %arg5: memref<768x224x224xf32, #tpu.memory_space<hbm>>, %arg6: memref<24576xf32, #tpu.memory_space<vmem>>, %arg7: memref<24576xf32, #tpu.memory_space<vmem>>) attributes {dimension_semantics = [#tpu.dimension_semantics<core_parallel>, #tpu.dimension_semantics<subcore_parallel>], iteration_bounds = array<i64: 2, 16>, scalar_prefetch = 0 : i64, scratch_operands = 2 : i64, tpu.core_type = #tpu.core_type<sc_vector_subcore>, window_params = [{transform_indices = #map}, {transform_indices = #map1}, {transform_indices = #map}, {transform_indices = #map}]} {
    "tpu.region"() ({
      %run_scoped3A = tpu.sem_alloc : memref<!tpu.dma_semaphore, #tpu.memory_space<semaphore_mem>>
      tpu.enqueue_dma source(%arg3 : memref<24576xf32, #tpu.memory_space<hbm>>) target(%arg6 : memref<24576xf32, #tpu.memory_space<vmem>>) target_semaphore(%run_scoped3A : memref<!tpu.dma_semaphore, #tpu.memory_space<semaphore_mem>>)
      tpu.wait_dma2 semaphore(%run_scoped3A : memref<!tpu.dma_semaphore, #tpu.memory_space<semaphore_mem>>) src(%arg3 : memref<24576xf32, #tpu.memory_space<hbm>>) dst(%arg6 : memref<24576xf32, #tpu.memory_space<vmem>>)
      tpu.yield
    }) : () -> ()
    %iota3A = tpu.iota {dimensions = array<i32: 0>} : vector<16xi32>
    %parallel_loop3A = arith.constant 0 : i32
    %parallel_loop3A_0 = arith.constant 24576 : i32
    %parallel_loop3A_1 = arith.constant 16 : i32
    scf.for %parallel_loop3A_12 = %parallel_loop3A to %parallel_loop3A_0 step %parallel_loop3A_1  : i32 {
      %parallel_loop3A_13 = arith.constant 1 : i32
      %parallel_loop3A_14 = arith.addi %parallel_loop3A_12, %parallel_loop3A_13 : i32
      %parallel_loop3A_15 = vector.broadcast %parallel_loop3A_14 : i32 to vector<16xi32>
      %parallel_loop3A_16 = arith.addi %iota3A, %parallel_loop3A_15 : vector<16xi32>
      %parallel_loop3A_17 = arith.constant 24575 : i32
      %parallel_loop3A_18 = vector.broadcast %parallel_loop3A_17 : i32 to vector<16xi32>
      %parallel_loop3A_19 = arith.minsi %parallel_loop3A_16, %parallel_loop3A_18 : vector<16xi32>
      %parallel_loop3A_20 = tpu.vector_load_idx %arg6[%parallel_loop3A_19] : memref<24576xf32, #tpu.memory_space<vmem>>[vector<16xi32>], vector<16xf32>,
      %parallel_loop3A_21 = arith.index_cast %parallel_loop3A_12 : i32 to index
      %parallel_loop3A_22 = tpu.vector_load %arg6[%parallel_loop3A_21] {strides = array<i32>} : memref<24576xf32, #tpu.memory_space<vmem>>, vector<16xf32>,
      %parallel_loop3A_23 = arith.subf %parallel_loop3A_20, %parallel_loop3A_22 : vector<16xf32>
      %parallel_loop3A_24 = arith.index_cast %parallel_loop3A_12 : i32 to index
      %parallel_loop3A_25 = tpu.vector_load %arg7[%parallel_loop3A_24] {strides = array<i32>} : memref<24576xf32, #tpu.memory_space<vmem>>, vector<16xf32>,
      tpu.vector_store %arg7[%parallel_loop3A_24], %parallel_loop3A_23 {strides = array<i32>} : memref<24576xf32, #tpu.memory_space<vmem>>, vector<16xf32>,
    } {sc.loop_unroll_factor = 4 : i64, sc.parallel_access}
    %parallel_loop3A_2 = arith.constant 0 : i32
    %parallel_loop3A_3 = arith.constant 24576 : i32
    %parallel_loop3A_4 = arith.constant 16 : i32
    scf.for %parallel_loop3A_12 = %parallel_loop3A_2 to %parallel_loop3A_3 step %parallel_loop3A_4  : i32 {
      %parallel_loop3A_13 = vector.broadcast %parallel_loop3A_12 : i32 to vector<16xi32>
      %parallel_loop3A_14 = arith.addi %iota3A, %parallel_loop3A_13 : vector<16xi32>
      %parallel_loop3A_15 = arith.constant 255 : i32
      %parallel_loop3A_16 = vector.broadcast %parallel_loop3A_15 : i32 to vector<16xi32>
      %parallel_loop3A_17 = arith.andi %parallel_loop3A_14, %parallel_loop3A_16 : vector<16xi32>
      %parallel_loop3A_18 = arith.sitofp %parallel_loop3A_17 : vector<16xi32> to vector<16xf32>
      %parallel_loop3A_19 = arith.index_cast %parallel_loop3A_12 : i32 to index
      %parallel_loop3A_20 = tpu.vector_load %arg6[%parallel_loop3A_19] {strides = array<i32>} : memref<24576xf32, #tpu.memory_space<vmem>>, vector<16xf32>,
      %parallel_loop3A_21 = arith.index_cast %parallel_loop3A_12 : i32 to index
      %parallel_loop3A_22 = tpu.vector_load %arg7[%parallel_loop3A_21] {strides = array<i32>} : memref<24576xf32, #tpu.memory_space<vmem>>, vector<16xf32>,
      %parallel_loop3A_23 = arith.mulf %parallel_loop3A_18, %parallel_loop3A_22 : vector<16xf32>
      %parallel_loop3A_24 = arith.subf %parallel_loop3A_20, %parallel_loop3A_23 : vector<16xf32>
      %parallel_loop3A_25 = arith.index_cast %parallel_loop3A_12 : i32 to index
      %parallel_loop3A_26 = tpu.vector_load %arg6[%parallel_loop3A_25] {strides = array<i32>} : memref<24576xf32, #tpu.memory_space<vmem>>, vector<16xf32>,
      tpu.vector_store %arg6[%parallel_loop3A_25], %parallel_loop3A_24 {strides = array<i32>} : memref<24576xf32, #tpu.memory_space<vmem>>, vector<16xf32>,
    } {sc.loop_unroll_factor = 4 : i64, sc.parallel_access}
    %mul3A = arith.constant 1 : i32
    %mul3A_5 = arith.muli %arg1, %mul3A : i32
    %add3A = arith.constant 0 : i32
    %add3A_6 = arith.addi %add3A, %mul3A_5 : i32
    %mul3A_7 = arith.constant 16 : i32
    %mul3A_8 = arith.muli %arg0, %mul3A_7 : i32
    %add3A_9 = arith.addi %add3A_6, %mul3A_8 : i32
    %mul3A_10 = arith.constant 24 : i32
    %mul3A_11 = arith.muli %add3A_9, %mul3A_10 : i32
    "tpu.region"() ({
      %run_scoped3A = memref.alloca() : memref<2x1x56x224xf32, #tpu.memory_space<vmem>>
      %run_scoped3A_12 = tpu.sem_alloc : memref<2x!tpu.dma_semaphore, #tpu.memory_space<semaphore_mem>>
      %run_scoped3A_13 = memref.alloca() : memref<2x1x8x128xi32, #tpu.memory_space<vmem>>
      %run_scoped3A_14 = tpu.sem_alloc : memref<2x!tpu.dma_semaphore, #tpu.memory_space<semaphore_mem>>
      %run_scoped3A_15 = memref.alloca() : memref<2x1x56x224xf32, #tpu.memory_space<vmem>>
      %run_scoped3A_16 = tpu.sem_alloc : memref<2x!tpu.dma_semaphore, #tpu.memory_space<semaphore_mem>>
      %add3A_17 = arith.constant 0 : i32
      %add3A_18 = arith.addi %add3A_17, %mul3A_11 : i32
      %select_n3A = arith.constant true
      %select_n3A_19 = arith.constant 0 : i32
      %select_n3A_20 = arith.constant -1 : i32
      %select_n3A_21 = arith.select %select_n3A, %select_n3A_20, %select_n3A_19 : i32
      %eq3A = arith.constant -1 : i32
      %eq3A_22 = arith.cmpi eq, %select_n3A_21, %eq3A : i32
      %select_n3A_23 = arith.constant 3 : i32
      %select_n3A_24 = arith.select %eq3A_22, %select_n3A_23, %select_n3A_21 : i32
      %select_n3A_25 = arith.constant 0 : i32
      %select_n3A_26 = arith.constant -1 : i32
      %select_n3A_27 = arith.select %eq3A_22, %select_n3A_26, %select_n3A_25 : i32
      %eq3A_28 = arith.constant -1 : i32
      %eq3A_29 = arith.cmpi eq, %select_n3A_27, %eq3A_28 : i32
      %select_n3A_30 = arith.constant 23 : i32
      %select_n3A_31 = arith.select %eq3A_29, %select_n3A_30, %select_n3A_27 : i32
      %add3A_32 = arith.addi %select_n3A_31, %mul3A_11 : i32
      %add3A_33 = arith.constant 0 : i32
      %add3A_34 = arith.addi %select_n3A_24, %add3A_33 : i32
      %select_n3A_35 = arith.constant true
      %select_n3A_36 = arith.constant 0 : i32
      %select_n3A_37 = arith.constant 1 : i32
      %select_n3A_38 = arith.select %select_n3A_35, %select_n3A_37, %select_n3A_36 : i32
      %eq3A_39 = arith.constant 4 : i32
      %eq3A_40 = arith.cmpi eq, %select_n3A_38, %eq3A_39 : i32
      %select_n3A_41 = arith.constant 0 : i32
      %select_n3A_42 = arith.select %eq3A_40, %select_n3A_41, %select_n3A_38 : i32
      %select_n3A_43 = arith.constant 0 : i32
      %select_n3A_44 = arith.constant 1 : i32
      %select_n3A_45 = arith.select %eq3A_40, %select_n3A_44, %select_n3A_43 : i32
      %eq3A_46 = arith.constant 24 : i32
      %eq3A_47 = arith.cmpi eq, %select_n3A_45, %eq3A_46 : i32
      %select_n3A_48 = arith.constant 0 : i32
      %select_n3A_49 = arith.select %eq3A_47, %select_n3A_48, %select_n3A_45 : i32
      %add3A_50 = arith.addi %select_n3A_49, %mul3A_11 : i32
      %add3A_51 = arith.constant 0 : i32
      %add3A_52 = arith.addi %select_n3A_42, %add3A_51 : i32
      %add3A_53 = arith.constant 1 : i32
      %add3A_54 = arith.addi %select_n3A_42, %add3A_53 : i32
      %select_n3A_55 = arith.constant true
      %select_n3A_56 = arith.select %select_n3A_55, %add3A_54, %select_n3A_42 : i32
      %eq3A_57 = arith.constant 4 : i32
      %eq3A_58 = arith.cmpi eq, %select_n3A_56, %eq3A_57 : i32
      %select_n3A_59 = arith.constant 0 : i32
      %select_n3A_60 = arith.select %eq3A_58, %select_n3A_59, %select_n3A_56 : i32
      %add3A_61 = arith.constant 1 : i32
      %add3A_62 = arith.addi %select_n3A_49, %add3A_61 : i32
      %select_n3A_63 = arith.select %eq3A_58, %add3A_62, %select_n3A_49 : i32
      %eq3A_64 = arith.constant 24 : i32
      %eq3A_65 = arith.cmpi eq, %select_n3A_63, %eq3A_64 : i32
      %select_n3A_66 = arith.constant 0 : i32
      %select_n3A_67 = arith.select %eq3A_65, %select_n3A_66, %select_n3A_63 : i32
      %add3A_68 = arith.addi %select_n3A_67, %mul3A_11 : i32
      %add3A_69 = arith.constant 0 : i32
      %add3A_70 = arith.addi %select_n3A_60, %add3A_69 : i32
      "tpu.trace_start"() <{level = 10 : i32, message = "ep_initialize_0"}> : () -> ()
      %rem3A = arith.constant 0 : i32
      %rem3A_71 = arith.constant 2 : i32
      %rem3A_72 = arith.remui %rem3A, %rem3A_71 : i32
      %mul3A_73 = arith.constant 1 : i32
      %mul3A_74 = arith.muli %mul3A_73, %add3A_18 : i32
      %dma_start3A = arith.constant 0 : i32
      %dma_start3A_75 = arith.constant 0 : i32
      %dma_start3A_76 = arith.constant 0 : i32
      %dma_start3A_77 = tpu.memref_slice %run_scoped3A[%rem3A_72, %dma_start3A, %dma_start3A_75, %dma_start3A_76] : memref<2x1x56x224xf32, #tpu.memory_space<vmem>> -> memref<1x1x56x224xf32, #tpu.memory_space<vmem>>
      %dma_start3A_78 = tpu.memref_squeeze %dma_start3A_77 : memref<1x1x56x224xf32, #tpu.memory_space<vmem>> -> memref<1x56x224xf32, #tpu.memory_space<vmem>>
      %dma_start3A_79 = arith.constant 0 : i32
      %dma_start3A_80 = arith.constant 0 : i32
      %dma_start3A_81 = tpu.memref_slice %arg2[%mul3A_74, %dma_start3A_79, %dma_start3A_80] : memref<768x224x224xf32, #tpu.memory_space<hbm>> -> memref<1x56x224xf32, #tpu.memory_space<hbm>>
      %dma_start3A_82 = tpu.memref_slice %run_scoped3A_12[%rem3A_72] : memref<2x!tpu.dma_semaphore, #tpu.memory_space<semaphore_mem>> -> memref<1x!tpu.dma_semaphore, #tpu.memory_space<semaphore_mem>>
      %dma_start3A_83 = tpu.memref_squeeze %dma_start3A_82 : memref<1x!tpu.dma_semaphore, #tpu.memory_space<semaphore_mem>> -> memref<!tpu.dma_semaphore, #tpu.memory_space<semaphore_mem>>
      %dma_start3A_84 = arith.constant 0 : i32
      %dma_start3A_85 = arith.constant 0 : i32
      %dma_start3A_86 = arith.constant 0 : i32
      %dma_start3A_87 = tpu.memref_slice %run_scoped3A[%rem3A_72, %dma_start3A_84, %dma_start3A_85, %dma_start3A_86] : memref<2x1x56x224xf32, #tpu.memory_space<vmem>> -> memref<1x1x56x224xf32, #tpu.memory_space<vmem>>
      %dma_start3A_88 = tpu.memref_squeeze %dma_start3A_87 : memref<1x1x56x224xf32, #tpu.memory_space<vmem>> -> memref<1x56x224xf32, #tpu.memory_space<vmem>>
      %dma_start3A_89 = arith.constant 0 : i32
      %dma_start3A_90 = arith.constant 0 : i32
      %dma_start3A_91 = tpu.memref_slice %arg2[%mul3A_74, %dma_start3A_89, %dma_start3A_90] : memref<768x224x224xf32, #tpu.memory_space<hbm>> -> memref<1x56x224xf32, #tpu.memory_space<hbm>>
      tpu.enqueue_dma source(%dma_start3A_91 : memref<1x56x224xf32, #tpu.memory_space<hbm>>) target(%dma_start3A_88 : memref<1x56x224xf32, #tpu.memory_space<vmem>>) target_semaphore(%dma_start3A_83 : memref<!tpu.dma_semaphore, #tpu.memory_space<semaphore_mem>>)
      %add3A_92 = arith.constant 0 : i32
      %add3A_93 = arith.constant 1 : i32
      %add3A_94 = arith.addi %add3A_92, %add3A_93 : i32
      %select_n3A_95 = arith.constant true
      %select_n3A_96 = arith.constant 0 : i32
      %select_n3A_97 = arith.select %select_n3A_95, %add3A_94, %select_n3A_96 : i32
      %rem3A_98 = arith.constant 0 : i32
      %rem3A_99 = arith.constant 2 : i32
      %rem3A_100 = arith.remui %rem3A_98, %rem3A_99 : i32
      %mul3A_101 = arith.constant 1 : i32
      %mul3A_102 = arith.muli %mul3A_101, %add3A_18 : i32
      %dma_start3A_103 = arith.constant 0 : i32
      %dma_start3A_104 = arith.constant 0 : i32
      %dma_start3A_105 = arith.constant 0 : i32
      %dma_start3A_106 = tpu.memref_slice %run_scoped3A_13[%rem3A_100, %dma_start3A_103, %dma_start3A_104, %dma_start3A_105] : memref<2x1x8x128xi32, #tpu.memory_space<vmem>> -> memref<1x1x8x128xi32, #tpu.memory_space<vmem>>
      %dma_start3A_107 = tpu.memref_squeeze %dma_start3A_106 : memref<1x1x8x128xi32, #tpu.memory_space<vmem>> -> memref<1x8x128xi32, #tpu.memory_space<vmem>>
      %dma_start3A_108 = arith.constant 0 : i32
      %dma_start3A_109 = arith.constant 0 : i32
      %dma_start3A_110 = tpu.memref_slice %arg4[%mul3A_102, %dma_start3A_108, %dma_start3A_109] : memref<768x8x128xi32, #tpu.memory_space<hbm>> -> memref<1x8x128xi32, #tpu.memory_space<hbm>>
      %dma_start3A_111 = tpu.memref_slice %run_scoped3A_14[%rem3A_100] : memref<2x!tpu.dma_semaphore, #tpu.memory_space<semaphore_mem>> -> memref<1x!tpu.dma_semaphore, #tpu.memory_space<semaphore_mem>>
      %dma_start3A_112 = tpu.memref_squeeze %dma_start3A_111 : memref<1x!tpu.dma_semaphore, #tpu.memory_space<semaphore_mem>> -> memref<!tpu.dma_semaphore, #tpu.memory_space<semaphore_mem>>
      %dma_start3A_113 = arith.constant 0 : i32
      %dma_start3A_114 = arith.constant 0 : i32
      %dma_start3A_115 = arith.constant 0 : i32
      %dma_start3A_116 = tpu.memref_slice %run_scoped3A_13[%rem3A_100, %dma_start3A_113, %dma_start3A_114, %dma_start3A_115] : memref<2x1x8x128xi32, #tpu.memory_space<vmem>> -> memref<1x1x8x128xi32, #tpu.memory_space<vmem>>
      %dma_start3A_117 = tpu.memref_squeeze %dma_start3A_116 : memref<1x1x8x128xi32, #tpu.memory_space<vmem>> -> memref<1x8x128xi32, #tpu.memory_space<vmem>>
      %dma_start3A_118 = arith.constant 0 : i32
      %dma_start3A_119 = arith.constant 0 : i32
      %dma_start3A_120 = tpu.memref_slice %arg4[%mul3A_102, %dma_start3A_118, %dma_start3A_119] : memref<768x8x128xi32, #tpu.memory_space<hbm>> -> memref<1x8x128xi32, #tpu.memory_space<hbm>>
      tpu.enqueue_dma source(%dma_start3A_120 : memref<1x8x128xi32, #tpu.memory_space<hbm>>) target(%dma_start3A_117 : memref<1x8x128xi32, #tpu.memory_space<vmem>>) target_semaphore(%dma_start3A_112 : memref<!tpu.dma_semaphore, #tpu.memory_space<semaphore_mem>>)
      %add3A_121 = arith.constant 0 : i32
      %add3A_122 = arith.constant 1 : i32
      %add3A_123 = arith.addi %add3A_121, %add3A_122 : i32
      %select_n3A_124 = arith.constant true
      %select_n3A_125 = arith.constant 0 : i32
      %select_n3A_126 = arith.select %select_n3A_124, %add3A_123, %select_n3A_125 : i32
      "tpu.trace_stop"() : () -> ()
      %scan3A = arith.constant 0 : i32
      %scan3A_127 = arith.constant 0 : i32
      %scan3A_128 = arith.constant 0 : i32
      %scan3A_129 = arith.constant 0 : i32
      %scan3A_130 = arith.constant 0 : i32
      %scan3A_131 = arith.constant 0 : i32
      %scan3A_132 = arith.constant 0 : i32
      %scan3A_133 = arith.constant 96 : i32
      %scan3A_134 = arith.addi %scan3A_132, %scan3A_133 : i32
      %scan3A_135 = arith.constant 1 : i32
      %scan3A_136:8 = scf.for %scan3A_230 = %scan3A_132 to %scan3A_134 step %scan3A_135 iter_args(%scan3A_231 = %select_n3A_97, %scan3A_232 = %scan3A, %scan3A_233 = %select_n3A_126, %scan3A_234 = %scan3A_127, %scan3A_235 = %scan3A_128, %scan3A_236 = %scan3A_129, %scan3A_237 = %scan3A_130, %scan3A_238 = %scan3A_131) -> (i32, i32, i32, i32, i32, i32, i32, i32)  : i32 {
        %eq3A_239 = arith.constant 0 : i32
        %eq3A_240 = arith.cmpi eq, %scan3A_230, %eq3A_239 : i32
        %eq3A_241 = arith.constant 95 : i32
        %eq3A_242 = arith.cmpi eq, %scan3A_230, %eq3A_241 : i32
        %add3A_243 = arith.addi %scan3A_237, %mul3A_11 : i32
        %add3A_244 = arith.constant 0 : i32
        %add3A_245 = arith.addi %scan3A_238, %add3A_244 : i32
        %sub3A_246 = arith.constant 1 : i32
        %sub3A_247 = arith.subi %scan3A_238, %sub3A_246 : i32
        %select_n3A_248 = arith.constant true
        %select_n3A_249 = arith.select %select_n3A_248, %sub3A_247, %scan3A_238 : i32
        %eq3A_250 = arith.constant -1 : i32
        %eq3A_251 = arith.cmpi eq, %select_n3A_249, %eq3A_250 : i32
        %select_n3A_252 = arith.constant 3 : i32
        %select_n3A_253 = arith.select %eq3A_251, %select_n3A_252, %select_n3A_249 : i32
        %sub3A_254 = arith.constant 1 : i32
        %sub3A_255 = arith.subi %scan3A_237, %sub3A_254 : i32
        %select_n3A_256 = arith.select %eq3A_251, %sub3A_255, %scan3A_237 : i32
        %eq3A_257 = arith.constant -1 : i32
        %eq3A_258 = arith.cmpi eq, %select_n3A_256, %eq3A_257 : i32
        %select_n3A_259 = arith.constant 23 : i32
        %select_n3A_260 = arith.select %eq3A_258, %select_n3A_259, %select_n3A_256 : i32
        %add3A_261 = arith.addi %select_n3A_260, %mul3A_11 : i32
        %add3A_262 = arith.constant 0 : i32
        %add3A_263 = arith.addi %select_n3A_253, %add3A_262 : i32
        %add3A_264 = arith.constant 1 : i32
        %add3A_265 = arith.addi %scan3A_238, %add3A_264 : i32
        %select_n3A_266 = arith.constant true
        %select_n3A_267 = arith.select %select_n3A_266, %add3A_265, %scan3A_238 : i32
        %eq3A_268 = arith.constant 4 : i32
        %eq3A_269 = arith.cmpi eq, %select_n3A_267, %eq3A_268 : i32
        %select_n3A_270 = arith.constant 0 : i32
        %select_n3A_271 = arith.select %eq3A_269, %select_n3A_270, %select_n3A_267 : i32
        %add3A_272 = arith.constant 1 : i32
        %add3A_273 = arith.addi %scan3A_237, %add3A_272 : i32
        %select_n3A_274 = arith.select %eq3A_269, %add3A_273, %scan3A_237 : i32
        %eq3A_275 = arith.constant 24 : i32
        %eq3A_276 = arith.cmpi eq, %select_n3A_274, %eq3A_275 : i32
        %select_n3A_277 = arith.constant 0 : i32
        %select_n3A_278 = arith.select %eq3A_276, %select_n3A_277, %select_n3A_274 : i32
        %add3A_279 = arith.addi %select_n3A_278, %mul3A_11 : i32
        %add3A_280 = arith.constant 0 : i32
        %add3A_281 = arith.addi %select_n3A_271, %add3A_280 : i32
        %add3A_282 = arith.constant 1 : i32
        %add3A_283 = arith.addi %select_n3A_271, %add3A_282 : i32
        %select_n3A_284 = arith.constant true
        %select_n3A_285 = arith.select %select_n3A_284, %add3A_283, %select_n3A_271 : i32
        %eq3A_286 = arith.constant 4 : i32
        %eq3A_287 = arith.cmpi eq, %select_n3A_285, %eq3A_286 : i32
        %select_n3A_288 = arith.constant 0 : i32
        %select_n3A_289 = arith.select %eq3A_287, %select_n3A_288, %select_n3A_285 : i32
        %add3A_290 = arith.constant 1 : i32
        %add3A_291 = arith.addi %select_n3A_278, %add3A_290 : i32
        %select_n3A_292 = arith.select %eq3A_287, %add3A_291, %select_n3A_278 : i32
        %eq3A_293 = arith.constant 24 : i32
        %eq3A_294 = arith.cmpi eq, %select_n3A_292, %eq3A_293 : i32
        %select_n3A_295 = arith.constant 0 : i32
        %select_n3A_296 = arith.select %eq3A_294, %select_n3A_295, %select_n3A_292 : i32
        %add3A_297 = arith.addi %select_n3A_296, %mul3A_11 : i32
        %add3A_298 = arith.constant 0 : i32
        %add3A_299 = arith.addi %select_n3A_289, %add3A_298 : i32
        %ne3A = arith.cmpi ne, %add3A_243, %add3A_279 : i32
        %ne3A_300 = arith.cmpi ne, %add3A_245, %add3A_281 : i32
        %or3A = arith.constant false
        %or3A_301 = arith.ori %or3A, %ne3A : i1
        %or3A_302 = arith.ori %or3A_301, %ne3A_300 : i1
        %or3A_303 = arith.constant false
        %or3A_304 = arith.ori %or3A_302, %or3A_303 : i1
        %ge3A = arith.constant 95 : i32
        %ge3A_305 = arith.cmpi sge, %scan3A_230, %ge3A : i32
        %not3A = arith.constant true
        %not3A_306 = arith.xori %ge3A_305, %not3A : i1
        %and3A = arith.andi %or3A_304, %not3A_306 : i1
        %convert_element_type3A = arith.extui %and3A : i1 to i32
        %cond3A = arith.constant 0 : i32
        %cond3A_307 = arith.cmpi ne, %convert_element_type3A, %cond3A : i32
        scf.if %cond3A_307 {
          "tpu.trace_start"() <{level = 10 : i32, message = "ep_copy_in"}> : () -> ()
          %rem3A_524 = arith.constant 2 : i32
          %rem3A_525 = arith.remui %scan3A_231, %rem3A_524 : i32
          %mul3A_526 = arith.constant 1 : i32
          %mul3A_527 = arith.muli %mul3A_526, %add3A_279 : i32
          %mul3A_528 = arith.constant 56 : i32
          %mul3A_529 = arith.muli %mul3A_528, %add3A_281 : i32
          %dma_start3A_530 = arith.constant 0 : i32
          %dma_start3A_531 = arith.constant 0 : i32
          %dma_start3A_532 = arith.constant 0 : i32
          %dma_start3A_533 = tpu.memref_slice %run_scoped3A[%rem3A_525, %dma_start3A_530, %dma_start3A_531, %dma_start3A_532] : memref<2x1x56x224xf32, #tpu.memory_space<vmem>> -> memref<1x1x56x224xf32, #tpu.memory_space<vmem>>
          %dma_start3A_534 = tpu.memref_squeeze %dma_start3A_533 : memref<1x1x56x224xf32, #tpu.memory_space<vmem>> -> memref<1x56x224xf32, #tpu.memory_space<vmem>>
          %dma_start3A_535 = arith.constant 0 : i32
          %dma_start3A_536 = tpu.memref_slice %arg2[%mul3A_527, %mul3A_529, %dma_start3A_535] : memref<768x224x224xf32, #tpu.memory_space<hbm>> -> memref<1x56x224xf32, #tpu.memory_space<hbm>>
          %dma_start3A_537 = tpu.memref_slice %run_scoped3A_12[%rem3A_525] : memref<2x!tpu.dma_semaphore, #tpu.memory_space<semaphore_mem>> -> memref<1x!tpu.dma_semaphore, #tpu.memory_space<semaphore_mem>>
          %dma_start3A_538 = tpu.memref_squeeze %dma_start3A_537 : memref<1x!tpu.dma_semaphore, #tpu.memory_space<semaphore_mem>> -> memref<!tpu.dma_semaphore, #tpu.memory_space<semaphore_mem>>
          %dma_start3A_539 = arith.constant 0 : i32
          %dma_start3A_540 = arith.constant 0 : i32
          %dma_start3A_541 = arith.constant 0 : i32
          %dma_start3A_542 = tpu.memref_slice %run_scoped3A[%rem3A_525, %dma_start3A_539, %dma_start3A_540, %dma_start3A_541] : memref<2x1x56x224xf32, #tpu.memory_space<vmem>> -> memref<1x1x56x224xf32, #tpu.memory_space<vmem>>
          %dma_start3A_543 = tpu.memref_squeeze %dma_start3A_542 : memref<1x1x56x224xf32, #tpu.memory_space<vmem>> -> memref<1x56x224xf32, #tpu.memory_space<vmem>>
          %dma_start3A_544 = arith.constant 0 : i32
          %dma_start3A_545 = tpu.memref_slice %arg2[%mul3A_527, %mul3A_529, %dma_start3A_544] : memref<768x224x224xf32, #tpu.memory_space<hbm>> -> memref<1x56x224xf32, #tpu.memory_space<hbm>>
          tpu.enqueue_dma source(%dma_start3A_545 : memref<1x56x224xf32, #tpu.memory_space<hbm>>) target(%dma_start3A_543 : memref<1x56x224xf32, #tpu.memory_space<vmem>>) target_semaphore(%dma_start3A_538 : memref<!tpu.dma_semaphore, #tpu.memory_space<semaphore_mem>>)
          "tpu.trace_stop"() : () -> ()
        } else {
        }
        %and3A_308 = arith.constant true
        %and3A_309 = arith.andi %and3A, %and3A_308 : i1
        %add3A_310 = arith.constant 1 : i32
        %add3A_311 = arith.addi %scan3A_231, %add3A_310 : i32
        %select_n3A_312 = arith.select %and3A_309, %add3A_311, %scan3A_231 : i32
        %ne3A_313 = arith.cmpi ne, %add3A_243, %add3A_279 : i32
        %or3A_314 = arith.constant false
        %or3A_315 = arith.ori %or3A_314, %ne3A_313 : i1
        %or3A_316 = arith.constant false
        %or3A_317 = arith.ori %or3A_315, %or3A_316 : i1
        %or3A_318 = arith.constant false
        %or3A_319 = arith.ori %or3A_317, %or3A_318 : i1
        %ge3A_320 = arith.constant 95 : i32
        %ge3A_321 = arith.cmpi sge, %scan3A_230, %ge3A_320 : i32
        %not3A_322 = arith.constant true
        %not3A_323 = arith.xori %ge3A_321, %not3A_322 : i1
        %and3A_324 = arith.andi %or3A_319, %not3A_323 : i1
        %convert_element_type3A_325 = arith.extui %and3A_324 : i1 to i32
        %cond3A_326 = arith.constant 0 : i32
        %cond3A_327 = arith.cmpi ne, %convert_element_type3A_325, %cond3A_326 : i32
        scf.if %cond3A_327 {
          "tpu.trace_start"() <{level = 10 : i32, message = "ep_copy_in"}> : () -> ()
          %rem3A_524 = arith.constant 2 : i32
          %rem3A_525 = arith.remui %scan3A_233, %rem3A_524 : i32
          %mul3A_526 = arith.constant 1 : i32
          %mul3A_527 = arith.muli %mul3A_526, %add3A_279 : i32
          %dma_start3A_528 = arith.constant 0 : i32
          %dma_start3A_529 = arith.constant 0 : i32
          %dma_start3A_530 = arith.constant 0 : i32
          %dma_start3A_531 = tpu.memref_slice %run_scoped3A_13[%rem3A_525, %dma_start3A_528, %dma_start3A_529, %dma_start3A_530] : memref<2x1x8x128xi32, #tpu.memory_space<vmem>> -> memref<1x1x8x128xi32, #tpu.memory_space<vmem>>
          %dma_start3A_532 = tpu.memref_squeeze %dma_start3A_531 : memref<1x1x8x128xi32, #tpu.memory_space<vmem>> -> memref<1x8x128xi32, #tpu.memory_space<vmem>>
          %dma_start3A_533 = arith.constant 0 : i32
          %dma_start3A_534 = arith.constant 0 : i32
          %dma_start3A_535 = tpu.memref_slice %arg4[%mul3A_527, %dma_start3A_533, %dma_start3A_534] : memref<768x8x128xi32, #tpu.memory_space<hbm>> -> memref<1x8x128xi32, #tpu.memory_space<hbm>>
          %dma_start3A_536 = tpu.memref_slice %run_scoped3A_14[%rem3A_525] : memref<2x!tpu.dma_semaphore, #tpu.memory_space<semaphore_mem>> -> memref<1x!tpu.dma_semaphore, #tpu.memory_space<semaphore_mem>>
          %dma_start3A_537 = tpu.memref_squeeze %dma_start3A_536 : memref<1x!tpu.dma_semaphore, #tpu.memory_space<semaphore_mem>> -> memref<!tpu.dma_semaphore, #tpu.memory_space<semaphore_mem>>
          %dma_start3A_538 = arith.constant 0 : i32
          %dma_start3A_539 = arith.constant 0 : i32
          %dma_start3A_540 = arith.constant 0 : i32
          %dma_start3A_541 = tpu.memref_slice %run_scoped3A_13[%rem3A_525, %dma_start3A_538, %dma_start3A_539, %dma_start3A_540] : memref<2x1x8x128xi32, #tpu.memory_space<vmem>> -> memref<1x1x8x128xi32, #tpu.memory_space<vmem>>
          %dma_start3A_542 = tpu.memref_squeeze %dma_start3A_541 : memref<1x1x8x128xi32, #tpu.memory_space<vmem>> -> memref<1x8x128xi32, #tpu.memory_space<vmem>>
          %dma_start3A_543 = arith.constant 0 : i32
          %dma_start3A_544 = arith.constant 0 : i32
          %dma_start3A_545 = tpu.memref_slice %arg4[%mul3A_527, %dma_start3A_543, %dma_start3A_544] : memref<768x8x128xi32, #tpu.memory_space<hbm>> -> memref<1x8x128xi32, #tpu.memory_space<hbm>>
          tpu.enqueue_dma source(%dma_start3A_545 : memref<1x8x128xi32, #tpu.memory_space<hbm>>) target(%dma_start3A_542 : memref<1x8x128xi32, #tpu.memory_space<vmem>>) target_semaphore(%dma_start3A_537 : memref<!tpu.dma_semaphore, #tpu.memory_space<semaphore_mem>>)
          "tpu.trace_stop"() : () -> ()
        } else {
        }
        %and3A_328 = arith.constant true
        %and3A_329 = arith.andi %and3A_324, %and3A_328 : i1
        %add3A_330 = arith.constant 1 : i32
        %add3A_331 = arith.addi %scan3A_233, %add3A_330 : i32
        %select_n3A_332 = arith.select %and3A_329, %add3A_331, %scan3A_233 : i32
        %ne3A_333 = arith.cmpi ne, %add3A_243, %add3A_279 : i32
        %ne3A_334 = arith.cmpi ne, %add3A_245, %add3A_281 : i32
        %or3A_335 = arith.constant false
        %or3A_336 = arith.ori %or3A_335, %ne3A_333 : i1
        %or3A_337 = arith.ori %or3A_336, %ne3A_334 : i1
        %or3A_338 = arith.constant false
        %or3A_339 = arith.ori %or3A_337, %or3A_338 : i1
        %ge3A_340 = arith.constant 95 : i32
        %ge3A_341 = arith.cmpi sge, %scan3A_230, %ge3A_340 : i32
        %not3A_342 = arith.constant true
        %not3A_343 = arith.xori %ge3A_341, %not3A_342 : i1
        %and3A_344 = arith.andi %or3A_339, %not3A_343 : i1
        %ne3A_345 = arith.cmpi ne, %add3A_243, %add3A_261 : i32
        %ne3A_346 = arith.cmpi ne, %add3A_245, %add3A_263 : i32
        %or3A_347 = arith.constant false
        %or3A_348 = arith.ori %or3A_347, %ne3A_345 : i1
        %or3A_349 = arith.ori %or3A_348, %ne3A_346 : i1
        %or3A_350 = arith.constant false
        %or3A_351 = arith.ori %or3A_349, %or3A_350 : i1
        %or3A_352 = arith.ori %or3A_351, %eq3A_240 : i1
        %convert_element_type3A_353 = arith.extui %or3A_352 : i1 to i32
        %cond3A_354 = arith.constant 0 : i32
        %cond3A_355 = arith.cmpi ne, %convert_element_type3A_353, %cond3A_354 : i32
        scf.if %cond3A_355 {
          "tpu.trace_start"() <{level = 10 : i32, message = "ep_wait_in"}> : () -> ()
          %mul3A_524 = arith.constant 1 : i32
          %mul3A_525 = arith.muli %mul3A_524, %add3A_243 : i32
          %mul3A_526 = arith.constant 56 : i32
          %mul3A_527 = arith.muli %mul3A_526, %add3A_245 : i32
          %rem3A_528 = arith.constant 2 : i32
          %rem3A_529 = arith.remui %scan3A_232, %rem3A_528 : i32
          %dma_wait3A_530 = arith.constant 0 : i32
          %dma_wait3A_531 = arith.constant 0 : i32
          %dma_wait3A_532 = arith.constant 0 : i32
          %dma_wait3A_533 = tpu.memref_slice %run_scoped3A[%rem3A_529, %dma_wait3A_530, %dma_wait3A_531, %dma_wait3A_532] : memref<2x1x56x224xf32, #tpu.memory_space<vmem>> -> memref<1x1x56x224xf32, #tpu.memory_space<vmem>>
          %dma_wait3A_534 = tpu.memref_squeeze %dma_wait3A_533 : memref<1x1x56x224xf32, #tpu.memory_space<vmem>> -> memref<1x56x224xf32, #tpu.memory_space<vmem>>
          %dma_wait3A_535 = arith.constant 0 : i32
          %dma_wait3A_536 = tpu.memref_slice %arg2[%mul3A_525, %mul3A_527, %dma_wait3A_535] : memref<768x224x224xf32, #tpu.memory_space<hbm>> -> memref<1x56x224xf32, #tpu.memory_space<hbm>>
          %dma_wait3A_537 = tpu.memref_slice %run_scoped3A_12[%rem3A_529] : memref<2x!tpu.dma_semaphore, #tpu.memory_space<semaphore_mem>> -> memref<1x!tpu.dma_semaphore, #tpu.memory_space<semaphore_mem>>
          %dma_wait3A_538 = tpu.memref_squeeze %dma_wait3A_537 : memref<1x!tpu.dma_semaphore, #tpu.memory_space<semaphore_mem>> -> memref<!tpu.dma_semaphore, #tpu.memory_space<semaphore_mem>>
          %dma_wait3A_539 = arith.constant 0 : i32
          %dma_wait3A_540 = arith.constant 0 : i32
          %dma_wait3A_541 = arith.constant 0 : i32
          %dma_wait3A_542 = tpu.memref_slice %run_scoped3A[%rem3A_529, %dma_wait3A_539, %dma_wait3A_540, %dma_wait3A_541] : memref<2x1x56x224xf32, #tpu.memory_space<vmem>> -> memref<1x1x56x224xf32, #tpu.memory_space<vmem>>
          %dma_wait3A_543 = tpu.memref_squeeze %dma_wait3A_542 : memref<1x1x56x224xf32, #tpu.memory_space<vmem>> -> memref<1x56x224xf32, #tpu.memory_space<vmem>>
          %dma_wait3A_544 = arith.constant 0 : i32
          %dma_wait3A_545 = tpu.memref_slice %arg2[%mul3A_525, %mul3A_527, %dma_wait3A_544] : memref<768x224x224xf32, #tpu.memory_space<hbm>> -> memref<1x56x224xf32, #tpu.memory_space<hbm>>
          tpu.wait_dma2 semaphore(%dma_wait3A_538 : memref<!tpu.dma_semaphore, #tpu.memory_space<semaphore_mem>>) src(%dma_wait3A_545 : memref<1x56x224xf32, #tpu.memory_space<hbm>>) dst(%dma_wait3A_543 : memref<1x56x224xf32, #tpu.memory_space<vmem>>)
          "tpu.trace_stop"() : () -> ()
        } else {
        }
        %ne3A_356 = arith.cmpi ne, %add3A_243, %add3A_261 : i32
        %or3A_357 = arith.constant false
        %or3A_358 = arith.ori %or3A_357, %ne3A_356 : i1
        %or3A_359 = arith.constant false
        %or3A_360 = arith.ori %or3A_358, %or3A_359 : i1
        %or3A_361 = arith.constant false
        %or3A_362 = arith.ori %or3A_360, %or3A_361 : i1
        %or3A_363 = arith.ori %or3A_362, %eq3A_240 : i1
        %convert_element_type3A_364 = arith.extui %or3A_363 : i1 to i32
        %cond3A_365 = arith.constant 0 : i32
        %cond3A_366 = arith.cmpi ne, %convert_element_type3A_364, %cond3A_365 : i32
        scf.if %cond3A_366 {
          "tpu.trace_start"() <{level = 10 : i32, message = "ep_wait_in"}> : () -> ()
          %mul3A_524 = arith.constant 1 : i32
          %mul3A_525 = arith.muli %mul3A_524, %add3A_243 : i32
          %rem3A_526 = arith.constant 2 : i32
          %rem3A_527 = arith.remui %scan3A_234, %rem3A_526 : i32
          %dma_wait3A_528 = arith.constant 0 : i32
          %dma_wait3A_529 = arith.constant 0 : i32
          %dma_wait3A_530 = arith.constant 0 : i32
          %dma_wait3A_531 = tpu.memref_slice %run_scoped3A_13[%rem3A_527, %dma_wait3A_528, %dma_wait3A_529, %dma_wait3A_530] : memref<2x1x8x128xi32, #tpu.memory_space<vmem>> -> memref<1x1x8x128xi32, #tpu.memory_space<vmem>>
          %dma_wait3A_532 = tpu.memref_squeeze %dma_wait3A_531 : memref<1x1x8x128xi32, #tpu.memory_space<vmem>> -> memref<1x8x128xi32, #tpu.memory_space<vmem>>
          %dma_wait3A_533 = arith.constant 0 : i32
          %dma_wait3A_534 = arith.constant 0 : i32
          %dma_wait3A_535 = tpu.memref_slice %arg4[%mul3A_525, %dma_wait3A_533, %dma_wait3A_534] : memref<768x8x128xi32, #tpu.memory_space<hbm>> -> memref<1x8x128xi32, #tpu.memory_space<hbm>>
          %dma_wait3A_536 = tpu.memref_slice %run_scoped3A_14[%rem3A_527] : memref<2x!tpu.dma_semaphore, #tpu.memory_space<semaphore_mem>> -> memref<1x!tpu.dma_semaphore, #tpu.memory_space<semaphore_mem>>
          %dma_wait3A_537 = tpu.memref_squeeze %dma_wait3A_536 : memref<1x!tpu.dma_semaphore, #tpu.memory_space<semaphore_mem>> -> memref<!tpu.dma_semaphore, #tpu.memory_space<semaphore_mem>>
          %dma_wait3A_538 = arith.constant 0 : i32
          %dma_wait3A_539 = arith.constant 0 : i32
          %dma_wait3A_540 = arith.constant 0 : i32
          %dma_wait3A_541 = tpu.memref_slice %run_scoped3A_13[%rem3A_527, %dma_wait3A_538, %dma_wait3A_539, %dma_wait3A_540] : memref<2x1x8x128xi32, #tpu.memory_space<vmem>> -> memref<1x1x8x128xi32, #tpu.memory_space<vmem>>
          %dma_wait3A_542 = tpu.memref_squeeze %dma_wait3A_541 : memref<1x1x8x128xi32, #tpu.memory_space<vmem>> -> memref<1x8x128xi32, #tpu.memory_space<vmem>>
          %dma_wait3A_543 = arith.constant 0 : i32
          %dma_wait3A_544 = arith.constant 0 : i32
          %dma_wait3A_545 = tpu.memref_slice %arg4[%mul3A_525, %dma_wait3A_543, %dma_wait3A_544] : memref<768x8x128xi32, #tpu.memory_space<hbm>> -> memref<1x8x128xi32, #tpu.memory_space<hbm>>
          tpu.wait_dma2 semaphore(%dma_wait3A_537 : memref<!tpu.dma_semaphore, #tpu.memory_space<semaphore_mem>>) src(%dma_wait3A_545 : memref<1x8x128xi32, #tpu.memory_space<hbm>>) dst(%dma_wait3A_542 : memref<1x8x128xi32, #tpu.memory_space<vmem>>)
          "tpu.trace_stop"() : () -> ()
        } else {
        }
        %ne3A_367 = arith.cmpi ne, %add3A_243, %add3A_261 : i32
        %ne3A_368 = arith.cmpi ne, %add3A_245, %add3A_263 : i32
        %or3A_369 = arith.constant false
        %or3A_370 = arith.ori %or3A_369, %ne3A_367 : i1
        %or3A_371 = arith.ori %or3A_370, %ne3A_368 : i1
        %or3A_372 = arith.constant false
        %or3A_373 = arith.ori %or3A_371, %or3A_372 : i1
        %or3A_374 = arith.ori %or3A_373, %eq3A_240 : i1
        %convert_element_type3A_375 = arith.extui %or3A_374 : i1 to i32
        %cond3A_376 = arith.constant 0 : i32
        %cond3A_377 = arith.cmpi ne, %convert_element_type3A_375, %cond3A_376 : i32
        scf.if %cond3A_377 {
        } else {
        }
        %rem3A_378 = arith.constant 2 : i32
        %rem3A_379 = arith.remui %scan3A_232, %rem3A_378 : i32
        %rem3A_380 = arith.constant 2 : i32
        %rem3A_381 = arith.remui %scan3A_234, %rem3A_380 : i32
        %rem3A_382 = arith.constant 2 : i32
        %rem3A_383 = arith.remui %scan3A_235, %rem3A_382 : i32
        %get3A = arith.constant 0 : i32
        %get3A_384 = arith.constant 0 : i32
        "tpu.trace_start"() <{level = 10 : i32, message = "ep_run_kernel"}> : () -> ()
        %get3A_385 = arith.constant 0 : i32
        %get3A_386 = arith.constant 0 : i32
        %get3A_387 = arith.constant 0 : i32
        %get3A_388 = tpu.memref_slice %run_scoped3A_13[%rem3A_381, %get3A_385, %get3A_386, %get3A_387] : memref<2x1x8x128xi32, #tpu.memory_space<vmem>> -> memref<1x1x8x128xi32, #tpu.memory_space<vmem>>
        %get3A_389 = tpu.memref_squeeze %get3A_388 : memref<1x1x8x128xi32, #tpu.memory_space<vmem>> -> memref<1x8x128xi32, #tpu.memory_space<vmem>>
        %get3A_390 = arith.index_cast %get3A : i32 to index
        %get3A_391 = arith.index_cast %get3A_384 : i32 to index
        %get3A_392 = arith.constant 0 : index
        %get3A_393 = tpu.vector_load %get3A_389[%get3A_390, %get3A_391, %get3A_392] {strides = array<i32>} : memref<1x8x128xi32, #tpu.memory_space<vmem>>, vector<16xi32>,
        %parallel_loop3A_394 = arith.constant 0 : i32
        %parallel_loop3A_395 = arith.constant 56 : i32
        %parallel_loop3A_396 = arith.constant 1 : i32
        scf.for %parallel_loop3A_524 = %parallel_loop3A_394 to %parallel_loop3A_395 step %parallel_loop3A_396  : i32 {
          %parallel_loop3A_525 = arith.constant 0 : i32
          %parallel_loop3A_526 = arith.constant 0 : i32
          %parallel_loop3A_527 = arith.constant 0 : i32
          %parallel_loop3A_528 = arith.constant 0 : i32
          %parallel_loop3A_529 = tpu.memref_slice %run_scoped3A[%rem3A_379, %parallel_loop3A_526, %parallel_loop3A_527, %parallel_loop3A_528] : memref<2x1x56x224xf32, #tpu.memory_space<vmem>> -> memref<1x1x56x224xf32, #tpu.memory_space<vmem>>
          %parallel_loop3A_530 = tpu.memref_squeeze %parallel_loop3A_529 : memref<1x1x56x224xf32, #tpu.memory_space<vmem>> -> memref<1x56x224xf32, #tpu.memory_space<vmem>>
          %parallel_loop3A_531 = arith.index_cast %parallel_loop3A_525 : i32 to index
          %parallel_loop3A_532 = arith.index_cast %parallel_loop3A_524 : i32 to index
          %parallel_loop3A_533 = arith.constant 0 : index
          %parallel_loop3A_534 = tpu.vector_load %parallel_loop3A_530[%parallel_loop3A_531, %parallel_loop3A_532, %parallel_loop3A_533] {strides = array<i32>} : memref<1x56x224xf32, #tpu.memory_space<vmem>>, vector<16xf32>,
          %parallel_loop3A_535 = arith.constant -2.000000e+00 : f32
          %parallel_loop3A_536 = vector.broadcast %parallel_loop3A_535 : f32 to vector<16xf32>
          %parallel_loop3A_537 = arith.subf %parallel_loop3A_534, %parallel_loop3A_536 : vector<16xf32>
          %parallel_loop3A_538 = arith.constant 6.375000e+01 : f32
          %parallel_loop3A_539 = vector.broadcast %parallel_loop3A_538 : f32 to vector<16xf32>
          %parallel_loop3A_540 = arith.mulf %parallel_loop3A_537, %parallel_loop3A_539 : vector<16xf32>
          %parallel_loop3A_541 = arith.constant 0.000000e+00 : f32
          %parallel_loop3A_542 = arith.constant 2.540000e+02 : f32
          %parallel_loop3A_543 = vector.broadcast %parallel_loop3A_541 : f32 to vector<16xf32>
          %parallel_loop3A_544 = arith.maximumf %parallel_loop3A_543, %parallel_loop3A_540 : vector<16xf32>
          %parallel_loop3A_545 = vector.broadcast %parallel_loop3A_542 : f32 to vector<16xf32>
          %parallel_loop3A_546 = arith.minimumf %parallel_loop3A_545, %parallel_loop3A_544 : vector<16xf32>
          %parallel_loop3A_547 = arith.fptosi %parallel_loop3A_546 : vector<16xf32> to vector<16xi32>
          %parallel_loop3A_548 = arith.addi %get3A_393, %parallel_loop3A_547 : vector<16xi32>
          %parallel_loop3A_549 = tpu.vector_load_idx %arg6[%parallel_loop3A_548] : memref<24576xf32, #tpu.memory_space<vmem>>[vector<16xi32>], vector<16xf32>,
          %parallel_loop3A_550 = tpu.vector_load_idx %arg7[%parallel_loop3A_548] : memref<24576xf32, #tpu.memory_space<vmem>>[vector<16xi32>], vector<16xf32>,
          %parallel_loop3A_551 = arith.mulf %parallel_loop3A_540, %parallel_loop3A_550 : vector<16xf32>
          %parallel_loop3A_552 = arith.addf %parallel_loop3A_549, %parallel_loop3A_551 : vector<16xf32>
          %parallel_loop3A_553 = arith.constant 0 : i32
          %parallel_loop3A_554 = arith.constant 0 : i32
          %parallel_loop3A_555 = arith.constant 0 : i32
          %parallel_loop3A_556 = arith.constant 0 : i32
          %parallel_loop3A_557 = tpu.memref_slice %run_scoped3A_15[%rem3A_383, %parallel_loop3A_554, %parallel_loop3A_555, %parallel_loop3A_556] : memref<2x1x56x224xf32, #tpu.memory_space<vmem>> -> memref<1x1x56x224xf32, #tpu.memory_space<vmem>>
          %parallel_loop3A_558 = tpu.memref_squeeze %parallel_loop3A_557 : memref<1x1x56x224xf32, #tpu.memory_space<vmem>> -> memref<1x56x224xf32, #tpu.memory_space<vmem>>
          %parallel_loop3A_559 = arith.index_cast %parallel_loop3A_553 : i32 to index
          %parallel_loop3A_560 = arith.index_cast %parallel_loop3A_524 : i32 to index
          %parallel_loop3A_561 = arith.constant 0 : index
          %parallel_loop3A_562 = tpu.vector_load %parallel_loop3A_558[%parallel_loop3A_559, %parallel_loop3A_560, %parallel_loop3A_561] {strides = array<i32>} : memref<1x56x224xf32, #tpu.memory_space<vmem>>, vector<16xf32>,
          tpu.vector_store %parallel_loop3A_558[%parallel_loop3A_559, %parallel_loop3A_560, %parallel_loop3A_561], %parallel_loop3A_552 {strides = array<i32>} : memref<1x56x224xf32, #tpu.memory_space<vmem>>, vector<16xf32>,
          %parallel_loop3A_563 = arith.constant 0 : i32
          %parallel_loop3A_564 = arith.constant 0 : i32
          %parallel_loop3A_565 = arith.constant 0 : i32
          %parallel_loop3A_566 = arith.constant 0 : i32
          %parallel_loop3A_567 = tpu.memref_slice %run_scoped3A[%rem3A_379, %parallel_loop3A_564, %parallel_loop3A_565, %parallel_loop3A_566] : memref<2x1x56x224xf32, #tpu.memory_space<vmem>> -> memref<1x1x56x224xf32, #tpu.memory_space<vmem>>
          %parallel_loop3A_568 = tpu.memref_squeeze %parallel_loop3A_567 : memref<1x1x56x224xf32, #tpu.memory_space<vmem>> -> memref<1x56x224xf32, #tpu.memory_space<vmem>>
          %parallel_loop3A_569 = arith.index_cast %parallel_loop3A_563 : i32 to index
          %parallel_loop3A_570 = arith.index_cast %parallel_loop3A_524 : i32 to index
          %parallel_loop3A_571 = arith.constant 16 : index
          %parallel_loop3A_572 = tpu.vector_load %parallel_loop3A_568[%parallel_loop3A_569, %parallel_loop3A_570, %parallel_loop3A_571] {strides = array<i32>} : memref<1x56x224xf32, #tpu.memory_space<vmem>>, vector<16xf32>,
          %parallel_loop3A_573 = arith.constant -2.000000e+00 : f32
          %parallel_loop3A_574 = vector.broadcast %parallel_loop3A_573 : f32 to vector<16xf32>
          %parallel_loop3A_575 = arith.subf %parallel_loop3A_572, %parallel_loop3A_574 : vector<16xf32>
          %parallel_loop3A_576 = arith.constant 6.375000e+01 : f32
          %parallel_loop3A_577 = vector.broadcast %parallel_loop3A_576 : f32 to vector<16xf32>
          %parallel_loop3A_578 = arith.mulf %parallel_loop3A_575, %parallel_loop3A_577 : vector<16xf32>
          %parallel_loop3A_579 = arith.constant 0.000000e+00 : f32
          %parallel_loop3A_580 = arith.constant 2.540000e+02 : f32
          %parallel_loop3A_581 = vector.broadcast %parallel_loop3A_579 : f32 to vector<16xf32>
          %parallel_loop3A_582 = arith.maximumf %parallel_loop3A_581, %parallel_loop3A_578 : vector<16xf32>
          %parallel_loop3A_583 = vector.broadcast %parallel_loop3A_580 : f32 to vector<16xf32>
          %parallel_loop3A_584 = arith.minimumf %parallel_loop3A_583, %parallel_loop3A_582 : vector<16xf32>
          %parallel_loop3A_585 = arith.fptosi %parallel_loop3A_584 : vector<16xf32> to vector<16xi32>
          %parallel_loop3A_586 = arith.addi %get3A_393, %parallel_loop3A_585 : vector<16xi32>
          %parallel_loop3A_587 = tpu.vector_load_idx %arg6[%parallel_loop3A_586] : memref<24576xf32, #tpu.memory_space<vmem>>[vector<16xi32>], vector<16xf32>,
          %parallel_loop3A_588 = tpu.vector_load_idx %arg7[%parallel_loop3A_586] : memref<24576xf32, #tpu.memory_space<vmem>>[vector<16xi32>], vector<16xf32>,
          %parallel_loop3A_589 = arith.mulf %parallel_loop3A_578, %parallel_loop3A_588 : vector<16xf32>
          %parallel_loop3A_590 = arith.addf %parallel_loop3A_587, %parallel_loop3A_589 : vector<16xf32>
          %parallel_loop3A_591 = arith.constant 0 : i32
          %parallel_loop3A_592 = arith.constant 0 : i32
          %parallel_loop3A_593 = arith.constant 0 : i32
          %parallel_loop3A_594 = arith.constant 0 : i32
          %parallel_loop3A_595 = tpu.memref_slice %run_scoped3A_15[%rem3A_383, %parallel_loop3A_592, %parallel_loop3A_593, %parallel_loop3A_594] : memref<2x1x56x224xf32, #tpu.memory_space<vmem>> -> memref<1x1x56x224xf32, #tpu.memory_space<vmem>>
          %parallel_loop3A_596 = tpu.memref_squeeze %parallel_loop3A_595 : memref<1x1x56x224xf32, #tpu.memory_space<vmem>> -> memref<1x56x224xf32, #tpu.memory_space<vmem>>
          %parallel_loop3A_597 = arith.index_cast %parallel_loop3A_591 : i32 to index
          %parallel_loop3A_598 = arith.index_cast %parallel_loop3A_524 : i32 to index
          %parallel_loop3A_599 = arith.constant 16 : index
          %parallel_loop3A_600 = tpu.vector_load %parallel_loop3A_596[%parallel_loop3A_597, %parallel_loop3A_598, %parallel_loop3A_599] {strides = array<i32>} : memref<1x56x224xf32, #tpu.memory_space<vmem>>, vector<16xf32>,
          tpu.vector_store %parallel_loop3A_596[%parallel_loop3A_597, %parallel_loop3A_598, %parallel_loop3A_599], %parallel_loop3A_590 {strides = array<i32>} : memref<1x56x224xf32, #tpu.memory_space<vmem>>, vector<16xf32>,
          %parallel_loop3A_601 = arith.constant 0 : i32
          %parallel_loop3A_602 = arith.constant 0 : i32
          %parallel_loop3A_603 = arith.constant 0 : i32
          %parallel_loop3A_604 = arith.constant 0 : i32
          %parallel_loop3A_605 = tpu.memref_slice %run_scoped3A[%rem3A_379, %parallel_loop3A_602, %parallel_loop3A_603, %parallel_loop3A_604] : memref<2x1x56x224xf32, #tpu.memory_space<vmem>> -> memref<1x1x56x224xf32, #tpu.memory_space<vmem>>
          %parallel_loop3A_606 = tpu.memref_squeeze %parallel_loop3A_605 : memref<1x1x56x224xf32, #tpu.memory_space<vmem>> -> memref<1x56x224xf32, #tpu.memory_space<vmem>>
          %parallel_loop3A_607 = arith.index_cast %parallel_loop3A_601 : i32 to index
          %parallel_loop3A_608 = arith.index_cast %parallel_loop3A_524 : i32 to index
          %parallel_loop3A_609 = arith.constant 32 : index
          %parallel_loop3A_610 = tpu.vector_load %parallel_loop3A_606[%parallel_loop3A_607, %parallel_loop3A_608, %parallel_loop3A_609] {strides = array<i32>} : memref<1x56x224xf32, #tpu.memory_space<vmem>>, vector<16xf32>,
          %parallel_loop3A_611 = arith.constant -2.000000e+00 : f32
          %parallel_loop3A_612 = vector.broadcast %parallel_loop3A_611 : f32 to vector<16xf32>
          %parallel_loop3A_613 = arith.subf %parallel_loop3A_610, %parallel_loop3A_612 : vector<16xf32>
          %parallel_loop3A_614 = arith.constant 6.375000e+01 : f32
          %parallel_loop3A_615 = vector.broadcast %parallel_loop3A_614 : f32 to vector<16xf32>
          %parallel_loop3A_616 = arith.mulf %parallel_loop3A_613, %parallel_loop3A_615 : vector<16xf32>
          %parallel_loop3A_617 = arith.constant 0.000000e+00 : f32
          %parallel_loop3A_618 = arith.constant 2.540000e+02 : f32
          %parallel_loop3A_619 = vector.broadcast %parallel_loop3A_617 : f32 to vector<16xf32>
          %parallel_loop3A_620 = arith.maximumf %parallel_loop3A_619, %parallel_loop3A_616 : vector<16xf32>
          %parallel_loop3A_621 = vector.broadcast %parallel_loop3A_618 : f32 to vector<16xf32>
          %parallel_loop3A_622 = arith.minimumf %parallel_loop3A_621, %parallel_loop3A_620 : vector<16xf32>
          %parallel_loop3A_623 = arith.fptosi %parallel_loop3A_622 : vector<16xf32> to vector<16xi32>
          %parallel_loop3A_624 = arith.addi %get3A_393, %parallel_loop3A_623 : vector<16xi32>
          %parallel_loop3A_625 = tpu.vector_load_idx %arg6[%parallel_loop3A_624] : memref<24576xf32, #tpu.memory_space<vmem>>[vector<16xi32>], vector<16xf32>,
          %parallel_loop3A_626 = tpu.vector_load_idx %arg7[%parallel_loop3A_624] : memref<24576xf32, #tpu.memory_space<vmem>>[vector<16xi32>], vector<16xf32>,
          %parallel_loop3A_627 = arith.mulf %parallel_loop3A_616, %parallel_loop3A_626 : vector<16xf32>
          %parallel_loop3A_628 = arith.addf %parallel_loop3A_625, %parallel_loop3A_627 : vector<16xf32>
          %parallel_loop3A_629 = arith.constant 0 : i32
          %parallel_loop3A_630 = arith.constant 0 : i32
          %parallel_loop3A_631 = arith.constant 0 : i32
          %parallel_loop3A_632 = arith.constant 0 : i32
          %parallel_loop3A_633 = tpu.memref_slice %run_scoped3A_15[%rem3A_383, %parallel_loop3A_630, %parallel_loop3A_631, %parallel_loop3A_632] : memref<2x1x56x224xf32, #tpu.memory_space<vmem>> -> memref<1x1x56x224xf32, #tpu.memory_space<vmem>>
          %parallel_loop3A_634 = tpu.memref_squeeze %parallel_loop3A_633 : memref<1x1x56x224xf32, #tpu.memory_space<vmem>> -> memref<1x56x224xf32, #tpu.memory_space<vmem>>
          %parallel_loop3A_635 = arith.index_cast %parallel_loop3A_629 : i32 to index
          %parallel_loop3A_636 = arith.index_cast %parallel_loop3A_524 : i32 to index
          %parallel_loop3A_637 = arith.constant 32 : index
          %parallel_loop3A_638 = tpu.vector_load %parallel_loop3A_634[%parallel_loop3A_635, %parallel_loop3A_636, %parallel_loop3A_637] {strides = array<i32>} : memref<1x56x224xf32, #tpu.memory_space<vmem>>, vector<16xf32>,
          tpu.vector_store %parallel_loop3A_634[%parallel_loop3A_635, %parallel_loop3A_636, %parallel_loop3A_637], %parallel_loop3A_628 {strides = array<i32>} : memref<1x56x224xf32, #tpu.memory_space<vmem>>, vector<16xf32>,
          %parallel_loop3A_639 = arith.constant 0 : i32
          %parallel_loop3A_640 = arith.constant 0 : i32
          %parallel_loop3A_641 = arith.constant 0 : i32
          %parallel_loop3A_642 = arith.constant 0 : i32
          %parallel_loop3A_643 = tpu.memref_slice %run_scoped3A[%rem3A_379, %parallel_loop3A_640, %parallel_loop3A_641, %parallel_loop3A_642] : memref<2x1x56x224xf32, #tpu.memory_space<vmem>> -> memref<1x1x56x224xf32, #tpu.memory_space<vmem>>
          %parallel_loop3A_644 = tpu.memref_squeeze %parallel_loop3A_643 : memref<1x1x56x224xf32, #tpu.memory_space<vmem>> -> memref<1x56x224xf32, #tpu.memory_space<vmem>>
          %parallel_loop3A_645 = arith.index_cast %parallel_loop3A_639 : i32 to index
          %parallel_loop3A_646 = arith.index_cast %parallel_loop3A_524 : i32 to index
          %parallel_loop3A_647 = arith.constant 48 : index
          %parallel_loop3A_648 = tpu.vector_load %parallel_loop3A_644[%parallel_loop3A_645, %parallel_loop3A_646, %parallel_loop3A_647] {strides = array<i32>} : memref<1x56x224xf32, #tpu.memory_space<vmem>>, vector<16xf32>,
          %parallel_loop3A_649 = arith.constant -2.000000e+00 : f32
          %parallel_loop3A_650 = vector.broadcast %parallel_loop3A_649 : f32 to vector<16xf32>
          %parallel_loop3A_651 = arith.subf %parallel_loop3A_648, %parallel_loop3A_650 : vector<16xf32>
          %parallel_loop3A_652 = arith.constant 6.375000e+01 : f32
          %parallel_loop3A_653 = vector.broadcast %parallel_loop3A_652 : f32 to vector<16xf32>
          %parallel_loop3A_654 = arith.mulf %parallel_loop3A_651, %parallel_loop3A_653 : vector<16xf32>
          %parallel_loop3A_655 = arith.constant 0.000000e+00 : f32
          %parallel_loop3A_656 = arith.constant 2.540000e+02 : f32
          %parallel_loop3A_657 = vector.broadcast %parallel_loop3A_655 : f32 to vector<16xf32>
          %parallel_loop3A_658 = arith.maximumf %parallel_loop3A_657, %parallel_loop3A_654 : vector<16xf32>
          %parallel_loop3A_659 = vector.broadcast %parallel_loop3A_656 : f32 to vector<16xf32>
          %parallel_loop3A_660 = arith.minimumf %parallel_loop3A_659, %parallel_loop3A_658 : vector<16xf32>
          %parallel_loop3A_661 = arith.fptosi %parallel_loop3A_660 : vector<16xf32> to vector<16xi32>
          %parallel_loop3A_662 = arith.addi %get3A_393, %parallel_loop3A_661 : vector<16xi32>
          %parallel_loop3A_663 = tpu.vector_load_idx %arg6[%parallel_loop3A_662] : memref<24576xf32, #tpu.memory_space<vmem>>[vector<16xi32>], vector<16xf32>,
          %parallel_loop3A_664 = tpu.vector_load_idx %arg7[%parallel_loop3A_662] : memref<24576xf32, #tpu.memory_space<vmem>>[vector<16xi32>], vector<16xf32>,
          %parallel_loop3A_665 = arith.mulf %parallel_loop3A_654, %parallel_loop3A_664 : vector<16xf32>
          %parallel_loop3A_666 = arith.addf %parallel_loop3A_663, %parallel_loop3A_665 : vector<16xf32>
          %parallel_loop3A_667 = arith.constant 0 : i32
          %parallel_loop3A_668 = arith.constant 0 : i32
          %parallel_loop3A_669 = arith.constant 0 : i32
          %parallel_loop3A_670 = arith.constant 0 : i32
          %parallel_loop3A_671 = tpu.memref_slice %run_scoped3A_15[%rem3A_383, %parallel_loop3A_668, %parallel_loop3A_669, %parallel_loop3A_670] : memref<2x1x56x224xf32, #tpu.memory_space<vmem>> -> memref<1x1x56x224xf32, #tpu.memory_space<vmem>>
          %parallel_loop3A_672 = tpu.memref_squeeze %parallel_loop3A_671 : memref<1x1x56x224xf32, #tpu.memory_space<vmem>> -> memref<1x56x224xf32, #tpu.memory_space<vmem>>
          %parallel_loop3A_673 = arith.index_cast %parallel_loop3A_667 : i32 to index
          %parallel_loop3A_674 = arith.index_cast %parallel_loop3A_524 : i32 to index
          %parallel_loop3A_675 = arith.constant 48 : index
          %parallel_loop3A_676 = tpu.vector_load %parallel_loop3A_672[%parallel_loop3A_673, %parallel_loop3A_674, %parallel_loop3A_675] {strides = array<i32>} : memref<1x56x224xf32, #tpu.memory_space<vmem>>, vector<16xf32>,
          tpu.vector_store %parallel_loop3A_672[%parallel_loop3A_673, %parallel_loop3A_674, %parallel_loop3A_675], %parallel_loop3A_666 {strides = array<i32>} : memref<1x56x224xf32, #tpu.memory_space<vmem>>, vector<16xf32>,
          %parallel_loop3A_677 = arith.constant 0 : i32
          %parallel_loop3A_678 = arith.constant 0 : i32
          %parallel_loop3A_679 = arith.constant 0 : i32
          %parallel_loop3A_680 = arith.constant 0 : i32
          %parallel_loop3A_681 = tpu.memref_slice %run_scoped3A[%rem3A_379, %parallel_loop3A_678, %parallel_loop3A_679, %parallel_loop3A_680] : memref<2x1x56x224xf32, #tpu.memory_space<vmem>> -> memref<1x1x56x224xf32, #tpu.memory_space<vmem>>
          %parallel_loop3A_682 = tpu.memref_squeeze %parallel_loop3A_681 : memref<1x1x56x224xf32, #tpu.memory_space<vmem>> -> memref<1x56x224xf32, #tpu.memory_space<vmem>>
          %parallel_loop3A_683 = arith.index_cast %parallel_loop3A_677 : i32 to index
          %parallel_loop3A_684 = arith.index_cast %parallel_loop3A_524 : i32 to index
          %parallel_loop3A_685 = arith.constant 64 : index
          %parallel_loop3A_686 = tpu.vector_load %parallel_loop3A_682[%parallel_loop3A_683, %parallel_loop3A_684, %parallel_loop3A_685] {strides = array<i32>} : memref<1x56x224xf32, #tpu.memory_space<vmem>>, vector<16xf32>,
          %parallel_loop3A_687 = arith.constant -2.000000e+00 : f32
          %parallel_loop3A_688 = vector.broadcast %parallel_loop3A_687 : f32 to vector<16xf32>
          %parallel_loop3A_689 = arith.subf %parallel_loop3A_686, %parallel_loop3A_688 : vector<16xf32>
          %parallel_loop3A_690 = arith.constant 6.375000e+01 : f32
          %parallel_loop3A_691 = vector.broadcast %parallel_loop3A_690 : f32 to vector<16xf32>
          %parallel_loop3A_692 = arith.mulf %parallel_loop3A_689, %parallel_loop3A_691 : vector<16xf32>
          %parallel_loop3A_693 = arith.constant 0.000000e+00 : f32
          %parallel_loop3A_694 = arith.constant 2.540000e+02 : f32
          %parallel_loop3A_695 = vector.broadcast %parallel_loop3A_693 : f32 to vector<16xf32>
          %parallel_loop3A_696 = arith.maximumf %parallel_loop3A_695, %parallel_loop3A_692 : vector<16xf32>
          %parallel_loop3A_697 = vector.broadcast %parallel_loop3A_694 : f32 to vector<16xf32>
          %parallel_loop3A_698 = arith.minimumf %parallel_loop3A_697, %parallel_loop3A_696 : vector<16xf32>
          %parallel_loop3A_699 = arith.fptosi %parallel_loop3A_698 : vector<16xf32> to vector<16xi32>
          %parallel_loop3A_700 = arith.addi %get3A_393, %parallel_loop3A_699 : vector<16xi32>
          %parallel_loop3A_701 = tpu.vector_load_idx %arg6[%parallel_loop3A_700] : memref<24576xf32, #tpu.memory_space<vmem>>[vector<16xi32>], vector<16xf32>,
          %parallel_loop3A_702 = tpu.vector_load_idx %arg7[%parallel_loop3A_700] : memref<24576xf32, #tpu.memory_space<vmem>>[vector<16xi32>], vector<16xf32>,
          %parallel_loop3A_703 = arith.mulf %parallel_loop3A_692, %parallel_loop3A_702 : vector<16xf32>
          %parallel_loop3A_704 = arith.addf %parallel_loop3A_701, %parallel_loop3A_703 : vector<16xf32>
          %parallel_loop3A_705 = arith.constant 0 : i32
          %parallel_loop3A_706 = arith.constant 0 : i32
          %parallel_loop3A_707 = arith.constant 0 : i32
          %parallel_loop3A_708 = arith.constant 0 : i32
          %parallel_loop3A_709 = tpu.memref_slice %run_scoped3A_15[%rem3A_383, %parallel_loop3A_706, %parallel_loop3A_707, %parallel_loop3A_708] : memref<2x1x56x224xf32, #tpu.memory_space<vmem>> -> memref<1x1x56x224xf32, #tpu.memory_space<vmem>>
          %parallel_loop3A_710 = tpu.memref_squeeze %parallel_loop3A_709 : memref<1x1x56x224xf32, #tpu.memory_space<vmem>> -> memref<1x56x224xf32, #tpu.memory_space<vmem>>
          %parallel_loop3A_711 = arith.index_cast %parallel_loop3A_705 : i32 to index
          %parallel_loop3A_712 = arith.index_cast %parallel_loop3A_524 : i32 to index
          %parallel_loop3A_713 = arith.constant 64 : index
          %parallel_loop3A_714 = tpu.vector_load %parallel_loop3A_710[%parallel_loop3A_711, %parallel_loop3A_712, %parallel_loop3A_713] {strides = array<i32>} : memref<1x56x224xf32, #tpu.memory_space<vmem>>, vector<16xf32>,
          tpu.vector_store %parallel_loop3A_710[%parallel_loop3A_711, %parallel_loop3A_712, %parallel_loop3A_713], %parallel_loop3A_704 {strides = array<i32>} : memref<1x56x224xf32, #tpu.memory_space<vmem>>, vector<16xf32>,
          %parallel_loop3A_715 = arith.constant 0 : i32
          %parallel_loop3A_716 = arith.constant 0 : i32
          %parallel_loop3A_717 = arith.constant 0 : i32
          %parallel_loop3A_718 = arith.constant 0 : i32
          %parallel_loop3A_719 = tpu.memref_slice %run_scoped3A[%rem3A_379, %parallel_loop3A_716, %parallel_loop3A_717, %parallel_loop3A_718] : memref<2x1x56x224xf32, #tpu.memory_space<vmem>> -> memref<1x1x56x224xf32, #tpu.memory_space<vmem>>
          %parallel_loop3A_720 = tpu.memref_squeeze %parallel_loop3A_719 : memref<1x1x56x224xf32, #tpu.memory_space<vmem>> -> memref<1x56x224xf32, #tpu.memory_space<vmem>>
          %parallel_loop3A_721 = arith.index_cast %parallel_loop3A_715 : i32 to index
          %parallel_loop3A_722 = arith.index_cast %parallel_loop3A_524 : i32 to index
          %parallel_loop3A_723 = arith.constant 80 : index
          %parallel_loop3A_724 = tpu.vector_load %parallel_loop3A_720[%parallel_loop3A_721, %parallel_loop3A_722, %parallel_loop3A_723] {strides = array<i32>} : memref<1x56x224xf32, #tpu.memory_space<vmem>>, vector<16xf32>,
          %parallel_loop3A_725 = arith.constant -2.000000e+00 : f32
          %parallel_loop3A_726 = vector.broadcast %parallel_loop3A_725 : f32 to vector<16xf32>
          %parallel_loop3A_727 = arith.subf %parallel_loop3A_724, %parallel_loop3A_726 : vector<16xf32>
          %parallel_loop3A_728 = arith.constant 6.375000e+01 : f32
          %parallel_loop3A_729 = vector.broadcast %parallel_loop3A_728 : f32 to vector<16xf32>
          %parallel_loop3A_730 = arith.mulf %parallel_loop3A_727, %parallel_loop3A_729 : vector<16xf32>
          %parallel_loop3A_731 = arith.constant 0.000000e+00 : f32
          %parallel_loop3A_732 = arith.constant 2.540000e+02 : f32
          %parallel_loop3A_733 = vector.broadcast %parallel_loop3A_731 : f32 to vector<16xf32>
          %parallel_loop3A_734 = arith.maximumf %parallel_loop3A_733, %parallel_loop3A_730 : vector<16xf32>
          %parallel_loop3A_735 = vector.broadcast %parallel_loop3A_732 : f32 to vector<16xf32>
          %parallel_loop3A_736 = arith.minimumf %parallel_loop3A_735, %parallel_loop3A_734 : vector<16xf32>
          %parallel_loop3A_737 = arith.fptosi %parallel_loop3A_736 : vector<16xf32> to vector<16xi32>
          %parallel_loop3A_738 = arith.addi %get3A_393, %parallel_loop3A_737 : vector<16xi32>
          %parallel_loop3A_739 = tpu.vector_load_idx %arg6[%parallel_loop3A_738] : memref<24576xf32, #tpu.memory_space<vmem>>[vector<16xi32>], vector<16xf32>,
          %parallel_loop3A_740 = tpu.vector_load_idx %arg7[%parallel_loop3A_738] : memref<24576xf32, #tpu.memory_space<vmem>>[vector<16xi32>], vector<16xf32>,
          %parallel_loop3A_741 = arith.mulf %parallel_loop3A_730, %parallel_loop3A_740 : vector<16xf32>
          %parallel_loop3A_742 = arith.addf %parallel_loop3A_739, %parallel_loop3A_741 : vector<16xf32>
          %parallel_loop3A_743 = arith.constant 0 : i32
          %parallel_loop3A_744 = arith.constant 0 : i32
          %parallel_loop3A_745 = arith.constant 0 : i32
          %parallel_loop3A_746 = arith.constant 0 : i32
          %parallel_loop3A_747 = tpu.memref_slice %run_scoped3A_15[%rem3A_383, %parallel_loop3A_744, %parallel_loop3A_745, %parallel_loop3A_746] : memref<2x1x56x224xf32, #tpu.memory_space<vmem>> -> memref<1x1x56x224xf32, #tpu.memory_space<vmem>>
          %parallel_loop3A_748 = tpu.memref_squeeze %parallel_loop3A_747 : memref<1x1x56x224xf32, #tpu.memory_space<vmem>> -> memref<1x56x224xf32, #tpu.memory_space<vmem>>
          %parallel_loop3A_749 = arith.index_cast %parallel_loop3A_743 : i32 to index
          %parallel_loop3A_750 = arith.index_cast %parallel_loop3A_524 : i32 to index
          %parallel_loop3A_751 = arith.constant 80 : index
          %parallel_loop3A_752 = tpu.vector_load %parallel_loop3A_748[%parallel_loop3A_749, %parallel_loop3A_750, %parallel_loop3A_751] {strides = array<i32>} : memref<1x56x224xf32, #tpu.memory_space<vmem>>, vector<16xf32>,
          tpu.vector_store %parallel_loop3A_748[%parallel_loop3A_749, %parallel_loop3A_750, %parallel_loop3A_751], %parallel_loop3A_742 {strides = array<i32>} : memref<1x56x224xf32, #tpu.memory_space<vmem>>, vector<16xf32>,
          %parallel_loop3A_753 = arith.constant 0 : i32
          %parallel_loop3A_754 = arith.constant 0 : i32
          %parallel_loop3A_755 = arith.constant 0 : i32
          %parallel_loop3A_756 = arith.constant 0 : i32
          %parallel_loop3A_757 = tpu.memref_slice %run_scoped3A[%rem3A_379, %parallel_loop3A_754, %parallel_loop3A_755, %parallel_loop3A_756] : memref<2x1x56x224xf32, #tpu.memory_space<vmem>> -> memref<1x1x56x224xf32, #tpu.memory_space<vmem>>
          %parallel_loop3A_758 = tpu.memref_squeeze %parallel_loop3A_757 : memref<1x1x56x224xf32, #tpu.memory_space<vmem>> -> memref<1x56x224xf32, #tpu.memory_space<vmem>>
          %parallel_loop3A_759 = arith.index_cast %parallel_loop3A_753 : i32 to index
          %parallel_loop3A_760 = arith.index_cast %parallel_loop3A_524 : i32 to index
          %parallel_loop3A_761 = arith.constant 96 : index
          %parallel_loop3A_762 = tpu.vector_load %parallel_loop3A_758[%parallel_loop3A_759, %parallel_loop3A_760, %parallel_loop3A_761] {strides = array<i32>} : memref<1x56x224xf32, #tpu.memory_space<vmem>>, vector<16xf32>,
          %parallel_loop3A_763 = arith.constant -2.000000e+00 : f32
          %parallel_loop3A_764 = vector.broadcast %parallel_loop3A_763 : f32 to vector<16xf32>
          %parallel_loop3A_765 = arith.subf %parallel_loop3A_762, %parallel_loop3A_764 : vector<16xf32>
          %parallel_loop3A_766 = arith.constant 6.375000e+01 : f32
          %parallel_loop3A_767 = vector.broadcast %parallel_loop3A_766 : f32 to vector<16xf32>
          %parallel_loop3A_768 = arith.mulf %parallel_loop3A_765, %parallel_loop3A_767 : vector<16xf32>
          %parallel_loop3A_769 = arith.constant 0.000000e+00 : f32
          %parallel_loop3A_770 = arith.constant 2.540000e+02 : f32
          %parallel_loop3A_771 = vector.broadcast %parallel_loop3A_769 : f32 to vector<16xf32>
          %parallel_loop3A_772 = arith.maximumf %parallel_loop3A_771, %parallel_loop3A_768 : vector<16xf32>
          %parallel_loop3A_773 = vector.broadcast %parallel_loop3A_770 : f32 to vector<16xf32>
          %parallel_loop3A_774 = arith.minimumf %parallel_loop3A_773, %parallel_loop3A_772 : vector<16xf32>
          %parallel_loop3A_775 = arith.fptosi %parallel_loop3A_774 : vector<16xf32> to vector<16xi32>
          %parallel_loop3A_776 = arith.addi %get3A_393, %parallel_loop3A_775 : vector<16xi32>
          %parallel_loop3A_777 = tpu.vector_load_idx %arg6[%parallel_loop3A_776] : memref<24576xf32, #tpu.memory_space<vmem>>[vector<16xi32>], vector<16xf32>,
          %parallel_loop3A_778 = tpu.vector_load_idx %arg7[%parallel_loop3A_776] : memref<24576xf32, #tpu.memory_space<vmem>>[vector<16xi32>], vector<16xf32>,
          %parallel_loop3A_779 = arith.mulf %parallel_loop3A_768, %parallel_loop3A_778 : vector<16xf32>
          %parallel_loop3A_780 = arith.addf %parallel_loop3A_777, %parallel_loop3A_779 : vector<16xf32>
          %parallel_loop3A_781 = arith.constant 0 : i32
          %parallel_loop3A_782 = arith.constant 0 : i32
          %parallel_loop3A_783 = arith.constant 0 : i32
          %parallel_loop3A_784 = arith.constant 0 : i32
          %parallel_loop3A_785 = tpu.memref_slice %run_scoped3A_15[%rem3A_383, %parallel_loop3A_782, %parallel_loop3A_783, %parallel_loop3A_784] : memref<2x1x56x224xf32, #tpu.memory_space<vmem>> -> memref<1x1x56x224xf32, #tpu.memory_space<vmem>>
          %parallel_loop3A_786 = tpu.memref_squeeze %parallel_loop3A_785 : memref<1x1x56x224xf32, #tpu.memory_space<vmem>> -> memref<1x56x224xf32, #tpu.memory_space<vmem>>
          %parallel_loop3A_787 = arith.index_cast %parallel_loop3A_781 : i32 to index
          %parallel_loop3A_788 = arith.index_cast %parallel_loop3A_524 : i32 to index
          %parallel_loop3A_789 = arith.constant 96 : index
          %parallel_loop3A_790 = tpu.vector_load %parallel_loop3A_786[%parallel_loop3A_787, %parallel_loop3A_788, %parallel_loop3A_789] {strides = array<i32>} : memref<1x56x224xf32, #tpu.memory_space<vmem>>, vector<16xf32>,
          tpu.vector_store %parallel_loop3A_786[%parallel_loop3A_787, %parallel_loop3A_788, %parallel_loop3A_789], %parallel_loop3A_780 {strides = array<i32>} : memref<1x56x224xf32, #tpu.memory_space<vmem>>, vector<16xf32>,
          %parallel_loop3A_791 = arith.constant 0 : i32
          %parallel_loop3A_792 = arith.constant 0 : i32
          %parallel_loop3A_793 = arith.constant 0 : i32
          %parallel_loop3A_794 = arith.constant 0 : i32
          %parallel_loop3A_795 = tpu.memref_slice %run_scoped3A[%rem3A_379, %parallel_loop3A_792, %parallel_loop3A_793, %parallel_loop3A_794] : memref<2x1x56x224xf32, #tpu.memory_space<vmem>> -> memref<1x1x56x224xf32, #tpu.memory_space<vmem>>
          %parallel_loop3A_796 = tpu.memref_squeeze %parallel_loop3A_795 : memref<1x1x56x224xf32, #tpu.memory_space<vmem>> -> memref<1x56x224xf32, #tpu.memory_space<vmem>>
          %parallel_loop3A_797 = arith.index_cast %parallel_loop3A_791 : i32 to index
          %parallel_loop3A_798 = arith.index_cast %parallel_loop3A_524 : i32 to index
          %parallel_loop3A_799 = arith.constant 112 : index
          %parallel_loop3A_800 = tpu.vector_load %parallel_loop3A_796[%parallel_loop3A_797, %parallel_loop3A_798, %parallel_loop3A_799] {strides = array<i32>} : memref<1x56x224xf32, #tpu.memory_space<vmem>>, vector<16xf32>,
          %parallel_loop3A_801 = arith.constant -2.000000e+00 : f32
          %parallel_loop3A_802 = vector.broadcast %parallel_loop3A_801 : f32 to vector<16xf32>
          %parallel_loop3A_803 = arith.subf %parallel_loop3A_800, %parallel_loop3A_802 : vector<16xf32>
          %parallel_loop3A_804 = arith.constant 6.375000e+01 : f32
          %parallel_loop3A_805 = vector.broadcast %parallel_loop3A_804 : f32 to vector<16xf32>
          %parallel_loop3A_806 = arith.mulf %parallel_loop3A_803, %parallel_loop3A_805 : vector<16xf32>
          %parallel_loop3A_807 = arith.constant 0.000000e+00 : f32
          %parallel_loop3A_808 = arith.constant 2.540000e+02 : f32
          %parallel_loop3A_809 = vector.broadcast %parallel_loop3A_807 : f32 to vector<16xf32>
          %parallel_loop3A_810 = arith.maximumf %parallel_loop3A_809, %parallel_loop3A_806 : vector<16xf32>
          %parallel_loop3A_811 = vector.broadcast %parallel_loop3A_808 : f32 to vector<16xf32>
          %parallel_loop3A_812 = arith.minimumf %parallel_loop3A_811, %parallel_loop3A_810 : vector<16xf32>
          %parallel_loop3A_813 = arith.fptosi %parallel_loop3A_812 : vector<16xf32> to vector<16xi32>
          %parallel_loop3A_814 = arith.addi %get3A_393, %parallel_loop3A_813 : vector<16xi32>
          %parallel_loop3A_815 = tpu.vector_load_idx %arg6[%parallel_loop3A_814] : memref<24576xf32, #tpu.memory_space<vmem>>[vector<16xi32>], vector<16xf32>,
          %parallel_loop3A_816 = tpu.vector_load_idx %arg7[%parallel_loop3A_814] : memref<24576xf32, #tpu.memory_space<vmem>>[vector<16xi32>], vector<16xf32>,
          %parallel_loop3A_817 = arith.mulf %parallel_loop3A_806, %parallel_loop3A_816 : vector<16xf32>
          %parallel_loop3A_818 = arith.addf %parallel_loop3A_815, %parallel_loop3A_817 : vector<16xf32>
          %parallel_loop3A_819 = arith.constant 0 : i32
          %parallel_loop3A_820 = arith.constant 0 : i32
          %parallel_loop3A_821 = arith.constant 0 : i32
          %parallel_loop3A_822 = arith.constant 0 : i32
          %parallel_loop3A_823 = tpu.memref_slice %run_scoped3A_15[%rem3A_383, %parallel_loop3A_820, %parallel_loop3A_821, %parallel_loop3A_822] : memref<2x1x56x224xf32, #tpu.memory_space<vmem>> -> memref<1x1x56x224xf32, #tpu.memory_space<vmem>>
          %parallel_loop3A_824 = tpu.memref_squeeze %parallel_loop3A_823 : memref<1x1x56x224xf32, #tpu.memory_space<vmem>> -> memref<1x56x224xf32, #tpu.memory_space<vmem>>
          %parallel_loop3A_825 = arith.index_cast %parallel_loop3A_819 : i32 to index
          %parallel_loop3A_826 = arith.index_cast %parallel_loop3A_524 : i32 to index
          %parallel_loop3A_827 = arith.constant 112 : index
          %parallel_loop3A_828 = tpu.vector_load %parallel_loop3A_824[%parallel_loop3A_825, %parallel_loop3A_826, %parallel_loop3A_827] {strides = array<i32>} : memref<1x56x224xf32, #tpu.memory_space<vmem>>, vector<16xf32>,
          tpu.vector_store %parallel_loop3A_824[%parallel_loop3A_825, %parallel_loop3A_826, %parallel_loop3A_827], %parallel_loop3A_818 {strides = array<i32>} : memref<1x56x224xf32, #tpu.memory_space<vmem>>, vector<16xf32>,
          %parallel_loop3A_829 = arith.constant 0 : i32
          %parallel_loop3A_830 = arith.constant 0 : i32
          %parallel_loop3A_831 = arith.constant 0 : i32
          %parallel_loop3A_832 = arith.constant 0 : i32
          %parallel_loop3A_833 = tpu.memref_slice %run_scoped3A[%rem3A_379, %parallel_loop3A_830, %parallel_loop3A_831, %parallel_loop3A_832] : memref<2x1x56x224xf32, #tpu.memory_space<vmem>> -> memref<1x1x56x224xf32, #tpu.memory_space<vmem>>
          %parallel_loop3A_834 = tpu.memref_squeeze %parallel_loop3A_833 : memref<1x1x56x224xf32, #tpu.memory_space<vmem>> -> memref<1x56x224xf32, #tpu.memory_space<vmem>>
          %parallel_loop3A_835 = arith.index_cast %parallel_loop3A_829 : i32 to index
          %parallel_loop3A_836 = arith.index_cast %parallel_loop3A_524 : i32 to index
          %parallel_loop3A_837 = arith.constant 128 : index
          %parallel_loop3A_838 = tpu.vector_load %parallel_loop3A_834[%parallel_loop3A_835, %parallel_loop3A_836, %parallel_loop3A_837] {strides = array<i32>} : memref<1x56x224xf32, #tpu.memory_space<vmem>>, vector<16xf32>,
          %parallel_loop3A_839 = arith.constant -2.000000e+00 : f32
          %parallel_loop3A_840 = vector.broadcast %parallel_loop3A_839 : f32 to vector<16xf32>
          %parallel_loop3A_841 = arith.subf %parallel_loop3A_838, %parallel_loop3A_840 : vector<16xf32>
          %parallel_loop3A_842 = arith.constant 6.375000e+01 : f32
          %parallel_loop3A_843 = vector.broadcast %parallel_loop3A_842 : f32 to vector<16xf32>
          %parallel_loop3A_844 = arith.mulf %parallel_loop3A_841, %parallel_loop3A_843 : vector<16xf32>
          %parallel_loop3A_845 = arith.constant 0.000000e+00 : f32
          %parallel_loop3A_846 = arith.constant 2.540000e+02 : f32
          %parallel_loop3A_847 = vector.broadcast %parallel_loop3A_845 : f32 to vector<16xf32>
          %parallel_loop3A_848 = arith.maximumf %parallel_loop3A_847, %parallel_loop3A_844 : vector<16xf32>
          %parallel_loop3A_849 = vector.broadcast %parallel_loop3A_846 : f32 to vector<16xf32>
          %parallel_loop3A_850 = arith.minimumf %parallel_loop3A_849, %parallel_loop3A_848 : vector<16xf32>
          %parallel_loop3A_851 = arith.fptosi %parallel_loop3A_850 : vector<16xf32> to vector<16xi32>
          %parallel_loop3A_852 = arith.addi %get3A_393, %parallel_loop3A_851 : vector<16xi32>
          %parallel_loop3A_853 = tpu.vector_load_idx %arg6[%parallel_loop3A_852] : memref<24576xf32, #tpu.memory_space<vmem>>[vector<16xi32>], vector<16xf32>,
          %parallel_loop3A_854 = tpu.vector_load_idx %arg7[%parallel_loop3A_852] : memref<24576xf32, #tpu.memory_space<vmem>>[vector<16xi32>], vector<16xf32>,
          %parallel_loop3A_855 = arith.mulf %parallel_loop3A_844, %parallel_loop3A_854 : vector<16xf32>
          %parallel_loop3A_856 = arith.addf %parallel_loop3A_853, %parallel_loop3A_855 : vector<16xf32>
          %parallel_loop3A_857 = arith.constant 0 : i32
          %parallel_loop3A_858 = arith.constant 0 : i32
          %parallel_loop3A_859 = arith.constant 0 : i32
          %parallel_loop3A_860 = arith.constant 0 : i32
          %parallel_loop3A_861 = tpu.memref_slice %run_scoped3A_15[%rem3A_383, %parallel_loop3A_858, %parallel_loop3A_859, %parallel_loop3A_860] : memref<2x1x56x224xf32, #tpu.memory_space<vmem>> -> memref<1x1x56x224xf32, #tpu.memory_space<vmem>>
          %parallel_loop3A_862 = tpu.memref_squeeze %parallel_loop3A_861 : memref<1x1x56x224xf32, #tpu.memory_space<vmem>> -> memref<1x56x224xf32, #tpu.memory_space<vmem>>
          %parallel_loop3A_863 = arith.index_cast %parallel_loop3A_857 : i32 to index
          %parallel_loop3A_864 = arith.index_cast %parallel_loop3A_524 : i32 to index
          %parallel_loop3A_865 = arith.constant 128 : index
          %parallel_loop3A_866 = tpu.vector_load %parallel_loop3A_862[%parallel_loop3A_863, %parallel_loop3A_864, %parallel_loop3A_865] {strides = array<i32>} : memref<1x56x224xf32, #tpu.memory_space<vmem>>, vector<16xf32>,
          tpu.vector_store %parallel_loop3A_862[%parallel_loop3A_863, %parallel_loop3A_864, %parallel_loop3A_865], %parallel_loop3A_856 {strides = array<i32>} : memref<1x56x224xf32, #tpu.memory_space<vmem>>, vector<16xf32>,
          %parallel_loop3A_867 = arith.constant 0 : i32
          %parallel_loop3A_868 = arith.constant 0 : i32
          %parallel_loop3A_869 = arith.constant 0 : i32
          %parallel_loop3A_870 = arith.constant 0 : i32
          %parallel_loop3A_871 = tpu.memref_slice %run_scoped3A[%rem3A_379, %parallel_loop3A_868, %parallel_loop3A_869, %parallel_loop3A_870] : memref<2x1x56x224xf32, #tpu.memory_space<vmem>> -> memref<1x1x56x224xf32, #tpu.memory_space<vmem>>
          %parallel_loop3A_872 = tpu.memref_squeeze %parallel_loop3A_871 : memref<1x1x56x224xf32, #tpu.memory_space<vmem>> -> memref<1x56x224xf32, #tpu.memory_space<vmem>>
          %parallel_loop3A_873 = arith.index_cast %parallel_loop3A_867 : i32 to index
          %parallel_loop3A_874 = arith.index_cast %parallel_loop3A_524 : i32 to index
          %parallel_loop3A_875 = arith.constant 144 : index
          %parallel_loop3A_876 = tpu.vector_load %parallel_loop3A_872[%parallel_loop3A_873, %parallel_loop3A_874, %parallel_loop3A_875] {strides = array<i32>} : memref<1x56x224xf32, #tpu.memory_space<vmem>>, vector<16xf32>,
          %parallel_loop3A_877 = arith.constant -2.000000e+00 : f32
          %parallel_loop3A_878 = vector.broadcast %parallel_loop3A_877 : f32 to vector<16xf32>
          %parallel_loop3A_879 = arith.subf %parallel_loop3A_876, %parallel_loop3A_878 : vector<16xf32>
          %parallel_loop3A_880 = arith.constant 6.375000e+01 : f32
          %parallel_loop3A_881 = vector.broadcast %parallel_loop3A_880 : f32 to vector<16xf32>
          %parallel_loop3A_882 = arith.mulf %parallel_loop3A_879, %parallel_loop3A_881 : vector<16xf32>
          %parallel_loop3A_883 = arith.constant 0.000000e+00 : f32
          %parallel_loop3A_884 = arith.constant 2.540000e+02 : f32
          %parallel_loop3A_885 = vector.broadcast %parallel_loop3A_883 : f32 to vector<16xf32>
          %parallel_loop3A_886 = arith.maximumf %parallel_loop3A_885, %parallel_loop3A_882 : vector<16xf32>
          %parallel_loop3A_887 = vector.broadcast %parallel_loop3A_884 : f32 to vector<16xf32>
          %parallel_loop3A_888 = arith.minimumf %parallel_loop3A_887, %parallel_loop3A_886 : vector<16xf32>
          %parallel_loop3A_889 = arith.fptosi %parallel_loop3A_888 : vector<16xf32> to vector<16xi32>
          %parallel_loop3A_890 = arith.addi %get3A_393, %parallel_loop3A_889 : vector<16xi32>
          %parallel_loop3A_891 = tpu.vector_load_idx %arg6[%parallel_loop3A_890] : memref<24576xf32, #tpu.memory_space<vmem>>[vector<16xi32>], vector<16xf32>,
          %parallel_loop3A_892 = tpu.vector_load_idx %arg7[%parallel_loop3A_890] : memref<24576xf32, #tpu.memory_space<vmem>>[vector<16xi32>], vector<16xf32>,
          %parallel_loop3A_893 = arith.mulf %parallel_loop3A_882, %parallel_loop3A_892 : vector<16xf32>
          %parallel_loop3A_894 = arith.addf %parallel_loop3A_891, %parallel_loop3A_893 : vector<16xf32>
          %parallel_loop3A_895 = arith.constant 0 : i32
          %parallel_loop3A_896 = arith.constant 0 : i32
          %parallel_loop3A_897 = arith.constant 0 : i32
          %parallel_loop3A_898 = arith.constant 0 : i32
          %parallel_loop3A_899 = tpu.memref_slice %run_scoped3A_15[%rem3A_383, %parallel_loop3A_896, %parallel_loop3A_897, %parallel_loop3A_898] : memref<2x1x56x224xf32, #tpu.memory_space<vmem>> -> memref<1x1x56x224xf32, #tpu.memory_space<vmem>>
          %parallel_loop3A_900 = tpu.memref_squeeze %parallel_loop3A_899 : memref<1x1x56x224xf32, #tpu.memory_space<vmem>> -> memref<1x56x224xf32, #tpu.memory_space<vmem>>
          %parallel_loop3A_901 = arith.index_cast %parallel_loop3A_895 : i32 to index
          %parallel_loop3A_902 = arith.index_cast %parallel_loop3A_524 : i32 to index
          %parallel_loop3A_903 = arith.constant 144 : index
          %parallel_loop3A_904 = tpu.vector_load %parallel_loop3A_900[%parallel_loop3A_901, %parallel_loop3A_902, %parallel_loop3A_903] {strides = array<i32>} : memref<1x56x224xf32, #tpu.memory_space<vmem>>, vector<16xf32>,
          tpu.vector_store %parallel_loop3A_900[%parallel_loop3A_901, %parallel_loop3A_902, %parallel_loop3A_903], %parallel_loop3A_894 {strides = array<i32>} : memref<1x56x224xf32, #tpu.memory_space<vmem>>, vector<16xf32>,
          %parallel_loop3A_905 = arith.constant 0 : i32
          %parallel_loop3A_906 = arith.constant 0 : i32
          %parallel_loop3A_907 = arith.constant 0 : i32
          %parallel_loop3A_908 = arith.constant 0 : i32
          %parallel_loop3A_909 = tpu.memref_slice %run_scoped3A[%rem3A_379, %parallel_loop3A_906, %parallel_loop3A_907, %parallel_loop3A_908] : memref<2x1x56x224xf32, #tpu.memory_space<vmem>> -> memref<1x1x56x224xf32, #tpu.memory_space<vmem>>
          %parallel_loop3A_910 = tpu.memref_squeeze %parallel_loop3A_909 : memref<1x1x56x224xf32, #tpu.memory_space<vmem>> -> memref<1x56x224xf32, #tpu.memory_space<vmem>>
          %parallel_loop3A_911 = arith.index_cast %parallel_loop3A_905 : i32 to index
          %parallel_loop3A_912 = arith.index_cast %parallel_loop3A_524 : i32 to index
          %parallel_loop3A_913 = arith.constant 160 : index
          %parallel_loop3A_914 = tpu.vector_load %parallel_loop3A_910[%parallel_loop3A_911, %parallel_loop3A_912, %parallel_loop3A_913] {strides = array<i32>} : memref<1x56x224xf32, #tpu.memory_space<vmem>>, vector<16xf32>,
          %parallel_loop3A_915 = arith.constant -2.000000e+00 : f32
          %parallel_loop3A_916 = vector.broadcast %parallel_loop3A_915 : f32 to vector<16xf32>
          %parallel_loop3A_917 = arith.subf %parallel_loop3A_914, %parallel_loop3A_916 : vector<16xf32>
          %parallel_loop3A_918 = arith.constant 6.375000e+01 : f32
          %parallel_loop3A_919 = vector.broadcast %parallel_loop3A_918 : f32 to vector<16xf32>
          %parallel_loop3A_920 = arith.mulf %parallel_loop3A_917, %parallel_loop3A_919 : vector<16xf32>
          %parallel_loop3A_921 = arith.constant 0.000000e+00 : f32
          %parallel_loop3A_922 = arith.constant 2.540000e+02 : f32
          %parallel_loop3A_923 = vector.broadcast %parallel_loop3A_921 : f32 to vector<16xf32>
          %parallel_loop3A_924 = arith.maximumf %parallel_loop3A_923, %parallel_loop3A_920 : vector<16xf32>
          %parallel_loop3A_925 = vector.broadcast %parallel_loop3A_922 : f32 to vector<16xf32>
          %parallel_loop3A_926 = arith.minimumf %parallel_loop3A_925, %parallel_loop3A_924 : vector<16xf32>
          %parallel_loop3A_927 = arith.fptosi %parallel_loop3A_926 : vector<16xf32> to vector<16xi32>
          %parallel_loop3A_928 = arith.addi %get3A_393, %parallel_loop3A_927 : vector<16xi32>
          %parallel_loop3A_929 = tpu.vector_load_idx %arg6[%parallel_loop3A_928] : memref<24576xf32, #tpu.memory_space<vmem>>[vector<16xi32>], vector<16xf32>,
          %parallel_loop3A_930 = tpu.vector_load_idx %arg7[%parallel_loop3A_928] : memref<24576xf32, #tpu.memory_space<vmem>>[vector<16xi32>], vector<16xf32>,
          %parallel_loop3A_931 = arith.mulf %parallel_loop3A_920, %parallel_loop3A_930 : vector<16xf32>
          %parallel_loop3A_932 = arith.addf %parallel_loop3A_929, %parallel_loop3A_931 : vector<16xf32>
          %parallel_loop3A_933 = arith.constant 0 : i32
          %parallel_loop3A_934 = arith.constant 0 : i32
          %parallel_loop3A_935 = arith.constant 0 : i32
          %parallel_loop3A_936 = arith.constant 0 : i32
          %parallel_loop3A_937 = tpu.memref_slice %run_scoped3A_15[%rem3A_383, %parallel_loop3A_934, %parallel_loop3A_935, %parallel_loop3A_936] : memref<2x1x56x224xf32, #tpu.memory_space<vmem>> -> memref<1x1x56x224xf32, #tpu.memory_space<vmem>>
          %parallel_loop3A_938 = tpu.memref_squeeze %parallel_loop3A_937 : memref<1x1x56x224xf32, #tpu.memory_space<vmem>> -> memref<1x56x224xf32, #tpu.memory_space<vmem>>
          %parallel_loop3A_939 = arith.index_cast %parallel_loop3A_933 : i32 to index
          %parallel_loop3A_940 = arith.index_cast %parallel_loop3A_524 : i32 to index
          %parallel_loop3A_941 = arith.constant 160 : index
          %parallel_loop3A_942 = tpu.vector_load %parallel_loop3A_938[%parallel_loop3A_939, %parallel_loop3A_940, %parallel_loop3A_941] {strides = array<i32>} : memref<1x56x224xf32, #tpu.memory_space<vmem>>, vector<16xf32>,
          tpu.vector_store %parallel_loop3A_938[%parallel_loop3A_939, %parallel_loop3A_940, %parallel_loop3A_941], %parallel_loop3A_932 {strides = array<i32>} : memref<1x56x224xf32, #tpu.memory_space<vmem>>, vector<16xf32>,
          %parallel_loop3A_943 = arith.constant 0 : i32
          %parallel_loop3A_944 = arith.constant 0 : i32
          %parallel_loop3A_945 = arith.constant 0 : i32
          %parallel_loop3A_946 = arith.constant 0 : i32
          %parallel_loop3A_947 = tpu.memref_slice %run_scoped3A[%rem3A_379, %parallel_loop3A_944, %parallel_loop3A_945, %parallel_loop3A_946] : memref<2x1x56x224xf32, #tpu.memory_space<vmem>> -> memref<1x1x56x224xf32, #tpu.memory_space<vmem>>
          %parallel_loop3A_948 = tpu.memref_squeeze %parallel_loop3A_947 : memref<1x1x56x224xf32, #tpu.memory_space<vmem>> -> memref<1x56x224xf32, #tpu.memory_space<vmem>>
          %parallel_loop3A_949 = arith.index_cast %parallel_loop3A_943 : i32 to index
          %parallel_loop3A_950 = arith.index_cast %parallel_loop3A_524 : i32 to index
          %parallel_loop3A_951 = arith.constant 176 : index
          %parallel_loop3A_952 = tpu.vector_load %parallel_loop3A_948[%parallel_loop3A_949, %parallel_loop3A_950, %parallel_loop3A_951] {strides = array<i32>} : memref<1x56x224xf32, #tpu.memory_space<vmem>>, vector<16xf32>,
          %parallel_loop3A_953 = arith.constant -2.000000e+00 : f32
          %parallel_loop3A_954 = vector.broadcast %parallel_loop3A_953 : f32 to vector<16xf32>
          %parallel_loop3A_955 = arith.subf %parallel_loop3A_952, %parallel_loop3A_954 : vector<16xf32>
          %parallel_loop3A_956 = arith.constant 6.375000e+01 : f32
          %parallel_loop3A_957 = vector.broadcast %parallel_loop3A_956 : f32 to vector<16xf32>
          %parallel_loop3A_958 = arith.mulf %parallel_loop3A_955, %parallel_loop3A_957 : vector<16xf32>
          %parallel_loop3A_959 = arith.constant 0.000000e+00 : f32
          %parallel_loop3A_960 = arith.constant 2.540000e+02 : f32
          %parallel_loop3A_961 = vector.broadcast %parallel_loop3A_959 : f32 to vector<16xf32>
          %parallel_loop3A_962 = arith.maximumf %parallel_loop3A_961, %parallel_loop3A_958 : vector<16xf32>
          %parallel_loop3A_963 = vector.broadcast %parallel_loop3A_960 : f32 to vector<16xf32>
          %parallel_loop3A_964 = arith.minimumf %parallel_loop3A_963, %parallel_loop3A_962 : vector<16xf32>
          %parallel_loop3A_965 = arith.fptosi %parallel_loop3A_964 : vector<16xf32> to vector<16xi32>
          %parallel_loop3A_966 = arith.addi %get3A_393, %parallel_loop3A_965 : vector<16xi32>
          %parallel_loop3A_967 = tpu.vector_load_idx %arg6[%parallel_loop3A_966] : memref<24576xf32, #tpu.memory_space<vmem>>[vector<16xi32>], vector<16xf32>,
          %parallel_loop3A_968 = tpu.vector_load_idx %arg7[%parallel_loop3A_966] : memref<24576xf32, #tpu.memory_space<vmem>>[vector<16xi32>], vector<16xf32>,
          %parallel_loop3A_969 = arith.mulf %parallel_loop3A_958, %parallel_loop3A_968 : vector<16xf32>
          %parallel_loop3A_970 = arith.addf %parallel_loop3A_967, %parallel_loop3A_969 : vector<16xf32>
          %parallel_loop3A_971 = arith.constant 0 : i32
          %parallel_loop3A_972 = arith.constant 0 : i32
          %parallel_loop3A_973 = arith.constant 0 : i32
          %parallel_loop3A_974 = arith.constant 0 : i32
          %parallel_loop3A_975 = tpu.memref_slice %run_scoped3A_15[%rem3A_383, %parallel_loop3A_972, %parallel_loop3A_973, %parallel_loop3A_974] : memref<2x1x56x224xf32, #tpu.memory_space<vmem>> -> memref<1x1x56x224xf32, #tpu.memory_space<vmem>>
          %parallel_loop3A_976 = tpu.memref_squeeze %parallel_loop3A_975 : memref<1x1x56x224xf32, #tpu.memory_space<vmem>> -> memref<1x56x224xf32, #tpu.memory_space<vmem>>
          %parallel_loop3A_977 = arith.index_cast %parallel_loop3A_971 : i32 to index
          %parallel_loop3A_978 = arith.index_cast %parallel_loop3A_524 : i32 to index
          %parallel_loop3A_979 = arith.constant 176 : index
          %parallel_loop3A_980 = tpu.vector_load %parallel_loop3A_976[%parallel_loop3A_977, %parallel_loop3A_978, %parallel_loop3A_979] {strides = array<i32>} : memref<1x56x224xf32, #tpu.memory_space<vmem>>, vector<16xf32>,
          tpu.vector_store %parallel_loop3A_976[%parallel_loop3A_977, %parallel_loop3A_978, %parallel_loop3A_979], %parallel_loop3A_970 {strides = array<i32>} : memref<1x56x224xf32, #tpu.memory_space<vmem>>, vector<16xf32>,
          %parallel_loop3A_981 = arith.constant 0 : i32
          %parallel_loop3A_982 = arith.constant 0 : i32
          %parallel_loop3A_983 = arith.constant 0 : i32
          %parallel_loop3A_984 = arith.constant 0 : i32
          %parallel_loop3A_985 = tpu.memref_slice %run_scoped3A[%rem3A_379, %parallel_loop3A_982, %parallel_loop3A_983, %parallel_loop3A_984] : memref<2x1x56x224xf32, #tpu.memory_space<vmem>> -> memref<1x1x56x224xf32, #tpu.memory_space<vmem>>
          %parallel_loop3A_986 = tpu.memref_squeeze %parallel_loop3A_985 : memref<1x1x56x224xf32, #tpu.memory_space<vmem>> -> memref<1x56x224xf32, #tpu.memory_space<vmem>>
          %parallel_loop3A_987 = arith.index_cast %parallel_loop3A_981 : i32 to index
          %parallel_loop3A_988 = arith.index_cast %parallel_loop3A_524 : i32 to index
          %parallel_loop3A_989 = arith.constant 192 : index
          %parallel_loop3A_990 = tpu.vector_load %parallel_loop3A_986[%parallel_loop3A_987, %parallel_loop3A_988, %parallel_loop3A_989] {strides = array<i32>} : memref<1x56x224xf32, #tpu.memory_space<vmem>>, vector<16xf32>,
          %parallel_loop3A_991 = arith.constant -2.000000e+00 : f32
          %parallel_loop3A_992 = vector.broadcast %parallel_loop3A_991 : f32 to vector<16xf32>
          %parallel_loop3A_993 = arith.subf %parallel_loop3A_990, %parallel_loop3A_992 : vector<16xf32>
          %parallel_loop3A_994 = arith.constant 6.375000e+01 : f32
          %parallel_loop3A_995 = vector.broadcast %parallel_loop3A_994 : f32 to vector<16xf32>
          %parallel_loop3A_996 = arith.mulf %parallel_loop3A_993, %parallel_loop3A_995 : vector<16xf32>
          %parallel_loop3A_997 = arith.constant 0.000000e+00 : f32
          %parallel_loop3A_998 = arith.constant 2.540000e+02 : f32
          %parallel_loop3A_999 = vector.broadcast %parallel_loop3A_997 : f32 to vector<16xf32>
          %parallel_loop3A_1000 = arith.maximumf %parallel_loop3A_999, %parallel_loop3A_996 : vector<16xf32>
          %parallel_loop3A_1001 = vector.broadcast %parallel_loop3A_998 : f32 to vector<16xf32>
          %parallel_loop3A_1002 = arith.minimumf %parallel_loop3A_1001, %parallel_loop3A_1000 : vector<16xf32>
          %parallel_loop3A_1003 = arith.fptosi %parallel_loop3A_1002 : vector<16xf32> to vector<16xi32>
          %parallel_loop3A_1004 = arith.addi %get3A_393, %parallel_loop3A_1003 : vector<16xi32>
          %parallel_loop3A_1005 = tpu.vector_load_idx %arg6[%parallel_loop3A_1004] : memref<24576xf32, #tpu.memory_space<vmem>>[vector<16xi32>], vector<16xf32>,
          %parallel_loop3A_1006 = tpu.vector_load_idx %arg7[%parallel_loop3A_1004] : memref<24576xf32, #tpu.memory_space<vmem>>[vector<16xi32>], vector<16xf32>,
          %parallel_loop3A_1007 = arith.mulf %parallel_loop3A_996, %parallel_loop3A_1006 : vector<16xf32>
          %parallel_loop3A_1008 = arith.addf %parallel_loop3A_1005, %parallel_loop3A_1007 : vector<16xf32>
          %parallel_loop3A_1009 = arith.constant 0 : i32
          %parallel_loop3A_1010 = arith.constant 0 : i32
          %parallel_loop3A_1011 = arith.constant 0 : i32
          %parallel_loop3A_1012 = arith.constant 0 : i32
          %parallel_loop3A_1013 = tpu.memref_slice %run_scoped3A_15[%rem3A_383, %parallel_loop3A_1010, %parallel_loop3A_1011, %parallel_loop3A_1012] : memref<2x1x56x224xf32, #tpu.memory_space<vmem>> -> memref<1x1x56x224xf32, #tpu.memory_space<vmem>>
          %parallel_loop3A_1014 = tpu.memref_squeeze %parallel_loop3A_1013 : memref<1x1x56x224xf32, #tpu.memory_space<vmem>> -> memref<1x56x224xf32, #tpu.memory_space<vmem>>
          %parallel_loop3A_1015 = arith.index_cast %parallel_loop3A_1009 : i32 to index
          %parallel_loop3A_1016 = arith.index_cast %parallel_loop3A_524 : i32 to index
          %parallel_loop3A_1017 = arith.constant 192 : index
          %parallel_loop3A_1018 = tpu.vector_load %parallel_loop3A_1014[%parallel_loop3A_1015, %parallel_loop3A_1016, %parallel_loop3A_1017] {strides = array<i32>} : memref<1x56x224xf32, #tpu.memory_space<vmem>>, vector<16xf32>,
          tpu.vector_store %parallel_loop3A_1014[%parallel_loop3A_1015, %parallel_loop3A_1016, %parallel_loop3A_1017], %parallel_loop3A_1008 {strides = array<i32>} : memref<1x56x224xf32, #tpu.memory_space<vmem>>, vector<16xf32>,
          %parallel_loop3A_1019 = arith.constant 0 : i32
          %parallel_loop3A_1020 = arith.constant 0 : i32
          %parallel_loop3A_1021 = arith.constant 0 : i32
          %parallel_loop3A_1022 = arith.constant 0 : i32
          %parallel_loop3A_1023 = tpu.memref_slice %run_scoped3A[%rem3A_379, %parallel_loop3A_1020, %parallel_loop3A_1021, %parallel_loop3A_1022] : memref<2x1x56x224xf32, #tpu.memory_space<vmem>> -> memref<1x1x56x224xf32, #tpu.memory_space<vmem>>
          %parallel_loop3A_1024 = tpu.memref_squeeze %parallel_loop3A_1023 : memref<1x1x56x224xf32, #tpu.memory_space<vmem>> -> memref<1x56x224xf32, #tpu.memory_space<vmem>>
          %parallel_loop3A_1025 = arith.index_cast %parallel_loop3A_1019 : i32 to index
          %parallel_loop3A_1026 = arith.index_cast %parallel_loop3A_524 : i32 to index
          %parallel_loop3A_1027 = arith.constant 208 : index
          %parallel_loop3A_1028 = tpu.vector_load %parallel_loop3A_1024[%parallel_loop3A_1025, %parallel_loop3A_1026, %parallel_loop3A_1027] {strides = array<i32>} : memref<1x56x224xf32, #tpu.memory_space<vmem>>, vector<16xf32>,
          %parallel_loop3A_1029 = arith.constant -2.000000e+00 : f32
          %parallel_loop3A_1030 = vector.broadcast %parallel_loop3A_1029 : f32 to vector<16xf32>
          %parallel_loop3A_1031 = arith.subf %parallel_loop3A_1028, %parallel_loop3A_1030 : vector<16xf32>
          %parallel_loop3A_1032 = arith.constant 6.375000e+01 : f32
          %parallel_loop3A_1033 = vector.broadcast %parallel_loop3A_1032 : f32 to vector<16xf32>
          %parallel_loop3A_1034 = arith.mulf %parallel_loop3A_1031, %parallel_loop3A_1033 : vector<16xf32>
          %parallel_loop3A_1035 = arith.constant 0.000000e+00 : f32
          %parallel_loop3A_1036 = arith.constant 2.540000e+02 : f32
          %parallel_loop3A_1037 = vector.broadcast %parallel_loop3A_1035 : f32 to vector<16xf32>
          %parallel_loop3A_1038 = arith.maximumf %parallel_loop3A_1037, %parallel_loop3A_1034 : vector<16xf32>
          %parallel_loop3A_1039 = vector.broadcast %parallel_loop3A_1036 : f32 to vector<16xf32>
          %parallel_loop3A_1040 = arith.minimumf %parallel_loop3A_1039, %parallel_loop3A_1038 : vector<16xf32>
          %parallel_loop3A_1041 = arith.fptosi %parallel_loop3A_1040 : vector<16xf32> to vector<16xi32>
          %parallel_loop3A_1042 = arith.addi %get3A_393, %parallel_loop3A_1041 : vector<16xi32>
          %parallel_loop3A_1043 = tpu.vector_load_idx %arg6[%parallel_loop3A_1042] : memref<24576xf32, #tpu.memory_space<vmem>>[vector<16xi32>], vector<16xf32>,
          %parallel_loop3A_1044 = tpu.vector_load_idx %arg7[%parallel_loop3A_1042] : memref<24576xf32, #tpu.memory_space<vmem>>[vector<16xi32>], vector<16xf32>,
          %parallel_loop3A_1045 = arith.mulf %parallel_loop3A_1034, %parallel_loop3A_1044 : vector<16xf32>
          %parallel_loop3A_1046 = arith.addf %parallel_loop3A_1043, %parallel_loop3A_1045 : vector<16xf32>
          %parallel_loop3A_1047 = arith.constant 0 : i32
          %parallel_loop3A_1048 = arith.constant 0 : i32
          %parallel_loop3A_1049 = arith.constant 0 : i32
          %parallel_loop3A_1050 = arith.constant 0 : i32
          %parallel_loop3A_1051 = tpu.memref_slice %run_scoped3A_15[%rem3A_383, %parallel_loop3A_1048, %parallel_loop3A_1049, %parallel_loop3A_1050] : memref<2x1x56x224xf32, #tpu.memory_space<vmem>> -> memref<1x1x56x224xf32, #tpu.memory_space<vmem>>
          %parallel_loop3A_1052 = tpu.memref_squeeze %parallel_loop3A_1051 : memref<1x1x56x224xf32, #tpu.memory_space<vmem>> -> memref<1x56x224xf32, #tpu.memory_space<vmem>>
          %parallel_loop3A_1053 = arith.index_cast %parallel_loop3A_1047 : i32 to index
          %parallel_loop3A_1054 = arith.index_cast %parallel_loop3A_524 : i32 to index
          %parallel_loop3A_1055 = arith.constant 208 : index
          %parallel_loop3A_1056 = tpu.vector_load %parallel_loop3A_1052[%parallel_loop3A_1053, %parallel_loop3A_1054, %parallel_loop3A_1055] {strides = array<i32>} : memref<1x56x224xf32, #tpu.memory_space<vmem>>, vector<16xf32>,
          tpu.vector_store %parallel_loop3A_1052[%parallel_loop3A_1053, %parallel_loop3A_1054, %parallel_loop3A_1055], %parallel_loop3A_1046 {strides = array<i32>} : memref<1x56x224xf32, #tpu.memory_space<vmem>>, vector<16xf32>,
        } {sc.loop_unroll_factor = 4 : i64, sc.parallel_access}
        "tpu.trace_stop"() : () -> ()
        %ne3A_397 = arith.cmpi ne, %add3A_243, %add3A_279 : i32
        %ne3A_398 = arith.cmpi ne, %add3A_245, %add3A_281 : i32
        %or3A_399 = arith.constant false
        %or3A_400 = arith.ori %or3A_399, %ne3A_397 : i1
        %or3A_401 = arith.ori %or3A_400, %ne3A_398 : i1
        %or3A_402 = arith.constant false
        %or3A_403 = arith.ori %or3A_401, %or3A_402 : i1
        %or3A_404 = arith.ori %or3A_403, %eq3A_242 : i1
        %convert_element_type3A_405 = arith.extui %or3A_404 : i1 to i32
        %cond3A_406 = arith.constant 0 : i32
        %cond3A_407 = arith.cmpi ne, %convert_element_type3A_405, %cond3A_406 : i32
        scf.if %cond3A_407 {
        } else {
        }
        %and3A_408 = arith.constant false
        %and3A_409 = arith.andi %or3A_404, %and3A_408 : i1
        %ne3A_410 = arith.cmpi ne, %add3A_243, %add3A_279 : i32
        %or3A_411 = arith.constant false
        %or3A_412 = arith.ori %or3A_411, %ne3A_410 : i1
        %or3A_413 = arith.constant false
        %or3A_414 = arith.ori %or3A_412, %or3A_413 : i1
        %or3A_415 = arith.constant false
        %or3A_416 = arith.ori %or3A_414, %or3A_415 : i1
        %or3A_417 = arith.ori %or3A_416, %eq3A_242 : i1
        %convert_element_type3A_418 = arith.extui %or3A_417 : i1 to i32
        %cond3A_419 = arith.constant 0 : i32
        %cond3A_420 = arith.cmpi ne, %convert_element_type3A_418, %cond3A_419 : i32
        scf.if %cond3A_420 {
        } else {
        }
        %and3A_421 = arith.constant false
        %and3A_422 = arith.andi %or3A_417, %and3A_421 : i1
        %ne3A_423 = arith.cmpi ne, %add3A_243, %add3A_279 : i32
        %ne3A_424 = arith.cmpi ne, %add3A_245, %add3A_281 : i32
        %or3A_425 = arith.constant false
        %or3A_426 = arith.ori %or3A_425, %ne3A_423 : i1
        %or3A_427 = arith.ori %or3A_426, %ne3A_424 : i1
        %or3A_428 = arith.constant false
        %or3A_429 = arith.ori %or3A_427, %or3A_428 : i1
        %or3A_430 = arith.ori %or3A_429, %eq3A_242 : i1
        %convert_element_type3A_431 = arith.extui %or3A_430 : i1 to i32
        %cond3A_432 = arith.constant 0 : i32
        %cond3A_433 = arith.cmpi ne, %convert_element_type3A_431, %cond3A_432 : i32
        scf.if %cond3A_433 {
          "tpu.trace_start"() <{level = 10 : i32, message = "ep_copy_out"}> : () -> ()
          %rem3A_524 = arith.constant 2 : i32
          %rem3A_525 = arith.remui %scan3A_235, %rem3A_524 : i32
          %mul3A_526 = arith.constant 1 : i32
          %mul3A_527 = arith.muli %mul3A_526, %add3A_243 : i32
          %mul3A_528 = arith.constant 56 : i32
          %mul3A_529 = arith.muli %mul3A_528, %add3A_245 : i32
          %dma_start3A_530 = arith.constant 0 : i32
          %dma_start3A_531 = arith.constant 0 : i32
          %dma_start3A_532 = arith.constant 0 : i32
          %dma_start3A_533 = tpu.memref_slice %run_scoped3A_15[%rem3A_525, %dma_start3A_530, %dma_start3A_531, %dma_start3A_532] : memref<2x1x56x224xf32, #tpu.memory_space<vmem>> -> memref<1x1x56x224xf32, #tpu.memory_space<vmem>>
          %dma_start3A_534 = tpu.memref_squeeze %dma_start3A_533 : memref<1x1x56x224xf32, #tpu.memory_space<vmem>> -> memref<1x56x224xf32, #tpu.memory_space<vmem>>
          %dma_start3A_535 = arith.constant 0 : i32
          %dma_start3A_536 = tpu.memref_slice %arg5[%mul3A_527, %mul3A_529, %dma_start3A_535] : memref<768x224x224xf32, #tpu.memory_space<hbm>> -> memref<1x56x224xf32, #tpu.memory_space<hbm>>
          %dma_start3A_537 = tpu.memref_slice %run_scoped3A_16[%rem3A_525] : memref<2x!tpu.dma_semaphore, #tpu.memory_space<semaphore_mem>> -> memref<1x!tpu.dma_semaphore, #tpu.memory_space<semaphore_mem>>
          %dma_start3A_538 = tpu.memref_squeeze %dma_start3A_537 : memref<1x!tpu.dma_semaphore, #tpu.memory_space<semaphore_mem>> -> memref<!tpu.dma_semaphore, #tpu.memory_space<semaphore_mem>>
          %dma_start3A_539 = arith.constant 0 : i32
          %dma_start3A_540 = tpu.memref_slice %arg5[%mul3A_527, %mul3A_529, %dma_start3A_539] : memref<768x224x224xf32, #tpu.memory_space<hbm>> -> memref<1x56x224xf32, #tpu.memory_space<hbm>>
          %dma_start3A_541 = arith.constant 0 : i32
          %dma_start3A_542 = arith.constant 0 : i32
          %dma_start3A_543 = arith.constant 0 : i32
          %dma_start3A_544 = tpu.memref_slice %run_scoped3A_15[%rem3A_525, %dma_start3A_541, %dma_start3A_542, %dma_start3A_543] : memref<2x1x56x224xf32, #tpu.memory_space<vmem>> -> memref<1x1x56x224xf32, #tpu.memory_space<vmem>>
          %dma_start3A_545 = tpu.memref_squeeze %dma_start3A_544 : memref<1x1x56x224xf32, #tpu.memory_space<vmem>> -> memref<1x56x224xf32, #tpu.memory_space<vmem>>
          tpu.enqueue_dma source(%dma_start3A_545 : memref<1x56x224xf32, #tpu.memory_space<vmem>>) target(%dma_start3A_540 : memref<1x56x224xf32, #tpu.memory_space<hbm>>) target_semaphore(%dma_start3A_538 : memref<!tpu.dma_semaphore, #tpu.memory_space<semaphore_mem>>)
          "tpu.trace_stop"() : () -> ()
        } else {
        }
        %and3A_434 = arith.constant true
        %and3A_435 = arith.andi %or3A_430, %and3A_434 : i1
        %add3A_436 = arith.constant 1 : i32
        %add3A_437 = arith.addi %scan3A_235, %add3A_436 : i32
        %select_n3A_438 = arith.select %and3A_435, %add3A_437, %scan3A_235 : i32
        %ne3A_439 = arith.cmpi ne, %add3A_243, %add3A_261 : i32
        %ne3A_440 = arith.cmpi ne, %add3A_245, %add3A_263 : i32
        %or3A_441 = arith.constant false
        %or3A_442 = arith.ori %or3A_441, %ne3A_439 : i1
        %or3A_443 = arith.ori %or3A_442, %ne3A_440 : i1
        %or3A_444 = arith.constant false
        %or3A_445 = arith.ori %or3A_443, %or3A_444 : i1
        %not3A_446 = arith.constant true
        %not3A_447 = arith.xori %eq3A_240, %not3A_446 : i1
        %and3A_448 = arith.andi %or3A_445, %not3A_447 : i1
        %convert_element_type3A_449 = arith.extui %and3A_448 : i1 to i32
        %cond3A_450 = arith.constant 0 : i32
        %cond3A_451 = arith.cmpi ne, %convert_element_type3A_449, %cond3A_450 : i32
        scf.if %cond3A_451 {
        } else {
        }
        %and3A_452 = arith.constant false
        %and3A_453 = arith.andi %and3A_448, %and3A_452 : i1
        %ne3A_454 = arith.cmpi ne, %add3A_243, %add3A_261 : i32
        %or3A_455 = arith.constant false
        %or3A_456 = arith.ori %or3A_455, %ne3A_454 : i1
        %or3A_457 = arith.constant false
        %or3A_458 = arith.ori %or3A_456, %or3A_457 : i1
        %or3A_459 = arith.constant false
        %or3A_460 = arith.ori %or3A_458, %or3A_459 : i1
        %not3A_461 = arith.constant true
        %not3A_462 = arith.xori %eq3A_240, %not3A_461 : i1
        %and3A_463 = arith.andi %or3A_460, %not3A_462 : i1
        %convert_element_type3A_464 = arith.extui %and3A_463 : i1 to i32
        %cond3A_465 = arith.constant 0 : i32
        %cond3A_466 = arith.cmpi ne, %convert_element_type3A_464, %cond3A_465 : i32
        scf.if %cond3A_466 {
        } else {
        }
        %and3A_467 = arith.constant false
        %and3A_468 = arith.andi %and3A_463, %and3A_467 : i1
        %ne3A_469 = arith.cmpi ne, %add3A_243, %add3A_261 : i32
        %ne3A_470 = arith.cmpi ne, %add3A_245, %add3A_263 : i32
        %or3A_471 = arith.constant false
        %or3A_472 = arith.ori %or3A_471, %ne3A_469 : i1
        %or3A_473 = arith.ori %or3A_472, %ne3A_470 : i1
        %or3A_474 = arith.constant false
        %or3A_475 = arith.ori %or3A_473, %or3A_474 : i1
        %not3A_476 = arith.constant true
        %not3A_477 = arith.xori %eq3A_240, %not3A_476 : i1
        %and3A_478 = arith.andi %or3A_475, %not3A_477 : i1
        %convert_element_type3A_479 = arith.extui %and3A_478 : i1 to i32
        %cond3A_480 = arith.constant 0 : i32
        %cond3A_481 = arith.cmpi ne, %convert_element_type3A_479, %cond3A_480 : i32
        scf.if %cond3A_481 {
          "tpu.trace_start"() <{level = 10 : i32, message = "ep_wait_out"}> : () -> ()
          %rem3A_524 = arith.constant 2 : i32
          %rem3A_525 = arith.remui %scan3A_236, %rem3A_524 : i32
          %mul3A_526 = arith.constant 1 : i32
          %mul3A_527 = arith.muli %mul3A_526, %add3A_261 : i32
          %mul3A_528 = arith.constant 56 : i32
          %mul3A_529 = arith.muli %mul3A_528, %add3A_263 : i32
          %dma_wait3A_530 = arith.constant 0 : i32
          %dma_wait3A_531 = arith.constant 0 : i32
          %dma_wait3A_532 = arith.constant 0 : i32
          %dma_wait3A_533 = tpu.memref_slice %run_scoped3A_15[%rem3A_525, %dma_wait3A_530, %dma_wait3A_531, %dma_wait3A_532] : memref<2x1x56x224xf32, #tpu.memory_space<vmem>> -> memref<1x1x56x224xf32, #tpu.memory_space<vmem>>
          %dma_wait3A_534 = tpu.memref_squeeze %dma_wait3A_533 : memref<1x1x56x224xf32, #tpu.memory_space<vmem>> -> memref<1x56x224xf32, #tpu.memory_space<vmem>>
          %dma_wait3A_535 = arith.constant 0 : i32
          %dma_wait3A_536 = tpu.memref_slice %arg5[%mul3A_527, %mul3A_529, %dma_wait3A_535] : memref<768x224x224xf32, #tpu.memory_space<hbm>> -> memref<1x56x224xf32, #tpu.memory_space<hbm>>
          %dma_wait3A_537 = tpu.memref_slice %run_scoped3A_16[%rem3A_525] : memref<2x!tpu.dma_semaphore, #tpu.memory_space<semaphore_mem>> -> memref<1x!tpu.dma_semaphore, #tpu.memory_space<semaphore_mem>>
          %dma_wait3A_538 = tpu.memref_squeeze %dma_wait3A_537 : memref<1x!tpu.dma_semaphore, #tpu.memory_space<semaphore_mem>> -> memref<!tpu.dma_semaphore, #tpu.memory_space<semaphore_mem>>
          %dma_wait3A_539 = arith.constant 0 : i32
          %dma_wait3A_540 = tpu.memref_slice %arg5[%mul3A_527, %mul3A_529, %dma_wait3A_539] : memref<768x224x224xf32, #tpu.memory_space<hbm>> -> memref<1x56x224xf32, #tpu.memory_space<hbm>>
          %dma_wait3A_541 = arith.constant 0 : i32
          %dma_wait3A_542 = arith.constant 0 : i32
          %dma_wait3A_543 = arith.constant 0 : i32
          %dma_wait3A_544 = tpu.memref_slice %run_scoped3A_15[%rem3A_525, %dma_wait3A_541, %dma_wait3A_542, %dma_wait3A_543] : memref<2x1x56x224xf32, #tpu.memory_space<vmem>> -> memref<1x1x56x224xf32, #tpu.memory_space<vmem>>
          %dma_wait3A_545 = tpu.memref_squeeze %dma_wait3A_544 : memref<1x1x56x224xf32, #tpu.memory_space<vmem>> -> memref<1x56x224xf32, #tpu.memory_space<vmem>>
          tpu.wait_dma2 semaphore(%dma_wait3A_538 : memref<!tpu.dma_semaphore, #tpu.memory_space<semaphore_mem>>) src(%dma_wait3A_545 : memref<1x56x224xf32, #tpu.memory_space<vmem>>) dst(%dma_wait3A_540 : memref<1x56x224xf32, #tpu.memory_space<hbm>>)
          "tpu.trace_stop"() : () -> ()
        } else {
        }
        %and3A_482 = arith.constant true
        %and3A_483 = arith.andi %and3A_478, %and3A_482 : i1
        %add3A_484 = arith.constant 1 : i32
        %add3A_485 = arith.addi %scan3A_236, %add3A_484 : i32
        %select_n3A_486 = arith.select %and3A_483, %add3A_485, %scan3A_236 : i32
        %ne3A_487 = arith.cmpi ne, %add3A_243, %add3A_279 : i32
        %ne3A_488 = arith.cmpi ne, %add3A_245, %add3A_281 : i32
        %or3A_489 = arith.constant false
        %or3A_490 = arith.ori %or3A_489, %ne3A_487 : i1
        %or3A_491 = arith.ori %or3A_490, %ne3A_488 : i1
        %or3A_492 = arith.constant false
        %or3A_493 = arith.ori %or3A_491, %or3A_492 : i1
        %or3A_494 = arith.ori %or3A_493, %eq3A_242 : i1
        %add3A_495 = arith.constant 1 : i32
        %add3A_496 = arith.addi %scan3A_232, %add3A_495 : i32
        %select_n3A_497 = arith.select %or3A_494, %add3A_496, %scan3A_232 : i32
        %ne3A_498 = arith.cmpi ne, %add3A_243, %add3A_279 : i32
        %or3A_499 = arith.constant false
        %or3A_500 = arith.ori %or3A_499, %ne3A_498 : i1
        %or3A_501 = arith.constant false
        %or3A_502 = arith.ori %or3A_500, %or3A_501 : i1
        %or3A_503 = arith.constant false
        %or3A_504 = arith.ori %or3A_502, %or3A_503 : i1
        %or3A_505 = arith.ori %or3A_504, %eq3A_242 : i1
        %add3A_506 = arith.constant 1 : i32
        %add3A_507 = arith.addi %scan3A_234, %add3A_506 : i32
        %select_n3A_508 = arith.select %or3A_505, %add3A_507, %scan3A_234 : i32
        %add3A_509 = arith.constant 1 : i32
        %add3A_510 = arith.addi %scan3A_238, %add3A_509 : i32
        %select_n3A_511 = arith.constant true
        %select_n3A_512 = arith.select %select_n3A_511, %add3A_510, %scan3A_238 : i32
        %eq3A_513 = arith.constant 4 : i32
        %eq3A_514 = arith.cmpi eq, %select_n3A_512, %eq3A_513 : i32
        %select_n3A_515 = arith.constant 0 : i32
        %select_n3A_516 = arith.select %eq3A_514, %select_n3A_515, %select_n3A_512 : i32
        %add3A_517 = arith.constant 1 : i32
        %add3A_518 = arith.addi %scan3A_237, %add3A_517 : i32
        %select_n3A_519 = arith.select %eq3A_514, %add3A_518, %scan3A_237 : i32
        %eq3A_520 = arith.constant 24 : i32
        %eq3A_521 = arith.cmpi eq, %select_n3A_519, %eq3A_520 : i32
        %select_n3A_522 = arith.constant 0 : i32
        %select_n3A_523 = arith.select %eq3A_521, %select_n3A_522, %select_n3A_519 : i32
        scf.yield %select_n3A_312, %select_n3A_497, %select_n3A_332, %select_n3A_508, %select_n3A_438, %select_n3A_486, %select_n3A_523, %select_n3A_516 : i32, i32, i32, i32, i32, i32, i32, i32
      }
      %scan3A_137 = arith.constant 96 : i32
      %sub3A = arith.constant 1 : i32
      %sub3A_138 = arith.subi %scan3A_136#7, %sub3A : i32
      %select_n3A_139 = arith.constant true
      %select_n3A_140 = arith.select %select_n3A_139, %sub3A_138, %scan3A_136#7 : i32
      %eq3A_141 = arith.constant -1 : i32
      %eq3A_142 = arith.cmpi eq, %select_n3A_140, %eq3A_141 : i32
      %select_n3A_143 = arith.constant 3 : i32
      %select_n3A_144 = arith.select %eq3A_142, %select_n3A_143, %select_n3A_140 : i32
      %sub3A_145 = arith.constant 1 : i32
      %sub3A_146 = arith.subi %scan3A_136#6, %sub3A_145 : i32
      %select_n3A_147 = arith.select %eq3A_142, %sub3A_146, %scan3A_136#6 : i32
      %eq3A_148 = arith.constant -1 : i32
      %eq3A_149 = arith.cmpi eq, %select_n3A_147, %eq3A_148 : i32
      %select_n3A_150 = arith.constant 23 : i32
      %select_n3A_151 = arith.select %eq3A_149, %select_n3A_150, %select_n3A_147 : i32
      %add3A_152 = arith.addi %select_n3A_151, %mul3A_11 : i32
      %add3A_153 = arith.constant 0 : i32
      %add3A_154 = arith.addi %select_n3A_144, %add3A_153 : i32
      %sub3A_155 = arith.constant 1 : i32
      %sub3A_156 = arith.subi %select_n3A_144, %sub3A_155 : i32
      %select_n3A_157 = arith.constant true
      %select_n3A_158 = arith.select %select_n3A_157, %sub3A_156, %select_n3A_144 : i32
      %eq3A_159 = arith.constant -1 : i32
      %eq3A_160 = arith.cmpi eq, %select_n3A_158, %eq3A_159 : i32
      %select_n3A_161 = arith.constant 3 : i32
      %select_n3A_162 = arith.select %eq3A_160, %select_n3A_161, %select_n3A_158 : i32
      %sub3A_163 = arith.constant 1 : i32
      %sub3A_164 = arith.subi %select_n3A_151, %sub3A_163 : i32
      %select_n3A_165 = arith.select %eq3A_160, %sub3A_164, %select_n3A_151 : i32
      %eq3A_166 = arith.constant -1 : i32
      %eq3A_167 = arith.cmpi eq, %select_n3A_165, %eq3A_166 : i32
      %select_n3A_168 = arith.constant 23 : i32
      %select_n3A_169 = arith.select %eq3A_167, %select_n3A_168, %select_n3A_165 : i32
      %add3A_170 = arith.addi %select_n3A_169, %mul3A_11 : i32
      %add3A_171 = arith.constant 0 : i32
      %add3A_172 = arith.addi %select_n3A_162, %add3A_171 : i32
      %add3A_173 = arith.constant 1 : i32
      %add3A_174 = arith.addi %select_n3A_144, %add3A_173 : i32
      %select_n3A_175 = arith.constant true
      %select_n3A_176 = arith.select %select_n3A_175, %add3A_174, %select_n3A_144 : i32
      %eq3A_177 = arith.constant 4 : i32
      %eq3A_178 = arith.cmpi eq, %select_n3A_176, %eq3A_177 : i32
      %select_n3A_179 = arith.constant 0 : i32
      %select_n3A_180 = arith.select %eq3A_178, %select_n3A_179, %select_n3A_176 : i32
      %add3A_181 = arith.constant 1 : i32
      %add3A_182 = arith.addi %select_n3A_151, %add3A_181 : i32
      %select_n3A_183 = arith.select %eq3A_178, %add3A_182, %select_n3A_151 : i32
      %eq3A_184 = arith.constant 24 : i32
      %eq3A_185 = arith.cmpi eq, %select_n3A_183, %eq3A_184 : i32
      %select_n3A_186 = arith.constant 0 : i32
      %select_n3A_187 = arith.select %eq3A_185, %select_n3A_186, %select_n3A_183 : i32
      %add3A_188 = arith.addi %select_n3A_187, %mul3A_11 : i32
      %add3A_189 = arith.constant 0 : i32
      %add3A_190 = arith.addi %select_n3A_180, %add3A_189 : i32
      %add3A_191 = arith.constant 1 : i32
      %add3A_192 = arith.addi %select_n3A_180, %add3A_191 : i32
      %select_n3A_193 = arith.constant true
      %select_n3A_194 = arith.select %select_n3A_193, %add3A_192, %select_n3A_180 : i32
      %eq3A_195 = arith.constant 4 : i32
      %eq3A_196 = arith.cmpi eq, %select_n3A_194, %eq3A_195 : i32
      %select_n3A_197 = arith.constant 0 : i32
      %select_n3A_198 = arith.select %eq3A_196, %select_n3A_197, %select_n3A_194 : i32
      %add3A_199 = arith.constant 1 : i32
      %add3A_200 = arith.addi %select_n3A_187, %add3A_199 : i32
      %select_n3A_201 = arith.select %eq3A_196, %add3A_200, %select_n3A_187 : i32
      %eq3A_202 = arith.constant 24 : i32
      %eq3A_203 = arith.cmpi eq, %select_n3A_201, %eq3A_202 : i32
      %select_n3A_204 = arith.constant 0 : i32
      %select_n3A_205 = arith.select %eq3A_203, %select_n3A_204, %select_n3A_201 : i32
      %add3A_206 = arith.addi %select_n3A_205, %mul3A_11 : i32
      %add3A_207 = arith.constant 0 : i32
      %add3A_208 = arith.addi %select_n3A_198, %add3A_207 : i32
      "tpu.trace_start"() <{level = 10 : i32, message = "ep_finalize"}> : () -> ()
      %rem3A_209 = arith.constant 2 : i32
      %rem3A_210 = arith.remui %scan3A_136#5, %rem3A_209 : i32
      %mul3A_211 = arith.constant 1 : i32
      %mul3A_212 = arith.muli %mul3A_211, %add3A_152 : i32
      %mul3A_213 = arith.constant 56 : i32
      %mul3A_214 = arith.muli %mul3A_213, %add3A_154 : i32
      %dma_wait3A = arith.constant 0 : i32
      %dma_wait3A_215 = arith.constant 0 : i32
      %dma_wait3A_216 = arith.constant 0 : i32
      %dma_wait3A_217 = tpu.memref_slice %run_scoped3A_15[%rem3A_210, %dma_wait3A, %dma_wait3A_215, %dma_wait3A_216] : memref<2x1x56x224xf32, #tpu.memory_space<vmem>> -> memref<1x1x56x224xf32, #tpu.memory_space<vmem>>
      %dma_wait3A_218 = tpu.memref_squeeze %dma_wait3A_217 : memref<1x1x56x224xf32, #tpu.memory_space<vmem>> -> memref<1x56x224xf32, #tpu.memory_space<vmem>>
      %dma_wait3A_219 = arith.constant 0 : i32
      %dma_wait3A_220 = tpu.memref_slice %arg5[%mul3A_212, %mul3A_214, %dma_wait3A_219] : memref<768x224x224xf32, #tpu.memory_space<hbm>> -> memref<1x56x224xf32, #tpu.memory_space<hbm>>
      %dma_wait3A_221 = tpu.memref_slice %run_scoped3A_16[%rem3A_210] : memref<2x!tpu.dma_semaphore, #tpu.memory_space<semaphore_mem>> -> memref<1x!tpu.dma_semaphore, #tpu.memory_space<semaphore_mem>>
      %dma_wait3A_222 = tpu.memref_squeeze %dma_wait3A_221 : memref<1x!tpu.dma_semaphore, #tpu.memory_space<semaphore_mem>> -> memref<!tpu.dma_semaphore, #tpu.memory_space<semaphore_mem>>
      %dma_wait3A_223 = arith.constant 0 : i32
      %dma_wait3A_224 = tpu.memref_slice %arg5[%mul3A_212, %mul3A_214, %dma_wait3A_223] : memref<768x224x224xf32, #tpu.memory_space<hbm>> -> memref<1x56x224xf32, #tpu.memory_space<hbm>>
      %dma_wait3A_225 = arith.constant 0 : i32
      %dma_wait3A_226 = arith.constant 0 : i32
      %dma_wait3A_227 = arith.constant 0 : i32
      %dma_wait3A_228 = tpu.memref_slice %run_scoped3A_15[%rem3A_210, %dma_wait3A_225, %dma_wait3A_226, %dma_wait3A_227] : memref<2x1x56x224xf32, #tpu.memory_space<vmem>> -> memref<1x1x56x224xf32, #tpu.memory_space<vmem>>
      %dma_wait3A_229 = tpu.memref_squeeze %dma_wait3A_228 : memref<1x1x56x224xf32, #tpu.memory_space<vmem>> -> memref<1x56x224xf32, #tpu.memory_space<vmem>>
      tpu.wait_dma2 semaphore(%dma_wait3A_222 : memref<!tpu.dma_semaphore, #tpu.memory_space<semaphore_mem>>) src(%dma_wait3A_229 : memref<1x56x224xf32, #tpu.memory_space<vmem>>) dst(%dma_wait3A_224 : memref<1x56x224xf32, #tpu.memory_space<hbm>>)
      "tpu.trace_stop"() : () -> ()
      tpu.yield
    }) : () -> ()
    return
  }
}

</mosaic_0001>

<sc_bundles>
// kernel: kernel.3.cloned.1.call-start
scs
__scs_entry_jumppad:
0x0: {  	(pc) =	sbr.rel $0x88, $3  }
0x1: {  	(tag) =	ssettag $0x0;
	lr =	simm.s32 $0x1  }
0x2: {  	[smem:$0x3F9F] =	sst lr;
	_ =	strace $0xD0000000  }
0x3: {  	_ = 	snop  }
0x4: {  	_ = 	snop  }
0x5: {  	_ = 	snop  }
0x6: {  	_ = 	snop  }
0x7: {  	_ = 	snop  }
__scs_overlays_trampoline_lowered:
0x8: {  	[smem:$0x3FAE] =	sst s0  }
0x9: {  	[smem:$0x3FAF] =	sst s1  }
0xa: {  	[smem:$0x3FB0] =	sst s2  }
0xb: {  	[smem:$0x3FB1] =	sst s3  }
0xc: {  	[smem:$0x3FB2] =	sst s4  }
0xd: {  	[smem:$0x3FB3] =	sst s5  }
0xe: {  	[smem:$0x3FB4] =	sst s6  }
0xf: {  	[smem:$0x3FB5] =	sst s7  }
0x10: {  	[smem:$0x3FB6] =	sst s8  }
0x11: {  	[smem:$0x3FB7] =	sst s9;
	s0 =	simm.s32 @!p0 $0x0  }
0x12: {  	s1 =	sld [smem:$0x3F9D];
	s0 =	simm.s32 @p0 $0x1  }
0x13: {  	[smem:$0x3FB8] =	sst s0;
	s0 =	simm.s32 @!p1 $0x0  }
0x14: {  	s2 =	sld [smem:$0x3F9C];
	s0 =	simm.s32 @p1 $0x1  }
0x15: {  	[smem:$0x3FB9] =	sst s0;
	s0 =	simm.s32 @!p2 $0x0  }
0x16: {  	s3 =	sld [smem:$0x3FDB];
	s0 =	simm.s32 @p2 $0x1  }
0x17: {  	s4 =	simm.s32 $0x1BF5;
	[smem:$0x3FBB] =	sst s0  }
0x18: {  	s0 =	sld [smem:$0x3F9E];
	_ =	swait.ge [sflag:s4], $0x0  }
0x19: {  	s7 =	sld [smem:$0x3F9F]  }
0x1a: {  	s8 =	sadd.s32 $0xFFFFE003, lr  }
0x1b: {  	s9 =	sadd.s32 $0xFFFFFEF7, lr;
	s5 =	simm.s32 $0xFFFFFFFF;
	p2 =	slt.u32 s8, $0xFFFFF086  }
0x1c: {  	p1 =	slt.u32 s9, $0xF7A;
	s5 =	simm.s32 @!p2 $0x0  }
0x1d: {  	s5 =	simm.s32 @p1 $0x1;
	p0 =	seq.s32 s7, s2  }
0x1e: {  	s7 =	smul.u32 @!p0 $0xF7A, s2;
	p2 =	seq.s32 @!p0 s5, $0x0  }
0x1f: {  	s9 =	smul.u32 $0xF7A, s1;
	s8 =	simm.s32 @!p0 $0x1BF5;
	p2 =	por !p2, p0  }
0x20: {  	[sflag:s8] =	ssyncset.s32 @!p0 $0xFFFFF086;
	s6 =	sadd.s32 @!p0 s3, s7;
	s7 =	simm.s32 @!p0 $0x108  }
0x21: {  	s3 =	sadd.s32 s3, s9;
	s6 =	sadd.s32 @!p0 $0x88, s6;
	s7 =	simm.s32 @p2 $0x1082  }
0x22: {  	[simem:s7], [sflag:s8] =	dma.local @!p0 [hbm:s6], $0xF7A  }
0x23: {  	s9 =	sor.u32 $0xD0000000, s2;
	s6 =	simm.s32 $0x108;
	_ =	swait.ge @!p0 [sflag:s8], $0x0  }
0x24: {  	s3 =	sadd.s32 $0x88, s3;
	s6 =	simm.s32 @!p1 $0x1082;
	[sflag:s4] =	ssyncset.s32 $0xFFFFF086  }
0x25: {  	[simem:s6], [sflag:s4] =	dma.local [hbm:s3], $0xF7A  }
0x26: {  	[smem:$0x3F9F] =	sst s1;
	(tag) =	ssettag s2;
	_ =	strace s9  }
0x27: {  	s1 =	sld [smem:$0x3FAF]  }
0x28: {  	s2 =	sld [smem:$0x3FB0]  }
0x29: {  	s4 =	sld [smem:$0x3FB2]  }
0x2a: {  	p0 =	seq.s32 s5, $0x0;
	s5 =	sld [smem:$0x3FB3]  }
0x2b: {  	s6 =	sld [smem:$0x3FB4]  }
0x2c: {  	s7 =	sld [smem:$0x3FB5]  }
0x2d: {  	s3 =	simm.s32 $0x108;
	s8 =	sld [smem:$0x3FB6]  }
0x2e: {  	s3 =	simm.s32 @!p0 $0x1082;
	s9 =	sld [smem:$0x3FB7]  }
0x2f: {  	lr =	sadd.s32 s0, s3;
	s0 =	sld [smem:$0x3FAE]  }
0x30: {  	s3 =	sld [smem:$0x3FB1]  }
0x31: {  	[smem:$0x3FBA] =	sst s10  }
0x32: {  	s10 =	sld [smem:$0x3FB8];
	_ =	sdelay $0x3  }
0x33: {  	p0 =	seq.s32 s10, $0x1;
	s10 =	sld [smem:$0x3FBA];
	_ =	sdelay $0x3  }
0x34: {  	[smem:$0x3FBA] =	sst s10  }
0x35: {  	s10 =	sld [smem:$0x3FB9];
	_ =	sdelay $0x3  }
0x36: {  	p1 =	seq.s32 s10, $0x1;
	s10 =	sld [smem:$0x3FBA];
	_ =	sdelay $0x3  }
0x37: {  	[smem:$0x3FBA] =	sst s10  }
0x38: {  	s10 =	sld [smem:$0x3FBB]  }
0x39: {  	_ = 	snop;
	(pc) =	sbr.ind lr, $3  }
0x3a: {  	_ = 	snop  }
0x3b: {  	_ = 	snop  }
0x3c: {  	p2 =	seq.s32 s10, $0x1;
	s10 =	sld [smem:$0x3FBA]  }
0x3d: {  	_ =	shalt  }
0x3e: {  	_ =	shalt  }
0x3f: {  	_ =	shalt  }
0x40: {  	_ =	shalt  }
0x41: {  	_ =	shalt  }
0x42: {  	_ =	shalt  }
0x43: {  	_ =	shalt  }
0x44: {  	_ =	shalt  }
0x45: {  	_ =	shalt  }
0x46: {  	_ =	shalt  }
0x47: {  	_ =	shalt  }
0x48: {  	_ =	shalt  }
0x49: {  	_ =	shalt  }
0x4a: {  	_ =	shalt  }
0x4b: {  	_ =	shalt  }
0x4c: {  	_ =	shalt  }
0x4d: {  	_ =	shalt  }
0x4e: {  	_ =	shalt  }
0x4f: {  	_ =	shalt  }
0x50: {  	_ =	shalt  }
0x51: {  	_ =	shalt  }
0x52: {  	_ =	shalt  }
0x53: {  	_ =	shalt  }
0x54: {  	_ =	shalt  }
0x55: {  	_ =	shalt  }
0x56: {  	_ =	shalt  }
0x57: {  	_ =	shalt  }
0x58: {  	_ =	shalt  }
0x59: {  	_ =	shalt  }
0x5a: {  	_ =	shalt  }
0x5b: {  	_ =	shalt  }
0x5c: {  	_ =	shalt  }
0x5d: {  	_ =	shalt  }
0x5e: {  	_ =	shalt  }
0x5f: {  	_ =	shalt  }
0x60: {  	_ =	shalt  }
0x61: {  	_ =	shalt  }
0x62: {  	_ =	shalt  }
0x63: {  	_ =	shalt  }
0x64: {  	_ =	shalt  }
0x65: {  	_ =	shalt  }
0x66: {  	_ =	shalt  }
0x67: {  	_ =	shalt  }
0x68: {  	_ =	shalt  }
0x69: {  	_ =	shalt  }
0x6a: {  	_ =	shalt  }
0x6b: {  	_ =	shalt  }
0x6c: {  	_ =	shalt  }
0x6d: {  	_ =	shalt  }
0x6e: {  	_ =	shalt  }
0x6f: {  	_ =	shalt  }
0x70: {  	_ =	shalt  }
0x71: {  	_ =	shalt  }
0x72: {  	_ =	shalt  }
0x73: {  	_ =	shalt  }
0x74: {  	_ =	shalt  }
0x75: {  	_ =	shalt  }
0x76: {  	_ =	shalt  }
0x77: {  	_ =	shalt  }
0x78: {  	_ =	shalt  }
0x79: {  	_ =	shalt  }
0x7a: {  	_ =	shalt  }
0x7b: {  	_ =	shalt  }
0x7c: {  	_ =	shalt  }
0x7d: {  	_ =	shalt  }
0x7e: {  	_ =	shalt  }
0x7f: {  	_ =	shalt  }
0x80: {  	_ =	shalt  }
0x81: {  	_ =	shalt  }
0x82: {  	_ =	shalt  }
0x83: {  	_ =	shalt  }
0x84: {  	_ =	shalt  }
0x85: {  	_ =	shalt  }
0x86: {  	_ =	shalt  }
0x87: {  	_ =	shalt  }
.Lfunc_end0:
.L_simem_size_0:
called_computation_lowered:
.L_overlay_start_0:
0x88: {  	s2 =	sld [smem:$0x3FD9]  }
0x89: {  	s3 =	sld [smem:$0x3FFE];
	_ =	sdelay $0x1  }
0x8a: {  	s1 =	srdreg.scid  }
0x8b: {  	s0 =	sand.u32 $0x1, s1  }
0x8c: {  	s17 =	sshll.u32 s0, $0xA;
	s2 =	sadd.s32 s3, s2  }
0x8d: {  	s2 =	sadd.s32 s2, s17  }
0x8e: {  	[smem:$0x3FC6] =	sst s2  }
0x8f: {  	_ = 	snop  }
0x90: {  	s2 =	sld [smem:$0x3FC9]  }
0x91: {  	s18 =	sld [smem:$0x3FD0];
	(tm) =	ssettm $0x1  }
0x92: {  	s4 =	sld [smem:$0x3FFB];
	_ =	sdelay $0x3  }
0x93: {  	_ =	strace s4  }
0x94: {  	s4 =	sld [smem:$0x3FFC];
	_ =	sdelay $0x3  }
0x95: {  	_ =	strace s4  }
0x96: {  	s4 =	sld [smem:$0x3FFD];
	_ =	sdelay $0x3  }
0x97: {  	_ =	strace s4  }
0x98: {  	_ =	strace $0x8FFFFFFF  }
0x99: {  	s19 =	sld [smem:$0x3FDB];
	_ =	sdelay $0x1  }
0x9a: {  	s5 =	simm.s32 $_scs_section_size  }
0x9b: {  	s6 =	simm.s32 $_size__tile_overlayer_lowered;
	s7 =	simm.s32 $_tile_overlayer_lowered  }
0x9c: {  	s22 =	simm.s32 $0x1BFF;
	s21 =	sshll.u32 s7, $0x1;
	s4 =	sadd.s32 s5, s19  }
0x9d: {  	s8 =	simm.s32 $0x0;
	s20 =	sshll.u32 s6, $0x1;
	s6 =	sadd.s32 s21, s4  }
0x9e: {  	[timem:s8], [sflag:s22] =	dma.local [hbm:s6], s20  }
0x9f: {  	_ =	swait.ge [sflag:s22], s20  }
0xa0: {  	s5 =	ssub.s32 $0x0, s20;
	[sflag:s22] =	ssyncset.done $0x0  }
0xa1: {  	[sflag:s22] =	ssyncadd.s32 s5;
	_ =	sdelay $0x1  }
0xa2: {  	s23 =	simm.s32 $0x1B8B  }
0xa3: {  	_ =	swait.ge [sflag:s23], $0x1  }
0xa4: {  	[sflag:s23] =	ssyncset.done $0x0  }
0xa5: {  	s25 =	simm.s32 $0x1B8E;
	s24 =	sld [smem:$0x3FFE];
	[sflag:s23] =	ssyncadd.s32 $0xFFFFFFFF  }
0xa6: {  	s26 =	simm.s32 $execute0_lowered;
	[smem:$0x3FD2] =	sst s25  }
0xa7: {  	s6 =	sshll.u32 s26, $0x1;
	_ =	strace $0x80000046;
	[dreg:$0x1] =	wrdreg $0xFFFFFFFF  }
0xa8: {  	s28 =	simm.s32 $_size_execute0_lowered;
	s4 =	sadd.s32 s4, s6;
	[dreg:$0x0] =	wrdreg $0x0  }
0xa9: {  	s6 =	sshll.u32 s28, $0x1;
	[dreg:$0x2] =	wrdreg s4  }
0xaa: {  	[dreg:$0x3] =	wrdreg s6  }
0xab: {  	[dreg:$0x4] =	wrdreg $0xC0  }
0xac: {  	_ =	task [dreg:s8], $0x5FFFF  }
0xad: {  	[dreg:$0x1] =	wrdreg $0xFFFFFFFF  }
0xae: {  	[dreg:$0x0] =	wrdreg $0x60  }
0xaf: {  	[dreg:$0x2] =	wrdreg s2  }
0xb0: {  	[dreg:$0x3] =	wrdreg s24  }
0xb1: {  	[dreg:$0x4] =	wrdreg s18  }
0xb2: {  	[dreg:$0x5] =	wrdreg $0x9  }
0xb3: {  	_ =	task.clear_ibuf [dreg:s8], $0x6FFFF;
	_ =	strace $0x90000046  }
0xb4: {  	s29 =	simm.s32 $0x9;
	_ =	strace $0x80000051  }
0xb5: {  	_ =	swait.ge [sflag:s29], $0x1  }
0xb6: {  	[sflag:s29] =	ssyncadd.s32 $0xFFFFFFFF  }
0xb7: {  	_ =	strace $0x90000051  }
0xb8: {  	_ =	sfence  }
0xb9: {  	s30 =	sld [smem:$0x0];
	_ =	sdelay $0x2  }
0xba: {  	s31 =	sshll.u32 s1, $0xD;
	s1 =	sshrl.u32 s1, $0x2  }
0xbb: {  	s3 =	sand.u32 $0x4000, s31;
	s1 =	sadd.s32 s1, s30  }
0xbc: {  	s0 =	sor.u32 s3, s0;
	s1 =	sshll.u32 s1, $0x11  }
0xbd: {  	s0 =	sor.u32 s1, s0  }
0xbe: {  	s0 =	sadd.s32 $0x8F2B, s0  }
0xbf: {  	[sflag:s0] =	ssyncadd.remote.s32 $0x1  }
0xc0: {  	_ =	sfence.sel $0xFFFF  }
0xc1: {  	[dreg:$0x0] =	wrdreg $0xFFFFFFFF;
	(pc) =	sbr.abs _section_cstart, $3  }
0xc2: {  	[dreg:$0x1] =	wrdreg $0xFFFFFFFF  }
0xc3: {  	_ =	task.clear_ibuf [dreg:s8], $0x2FFFF;
	_ =	strace $0x9FFFFFFF  }
0xc4: {  	(tm) =	ssettm $0x7FFFFFFF  }
0xc5: {  	_ =	shalt  }
tec
execute0_lowered:
.L_overlay_start_1:
0x0: {  	(tag) =	ssettag $0x1  }
0x1: {  	s7 =	rddreg [dreg:$0x0]  }
0x2: {  	s0 =	rddreg [dreg:$0x1]  }
0x3: {  	s1 =	srdreg.scid;
	s30 =	simm.s32 $0x0;
	s3 =	stileid.u32  }
0x4: {  	s1 =	sand.u32 $0x1, s1;
	[smem:$0x7FF] =	sst s30;
	s5 =	sadd.s32 $0x400, s0  }
0x5: {  	s8 =	sadd.s32 $0x1000, s0;
	s2 =	sshll.u32 s1, $0x4;
	s1 =	ssub.s32 $0x2, s1  }
0x6: {  	_ =	strace $0x80000047;
	s2 =	sor.u32 s3, s2;
	s26 =	sshrl.u32 s1, $0x1  }
0x7: {  	[smem:$0x7F8] =	sst s5;
	s3 =	smul.u32 $0x2A000, s2;
	s28 =	ssub.s32 s1, s26  }
0x8: {  	[smem:$0x7FA] =	sst s8;
	s9 =	smul.u32 $0x18, s2;
	s0 =	smax.u32 s28, $0x1  }
0x9: {  	s6 =	smul.u32 $0xC00, s2;
	[smem:$0x7FC] =	sst s0  }
0xa: {  	s29 =	sadd.s32 s7, s3;
	[smem:$0x7FD] =	sst s9  }
0xb: {  	s31 =	sadd.s32 s8, s6;
	[smem:$0x7F9] =	sst s29  }
0xc: {  	v0 =	vlaneseq.u32;
	s14 =	simm.s32 $0x6000;
	s1 =	simm.s32 $0x0;
	[smem:$0x7FB] =	sst s31  }
.LBB2_1:
0xd: {  	s22 =	sld [smem:$0x7F8]  }
0xe: {  	[smem:$0x7F7] =	sst s1;
	s0 =	simm.s32 $0x31  }
0xf: {  	s23 =	simm.s32 $0x1;
	s24 =	simm.s32 $0x11;
	s26 =	simm.s32 $0x1;
	v1 =	vadd.s32 s0, v0  }
0x10: {  	v2 =	vadd.s32 s23, v0;
	vm0 =	vlt.s32 v1, $0x5FFF;
	[tilespmem:s30], [sflag:$0x1] =	stream.linear.gather [hbm4b:s22+s30], $0x6000, $0x38;
	[tilespmem:$0x1A800] =	vst v63  }
0x11: {  	s25 =	simm.s32 $0x21;
	v3 =	vadd.s32 s24, v0;
	vm10 =	vlt.s32 v2, $0x5FFF;
	v1 =	vnsel vm0, $0x5FFF, v1;
	_ =	swait.ge [sflag:s26], $0x6000  }
0x12: {  	s29 =	simm.s32 $0x41;
	v4 =	vadd.s32 s25, v0;
	vm11 =	vlt.s32 v3, $0x5FFF;
	v2 =	vnsel vm10, $0x5FFF, v2;
	[sflag:s26] =	ssyncset.done $0x0  }
0x13: {  	s0 =	simm.s32 $0x20;
	v6 =	vadd.s32 s29, v0;
	vm12 =	vlt.s32 v4, $0x5FFF;
	v3 =	vnsel vm11, $0x5FFF, v3;
	[sflag:s26] =	ssyncadd.s32 $0xFFFFA000  }
0x14: {  	vm14 =	vlt.s32 v6, $0x5FFF;
	v5 =	vnsel vm12, $0x5FFF, v4;
	v10 =	vld [tilespmem:s0+$0x10]  }
0x15: {  	s28 =	simm.s32 $0x71;
	v8 =	vnsel vm14, $0x5FFF, v6;
	v6 =	vld [tilespmem:s0+$0xFFFFFFF0]  }
0x16: {  	v4 =	vadd.s32 s28, v0;
	v7 =	vld.idx.msk [tilespmem:v1+s30+$0x0], $0xffff  }
0x17: {  	vm13 =	vlt.s32 v4, $0x5FFF;
	v1 =	vld.idx.msk [tilespmem:v2+s30+$0x0], $0xffff  }
0x18: {  	s31 =	simm.s32 $0x51;
	s2 =	simm.s32 $0x61;
	v4 =	vnsel vm13, $0x5FFF, v4;
	v2 =	vld.idx.msk [tilespmem:v3+s30+$0x0], $0xffff  }
0x19: {  	v9 =	vadd.s32 s31, v0;
	v12 =	vadd.s32 s2, v0;
	v3 =	vld.idx.msk [tilespmem:v5+s30+$0x0], $0xffff  }
0x1a: {  	s1 =	simm.s32 $0x6020;
	s5 =	simm.s32 $0x40;
	vm15 =	vlt.s32 v9, $0x5FFF;
	vm1 =	vlt.s32 v12, $0x5FFF;
	v5 =	vld [tilespmem:s0+$0xFFFFFFE0]  }
0x1b: {  	s3 =	simm.s32 $0x6020;
	s6 =	simm.s32 $0x20;
	s2 =	simm.s32 $0x0;
	v9 =	vnsel vm15, $0x5FFF, v9;
	v11 =	vsub.f32 v7, v10;
	v10 =	vnsel vm1, $0x5FFF, v12;
	v7 =	vld [tilespmem:s0+$0x0]  }
.LBB2_2:
0x1c: {  	s7 =	sadd.s32 $0x71, s5  }
0x1d: {  	v12 =	vld.idx.msk [tilespmem:v4+s2+$0x0], $0xffff;
	[tilespmem:s3+$0x10] =	vst v11;
	s6 =	sadd.s32 $0x40, s6;
	s8 =	smov.u32 s5;
	s5 =	sadd.s32 $0x40, s5  }
0x1e: {  	v4 =	vadd.s32 s7, v0;
	p0 =	slt.u32 s5, $0x5FC0;
	v11 =	vld [tilespmem:s6+$0x10]  }
0x1f: {  	s7 =	sadd.s32 $0x41, s8;
	vm0 =	vlt.s32 v4, $0x5FFF;
	v5 =	vsub.f32 v1, v5;
	v1 =	vld.idx.msk [tilespmem:v8+s2+$0x0], $0xffff  }
.Ltmp0:
0x20: {  	v8 =	vadd.s32 s7, v0;
	s7 =	sadd.s32 $0x51, s8;
	v4 =	vnsel vm0, $0x5FFF, v4;
	v6 =	vsub.f32 v2, v6;
	v2 =	vld.idx.msk [tilespmem:v9+s2+$0x0], $0xffff;
	(pc) =	sbr.rel @p0 .LBB2_2-.Ltmp0, $4  }
0x21: {  	vm0 =	vlt.s32 v8, $0x5FFF;
	v9 =	vadd.s32 s7, v0;
	s7 =	sadd.s32 $0x61, s8;
	[tilespmem:s3+$0xFFFFFFE0] =	vst v5;
	v7 =	vsub.f32 v3, v7;
	v3 =	vld.idx.msk [tilespmem:v10+s2+$0x0], $0xffff  }
0x22: {  	v8 =	vnsel vm0, $0x5FFF, v8;
	vm0 =	vlt.s32 v9, $0x5FFF;
	v10 =	vadd.s32 s7, v0;
	v5 =	vld [tilespmem:s6+$0xFFFFFFE0];
	[tilespmem:s3+$0xFFFFFFF0] =	vst v6  }
0x23: {  	v9 =	vnsel vm0, $0x5FFF, v9;
	vm0 =	vlt.s32 v10, $0x5FFF;
	v6 =	vld [tilespmem:s6+$0xFFFFFFF0];
	v11 =	vsub.f32 v12, v11;
	[tilespmem:s3+$0x0] =	vst v7  }
0x24: {  	s2 =	simm.s32 $0x0;
	v10 =	vnsel vm0, $0x5FFF, v10;
	s3 =	sadd.s32 $0x40, s3;
	v7 =	vld [tilespmem:s6+$0x0]  }
0x25: {  	_ =	sdelay $0x3  }
0x26: {  	v4 =	vld.idx.msk [tilespmem:v4+s2+$0x0], $0xffff  }
0x27: {  	v8 =	vld.idx.msk [tilespmem:v8+s2+$0x0], $0xffff  }
0x28: {  	v9 =	vld.idx.msk [tilespmem:v9+s2+$0x0], $0xffff  }
0x29: {  	s5 =	sadd.s32 $0x40, s6;
	v10 =	vld.idx.msk [tilespmem:v10+s2+$0x0], $0xffff  }
0x2a: {  	v12 =	vld [tilespmem:s5+$0x10]  }
0x2b: {  	v13 =	vld [tilespmem:s5+$0xFFFFFFE0]  }
0x2c: {  	v1 =	vsub.f32 v1, v5;
	v5 =	vld [tilespmem:s5+$0xFFFFFFF0]  }
0x2d: {  	[tilespmem:s3+$0x10] =	vst v11;
	v2 =	vsub.f32 v2, v6;
	v6 =	vld [tilespmem:s5+$0x0]  }
0x2e: {  	[tilespmem:s3+$0xFFFFFFE0] =	vst v1;
	v1 =	vsub.f32 v3, v7  }
0x2f: {  	[tilespmem:s3+$0xFFFFFFF0] =	vst v2;
	v2 =	vsub.f32 v4, v12  }
0x30: {  	s26 =	sadd.s32 $0x40, s3;
	[tilespmem:s3+$0x0] =	vst v1;
	v1 =	vsub.f32 v8, v13  }
0x31: {  	[tilespmem:s26+$0x10] =	vst v2;
	v2 =	vsub.f32 v9, v5  }
0x32: {  	[tilespmem:s26+$0xFFFFFFE0] =	vst v1;
	v1 =	vsub.f32 v10, v6  }
0x33: {  	[tilespmem:s26+$0xFFFFFFF0] =	vst v2  }
0x34: {  	[tilespmem:s26+$0x0] =	vst v1  }
0x35: {  	s28 =	simm.s32 $0x30;
	v1 =	vld [tilespmem:s1+$0x10]  }
0x36: {  	v2 =	vor.u32 s28, v0;
	v3 =	vld [tilespmem:s1+$0xFFFFFFE0]  }
0x37: {  	v4 =	vor.u32 s2, v0;
	v7 =	vld [tilespmem:s0+$0x10];
	v2 =	vand.u32 $0xFF, v2  }
0x38: {  	s29 =	simm.s32 $0x10;
	v4 =	vand.u32 $0xCF, v4;
	v8 =	vld [tilespmem:s1+$0xFFFFFFF0];
	v6 =	vcvt.s32.f32 v2  }
0x39: {  	s31 =	simm.s32 $0x20;
	v9 =	vor.u32 s29, v0;
	v10 =	vcvt.s32.f32 v4;
	v5 =	vld [tilespmem:s1+$0x0]  }
0x3a: {  	v4 =	vand.u32 $0xDF, v9;
	v9 =	vor.u32 s31, v0;
	v2 =	vld [tilespmem:s0+$0xFFFFFFE0];
	v11 =	vmul.f32 v6, v1  }
0x3b: {  	v63 =	vcvt.s32.f32 v4;
	v4 =	vld [tilespmem:s0+$0xFFFFFFF0];
	v6 =	vmul.f32 v10, v3;
	v3 =	vand.u32 $0xEF, v9  }
0x3c: {  	s6 =	simm.s32 $0x70;
	s2 =	simm.s32 $0x6060;
	v1 =	vld [tilespmem:s0+$0x0];
	v9 =	vcvt.s32.f32 v3;
	v7 =	vsub.f32 v7, v11  }
0x3d: {  	s5 =	simm.s32 $0x80;
	s3 =	simm.s32 $0x20;
	s1 =	simm.s32 $0x40;
	v8 =	vmul.f32 v63, v8;
	v3 =	vld [tilespmem:s2+$0x10]  }
.LBB2_4:
0x3e: {  	p0 =	slt.u32 s5, $0x5FC0;
	v10 =	vld [tilespmem:s2+$0xFFFFFFE0];
	v11 =	vor.u32 s6, v0;
	v9 =	vmul.f32 v9, v5;
	[tilespmem:s0+$0x10] =	vst v7;
	s3 =	sadd.s32 $0x40, s3  }
0x3f: {  	v5 =	vor.u32 s1, v0;
	v7 =	vand.u32 $0xFF, v11;
	v11 =	vld [tilespmem:s3+$0x10];
	v2 =	vsub.f32 v2, v6  }
0x40: {  	s6 =	sadd.s32 $0x10, s1;
	v5 =	vand.u32 $0xCF, v5;
	v12 =	vld [tilespmem:s2+$0xFFFFFFF0];
	v6 =	vcvt.s32.f32 v7;
	v4 =	vsub.f32 v4, v8  }
.Ltmp1:
0x41: {  	v7 =	vcvt.s32.f32 v5;
	v8 =	vor.u32 s6, v0;
	s6 =	sadd.s32 $0x20, s1;
	s1 =	smov.u32 s5;
	v5 =	vld [tilespmem:s2+$0x0];
	[tilespmem:s0+$0xFFFFFFE0] =	vst v2;
	v1 =	vsub.f32 v1, v9;
	(pc) =	sbr.rel @p0 .LBB2_4-.Ltmp1, $4  }
0x42: {  	v8 =	vand.u32 $0xDF, v8;
	v9 =	vor.u32 s6, v0;
	v2 =	vld [tilespmem:s3+$0xFFFFFFE0];
	v3 =	vmul.f32 v6, v3;
	[tilespmem:s0+$0xFFFFFFF0] =	vst v4  }
0x43: {  	v8 =	vcvt.s32.f32 v8;
	v6 =	vmul.f32 v7, v10;
	v4 =	vld [tilespmem:s3+$0xFFFFFFF0];
	v7 =	vand.u32 $0xEF, v9;
	[tilespmem:s0+$0x0] =	vst v1;
	s0 =	smov.u32 s3  }
0x44: {  	s2 =	sadd.s32 $0x40, s2;
	v9 =	vcvt.s32.f32 v7;
	v1 =	vld [tilespmem:s3+$0x0];
	v7 =	vsub.f32 v11, v3  }
0x45: {  	s5 =	sadd.s32 $0x40, s5;
	s6 =	sadd.s32 $0x30, s1;
	v3 =	vld [tilespmem:s2+$0x10];
	v8 =	vmul.f32 v8, v12  }
0x46: {  	v10 =	vld [tilespmem:s2+$0xFFFFFFE0]  }
0x47: {  	v12 =	vor.u32 s6, v0;
	v13 =	vld [tilespmem:s2+$0xFFFFFFF0]  }
0x48: {  	s3 =	sadd.s32 $0x40, s3;
	v5 =	vmul.f32 v9, v5;
	v55 =	vor.u32 s1, v0;
	s5 =	sadd.s32 $0x10, s1;
	v57 =	vld [tilespmem:s2+$0x0];
	v12 =	vand.u32 $0xFF, v12  }
0x49: {  	s25 =	sadd.s32 $0x20, s1;
	v11 =	vld [tilespmem:s3+$0x10];
	v2 =	vsub.f32 v2, v6;
	v56 =	vand.u32 $0xCF, v55;
	v58 =	vor.u32 s5, v0  }
0x4a: {  	v14 =	vld [tilespmem:s3+$0xFFFFFFE0];
	v15 =	vor.u32 s25, v0;
	v12 =	vcvt.s32.f32 v12;
	v4 =	vsub.f32 v4, v8  }
0x4b: {  	v61 =	vld [tilespmem:s3+$0x0];
	v6 =	vcvt.s32.f32 v56;
	v8 =	vand.u32 $0xDF, v58;
	v60 =	vand.u32 $0xEF, v15  }
0x4c: {  	[tilespmem:s0+$0x10] =	vst v7;
	v16 =	vld [tilespmem:s3+$0xFFFFFFF0];
	v1 =	vsub.f32 v1, v5;
	v62 =	vcvt.s32.f32 v60;
	v3 =	vmul.f32 v12, v3  }
0x4d: {  	v59 =	vcvt.s32.f32 v8;
	[tilespmem:s0+$0xFFFFFFE0] =	vst v2;
	v2 =	vmul.f32 v6, v10  }
0x4e: {  	[tilespmem:s0+$0x0] =	vst v1;
	v1 =	vmul.f32 v62, v57;
	v3 =	vsub.f32 v11, v3  }
0x4f: {  	[tilespmem:s0+$0xFFFFFFF0] =	vst v4;
	v63 =	vmul.f32 v59, v13;
	v2 =	vsub.f32 v14, v2  }
0x50: {  	v1 =	vsub.f32 v61, v1;
	[tilespmem:s3+$0x10] =	vst v3  }
0x51: {  	v3 =	vsub.f32 v16, v63;
	[tilespmem:s3+$0xFFFFFFE0] =	vst v2  }
0x52: {  	[tilespmem:s3+$0x0] =	vst v1  }
0x53: {  	[tilespmem:s3+$0xFFFFFFF0] =	vst v3  }
0x54: {  	_ =	strace $0x80000048  }
0x55: {  	s12 =	simm.s32 $0x0;
	s26 =	sld [smem:$0x7F9]  }
0x56: {  	s28 =	simm.s32 $0xC000;
	s31 =	simm.s32 $0x13000;
	s6 =	simm.s32 $0x1  }
0x57: {  	s13 =	simm.s32 $0x0;
	s7 =	simm.s32 $0x0;
	s29 =	sld [smem:$0x7FB]  }
0x58: {  	[tilespmem:s28], [sflag:$0x1] =	stream.linear.gather [hbm4b:s26+s12], $0x3800, $0x200038;
	[tilespmem:$0x1A800] =	vst v63  }
0x59: {  	s8 =	simm.s32 $0x0;
	s10 =	simm.s32 $0x0;
	s11 =	simm.s32 $0x0  }
0x5a: {  	[tilespmem:s31], [sflag:$0x3] =	stream.linear.gather [hbm4b:s29+s12], $0x400, $0x200038;
	[tilespmem:$0x1A800] =	vst v63  }
0x5b: {  	s5 =	simm.s32 $0x1;
	s3 =	simm.s32 $0x0;
	_ =	strace $0x90000048  }
.LBB2_6:
0x5c: {  	s2 =	sadd.s32 $0x1, s12  }
0x5d: {  	s0 =	simm.s32 $0x1;
	p0 =	seq.s32 s2, $0x4  }
0x5e: {  	s0 =	simm.s32 @!p0 $0x0  }
0x5f: {  	s0 =	sadd.s32 s0, s13  }
0x60: {  	p1 =	seq.s32 s0, $0x18  }
0x61: {  	s2 =	simm.s32 @p0 $0x0;
	s0 =	simm.s32 @p1 $0x0  }
0x62: {  	[smem:$0x7EE] =	sst s6;
	p6 =	sne.s32 s12, s2;
	p0 =	sne.s32 s13, s0  }
0x63: {  	[smem:$0x7EF] =	sst s13;
	p2 =	sne.s32 s11, $0x5F;
	p1 =	por p6, p0  }
0x64: {  	[smem:$0x7F0] =	sst s5;
	p3 =	por !p2, !p1  }
0x65: {  	[smem:$0x7F2] =	sst s0;
	s0 =	sadd.s32 s9, s0;
	p3 =	por !p3, !p3  }
0x66: {  	[smem:$0x7F1] =	sst s3;
	s1 =	smul.u32 @p3 $0xE000, s0  }
0x67: {  	[smem:$0x7F3] =	sst s2;
	s2 =	smul.u32 @p3 $0x3800, s2;
	s3 =	sand.u32 @p3 $0x1, s5  }
0x68: {  	p2 =	por !p2, !p0;
	_ =	strace @p3 $0x80000049;
	s5 =	smul.u32 @p3 $0xE000, s3  }
0x69: {  	[smem:$0x7F4] =	sst s12;
	s3 =	sadd.s32 @p3 $0x1, s3;
	s1 =	sadd.s32 @p3 s2, s1  }
0x6a: {  	s2 =	sshrl.u32 @p3 s5, $0x2;
	s1 =	sshrl.u32 @p3 s1, $0x3;
	s5 =	rddreg [dreg:$0x0]  }
0x6b: {  	s2 =	sor.u32 @p3 $0xC000, s2;
	s1 =	sadd.s32 @p3 s5, s1;
	s5 =	simm.s32 @p3 $0x0  }
0x6c: {  	[tilespmem:s2], [sflag:s3] =	stream.linear.gather @p3 [hbm4b:s1+s5], $0x3800, $0x200038;
	[tilespmem:$0x1A800] =	vst v63  }
0x6d: {  	p4 =	por !p2, !p2;
	_ =	strace @p3 $0x90000049  }
0x6e: {  	_ =	strace @p4 $0x8000004A  }
0x6f: {  	s9 =	sand.u32 $0x1, s10;
	s0 =	sshll.u32 @p4 s0, $0x7;
	s5 =	sld [smem:$0x7FA]  }
0x70: {  	p2 =	seq.s32 s12, $0x0;
	s0 =	sand.u32 @p4 $0x1FFFFF80, s0;
	s1 =	sand.u32 @p4 $0x1, s6  }
0x71: {  	s3 =	simm.s32 $0x1;
	s2 =	sshll.u32 @p4 s1, $0xA;
	s1 =	sadd.s32 @p4 $0x3, s1  }
0x72: {  	s2 =	sor.u32 @p4 $0x13000, s2;
	s0 =	sadd.s32 @p4 s5, s0;
	s5 =	simm.s32 @p4 $0x0  }
0x73: {  	[tilespmem:s2], [sflag:s1] =	stream.linear.gather @p4 [hbm4b:s0+s5], $0x400, $0x200038;
	[tilespmem:$0x1A800] =	vst v63  }
0x74: {  	s3 =	simm.s32 @!p2 $0x0;
	_ =	strace @p4 $0x9000004A;
	[smem:$0x7F5] =	sst s10  }
0x75: {  	s12 =	sadd.s32 $0x1, s9;
	s10 =	ssub.s32 s13, s3;
	_ =	strace $0x8000004B  }
0x76: {  	p6 =	sne.s32 s13, $0x17;
	p5 =	seq.s32 s10, $0xFFFFFFFF;
	_ =	swait.ge [sflag:s12], $0x3800  }
0x77: {  	p6 =	por @!p5 p2, p2;
	p2 =	seq.s32 s11, $0x0;
	[sflag:s12] =	ssyncset.done $0x0  }
0x78: {  	[smem:$0x7F6] =	sst s11;
	p5 =	por p2, p6;
	[sflag:s12] =	ssyncadd.s32 $0xFFFFC800  }
0x79: {  	s1 =	sand.u32 @p5 $0x1, s8;
	_ =	strace $0x9000004B  }
0x7a: {  	s1 =	sadd.s32 @p5 $0x3, s1;
	_ =	strace @p5 $0x8000004C  }
0x7b: {  	_ =	swait.ge @p5 [sflag:s1], $0x400  }
0x7c: {  	[sflag:s1] =	ssyncset.done @p5 $0x0  }
0x7d: {  	[sflag:s1] =	ssyncadd.s32 @p5 $0xFFFFFC00  }
0x7e: {  	s0 =	simm.s32 $0xF800;
	_ =	strace @p5 $0x9000004C;
	p5 =	seq.s32 s9, $0x1  }
0x7f: {  	s0 =	simm.s32 @!p5 $0xC000  }
0x80: {  	v3 =	vmov s0  }
0x81: {  	s13 =	simm.s32 $0x0  }
0x82: {  	s15 =	sand.u32 $0x3800, s13;
	s0 =	sand.u32 $0x200, s13  }
0x83: {  	s0 =	sor.u32 s0, s15  }
0x84: {  	_ =	strace $0x8000004D;
	s1 =	sor.u32 $0x180, s0  }
0x85: {  	v1 =	vld.idx.msk [tilespmem:v3+s1+$0x0 ss:$0x1], $0xffff;
	_ =	sdelay $0x4  }
0x86: {  	v1 =	vadd.f32 $2.000000000e+00, v1;
	_ =	sdelay $0x1  }
0x87: {  	s16 =	sshll.u32 s8, $0xA;
	v4 =	vmul.f32 $6.375000000e+01, v1  }
0x88: {  	s2 =	sand.u32 $0x400, s16  }
0x89: {  	v2 =	vld [tilespmem:s2+$0x13000];
	v1 =	vmax.f32 v4, $0.0e+00  }
0x8a: {  	v1 =	vmin.f32 v1, $2.540000000e+02  }
0x8b: {  	v1 =	vtrunc.f32 v1  }
0x8c: {  	v1 =	vcvt.f32.s32 v1;
	_ =	sdelay $0x1  }
0x8d: {  	v1 =	vadd.s32 v1, v2;
	_ =	sdelay $0x1  }
0x8e: {  	s17 =	sor.u32 $0x80, s0;
	[smem:$0x7D3] =	sst s8  }
0x8f: {  	s19 =	sand.u32 $0x1, s7;
	s18 =	sor.u32 $0x100, s0;
	v5 =	vld.idx.msk [tilespmem:v3+s17+$0x0 ss:$0x1], $0xffff;
	[smem:$0x7D4] =	sst s7  }
0x90: {  	v6 =	vld.idx.msk [tilespmem:v3+s18+$0x0 ss:$0x1], $0xffff;
	[smem:$0x7D5] =	sst s19  }
0x91: {  	s5 =	smul.u32 $0xE000, s19;
	v7 =	vld.idx.msk [tilespmem:v1+s14+$0x0], $0xffff;
	_ =	sdelay $0x1  }
0x92: {  	s5 =	sshrl.u32 s5, $0x2;
	v8 =	vld.idx.msk [tilespmem:v1+s30+$0x0], $0xffff  }
0x93: {  	s5 =	sadd.s32 $0x13800, s5;
	v9 =	vld.idx.msk [tilespmem:v3+s0+$0x0 ss:$0x1], $0xffff  }
0x94: {  	v5 =	vadd.f32 $2.000000000e+00, v5;
	v1 =	vmov s5  }
0x95: {  	v6 =	vadd.f32 $2.000000000e+00, v6;
	v4 =	vmul.f32 v7, v4  }
0x96: {  	v5 =	vmul.f32 $6.375000000e+01, v5  }
0x97: {  	v6 =	vmul.f32 $6.375000000e+01, v6;
	v4 =	vadd.f32 v4, v8  }
0x98: {  	[smem:$0x7D6] =	sst s5;
	v7 =	vadd.f32 $2.000000000e+00, v9;
	v8 =	vmax.f32 v5, $0.0e+00  }
0x99: {  	s20 =	sor.u32 $0x190, s0;
	v9 =	vmax.f32 v6, $0.0e+00;
	v8 =	vmin.f32 v8, $2.540000000e+02;
	[tilespmem:v1+s1+$0x0 ss:$0x1] =	vst.idx.msk $0xffff, v4  }
0x9a: {  	v4 =	vmul.f32 $6.375000000e+01, v7;
	v7 =	vtrunc.f32 v8;
	v8 =	vmin.f32 v9, $2.540000000e+02;
	v9 =	vld.idx.msk [tilespmem:v3+s20+$0x0 ss:$0x1], $0xffff  }
0x9b: {  	v7 =	vcvt.f32.s32 v7  }
0x9c: {  	v8 =	vtrunc.f32 v8  }
0x9d: {  	v8 =	vcvt.f32.s32 v8;
	v7 =	vadd.s32 v7, v2;
	_ =	sdelay $0x1  }
0x9e: {  	v8 =	vadd.s32 v8, v2;
	v9 =	vadd.f32 $2.000000000e+00, v9;
	_ =	sdelay $0x1  }
0x9f: {  	v9 =	vmul.f32 $6.375000000e+01, v9  }
0xa0: {  	v11 =	vld.idx.msk [tilespmem:v7+s14+$0x0], $0xffff  }
0xa1: {  	v7 =	vld.idx.msk [tilespmem:v7+s30+$0x0], $0xffff;
	v13 =	vmax.f32 v9, $0.0e+00  }
0xa2: {  	v12 =	vld.idx.msk [tilespmem:v8+s14+$0x0], $0xffff;
	v13 =	vmin.f32 v13, $2.540000000e+02  }
0xa3: {  	v13 =	vtrunc.f32 v13  }
0xa4: {  	v8 =	vld.idx.msk [tilespmem:v8+s30+$0x0], $0xffff;
	v13 =	vcvt.f32.s32 v13  }
0xa5: {  	v5 =	vmul.f32 v11, v5  }
0xa6: {  	v11 =	vadd.s32 v13, v2  }
0xa7: {  	v6 =	vmul.f32 v12, v6;
	v5 =	vadd.f32 v5, v7;
	_ =	sdelay $0x1  }
0xa8: {  	s21 =	sor.u32 $0x90, s0;
	v6 =	vadd.f32 v6, v8;
	[tilespmem:v1+s17+$0x0 ss:$0x1] =	vst.idx.msk $0xffff, v5  }
0xa9: {  	v5 =	vld.idx.msk [tilespmem:v3+s21+$0x0 ss:$0x1], $0xffff  }
0xaa: {  	s22 =	sor.u32 $0x110, s0;
	[tilespmem:v1+s18+$0x0 ss:$0x1] =	vst.idx.msk $0xffff, v6;
	v6 =	vld.idx.msk [tilespmem:v11+s14+$0x0], $0xffff  }
0xab: {  	v7 =	vld.idx.msk [tilespmem:v3+s22+$0x0 ss:$0x1], $0xffff  }
0xac: {  	v8 =	vld.idx.msk [tilespmem:v11+s30+$0x0], $0xffff;
	_ =	sdelay $0x2  }
0xad: {  	v6 =	vmul.f32 v6, v9  }
0xae: {  	v10 =	vmax.f32 v4, $0.0e+00;
	v5 =	vadd.f32 $2.000000000e+00, v5  }
0xaf: {  	v10 =	vmin.f32 v10, $2.540000000e+02;
	v7 =	vadd.f32 $2.000000000e+00, v7;
	v6 =	vadd.f32 v6, v8  }
0xb0: {  	v10 =	vtrunc.f32 v10;
	v5 =	vmul.f32 $6.375000000e+01, v5  }
0xb1: {  	s24 =	sor.u32 $0x1A0, s0;
	v10 =	vcvt.f32.s32 v10;
	v7 =	vmul.f32 $6.375000000e+01, v7;
	[tilespmem:v1+s20+$0x0 ss:$0x1] =	vst.idx.msk $0xffff, v6  }
0xb2: {  	v6 =	vmax.f32 v5, $0.0e+00;
	v8 =	vld.idx.msk [tilespmem:v3+s24+$0x0 ss:$0x1], $0xffff  }
0xb3: {  	v10 =	vadd.s32 v10, v2;
	v9 =	vmax.f32 v7, $0.0e+00;
	v6 =	vmin.f32 v6, $2.540000000e+02  }
0xb4: {  	v9 =	vmin.f32 v9, $2.540000000e+02;
	v6 =	vtrunc.f32 v6  }
0xb5: {  	v9 =	vtrunc.f32 v9;
	v6 =	vcvt.f32.s32 v6  }
0xb6: {  	v9 =	vcvt.f32.s32 v9  }
0xb7: {  	v6 =	vadd.s32 v6, v2;
	v8 =	vadd.f32 $2.000000000e+00, v8  }
0xb8: {  	v14 =	vld.idx.msk [tilespmem:v10+s14+$0x0], $0xffff;
	v9 =	vadd.s32 v9, v2  }
0xb9: {  	v8 =	vmul.f32 $6.375000000e+01, v8  }
0xba: {  	v10 =	vld.idx.msk [tilespmem:v10+s30+$0x0], $0xffff  }
0xbb: {  	v11 =	vmax.f32 v8, $0.0e+00  }
0xbc: {  	v12 =	vld.idx.msk [tilespmem:v6+s14+$0x0], $0xffff;
	v11 =	vmin.f32 v11, $2.540000000e+02  }
0xbd: {  	v4 =	vmul.f32 v14, v4;
	v13 =	vld.idx.msk [tilespmem:v9+s14+$0x0], $0xffff;
	v11 =	vtrunc.f32 v11  }
0xbe: {  	v6 =	vld.idx.msk [tilespmem:v6+s30+$0x0], $0xffff;
	v11 =	vcvt.f32.s32 v11  }
0xbf: {  	v4 =	vadd.f32 v4, v10  }
0xc0: {  	v9 =	vld.idx.msk [tilespmem:v9+s30+$0x0], $0xffff;
	v11 =	vadd.s32 v11, v2  }
0xc1: {  	s23 =	sor.u32 $0x10, s0;
	[tilespmem:v1+s0+$0x0 ss:$0x1] =	vst.idx.msk $0xffff, v4;
	v5 =	vmul.f32 v12, v5  }
0xc2: {  	v4 =	vld.idx.msk [tilespmem:v3+s23+$0x0 ss:$0x1], $0xffff  }
0xc3: {  	v7 =	vmul.f32 v13, v7;
	v5 =	vadd.f32 v5, v6;
	_ =	sdelay $0x1  }
0xc4: {  	s25 =	sor.u32 $0xA0, s0;
	v6 =	vadd.f32 v7, v9;
	[tilespmem:v1+s21+$0x0 ss:$0x1] =	vst.idx.msk $0xffff, v5;
	v5 =	vld.idx.msk [tilespmem:v11+s14+$0x0], $0xffff  }
0xc5: {  	v7 =	vld.idx.msk [tilespmem:v3+s25+$0x0 ss:$0x1], $0xffff  }
0xc6: {  	s26 =	sor.u32 $0x120, s0;
	v4 =	vadd.f32 $2.000000000e+00, v4;
	[tilespmem:v1+s22+$0x0 ss:$0x1] =	vst.idx.msk $0xffff, v6;
	v6 =	vld.idx.msk [tilespmem:v11+s30+$0x0], $0xffff  }
0xc7: {  	v9 =	vld.idx.msk [tilespmem:v3+s26+$0x0 ss:$0x1], $0xffff  }
0xc8: {  	v4 =	vmul.f32 $6.375000000e+01, v4  }
0xc9: {  	v5 =	vmul.f32 v5, v8  }
0xca: {  	v10 =	vmax.f32 v4, $0.0e+00  }
0xcb: {  	v10 =	vmin.f32 v10, $2.540000000e+02;
	v5 =	vadd.f32 v5, v6  }
0xcc: {  	v10 =	vtrunc.f32 v10;
	v6 =	vadd.f32 $2.000000000e+00, v7;
	v7 =	vadd.f32 $2.000000000e+00, v9  }
0xcd: {  	s29 =	sor.u32 $0x1B0, s0;
	v10 =	vcvt.f32.s32 v10;
	[tilespmem:v1+s24+$0x0 ss:$0x1] =	vst.idx.msk $0xffff, v5  }
0xce: {  	v5 =	vmul.f32 $6.375000000e+01, v6;
	v6 =	vmul.f32 $6.375000000e+01, v7;
	v7 =	vld.idx.msk [tilespmem:v3+s29+$0x0 ss:$0x1], $0xffff;
	_ =	sdelay $0x1  }
0xcf: {  	v10 =	vadd.s32 v10, v2;
	_ =	sdelay $0x1  }
0xd0: {  	v8 =	vmax.f32 v5, $0.0e+00  }
0xd1: {  	v8 =	vmin.f32 v8, $2.540000000e+02;
	v7 =	vadd.f32 $2.000000000e+00, v7  }
0xd2: {  	v8 =	vtrunc.f32 v8  }
0xd3: {  	v14 =	vld.idx.msk [tilespmem:v10+s14+$0x0], $0xffff;
	v8 =	vcvt.f32.s32 v8;
	v7 =	vmul.f32 $6.375000000e+01, v7;
	_ =	sdelay $0x1  }
0xd4: {  	v10 =	vld.idx.msk [tilespmem:v10+s30+$0x0], $0xffff;
	v8 =	vadd.s32 v8, v2;
	v11 =	vmax.f32 v7, $0.0e+00  }
0xd5: {  	v11 =	vmin.f32 v11, $2.540000000e+02  }
0xd6: {  	v11 =	vtrunc.f32 v11  }
0xd7: {  	v4 =	vmul.f32 v14, v4;
	v11 =	vcvt.f32.s32 v11;
	_ =	sdelay $0x1  }
0xd8: {  	v4 =	vadd.f32 v4, v10;
	v12 =	vld.idx.msk [tilespmem:v8+s14+$0x0], $0xffff;
	v11 =	vadd.s32 v11, v2;
	_ =	sdelay $0x1  }
0xd9: {  	s28 =	sor.u32 $0x20, s0;
	[tilespmem:v1+s23+$0x0 ss:$0x1] =	vst.idx.msk $0xffff, v4;
	v8 =	vld.idx.msk [tilespmem:v8+s30+$0x0], $0xffff  }
0xda: {  	v4 =	vld.idx.msk [tilespmem:v3+s28+$0x0 ss:$0x1], $0xffff;
	v9 =	vmax.f32 v6, $0.0e+00  }
0xdb: {  	v9 =	vmin.f32 v9, $2.540000000e+02  }
0xdc: {  	v9 =	vtrunc.f32 v9;
	v5 =	vmul.f32 v12, v5;
	v12 =	vld.idx.msk [tilespmem:v11+s14+$0x0], $0xffff  }
0xdd: {  	v9 =	vcvt.f32.s32 v9  }
0xde: {  	v5 =	vadd.f32 v5, v8;
	v8 =	vld.idx.msk [tilespmem:v11+s30+$0x0], $0xffff  }
0xdf: {  	v4 =	vadd.f32 $2.000000000e+00, v4;
	v9 =	vadd.s32 v9, v2;
	_ =	sdelay $0x1  }
0xe0: {  	v4 =	vmul.f32 $6.375000000e+01, v4;
	v7 =	vmul.f32 v12, v7;
	_ =	sdelay $0x1  }
0xe1: {  	v10 =	vmax.f32 v4, $0.0e+00;
	v7 =	vadd.f32 v7, v8  }
0xe2: {  	v10 =	vmin.f32 v10, $2.540000000e+02;
	v13 =	vld.idx.msk [tilespmem:v9+s14+$0x0], $0xffff  }
0xe3: {  	s5 =	sor.u32 $0x1C0, s0;
	v10 =	vtrunc.f32 v10;
	v9 =	vld.idx.msk [tilespmem:v9+s30+$0x0], $0xffff;
	[tilespmem:v1+s29+$0x0 ss:$0x1] =	vst.idx.msk $0xffff, v7  }
0xe4: {  	v10 =	vcvt.f32.s32 v10;
	v7 =	vld.idx.msk [tilespmem:v3+s5+$0x0 ss:$0x1], $0xffff;
	_ =	sdelay $0x1  }
0xe5: {  	s2 =	sor.u32 $0xB0, s0;
	v10 =	vadd.s32 v10, v2;
	[tilespmem:v1+s25+$0x0 ss:$0x1] =	vst.idx.msk $0xffff, v5  }
0xe6: {  	v6 =	vmul.f32 v13, v6;
	v5 =	vld.idx.msk [tilespmem:v3+s2+$0x0 ss:$0x1], $0xffff;
	_ =	sdelay $0x1  }
0xe7: {  	v6 =	vadd.f32 v6, v9;
	v7 =	vadd.f32 $2.000000000e+00, v7;
	_ =	sdelay $0x1  }
0xe8: {  	s3 =	sor.u32 $0x130, s0;
	v14 =	vld.idx.msk [tilespmem:v10+s14+$0x0], $0xffff;
	[tilespmem:v1+s26+$0x0 ss:$0x1] =	vst.idx.msk $0xffff, v6;
	v7 =	vmul.f32 $6.375000000e+01, v7  }
0xe9: {  	v6 =	vld.idx.msk [tilespmem:v3+s3+$0x0 ss:$0x1], $0xffff;
	v5 =	vadd.f32 $2.000000000e+00, v5  }
0xea: {  	v11 =	vmax.f32 v7, $0.0e+00  }
0xeb: {  	v10 =	vld.idx.msk [tilespmem:v10+s30+$0x0], $0xffff;
	v5 =	vmul.f32 $6.375000000e+01, v5;
	v11 =	vmin.f32 v11, $2.540000000e+02  }
0xec: {  	v11 =	vtrunc.f32 v11  }
0xed: {  	v8 =	vmax.f32 v5, $0.0e+00;
	v11 =	vcvt.f32.s32 v11  }
0xee: {  	v4 =	vmul.f32 v14, v4;
	v6 =	vadd.f32 $2.000000000e+00, v6;
	v8 =	vmin.f32 v8, $2.540000000e+02  }
0xef: {  	v8 =	vtrunc.f32 v8;
	v11 =	vadd.s32 v11, v2  }
0xf0: {  	v4 =	vadd.f32 v4, v10;
	v6 =	vmul.f32 $6.375000000e+01, v6;
	v8 =	vcvt.f32.s32 v8;
	_ =	sdelay $0x1  }
0xf1: {  	s4 =	sor.u32 $0x30, s0;
	[tilespmem:v1+s28+$0x0 ss:$0x1] =	vst.idx.msk $0xffff, v4;
	v9 =	vmax.f32 v6, $0.0e+00;
	v8 =	vadd.s32 v8, v2  }
0xf2: {  	v4 =	vld.idx.msk [tilespmem:v3+s4+$0x0 ss:$0x1], $0xffff;
	v9 =	vmin.f32 v9, $2.540000000e+02  }
0xf3: {  	v9 =	vtrunc.f32 v9;
	v15 =	vld.idx.msk [tilespmem:v11+s14+$0x0], $0xffff  }
0xf4: {  	v9 =	vcvt.f32.s32 v9  }
0xf5: {  	v11 =	vld.idx.msk [tilespmem:v11+s30+$0x0], $0xffff  }
0xf6: {  	v9 =	vadd.s32 v9, v2;
	v12 =	vld.idx.msk [tilespmem:v8+s14+$0x0], $0xffff  }
0xf7: {  	v4 =	vadd.f32 $2.000000000e+00, v4  }
0xf8: {  	v8 =	vld.idx.msk [tilespmem:v8+s30+$0x0], $0xffff;
	v7 =	vmul.f32 v15, v7  }
0xf9: {  	v4 =	vmul.f32 $6.375000000e+01, v4  }
0xfa: {  	v7 =	vadd.f32 v7, v11  }
0xfb: {  	v10 =	vmax.f32 v4, $0.0e+00;
	v13 =	vld.idx.msk [tilespmem:v9+s14+$0x0], $0xffff;
	v5 =	vmul.f32 v12, v5  }
0xfc: {  	s6 =	sor.u32 $0x1D0, s0;
	v10 =	vmin.f32 v10, $2.540000000e+02;
	v9 =	vld.idx.msk [tilespmem:v9+s30+$0x0], $0xffff;
	[tilespmem:v1+s5+$0x0 ss:$0x1] =	vst.idx.msk $0xffff, v7  }
0xfd: {  	v10 =	vtrunc.f32 v10;
	v5 =	vadd.f32 v5, v8;
	v7 =	vld.idx.msk [tilespmem:v3+s6+$0x0 ss:$0x1], $0xffff  }
0xfe: {  	v10 =	vcvt.f32.s32 v10  }
0xff: {  	s9 =	sor.u32 $0xC0, s0;
	[tilespmem:v1+s2+$0x0 ss:$0x1] =	vst.idx.msk $0xffff, v5  }
0x100: {  	v10 =	vadd.s32 v10, v2;
	v6 =	vmul.f32 v13, v6;
	v5 =	vld.idx.msk [tilespmem:v3+s9+$0x0 ss:$0x1], $0xffff;
	_ =	sdelay $0x1  }
0x101: {  	v6 =	vadd.f32 v6, v9;
	v7 =	vadd.f32 $2.000000000e+00, v7;
	_ =	sdelay $0x1  }
0x102: {  	[tilespmem:v1+s3+$0x0 ss:$0x1] =	vst.idx.msk $0xffff, v6;
	v6 =	vmul.f32 $6.375000000e+01, v7  }
0x103: {  	s10 =	sor.u32 $0x140, s0;
	v14 =	vld.idx.msk [tilespmem:v10+s14+$0x0], $0xffff;
	v5 =	vadd.f32 $2.000000000e+00, v5  }
0x104: {  	v7 =	vld.idx.msk [tilespmem:v3+s10+$0x0 ss:$0x1], $0xffff;
	v8 =	vmax.f32 v6, $0.0e+00  }
0x105: {  	s11 =	simm.s32 $0x200;
	s12 =	simm.s32 $0x400;
	v10 =	vld.idx.msk [tilespmem:v10+s30+$0x0], $0xffff;
	v5 =	vmul.f32 $6.375000000e+01, v5;
	v8 =	vmin.f32 v8, $2.540000000e+02  }
0x106: {  	s7 =	sand.u32 $0x3800, s12;
	s2 =	sand.u32 $0x200, s11;
	v8 =	vtrunc.f32 v8  }
0x107: {  	s2 =	sor.u32 s2, s7;
	v9 =	vmax.f32 v5, $0.0e+00;
	v8 =	vcvt.f32.s32 v8  }
0x108: {  	v4 =	vmul.f32 v14, v4;
	s13 =	sor.u32 $0x180, s2;
	v9 =	vmin.f32 v9, $2.540000000e+02  }
0x109: {  	v11 =	vld.idx.msk [tilespmem:v3+s13+$0x0 ss:$0x1], $0xffff;
	v9 =	vtrunc.f32 v9;
	v7 =	vadd.f32 $2.000000000e+00, v7;
	v8 =	vadd.s32 v8, v2  }
0x10a: {  	v4 =	vadd.f32 v4, v10;
	v9 =	vcvt.f32.s32 v9  }
0x10b: {  	v7 =	vmul.f32 $6.375000000e+01, v7  }
0x10c: {  	s15 =	sor.u32 $0x40, s0;
	[tilespmem:v1+s4+$0x0 ss:$0x1] =	vst.idx.msk $0xffff, v4;
	v9 =	vadd.s32 v9, v2  }
0x10d: {  	v10 =	vld.idx.msk [tilespmem:v3+s15+$0x0 ss:$0x1], $0xffff;
	v4 =	vmax.f32 v7, $0.0e+00  }
0x10e: {  	s17 =	sor.u32 $0x100, s2;
	v11 =	vadd.f32 $2.000000000e+00, v11;
	v4 =	vmin.f32 v4, $2.540000000e+02;
	v12 =	vld.idx.msk [tilespmem:v8+s14+$0x0], $0xffff  }
0x10f: {  	v16 =	vld.idx.msk [tilespmem:v3+s17+$0x0 ss:$0x1], $0xffff;
	v4 =	vtrunc.f32 v4  }
0x110: {  	v11 =	vmul.f32 $6.375000000e+01, v11;
	v4 =	vcvt.f32.s32 v4;
	v8 =	vld.idx.msk [tilespmem:v8+s30+$0x0], $0xffff  }
0x111: {  	s16 =	sor.u32 $0x80, s2;
	v13 =	vld.idx.msk [tilespmem:v9+s14+$0x0], $0xffff  }
0x112: {  	v15 =	vld.idx.msk [tilespmem:v3+s16+$0x0 ss:$0x1], $0xffff;
	v10 =	vadd.f32 $2.000000000e+00, v10;
	v14 =	vmax.f32 v11, $0.0e+00;
	v4 =	vadd.s32 v4, v2  }
0x113: {  	v9 =	vld.idx.msk [tilespmem:v9+s30+$0x0], $0xffff;
	v6 =	vmul.f32 v12, v6;
	v12 =	vmin.f32 v14, $2.540000000e+02  }
0x114: {  	v10 =	vmul.f32 $6.375000000e+01, v10;
	v14 =	vld.idx.msk [tilespmem:v3+s2+$0x0 ss:$0x1], $0xffff;
	v12 =	vtrunc.f32 v12  }
0x115: {  	v6 =	vadd.f32 v6, v8;
	v8 =	vcvt.f32.s32 v12  }
0x116: {  	v5 =	vmul.f32 v13, v5;
	v12 =	vmax.f32 v10, $0.0e+00  }
0x117: {  	s18 =	sor.u32 $0x1E0, s0;
	v13 =	vadd.f32 $2.000000000e+00, v16;
	v17 =	vld.idx.msk [tilespmem:v4+s14+$0x0], $0xffff;
	v12 =	vmin.f32 v12, $2.540000000e+02;
	[tilespmem:v1+s6+$0x0 ss:$0x1] =	vst.idx.msk $0xffff, v6;
	v6 =	vadd.s32 v8, v2  }
0x118: {  	v8 =	vtrunc.f32 v12;
	v12 =	vadd.f32 $2.000000000e+00, v15;
	v15 =	vld.idx.msk [tilespmem:v3+s18+$0x0 ss:$0x1], $0xffff  }
0x119: {  	v5 =	vadd.f32 v5, v9;
	v9 =	vmul.f32 $6.375000000e+01, v13;
	v4 =	vld.idx.msk [tilespmem:v4+s30+$0x0], $0xffff;
	v14 =	vadd.f32 $2.000000000e+00, v14  }
0x11a: {  	v8 =	vcvt.f32.s32 v8  }
0x11b: {  	v18 =	vmax.f32 v9, $0.0e+00;
	v12 =	vmul.f32 $6.375000000e+01, v12;
	v14 =	vmul.f32 $6.375000000e+01, v14  }
0x11c: {  	v18 =	vmin.f32 v18, $2.540000000e+02;
	v8 =	vadd.s32 v8, v2;
	v7 =	vmul.f32 v17, v7;
	v16 =	vld.idx.msk [tilespmem:v6+s14+$0x0], $0xffff  }
0x11d: {  	v13 =	vmax.f32 v12, $0.0e+00;
	v17 =	vmax.f32 v14, $0.0e+00;
	v15 =	vadd.f32 $2.000000000e+00, v15  }
0x11e: {  	v13 =	vmin.f32 v13, $2.540000000e+02;
	v6 =	vld.idx.msk [tilespmem:v6+s30+$0x0], $0xffff;
	v4 =	vadd.f32 v7, v4;
	v7 =	vtrunc.f32 v18  }
0x11f: {  	v17 =	vmin.f32 v17, $2.540000000e+02;
	v13 =	vtrunc.f32 v13;
	v15 =	vmul.f32 $6.375000000e+01, v15  }
0x120: {  	v7 =	vcvt.f32.s32 v7;
	v17 =	vtrunc.f32 v17  }
0x121: {  	v13 =	vcvt.f32.s32 v13;
	v19 =	vmax.f32 v15, $0.0e+00;
	v11 =	vmul.f32 v16, v11  }
0x122: {  	s19 =	sor.u32 $0xD0, s0;
	[tilespmem:v1+s9+$0x0 ss:$0x1] =	vst.idx.msk $0xffff, v5;
	v5 =	vadd.s32 v7, v2;
	v16 =	vcvt.f32.s32 v17;
	v17 =	vmin.f32 v19, $2.540000000e+02  }
0x123: {  	[tilespmem:v1+s10+$0x0 ss:$0x1] =	vst.idx.msk $0xffff, v4;
	v4 =	vld.idx.msk [tilespmem:v3+s19+$0x0 ss:$0x1], $0xffff;
	v7 =	vtrunc.f32 v17;
	v6 =	vadd.f32 v11, v6  }
0x124: {  	v18 =	vld.idx.msk [tilespmem:v8+s14+$0x0], $0xffff;
	v13 =	vadd.s32 v13, v2;
	v7 =	vcvt.f32.s32 v7  }
0x125: {  	s21 =	sor.u32 $0x190, s2;
	v8 =	vld.idx.msk [tilespmem:v8+s30+$0x0], $0xffff;
	[tilespmem:v1+s13+$0x0 ss:$0x1] =	vst.idx.msk $0xffff, v6  }
0x126: {  	v6 =	vadd.s32 v7, v2;
	v7 =	vld.idx.msk [tilespmem:v3+s21+$0x0 ss:$0x1], $0xffff  }
0x127: {  	v11 =	vadd.s32 v16, v2;
	v19 =	vld.idx.msk [tilespmem:v5+s14+$0x0], $0xffff  }
0x128: {  	v5 =	vld.idx.msk [tilespmem:v5+s30+$0x0], $0xffff  }
0x129: {  	v10 =	vmul.f32 v18, v10;
	v17 =	vld.idx.msk [tilespmem:v13+s14+$0x0], $0xffff  }
0x12a: {  	v13 =	vld.idx.msk [tilespmem:v13+s30+$0x0], $0xffff  }
0x12b: {  	v8 =	vadd.f32 v10, v8;
	v18 =	vld.idx.msk [tilespmem:v6+s14+$0x0], $0xffff;
	v7 =	vadd.f32 $2.000000000e+00, v7  }
0x12c: {  	v20 =	vld.idx.msk [tilespmem:v11+s14+$0x0], $0xffff  }
0x12d: {  	[tilespmem:v1+s15+$0x0 ss:$0x1] =	vst.idx.msk $0xffff, v8;
	v8 =	vmul.f32 v19, v9;
	v6 =	vld.idx.msk [tilespmem:v6+s30+$0x0], $0xffff;
	v7 =	vmul.f32 $6.375000000e+01, v7  }
0x12e: {  	s20 =	sor.u32 $0x150, s0;
	v10 =	vld.idx.msk [tilespmem:v11+s30+$0x0], $0xffff;
	v11 =	vmul.f32 v17, v12  }
0x12f: {  	v16 =	vld.idx.msk [tilespmem:v3+s20+$0x0 ss:$0x1], $0xffff;
	v5 =	vadd.f32 v8, v5;
	v9 =	vmax.f32 v7, $0.0e+00  }
0x130: {  	s22 =	sor.u32 $0x50, s0;
	v11 =	vadd.f32 v11, v13;
	v13 =	vmul.f32 v18, v15;
	v9 =	vmin.f32 v9, $2.540000000e+02  }
0x131: {  	s24 =	sor.u32 $0x110, s2;
	v12 =	vld.idx.msk [tilespmem:v3+s22+$0x0 ss:$0x1], $0xffff;
	v14 =	vmul.f32 v20, v14;
	[tilespmem:v1+s17+$0x0 ss:$0x1] =	vst.idx.msk $0xffff, v5;
	v8 =	vtrunc.f32 v9  }
0x132: {  	s23 =	sor.u32 $0x90, s2;
	[tilespmem:v1+s16+$0x0 ss:$0x1] =	vst.idx.msk $0xffff, v11;
	v5 =	vld.idx.msk [tilespmem:v3+s24+$0x0 ss:$0x1], $0xffff;
	v6 =	vadd.f32 v13, v6;
	v8 =	vcvt.f32.s32 v8  }
0x133: {  	v10 =	vadd.f32 v14, v10;
	v11 =	vld.idx.msk [tilespmem:v3+s23+$0x0 ss:$0x1], $0xffff  }
0x134: {  	s25 =	sor.u32 $0x1F0, s0;
	v4 =	vadd.f32 $2.000000000e+00, v4;
	v9 =	vadd.f32 $2.000000000e+00, v16;
	[tilespmem:v1+s18+$0x0 ss:$0x1] =	vst.idx.msk $0xffff, v6;
	v6 =	vadd.s32 v8, v2  }
0x135: {  	s26 =	sor.u32 $0x10, s2;
	[tilespmem:v1+s2+$0x0 ss:$0x1] =	vst.idx.msk $0xffff, v10;
	v10 =	vld.idx.msk [tilespmem:v3+s25+$0x0 ss:$0x1], $0xffff  }
0x136: {  	v4 =	vmul.f32 $6.375000000e+01, v4;
	v13 =	vld.idx.msk [tilespmem:v3+s26+$0x0 ss:$0x1], $0xffff;
	v9 =	vmul.f32 $6.375000000e+01, v9  }
0x137: {  	v5 =	vadd.f32 $2.000000000e+00, v5;
	v8 =	vadd.f32 $2.000000000e+00, v12  }
0x138: {  	v12 =	vmax.f32 v4, $0.0e+00;
	v11 =	vadd.f32 $2.000000000e+00, v11;
	v14 =	vmax.f32 v9, $0.0e+00  }
0x139: {  	v12 =	vmin.f32 v12, $2.540000000e+02;
	v5 =	vmul.f32 $6.375000000e+01, v5;
	v14 =	vmin.f32 v14, $2.540000000e+02;
	v15 =	vld.idx.msk [tilespmem:v6+s14+$0x0], $0xffff  }
0x13a: {  	v12 =	vtrunc.f32 v12;
	v11 =	vmul.f32 $6.375000000e+01, v11;
	v10 =	vadd.f32 $2.000000000e+00, v10  }
0x13b: {  	v14 =	vtrunc.f32 v14;
	v12 =	vcvt.f32.s32 v12;
	v13 =	vadd.f32 $2.000000000e+00, v13;
	v6 =	vld.idx.msk [tilespmem:v6+s30+$0x0], $0xffff  }
0x13c: {  	v17 =	vmax.f32 v5, $0.0e+00;
	v14 =	vcvt.f32.s32 v14;
	v10 =	vmul.f32 $6.375000000e+01, v10  }
0x13d: {  	v16 =	vmax.f32 v11, $0.0e+00;
	v12 =	vadd.s32 v12, v2;
	v13 =	vmul.f32 $6.375000000e+01, v13  }
0x13e: {  	v16 =	vmin.f32 v16, $2.540000000e+02;
	v18 =	vmax.f32 v10, $0.0e+00;
	v7 =	vmul.f32 v15, v7  }
0x13f: {  	v15 =	vtrunc.f32 v16;
	v16 =	vmin.f32 v17, $2.540000000e+02;
	v17 =	vmin.f32 v18, $2.540000000e+02  }
0x140: {  	v15 =	vcvt.f32.s32 v15;
	v17 =	vtrunc.f32 v17;
	v6 =	vadd.f32 v7, v6  }
0x141: {  	v14 =	vadd.s32 v14, v2;
	v7 =	vmax.f32 v13, $0.0e+00;
	v17 =	vcvt.f32.s32 v17  }
0x142: {  	s15 =	sor.u32 $0x1A0, s2;
	v7 =	vmin.f32 v7, $2.540000000e+02;
	v15 =	vadd.s32 v15, v2;
	[tilespmem:v1+s21+$0x0 ss:$0x1] =	vst.idx.msk $0xffff, v6  }
0x143: {  	v16 =	vtrunc.f32 v16;
	v6 =	vtrunc.f32 v7;
	v7 =	vadd.s32 v17, v2;
	v17 =	vld.idx.msk [tilespmem:v3+s15+$0x0 ss:$0x1], $0xffff  }
0x144: {  	v8 =	vmul.f32 $6.375000000e+01, v8;
	v19 =	vld.idx.msk [tilespmem:v12+s14+$0x0], $0xffff;
	v16 =	vcvt.f32.s32 v16  }
0x145: {  	v12 =	vld.idx.msk [tilespmem:v12+s30+$0x0], $0xffff  }
0x146: {  	v18 =	vmax.f32 v8, $0.0e+00;
	v20 =	vld.idx.msk [tilespmem:v14+s14+$0x0], $0xffff;
	v16 =	vadd.s32 v16, v2;
	v6 =	vcvt.f32.s32 v6  }
0x147: {  	v18 =	vmin.f32 v18, $2.540000000e+02;
	v21 =	vld.idx.msk [tilespmem:v15+s14+$0x0], $0xffff  }
0x148: {  	v18 =	vtrunc.f32 v18;
	v6 =	vadd.s32 v6, v2;
	v22 =	vld.idx.msk [tilespmem:v7+s14+$0x0], $0xffff;
	v17 =	vadd.f32 $2.000000000e+00, v17  }
0x149: {  	v18 =	vcvt.f32.s32 v18;
	v15 =	vld.idx.msk [tilespmem:v15+s30+$0x0], $0xffff  }
0x14a: {  	v7 =	vld.idx.msk [tilespmem:v7+s30+$0x0], $0xffff;
	v17 =	vmul.f32 $6.375000000e+01, v17  }
0x14b: {  	v18 =	vadd.s32 v18, v2;
	v23 =	vld.idx.msk [tilespmem:v16+s14+$0x0], $0xffff  }
0x14c: {  	p5 =	por $0x0, $0x0;
	s7 =	simm.s32 $0x1;
	v4 =	vmul.f32 v19, v4;
	v16 =	vld.idx.msk [tilespmem:v16+s30+$0x0], $0xffff;
	v25 =	vmax.f32 v17, $0.0e+00  }
0x14d: {  	s7 =	simm.s32 @!p5 $0x0;
	v24 =	vld.idx.msk [tilespmem:v6+s14+$0x0], $0xffff;
	v10 =	vmul.f32 v22, v10;
	v22 =	vmin.f32 v25, $2.540000000e+02  }
0x14e: {  	s7 =	sshll.u32 s7, $0x9;
	v4 =	vadd.f32 v4, v12;
	v12 =	vld.idx.msk [tilespmem:v14+s30+$0x0], $0xffff;
	v22 =	vtrunc.f32 v22  }
0x14f: {  	s31 =	sadd.s32 $0x0, s7;
	v6 =	vld.idx.msk [tilespmem:v6+s30+$0x0], $0xffff;
	v11 =	vmul.f32 v21, v11;
	v7 =	vadd.f32 v10, v7;
	v10 =	vcvt.f32.s32 v22  }
0x150: {  	s7 =	sadd.s32 $0x180, s31;
	v19 =	vld.idx.msk [tilespmem:v18+s14+$0x0], $0xffff;
	v5 =	vmul.f32 v23, v5  }
0x151: {  	s28 =	sor.u32 $0x400, s7;
	v14 =	vld.idx.msk [tilespmem:v18+s30+$0x0], $0xffff;
	v11 =	vadd.f32 v11, v15;
	[tilespmem:v1+s25+$0x0 ss:$0x1] =	vst.idx.msk $0xffff, v7;
	v7 =	vadd.s32 v10, v2  }
0x152: {  	s29 =	sor.u32 $0xE0, s0;
	[tilespmem:v1+s19+$0x0 ss:$0x1] =	vst.idx.msk $0xffff, v4;
	v5 =	vadd.f32 v5, v16;
	v4 =	vmul.f32 v24, v13;
	v10 =	vld.idx.msk [tilespmem:v3+s28+$0x0 ss:$0x1], $0xffff  }
0x153: {  	s4 =	sor.u32 $0xA0, s2;
	v13 =	vld.idx.msk [tilespmem:v3+s29+$0x0 ss:$0x1], $0xffff;
	[tilespmem:v1+s23+$0x0 ss:$0x1] =	vst.idx.msk $0xffff, v11  }
0x154: {  	s8 =	sor.u32 $0x120, s2;
	v4 =	vadd.f32 v4, v6;
	[tilespmem:v1+s24+$0x0 ss:$0x1] =	vst.idx.msk $0xffff, v5;
	v6 =	vld.idx.msk [tilespmem:v3+s4+$0x0 ss:$0x1], $0xffff  }
0x155: {  	v5 =	vld.idx.msk [tilespmem:v3+s8+$0x0 ss:$0x1], $0xffff  }
0x156: {  	s9 =	sor.u32 $0x20, s2;
	[tilespmem:v1+s26+$0x0 ss:$0x1] =	vst.idx.msk $0xffff, v4;
	v4 =	vld.idx.msk [tilespmem:v7+s14+$0x0], $0xffff  }
0x157: {  	v9 =	vmul.f32 v20, v9;
	v11 =	vld.idx.msk [tilespmem:v3+s9+$0x0 ss:$0x1], $0xffff;
	v10 =	vadd.f32 $2.000000000e+00, v10  }
0x158: {  	v8 =	vmul.f32 v19, v8;
	v13 =	vadd.f32 $2.000000000e+00, v13;
	v7 =	vld.idx.msk [tilespmem:v7+s30+$0x0], $0xffff  }
0x159: {  	v9 =	vadd.f32 v9, v12;
	v6 =	vadd.f32 $2.000000000e+00, v6;
	v10 =	vmul.f32 $6.375000000e+01, v10  }
0x15a: {  	v8 =	vadd.f32 v8, v14;
	v12 =	vmul.f32 $6.375000000e+01, v13;
	v5 =	vadd.f32 $2.000000000e+00, v5  }
0x15b: {  	v6 =	vmul.f32 $6.375000000e+01, v6;
	v13 =	vmax.f32 v10, $0.0e+00;
	v4 =	vmul.f32 v4, v17  }
0x15c: {  	s10 =	sor.u32 $0x160, s0;
	[tilespmem:v1+s20+$0x0 ss:$0x1] =	vst.idx.msk $0xffff, v9;
	v11 =	vadd.f32 $2.000000000e+00, v11;
	v5 =	vmul.f32 $6.375000000e+01, v5;
	v13 =	vmin.f32 v13, $2.540000000e+02  }
0x15d: {  	v14 =	vmax.f32 v6, $0.0e+00;
	v9 =	vtrunc.f32 v13;
	v4 =	vadd.f32 v4, v7;
	v7 =	vld.idx.msk [tilespmem:v3+s10+$0x0 ss:$0x1], $0xffff  }
0x15e: {  	v11 =	vmul.f32 $6.375000000e+01, v11;
	v14 =	vmin.f32 v14, $2.540000000e+02;
	v9 =	vcvt.f32.s32 v9  }
0x15f: {  	s16 =	sor.u32 $0x1B0, s2;
	v15 =	vmax.f32 v5, $0.0e+00;
	v13 =	vmax.f32 v12, $0.0e+00;
	[tilespmem:v1+s15+$0x0 ss:$0x1] =	vst.idx.msk $0xffff, v4;
	v4 =	vtrunc.f32 v14  }
0x160: {  	v14 =	vmin.f32 v15, $2.540000000e+02;
	v9 =	vadd.s32 v9, v2;
	v15 =	vld.idx.msk [tilespmem:v3+s16+$0x0 ss:$0x1], $0xffff;
	v4 =	vcvt.f32.s32 v4  }
0x161: {  	[tilespmem:v1+s22+$0x0 ss:$0x1] =	vst.idx.msk $0xffff, v8;
	v8 =	vmax.f32 v11, $0.0e+00;
	v13 =	vmin.f32 v13, $2.540000000e+02;
	v14 =	vtrunc.f32 v14  }
0x162: {  	v14 =	vcvt.f32.s32 v14;
	v7 =	vadd.f32 $2.000000000e+00, v7;
	v4 =	vadd.s32 v4, v2  }
0x163: {  	s17 =	sor.u32 $0x60, s0;
	v8 =	vmin.f32 v8, $2.540000000e+02;
	v13 =	vtrunc.f32 v13  }
0x164: {  	v16 =	vld.idx.msk [tilespmem:v3+s17+$0x0 ss:$0x1], $0xffff;
	v13 =	vcvt.f32.s32 v13;
	v14 =	vadd.s32 v14, v2;
	v7 =	vmul.f32 $6.375000000e+01, v7  }
0x165: {  	v8 =	vtrunc.f32 v8;
	v17 =	vld.idx.msk [tilespmem:v9+s14+$0x0], $0xffff;
	v15 =	vadd.f32 $2.000000000e+00, v15  }
0x166: {  	v8 =	vcvt.f32.s32 v8;
	v13 =	vadd.s32 v13, v2;
	v9 =	vld.idx.msk [tilespmem:v9+s30+$0x0], $0xffff;
	v18 =	vmax.f32 v7, $0.0e+00  }
0x167: {  	v15 =	vmul.f32 $6.375000000e+01, v15;
	v18 =	vmin.f32 v18, $2.540000000e+02;
	v19 =	vld.idx.msk [tilespmem:v4+s14+$0x0], $0xffff  }
0x168: {  	v8 =	vadd.s32 v8, v2;
	v4 =	vld.idx.msk [tilespmem:v4+s30+$0x0], $0xffff;
	v18 =	vtrunc.f32 v18  }
0x169: {  	v20 =	vld.idx.msk [tilespmem:v14+s14+$0x0], $0xffff;
	v21 =	vmax.f32 v15, $0.0e+00;
	v18 =	vcvt.f32.s32 v18  }
0x16a: {  	v16 =	vadd.f32 $2.000000000e+00, v16;
	v14 =	vld.idx.msk [tilespmem:v14+s30+$0x0], $0xffff;
	v10 =	vmul.f32 v17, v10;
	v17 =	vmin.f32 v21, $2.540000000e+02  }
0x16b: {  	v21 =	vld.idx.msk [tilespmem:v13+s14+$0x0], $0xffff;
	v17 =	vtrunc.f32 v17;
	v18 =	vadd.s32 v18, v2  }
0x16c: {  	v16 =	vmul.f32 $6.375000000e+01, v16;
	v13 =	vld.idx.msk [tilespmem:v13+s30+$0x0], $0xffff;
	v9 =	vadd.f32 v10, v9;
	v10 =	vcvt.f32.s32 v17  }
0x16d: {  	v17 =	vld.idx.msk [tilespmem:v8+s14+$0x0], $0xffff;
	v6 =	vmul.f32 v19, v6  }
0x16e: {  	s18 =	sor.u32 $0x410, s7;
	v19 =	vmax.f32 v16, $0.0e+00;
	v8 =	vld.idx.msk [tilespmem:v8+s30+$0x0], $0xffff;
	[tilespmem:v1+s28+$0x0 ss:$0x1] =	vst.idx.msk $0xffff, v9;
	v9 =	vadd.s32 v10, v2  }
0x16f: {  	v5 =	vmul.f32 v20, v5;
	v10 =	vmin.f32 v19, $2.540000000e+02;
	v4 =	vadd.f32 v6, v4;
	v6 =	vld.idx.msk [tilespmem:v3+s18+$0x0 ss:$0x1], $0xffff  }
0x170: {  	v10 =	vtrunc.f32 v10;
	v19 =	vld.idx.msk [tilespmem:v18+s14+$0x0], $0xffff  }
0x171: {  	s19 =	sor.u32 $0xB0, s2;
	v5 =	vadd.f32 v5, v14;
	v10 =	vcvt.f32.s32 v10;
	[tilespmem:v1+s4+$0x0 ss:$0x1] =	vst.idx.msk $0xffff, v4;
	v14 =	vld.idx.msk [tilespmem:v18+s30+$0x0], $0xffff  }
0x172: {  	v4 =	vmul.f32 v17, v11;
	v11 =	vld.idx.msk [tilespmem:v3+s19+$0x0 ss:$0x1], $0xffff  }
0x173: {  	s20 =	sor.u32 $0x130, s2;
	[tilespmem:v1+s8+$0x0 ss:$0x1] =	vst.idx.msk $0xffff, v5;
	v10 =	vadd.s32 v10, v2;
	v5 =	vld.idx.msk [tilespmem:v9+s14+$0x0], $0xffff  }
0x174: {  	v12 =	vmul.f32 v21, v12;
	v4 =	vadd.f32 v4, v8;
	v8 =	vld.idx.msk [tilespmem:v3+s20+$0x0 ss:$0x1], $0xffff;
	v6 =	vadd.f32 $2.000000000e+00, v6  }
0x175: {  	v9 =	vld.idx.msk [tilespmem:v9+s30+$0x0], $0xffff  }
0x176: {  	s21 =	sor.u32 $0x30, s2;
	v12 =	vadd.f32 v12, v13;
	[tilespmem:v1+s9+$0x0 ss:$0x1] =	vst.idx.msk $0xffff, v4;
	v4 =	vmul.f32 $6.375000000e+01, v6  }
0x177: {  	v7 =	vmul.f32 v19, v7;
	v6 =	vld.idx.msk [tilespmem:v3+s21+$0x0 ss:$0x1], $0xffff  }
0x178: {  	s22 =	sor.u32 $0xF0, s0;
	[tilespmem:v1+s29+$0x0 ss:$0x1] =	vst.idx.msk $0xffff, v12;
	v13 =	vld.idx.msk [tilespmem:v10+s14+$0x0], $0xffff;
	v17 =	vmax.f32 v4, $0.0e+00;
	v5 =	vmul.f32 v5, v15  }
0x179: {  	v12 =	vld.idx.msk [tilespmem:v3+s22+$0x0 ss:$0x1], $0xffff;
	v11 =	vadd.f32 $2.000000000e+00, v11;
	v7 =	vadd.f32 v7, v14;
	v15 =	vmin.f32 v17, $2.540000000e+02  }
0x17a: {  	v10 =	vld.idx.msk [tilespmem:v10+s30+$0x0], $0xffff;
	v8 =	vadd.f32 $2.000000000e+00, v8;
	v15 =	vtrunc.f32 v15;
	v5 =	vadd.f32 v5, v9  }
0x17b: {  	[tilespmem:v1+s10+$0x0 ss:$0x1] =	vst.idx.msk $0xffff, v7;
	v9 =	vmul.f32 $6.375000000e+01, v11;
	v11 =	vcvt.f32.s32 v15  }
0x17c: {  	v8 =	vmul.f32 $6.375000000e+01, v8;
	v6 =	vadd.f32 $2.000000000e+00, v6;
	[tilespmem:v1+s16+$0x0 ss:$0x1] =	vst.idx.msk $0xffff, v5;
	s16 =	sor.u32 $0x1C0, s2  }
0x17d: {  	s23 =	sor.u32 $0x170, s0;
	v5 =	vmul.f32 v13, v16;
	v13 =	vmax.f32 v9, $0.0e+00;
	v11 =	vadd.s32 v11, v2;
	v14 =	vld.idx.msk [tilespmem:v3+s16+$0x0 ss:$0x1], $0xffff  }
0x17e: {  	v12 =	vadd.f32 $2.000000000e+00, v12;
	v15 =	vld.idx.msk [tilespmem:v3+s23+$0x0 ss:$0x1], $0xffff;
	v6 =	vmul.f32 $6.375000000e+01, v6;
	v7 =	vmin.f32 v13, $2.540000000e+02  }
0x17f: {  	v13 =	vmax.f32 v8, $0.0e+00;
	v5 =	vadd.f32 v5, v10;
	v7 =	vtrunc.f32 v7  }
0x180: {  	v10 =	vmin.f32 v13, $2.540000000e+02;
	v13 =	vmax.f32 v6, $0.0e+00;
	v7 =	vcvt.f32.s32 v7  }
0x181: {  	v12 =	vmul.f32 $6.375000000e+01, v12;
	v10 =	vtrunc.f32 v10;
	v13 =	vmin.f32 v13, $2.540000000e+02  }
0x182: {  	v10 =	vcvt.f32.s32 v10;
	v7 =	vadd.s32 v7, v2;
	v16 =	vld.idx.msk [tilespmem:v11+s14+$0x0], $0xffff;
	v14 =	vadd.f32 $2.000000000e+00, v14  }
0x183: {  	[tilespmem:v1+s17+$0x0 ss:$0x1] =	vst.idx.msk $0xffff, v5;
	v5 =	vadd.f32 $2.000000000e+00, v15;
	v15 =	vmax.f32 v12, $0.0e+00;
	v13 =	vtrunc.f32 v13  }
0x184: {  	s25 =	sor.u32 $0x70, s0;
	v10 =	vadd.s32 v10, v2;
	v13 =	vcvt.f32.s32 v13;
	v11 =	vld.idx.msk [tilespmem:v11+s30+$0x0], $0xffff;
	v14 =	vmul.f32 $6.375000000e+01, v14  }
0x185: {  	v17 =	vld.idx.msk [tilespmem:v3+s25+$0x0 ss:$0x1], $0xffff;
	v15 =	vmin.f32 v15, $2.540000000e+02  }
0x186: {  	v5 =	vmul.f32 $6.375000000e+01, v5;
	v13 =	vadd.s32 v13, v2;
	v18 =	vmax.f32 v14, $0.0e+00  }
0x187: {  	v15 =	vtrunc.f32 v15;
	v19 =	vld.idx.msk [tilespmem:v7+s14+$0x0], $0xffff;
	v4 =	vmul.f32 v16, v4;
	v16 =	vmin.f32 v18, $2.540000000e+02  }
0x188: {  	v15 =	vcvt.f32.s32 v15;
	v7 =	vld.idx.msk [tilespmem:v7+s30+$0x0], $0xffff;
	v18 =	vmax.f32 v5, $0.0e+00;
	v16 =	vtrunc.f32 v16  }
0x189: {  	v20 =	vld.idx.msk [tilespmem:v10+s14+$0x0], $0xffff;
	v18 =	vmin.f32 v18, $2.540000000e+02;
	v4 =	vadd.f32 v4, v11;
	v11 =	vcvt.f32.s32 v16  }
0x18a: {  	v15 =	vadd.s32 v15, v2;
	v17 =	vadd.f32 $2.000000000e+00, v17;
	v10 =	vld.idx.msk [tilespmem:v10+s30+$0x0], $0xffff;
	v16 =	vtrunc.f32 v18  }
0x18b: {  	v18 =	vld.idx.msk [tilespmem:v13+s14+$0x0], $0xffff;
	v16 =	vcvt.f32.s32 v16;
	[tilespmem:v1+s18+$0x0 ss:$0x1] =	vst.idx.msk $0xffff, v4;
	v4 =	vadd.s32 v11, v2  }
0x18c: {  	s26 =	sor.u32 $0x420, s7;
	v13 =	vld.idx.msk [tilespmem:v13+s30+$0x0], $0xffff;
	v11 =	vmul.f32 $6.375000000e+01, v17;
	v9 =	vmul.f32 v19, v9  }
0x18d: {  	v17 =	vld.idx.msk [tilespmem:v3+s26+$0x0 ss:$0x1], $0xffff  }
0x18e: {  	v16 =	vadd.s32 v16, v2;
	v19 =	vmax.f32 v11, $0.0e+00;
	v7 =	vadd.f32 v9, v7  }
0x18f: {  	v8 =	vmul.f32 v20, v8;
	v9 =	vld.idx.msk [tilespmem:v15+s14+$0x0], $0xffff;
	v19 =	vmin.f32 v19, $2.540000000e+02  }
0x190: {  	s28 =	sor.u32 $0xC0, s2;
	v6 =	vmul.f32 v18, v6;
	v19 =	vtrunc.f32 v19;
	[tilespmem:v1+s19+$0x0 ss:$0x1] =	vst.idx.msk $0xffff, v7;
	v7 =	vld.idx.msk [tilespmem:v4+s14+$0x0], $0xffff  }
0x191: {  	v8 =	vadd.f32 v8, v10;
	v18 =	vcvt.f32.s32 v19;
	v19 =	vld.idx.msk [tilespmem:v3+s28+$0x0 ss:$0x1], $0xffff  }
0x192: {  	v6 =	vadd.f32 v6, v13;
	v4 =	vld.idx.msk [tilespmem:v4+s30+$0x0], $0xffff;
	v10 =	vadd.f32 $2.000000000e+00, v17  }
0x193: {  	s29 =	sor.u32 $0x140, s2;
	[tilespmem:v1+s20+$0x0 ss:$0x1] =	vst.idx.msk $0xffff, v8;
	v13 =	vld.idx.msk [tilespmem:v16+s14+$0x0], $0xffff;
	v17 =	vadd.s32 v18, v2  }
0x194: {  	s0 =	sor.u32 $0x40, s2;
	[tilespmem:v1+s21+$0x0 ss:$0x1] =	vst.idx.msk $0xffff, v6;
	v6 =	vld.idx.msk [tilespmem:v3+s29+$0x0 ss:$0x1], $0xffff;
	v8 =	vmul.f32 $6.375000000e+01, v10  }
0x195: {  	v10 =	vld.idx.msk [tilespmem:v3+s0+$0x0 ss:$0x1], $0xffff  }
0x196: {  	v18 =	vmax.f32 v8, $0.0e+00;
	v7 =	vmul.f32 v7, v14;
	v14 =	vld.idx.msk [tilespmem:v15+s30+$0x0], $0xffff  }
0x197: {  	v16 =	vld.idx.msk [tilespmem:v16+s30+$0x0], $0xffff;
	v15 =	vmin.f32 v18, $2.540000000e+02;
	v18 =	vadd.f32 $2.000000000e+00, v19  }
0x198: {  	v9 =	vmul.f32 v9, v12;
	v15 =	vtrunc.f32 v15;
	v4 =	vadd.f32 v7, v4;
	v7 =	vld.idx.msk [tilespmem:v17+s14+$0x0], $0xffff  }
0x199: {  	v15 =	vcvt.f32.s32 v15;
	v12 =	vmul.f32 $6.375000000e+01, v18  }
0x19a: {  	s4 =	sor.u32 $0x1D0, s2;
	v6 =	vadd.f32 $2.000000000e+00, v6;
	[tilespmem:v1+s16+$0x0 ss:$0x1] =	vst.idx.msk $0xffff, v4;
	v4 =	vmul.f32 v13, v5;
	v5 =	vadd.f32 $2.000000000e+00, v10  }
0x19b: {  	v10 =	vadd.s32 v15, v2;
	v13 =	vld.idx.msk [tilespmem:v3+s4+$0x0 ss:$0x1], $0xffff;
	v9 =	vadd.f32 v9, v14;
	v14 =	vmax.f32 v12, $0.0e+00  }
0x19c: {  	v15 =	vmul.f32 $6.375000000e+01, v6;
	v6 =	vmin.f32 v14, $2.540000000e+02;
	v14 =	vmul.f32 $6.375000000e+01, v5  }
0x19d: {  	v4 =	vadd.f32 v4, v16;
	v5 =	vld.idx.msk [tilespmem:v17+s30+$0x0], $0xffff;
	v7 =	vmul.f32 v7, v11  }
0x19e: {  	v6 =	vtrunc.f32 v6;
	v11 =	vmax.f32 v15, $0.0e+00;
	v16 =	vmax.f32 v14, $0.0e+00  }
0x19f: {  	s1 =	sadd.s32 $0x80, s31;
	[tilespmem:v1+s22+$0x0 ss:$0x1] =	vst.idx.msk $0xffff, v9;
	v6 =	vcvt.f32.s32 v6;
	v11 =	vmin.f32 v11, $2.540000000e+02;
	v9 =	vmin.f32 v16, $2.540000000e+02  }
0x1a0: {  	s5 =	sor.u32 $0x400, s1;
	v11 =	vtrunc.f32 v11;
	v16 =	vld.idx.msk [tilespmem:v10+s14+$0x0], $0xffff;
	v13 =	vadd.f32 $2.000000000e+00, v13;
	v9 =	vtrunc.f32 v9  }
0x1a1: {  	s24 =	sadd.s32 $0x100, s31;
	v17 =	vld.idx.msk [tilespmem:v3+s5+$0x0 ss:$0x1], $0xffff;
	[tilespmem:v1+s23+$0x0 ss:$0x1] =	vst.idx.msk $0xffff, v4;
	v11 =	vcvt.f32.s32 v11;
	v4 =	vcvt.f32.s32 v9;
	v9 =	vadd.s32 v6, v2  }
0x1a2: {  	s16 =	sor.u32 $0x400, s24;
	v6 =	vld.idx.msk [tilespmem:v10+s30+$0x0], $0xffff;
	v5 =	vadd.f32 v7, v5;
	v10 =	vmul.f32 $6.375000000e+01, v13  }
0x1a3: {  	v13 =	vld.idx.msk [tilespmem:v3+s16+$0x0 ss:$0x1], $0xffff;
	v7 =	vadd.s32 v11, v2  }
0x1a4: {  	s8 =	sor.u32 $0x400, s31;
	v11 =	vadd.s32 v4, v2;
	[tilespmem:v1+s25+$0x0 ss:$0x1] =	vst.idx.msk $0xffff, v5;
	v4 =	vmax.f32 v10, $0.0e+00  }
0x1a5: {  	v5 =	vmul.f32 v16, v8;
	v4 =	vmin.f32 v4, $2.540000000e+02;
	v8 =	vld.idx.msk [tilespmem:v3+s8+$0x0 ss:$0x1], $0xffff  }
0x1a6: {  	v4 =	vtrunc.f32 v4;
	v16 =	vld.idx.msk [tilespmem:v9+s14+$0x0], $0xffff  }
0x1a7: {  	s19 =	simm.s32 $0x400;
	s20 =	simm.s32 $0x800;
	v9 =	vld.idx.msk [tilespmem:v9+s30+$0x0], $0xffff;
	v5 =	vadd.f32 v5, v6;
	v4 =	vcvt.f32.s32 v4  }
0x1a8: {  	s3 =	sand.u32 $0x200, s19;
	s6 =	sand.u32 $0x3800, s20;
	v6 =	vadd.f32 $2.000000000e+00, v17;
	v13 =	vadd.f32 $2.000000000e+00, v13;
	v17 =	vld.idx.msk [tilespmem:v7+s14+$0x0], $0xffff  }
0x1a9: {  	s17 =	sor.u32 $0x430, s7;
	s6 =	sor.u32 s3, s6;
	v18 =	vld.idx.msk [tilespmem:v11+s14+$0x0], $0xffff;
	[tilespmem:v1+s26+$0x0 ss:$0x1] =	vst.idx.msk $0xffff, v5;
	v19 =	vadd.s32 v4, v2  }
0x1aa: {  	s18 =	sor.u32 $0x180, s6;
	v6 =	vmul.f32 $6.375000000e+01, v6;
	v5 =	vmul.f32 $6.375000000e+01, v13;
	v13 =	vld.idx.msk [tilespmem:v3+s17+$0x0 ss:$0x1], $0xffff  }
0x1ab: {  	s3 =	sor.u32 $0x80, s6;
	v4 =	vadd.f32 $2.000000000e+00, v8;
	v8 =	vld.idx.msk [tilespmem:v3+s18+$0x0 ss:$0x1], $0xffff  }
0x1ac: {  	v23 =	vld.idx.msk [tilespmem:v3+s3+$0x0 ss:$0x1], $0xffff;
	v20 =	vmax.f32 v6, $0.0e+00;
	v21 =	vmax.f32 v5, $0.0e+00  }
0x1ad: {  	v7 =	vld.idx.msk [tilespmem:v7+s30+$0x0], $0xffff;
	v12 =	vmul.f32 v16, v12;
	v20 =	vmin.f32 v20, $2.540000000e+02;
	v4 =	vmul.f32 $6.375000000e+01, v4  }
0x1ae: {  	s21 =	sor.u32 $0x100, s6;
	v21 =	vmin.f32 v21, $2.540000000e+02;
	v15 =	vmul.f32 v17, v15;
	v20 =	vtrunc.f32 v20;
	v22 =	vld.idx.msk [tilespmem:v19+s14+$0x0], $0xffff  }
0x1af: {  	v17 =	vld.idx.msk [tilespmem:v3+s21+$0x0 ss:$0x1], $0xffff;
	v21 =	vtrunc.f32 v21;
	v20 =	vcvt.f32.s32 v20;
	v13 =	vadd.f32 $2.000000000e+00, v13  }
0x1b0: {  	v14 =	vmul.f32 v18, v14;
	v9 =	vadd.f32 v12, v9;
	v16 =	vld.idx.msk [tilespmem:v19+s30+$0x0], $0xffff;
	v8 =	vadd.f32 $2.000000000e+00, v8  }
0x1b1: {  	v12 =	vadd.f32 $2.000000000e+00, v23;
	v19 =	vadd.s32 v20, v2;
	v20 =	vld.idx.msk [tilespmem:v3+s6+$0x0 ss:$0x1], $0xffff;
	v13 =	vmul.f32 $6.375000000e+01, v13  }
0x1b2: {  	v11 =	vld.idx.msk [tilespmem:v11+s30+$0x0], $0xffff;
	v21 =	vcvt.f32.s32 v21;
	v7 =	vadd.f32 v15, v7;
	v8 =	vmul.f32 $6.375000000e+01, v8  }
0x1b3: {  	v12 =	vmul.f32 $6.375000000e+01, v12;
	v10 =	vmul.f32 v22, v10;
	v15 =	vmax.f32 v13, $0.0e+00  }
0x1b4: {  	v18 =	vadd.s32 v21, v2;
	v21 =	vmax.f32 v8, $0.0e+00;
	v15 =	vmin.f32 v15, $2.540000000e+02  }
0x1b5: {  	[tilespmem:v1+s28+$0x0 ss:$0x1] =	vst.idx.msk $0xffff, v9;
	v21 =	vmin.f32 v21, $2.540000000e+02;
	v10 =	vadd.f32 v10, v16;
	v16 =	vadd.f32 $2.000000000e+00, v17  }
0x1b6: {  	s22 =	sor.u32 $0xD0, s2;
	[tilespmem:v1+s29+$0x0 ss:$0x1] =	vst.idx.msk $0xffff, v7;
	v15 =	vtrunc.f32 v15;
	v17 =	vtrunc.f32 v21;
	v20 =	vadd.f32 $2.000000000e+00, v20  }
0x1b7: {  	s19 =	sor.u32 $0x1E0, s2;
	v7 =	vld.idx.msk [tilespmem:v3+s22+$0x0 ss:$0x1], $0xffff;
	v17 =	vcvt.f32.s32 v17;
	[tilespmem:v1+s4+$0x0 ss:$0x1] =	vst.idx.msk $0xffff, v10;
	v10 =	vadd.f32 v14, v11;
	v11 =	vcvt.f32.s32 v15  }
0x1b8: {  	v21 =	vmax.f32 v12, $0.0e+00;
	v14 =	vmul.f32 $6.375000000e+01, v16;
	v20 =	vmul.f32 $6.375000000e+01, v20;
	v15 =	vld.idx.msk [tilespmem:v3+s19+$0x0 ss:$0x1], $0xffff  }
0x1b9: {  	v22 =	vld.idx.msk [tilespmem:v18+s14+$0x0], $0xffff;
	v17 =	vadd.s32 v17, v2;
	v9 =	vadd.s32 v11, v2;
	v11 =	vmin.f32 v21, $2.540000000e+02  }
0x1ba: {  	s23 =	sor.u32 $0x150, s2;
	v18 =	vld.idx.msk [tilespmem:v18+s30+$0x0], $0xffff;
	v21 =	vmax.f32 v14, $0.0e+00;
	v23 =	vmax.f32 v20, $0.0e+00;
	v11 =	vtrunc.f32 v11  }
0x1bb: {  	[tilespmem:v1+s0+$0x0 ss:$0x1] =	vst.idx.msk $0xffff, v10;
	v10 =	vld.idx.msk [tilespmem:v3+s23+$0x0 ss:$0x1], $0xffff;
	v21 =	vmin.f32 v21, $2.540000000e+02;
	v23 =	vmin.f32 v23, $2.540000000e+02;
	v11 =	vcvt.f32.s32 v11  }
0x1bc: {  	s25 =	sor.u32 $0x50, s2;
	v16 =	vld.idx.msk [tilespmem:v19+s14+$0x0], $0xffff;
	v21 =	vtrunc.f32 v21;
	v23 =	vtrunc.f32 v23  }
0x1bd: {  	v24 =	vld.idx.msk [tilespmem:v3+s25+$0x0 ss:$0x1], $0xffff;
	v21 =	vcvt.f32.s32 v21;
	v15 =	vadd.f32 $2.000000000e+00, v15;
	v11 =	vadd.s32 v11, v2  }
0x1be: {  	v26 =	vmax.f32 v4, $0.0e+00;
	v23 =	vcvt.f32.s32 v23;
	v25 =	vld.idx.msk [tilespmem:v17+s14+$0x0], $0xffff  }
0x1bf: {  	v26 =	vmin.f32 v26, $2.540000000e+02;
	v27 =	vld.idx.msk [tilespmem:v9+s14+$0x0], $0xffff;
	v21 =	vadd.s32 v21, v2;
	v15 =	vmul.f32 $6.375000000e+01, v15  }
0x1c0: {  	v7 =	vadd.f32 $2.000000000e+00, v7;
	v17 =	vld.idx.msk [tilespmem:v17+s30+$0x0], $0xffff;
	v23 =	vadd.s32 v23, v2;
	v10 =	vadd.f32 $2.000000000e+00, v10  }
0x1c1: {  	v26 =	vtrunc.f32 v26;
	v9 =	vld.idx.msk [tilespmem:v9+s30+$0x0], $0xffff;
	v28 =	vmax.f32 v15, $0.0e+00  }
0x1c2: {  	v7 =	vmul.f32 $6.375000000e+01, v7;
	v10 =	vmul.f32 $6.375000000e+01, v10;
	v28 =	vmin.f32 v28, $2.540000000e+02;
	v29 =	vld.idx.msk [tilespmem:v11+s14+$0x0], $0xffff  }
0x1c3: {  	v24 =	vadd.f32 $2.000000000e+00, v24;
	v8 =	vmul.f32 v25, v8;
	v11 =	vld.idx.msk [tilespmem:v11+s30+$0x0], $0xffff;
	v25 =	vtrunc.f32 v28  }
0x1c4: {  	v28 =	vmax.f32 v7, $0.0e+00;
	v13 =	vmul.f32 v27, v13;
	v27 =	vld.idx.msk [tilespmem:v21+s14+$0x0], $0xffff;
	v25 =	vcvt.f32.s32 v25  }
0x1c5: {  	v24 =	vmul.f32 $6.375000000e+01, v24;
	v30 =	vld.idx.msk [tilespmem:v23+s14+$0x0], $0xffff;
	v28 =	vmin.f32 v28, $2.540000000e+02;
	v8 =	vadd.f32 v8, v17  }
0x1c6: {  	v21 =	vld.idx.msk [tilespmem:v21+s30+$0x0], $0xffff;
	v17 =	vtrunc.f32 v28;
	v9 =	vadd.f32 v13, v9;
	v13 =	vadd.s32 v25, v2  }
0x1c7: {  	s20 =	sor.u32 $0x190, s6;
	v23 =	vld.idx.msk [tilespmem:v23+s30+$0x0], $0xffff;
	v17 =	vcvt.f32.s32 v17;
	[tilespmem:v1+s18+$0x0 ss:$0x1] =	vst.idx.msk $0xffff, v8;
	v8 =	vcvt.f32.s32 v26;
	v25 =	vmax.f32 v24, $0.0e+00  }
0x1c8: {  	v26 =	vmax.f32 v10, $0.0e+00;
	[tilespmem:v1+s17+$0x0 ss:$0x1] =	vst.idx.msk $0xffff, v9;
	v9 =	vld.idx.msk [tilespmem:v3+s20+$0x0 ss:$0x1], $0xffff;
	v25 =	vmin.f32 v25, $2.540000000e+02;
	v12 =	vmul.f32 v29, v12  }
0x1c9: {  	s26 =	sor.u32 $0x440, s7;
	v19 =	vld.idx.msk [tilespmem:v19+s30+$0x0], $0xffff;
	v26 =	vmin.f32 v26, $2.540000000e+02;
	v17 =	vadd.s32 v17, v2;
	v25 =	vtrunc.f32 v25  }
0x1ca: {  	v28 =	vld.idx.msk [tilespmem:v3+s26+$0x0 ss:$0x1], $0xffff;
	v26 =	vtrunc.f32 v26;
	v14 =	vmul.f32 v27, v14;
	v11 =	vadd.f32 v12, v11  }
0x1cb: {  	v26 =	vcvt.f32.s32 v26;
	v12 =	vmul.f32 v30, v20;
	v27 =	vld.idx.msk [tilespmem:v13+s14+$0x0], $0xffff  }
0x1cc: {  	s28 =	sor.u32 $0x90, s6;
	v25 =	vcvt.f32.s32 v25;
	v14 =	vadd.f32 v14, v21;
	v13 =	vld.idx.msk [tilespmem:v13+s30+$0x0], $0xffff;
	[tilespmem:v1+s3+$0x0 ss:$0x1] =	vst.idx.msk $0xffff, v11  }
0x1cd: {  	v20 =	vadd.s32 v26, v2;
	v12 =	vadd.f32 v12, v23;
	v9 =	vadd.f32 $2.000000000e+00, v9;
	v23 =	vld.idx.msk [tilespmem:v3+s28+$0x0 ss:$0x1], $0xffff  }
0x1ce: {  	s29 =	sor.u32 $0x110, s6;
	v21 =	vadd.s32 v25, v2;
	[tilespmem:v1+s21+$0x0 ss:$0x1] =	vst.idx.msk $0xffff, v14;
	v25 =	vld.idx.msk [tilespmem:v17+s14+$0x0], $0xffff  }
0x1cf: {  	v5 =	vmul.f32 v22, v5;
	v11 =	vadd.f32 $2.000000000e+00, v28;
	v14 =	vld.idx.msk [tilespmem:v3+s29+$0x0 ss:$0x1], $0xffff;
	v9 =	vmul.f32 $6.375000000e+01, v9  }
0x1d0: {  	s15 =	sor.u32 $0x10, s6;
	v6 =	vmul.f32 v16, v6;
	v16 =	vld.idx.msk [tilespmem:v17+s30+$0x0], $0xffff;
	[tilespmem:v1+s6+$0x0 ss:$0x1] =	vst.idx.msk $0xffff, v12;
	v15 =	vmul.f32 v27, v15  }
0x1d1: {  	v5 =	vadd.f32 v5, v18;
	v17 =	vld.idx.msk [tilespmem:v3+s15+$0x0 ss:$0x1], $0xffff;
	v11 =	vmul.f32 $6.375000000e+01, v11;
	v12 =	vmax.f32 v9, $0.0e+00  }
0x1d2: {  	v6 =	vadd.f32 v6, v19;
	v18 =	vld.idx.msk [tilespmem:v20+s14+$0x0], $0xffff;
	v12 =	vmin.f32 v12, $2.540000000e+02;
	v13 =	vadd.f32 v15, v13  }
0x1d3: {  	v19 =	vld.idx.msk [tilespmem:v21+s14+$0x0], $0xffff;
	v22 =	vadd.f32 $2.000000000e+00, v23;
	v15 =	vmax.f32 v11, $0.0e+00;
	v12 =	vtrunc.f32 v12  }
0x1d4: {  	s21 =	sor.u32 $0x1F0, s2;
	v7 =	vmul.f32 v25, v7;
	v15 =	vmin.f32 v15, $2.540000000e+02;
	v12 =	vcvt.f32.s32 v12;
	[tilespmem:v1+s19+$0x0 ss:$0x1] =	vst.idx.msk $0xffff, v13  }
0x1d5: {  	v8 =	vadd.s32 v8, v2;
	v14 =	vadd.f32 $2.000000000e+00, v14;
	v13 =	vtrunc.f32 v15;
	v15 =	vld.idx.msk [tilespmem:v3+s21+$0x0 ss:$0x1], $0xffff  }
0x1d6: {  	v22 =	vmul.f32 $6.375000000e+01, v22;
	v7 =	vadd.f32 v7, v16;
	v12 =	vadd.s32 v12, v2  }
0x1d7: {  	v16 =	vadd.f32 $2.000000000e+00, v17;
	v14 =	vmul.f32 $6.375000000e+01, v14;
	v13 =	vcvt.f32.s32 v13  }
0x1d8: {  	v17 =	vld.idx.msk [tilespmem:v20+s30+$0x0], $0xffff;
	v10 =	vmul.f32 v18, v10;
	v18 =	vmax.f32 v22, $0.0e+00;
	v19 =	vmul.f32 v19, v24  }
0x1d9: {  	v21 =	vld.idx.msk [tilespmem:v21+s30+$0x0], $0xffff;
	v16 =	vmul.f32 $6.375000000e+01, v16;
	v18 =	vmin.f32 v18, $2.540000000e+02;
	v20 =	vmax.f32 v14, $0.0e+00  }
0x1da: {  	v23 =	vld.idx.msk [tilespmem:v8+s14+$0x0], $0xffff;
	v13 =	vadd.s32 v13, v2;
	v18 =	vtrunc.f32 v18;
	v15 =	vadd.f32 $2.000000000e+00, v15  }
0x1db: {  	s10 =	sor.u32 $0x410, s1;
	[tilespmem:v1+s5+$0x0 ss:$0x1] =	vst.idx.msk $0xffff, v6;
	v20 =	vmin.f32 v20, $2.540000000e+02;
	v6 =	vmax.f32 v16, $0.0e+00;
	v18 =	vcvt.f32.s32 v18;
	v24 =	vld.idx.msk [tilespmem:v12+s14+$0x0], $0xffff  }
0x1dc: {  	v25 =	vld.idx.msk [tilespmem:v3+s10+$0x0 ss:$0x1], $0xffff;
	v20 =	vtrunc.f32 v20;
	v6 =	vmin.f32 v6, $2.540000000e+02;
	v15 =	vmul.f32 $6.375000000e+01, v15  }
0x1dd: {  	[tilespmem:v1+s16+$0x0 ss:$0x1] =	vst.idx.msk $0xffff, v5;
	v10 =	vadd.f32 v10, v17;
	v5 =	vtrunc.f32 v6;
	v6 =	vcvt.f32.s32 v20;
	v12 =	vld.idx.msk [tilespmem:v12+s30+$0x0], $0xffff  }
0x1de: {  	s9 =	sor.u32 $0x410, s24;
	v8 =	vld.idx.msk [tilespmem:v8+s30+$0x0], $0xffff;
	[tilespmem:v1+s22+$0x0 ss:$0x1] =	vst.idx.msk $0xffff, v7;
	v7 =	vadd.s32 v18, v2;
	v5 =	vcvt.f32.s32 v5;
	v18 =	vmax.f32 v15, $0.0e+00  }
0x1df: {  	s19 =	sor.u32 $0xE0, s2;
	v17 =	vld.idx.msk [tilespmem:v3+s9+$0x0 ss:$0x1], $0xffff;
	v26 =	vadd.s32 v6, v2;
	v6 =	vadd.f32 v19, v21;
	v18 =	vmin.f32 v18, $2.540000000e+02  }
0x1e0: {  	v20 =	vld.idx.msk [tilespmem:v3+s19+$0x0 ss:$0x1], $0xffff;
	[tilespmem:v1+s23+$0x0 ss:$0x1] =	vst.idx.msk $0xffff, v10;
	v9 =	vmul.f32 v24, v9;
	v10 =	vtrunc.f32 v18  }
0x1e1: {  	s11 =	sor.u32 $0x60, s2;
	v19 =	vld.idx.msk [tilespmem:v13+s14+$0x0], $0xffff;
	[tilespmem:v1+s25+$0x0 ss:$0x1] =	vst.idx.msk $0xffff, v6;
	v18 =	vadd.s32 v5, v2;
	v5 =	vcvt.f32.s32 v10  }
0x1e2: {  	v6 =	vadd.f32 $2.000000000e+00, v25;
	v10 =	vld.idx.msk [tilespmem:v3+s11+$0x0 ss:$0x1], $0xffff;
	v9 =	vadd.f32 v9, v12  }
0x1e3: {  	v12 =	vld.idx.msk [tilespmem:v7+s14+$0x0], $0xffff;
	v24 =	vadd.s32 v5, v2  }
0x1e4: {  	s4 =	sor.u32 $0x1A0, s6;
	v6 =	vmul.f32 $6.375000000e+01, v6;
	v25 =	vld.idx.msk [tilespmem:v26+s14+$0x0], $0xffff;
	[tilespmem:v1+s20+$0x0 ss:$0x1] =	vst.idx.msk $0xffff, v9  }
0x1e5: {  	v9 =	vld.idx.msk [tilespmem:v3+s4+$0x0 ss:$0x1], $0xffff  }
0x1e6: {  	v4 =	vmul.f32 v23, v4;
	v7 =	vld.idx.msk [tilespmem:v7+s30+$0x0], $0xffff;
	v5 =	vadd.f32 $2.000000000e+00, v20;
	v20 =	vmax.f32 v6, $0.0e+00  }
0x1e7: {  	v17 =	vadd.f32 $2.000000000e+00, v17;
	v26 =	vld.idx.msk [tilespmem:v26+s30+$0x0], $0xffff;
	v11 =	vmul.f32 v19, v11;
	v20 =	vmin.f32 v20, $2.540000000e+02  }
0x1e8: {  	v8 =	vadd.f32 v4, v8;
	v5 =	vmul.f32 $6.375000000e+01, v5;
	v4 =	vtrunc.f32 v20;
	v20 =	vld.idx.msk [tilespmem:v24+s14+$0x0], $0xffff  }
0x1e9: {  	v23 =	vld.idx.msk [tilespmem:v18+s14+$0x0], $0xffff;
	v27 =	vcvt.f32.s32 v4;
	v4 =	vmul.f32 $6.375000000e+01, v17  }
0x1ea: {  	s13 =	sor.u32 $0x160, s2;
	v12 =	vmul.f32 v12, v22;
	v17 =	vmax.f32 v5, $0.0e+00;
	v19 =	vld.idx.msk [tilespmem:v24+s30+$0x0], $0xffff;
	v9 =	vadd.f32 $2.000000000e+00, v9  }
0x1eb: {  	v21 =	vld.idx.msk [tilespmem:v3+s13+$0x0 ss:$0x1], $0xffff;
	v14 =	vmul.f32 v25, v14;
	v10 =	vadd.f32 $2.000000000e+00, v10;
	v17 =	vmin.f32 v17, $2.540000000e+02  }
0x1ec: {  	p5 =	por !p5, !p5;
	s5 =	simm.s32 $0x1;
	v18 =	vld.idx.msk [tilespmem:v18+s30+$0x0], $0xffff;
	v24 =	vadd.s32 v27, v2;
	v22 =	vmax.f32 v4, $0.0e+00;
	v9 =	vmul.f32 $6.375000000e+01, v9  }
0x1ed: {  	s5 =	simm.s32 @!p5 $0x0;
	v13 =	vld.idx.msk [tilespmem:v13+s30+$0x0], $0xffff;
	v7 =	vadd.f32 v12, v7;
	v14 =	vadd.f32 v14, v26;
	v12 =	vmul.f32 v20, v15  }
0x1ee: {  	s5 =	sshll.u32 s5, $0x9;
	v10 =	vmul.f32 $6.375000000e+01, v10;
	v15 =	vmul.f32 v23, v16;
	v16 =	vmax.f32 v9, $0.0e+00  }
0x1ef: {  	s16 =	sor.u32 $0xA0, s6;
	v17 =	vtrunc.f32 v17;
	[tilespmem:v1+s28+$0x0 ss:$0x1] =	vst.idx.msk $0xffff, v7;
	s28 =	sadd.s32 $0x400, s5;
	v7 =	vmin.f32 v16, $2.540000000e+02;
	v12 =	vadd.f32 v12, v19  }
0x1f0: {  	v17 =	vcvt.f32.s32 v17;
	[tilespmem:v1+s29+$0x0 ss:$0x1] =	vst.idx.msk $0xffff, v14;
	s5 =	sadd.s32 $0x180, s28;
	v20 =	vadd.f32 $2.000000000e+00, v21;
	v16 =	vld.idx.msk [tilespmem:v3+s16+$0x0 ss:$0x1], $0xffff;
	v7 =	vtrunc.f32 v7  }
0x1f1: {  	v14 =	vmin.f32 v22, $2.540000000e+02;
	s23 =	sor.u32 $0x400, s5;
	v15 =	vadd.f32 v15, v18;
	v7 =	vcvt.f32.s32 v7;
	[tilespmem:v1+s21+$0x0 ss:$0x1] =	vst.idx.msk $0xffff, v12  }
0x1f2: {  	s20 =	sor.u32 $0x120, s6;
	v11 =	vadd.f32 v11, v13;
	v18 =	vmul.f32 $6.375000000e+01, v20;
	v12 =	vtrunc.f32 v14;
	v13 =	vld.idx.msk [tilespmem:v3+s23+$0x0 ss:$0x1], $0xffff  }
0x1f3: {  	s25 =	sor.u32 $0x20, s6;
	v19 =	vld.idx.msk [tilespmem:v3+s20+$0x0 ss:$0x1], $0xffff;
	v20 =	vmax.f32 v10, $0.0e+00;
	[tilespmem:v1+s15+$0x0 ss:$0x1] =	vst.idx.msk $0xffff, v15;
	v7 =	vadd.s32 v7, v2;
	v12 =	vcvt.f32.s32 v12  }
0x1f4: {  	s3 =	sor.u32 $0x450, s7;
	[tilespmem:v1+s26+$0x0 ss:$0x1] =	vst.idx.msk $0xffff, v11;
	v20 =	vmin.f32 v20, $2.540000000e+02;
	v14 =	vadd.s32 v17, v2;
	v15 =	vmax.f32 v18, $0.0e+00;
	v17 =	vld.idx.msk [tilespmem:v3+s25+$0x0 ss:$0x1], $0xffff  }
0x1f5: {  	[tilespmem:v1+s8+$0x0 ss:$0x1] =	vst.idx.msk $0xffff, v8;
	v26 =	vld.idx.msk [tilespmem:v3+s3+$0x0 ss:$0x1], $0xffff;
	v16 =	vadd.f32 $2.000000000e+00, v16;
	v8 =	vadd.s32 v12, v2;
	v12 =	vtrunc.f32 v20  }
0x1f6: {  	v22 =	vld.idx.msk [tilespmem:v24+s14+$0x0], $0xffff;
	v15 =	vmin.f32 v15, $2.540000000e+02;
	v12 =	vcvt.f32.s32 v12  }
0x1f7: {  	v24 =	vld.idx.msk [tilespmem:v24+s30+$0x0], $0xffff;
	v15 =	vtrunc.f32 v15;
	v16 =	vmul.f32 $6.375000000e+01, v16;
	v13 =	vadd.f32 $2.000000000e+00, v13  }
0x1f8: {  	s29 =	sor.u32 $0x410, s31;
	v15 =	vcvt.f32.s32 v15;
	v19 =	vadd.f32 $2.000000000e+00, v19;
	v21 =	vld.idx.msk [tilespmem:v7+s14+$0x0], $0xffff;
	v12 =	vadd.s32 v12, v2  }
0x1f9: {  	v20 =	vld.idx.msk [tilespmem:v3+s29+$0x0 ss:$0x1], $0xffff;
	v17 =	vadd.f32 $2.000000000e+00, v17;
	v23 =	vmax.f32 v16, $0.0e+00;
	v13 =	vmul.f32 $6.375000000e+01, v13  }
0x1fa: {  	v15 =	vadd.s32 v15, v2;
	v19 =	vmul.f32 $6.375000000e+01, v19;
	v7 =	vld.idx.msk [tilespmem:v7+s30+$0x0], $0xffff;
	v23 =	vmin.f32 v23, $2.540000000e+02  }
0x1fb: {  	v27 =	vld.idx.msk [tilespmem:v14+s14+$0x0], $0xffff;
	v17 =	vmul.f32 $6.375000000e+01, v17;
	v23 =	vtrunc.f32 v23;
	v25 =	vmax.f32 v13, $0.0e+00  }
0x1fc: {  	v14 =	vld.idx.msk [tilespmem:v14+s30+$0x0], $0xffff;
	v11 =	vmax.f32 v19, $0.0e+00;
	v23 =	vcvt.f32.s32 v23;
	v25 =	vmin.f32 v25, $2.540000000e+02  }
0x1fd: {  	v28 =	vmax.f32 v17, $0.0e+00;
	v9 =	vmul.f32 v21, v9;
	v29 =	vld.idx.msk [tilespmem:v12+s14+$0x0], $0xffff;
	v21 =	vtrunc.f32 v25  }
0x1fe: {  	v23 =	vadd.s32 v23, v2;
	v12 =	vld.idx.msk [tilespmem:v12+s30+$0x0], $0xffff;
	v25 =	vmin.f32 v28, $2.540000000e+02;
	v21 =	vcvt.f32.s32 v21  }
0x1ff: {  	v11 =	vmin.f32 v11, $2.540000000e+02;
	v28 =	vld.idx.msk [tilespmem:v8+s14+$0x0], $0xffff;
	v7 =	vadd.f32 v9, v7;
	v9 =	vtrunc.f32 v25  }
0x200: {  	v11 =	vtrunc.f32 v11;
	v8 =	vld.idx.msk [tilespmem:v8+s30+$0x0], $0xffff;
	v9 =	vcvt.f32.s32 v9;
	v21 =	vadd.s32 v21, v2  }
0x201: {  	s22 =	sor.u32 $0x1B0, s6;
	v20 =	vadd.f32 $2.000000000e+00, v20;
	v11 =	vcvt.f32.s32 v11;
	v25 =	vld.idx.msk [tilespmem:v15+s14+$0x0], $0xffff;
	[tilespmem:v1+s4+$0x0 ss:$0x1] =	vst.idx.msk $0xffff, v7  }
0x202: {  	v7 =	vld.idx.msk [tilespmem:v3+s22+$0x0 ss:$0x1], $0xffff;
	v9 =	vadd.s32 v9, v2  }
0x203: {  	v20 =	vmul.f32 $6.375000000e+01, v20;
	v11 =	vadd.s32 v11, v2;
	v30 =	vld.idx.msk [tilespmem:v23+s14+$0x0], $0xffff  }
0x204: {  	v23 =	vld.idx.msk [tilespmem:v23+s30+$0x0], $0xffff  }
0x205: {  	v31 =	vmax.f32 v20, $0.0e+00;
	v32 =	vld.idx.msk [tilespmem:v21+s14+$0x0], $0xffff  }
0x206: {  	v26 =	vadd.f32 $2.000000000e+00, v26;
	v31 =	vmin.f32 v31, $2.540000000e+02;
	v21 =	vld.idx.msk [tilespmem:v21+s30+$0x0], $0xffff  }
0x207: {  	v27 =	vmul.f32 v27, v5;
	v31 =	vtrunc.f32 v31;
	v7 =	vadd.f32 $2.000000000e+00, v7;
	v34 =	vld.idx.msk [tilespmem:v9+s14+$0x0], $0xffff  }
0x208: {  	v5 =	vmul.f32 $6.375000000e+01, v26;
	v31 =	vcvt.f32.s32 v31;
	v33 =	vld.idx.msk [tilespmem:v11+s14+$0x0], $0xffff  }
0x209: {  	v16 =	vmul.f32 v30, v16;
	v9 =	vld.idx.msk [tilespmem:v9+s30+$0x0], $0xffff;
	v35 =	vmul.f32 $6.375000000e+01, v7  }
0x20a: {  	v26 =	vadd.s32 v31, v2;
	v7 =	vld.idx.msk [tilespmem:v11+s30+$0x0], $0xffff;
	v11 =	vmul.f32 v32, v13;
	v13 =	vadd.f32 v27, v14  }
0x20b: {  	v16 =	vadd.f32 v16, v23;
	v14 =	vld.idx.msk [tilespmem:v15+s30+$0x0], $0xffff;
	v15 =	vmul.f32 v25, v18;
	v18 =	vmax.f32 v35, $0.0e+00  }
0x20c: {  	s26 =	sor.u32 $0xF0, s2;
	v18 =	vmin.f32 v18, $2.540000000e+02;
	v17 =	vmul.f32 v34, v17;
	v11 =	vadd.f32 v11, v21;
	[tilespmem:v1+s19+$0x0 ss:$0x1] =	vst.idx.msk $0xffff, v13  }
0x20d: {  	s15 =	sor.u32 $0xB0, s6;
	[tilespmem:v1+s16+$0x0 ss:$0x1] =	vst.idx.msk $0xffff, v16;
	v13 =	vmul.f32 v33, v19;
	v18 =	vtrunc.f32 v18;
	v21 =	vld.idx.msk [tilespmem:v3+s26+$0x0 ss:$0x1], $0xffff  }
0x20e: {  	s8 =	sor.u32 $0x410, s5;
	v19 =	vmax.f32 v5, $0.0e+00;
	v18 =	vcvt.f32.s32 v18;
	v9 =	vadd.f32 v17, v9;
	v17 =	vld.idx.msk [tilespmem:v3+s15+$0x0 ss:$0x1], $0xffff;
	[tilespmem:v1+s23+$0x0 ss:$0x1] =	vst.idx.msk $0xffff, v11  }
0x20f: {  	v11 =	vmin.f32 v19, $2.540000000e+02;
	v7 =	vadd.f32 v13, v7;
	v13 =	vld.idx.msk [tilespmem:v3+s8+$0x0 ss:$0x1], $0xffff  }
0x210: {  	s19 =	sor.u32 $0x30, s6;
	v14 =	vadd.f32 v15, v14;
	v15 =	vld.idx.msk [tilespmem:v26+s14+$0x0], $0xffff;
	v16 =	vadd.s32 v18, v2;
	[tilespmem:v1+s25+$0x0 ss:$0x1] =	vst.idx.msk $0xffff, v9  }
0x211: {  	s17 =	sor.u32 $0x130, s6;
	v6 =	vmul.f32 v22, v6;
	v11 =	vtrunc.f32 v11;
	[tilespmem:v1+s20+$0x0 ss:$0x1] =	vst.idx.msk $0xffff, v7;
	v18 =	vld.idx.msk [tilespmem:v3+s19+$0x0 ss:$0x1], $0xffff  }
0x212: {  	s18 =	sor.u32 $0x170, s2;
	v10 =	vmul.f32 v29, v10;
	v7 =	vcvt.f32.s32 v11;
	[tilespmem:v1+s13+$0x0 ss:$0x1] =	vst.idx.msk $0xffff, v14;
	v11 =	vld.idx.msk [tilespmem:v3+s17+$0x0 ss:$0x1], $0xffff  }
0x213: {  	v6 =	vadd.f32 v6, v24;
	v4 =	vmul.f32 v28, v4;
	v14 =	vld.idx.msk [tilespmem:v3+s18+$0x0 ss:$0x1], $0xffff;
	v9 =	vadd.f32 $2.000000000e+00, v21  }
0x214: {  	v10 =	vadd.f32 v10, v12;
	v17 =	vadd.f32 $2.000000000e+00, v17  }
0x215: {  	v4 =	vadd.f32 v4, v8;
	v13 =	vadd.f32 $2.000000000e+00, v13;
	v12 =	vld.idx.msk [tilespmem:v16+s14+$0x0], $0xffff;
	v9 =	vmul.f32 $6.375000000e+01, v9  }
0x216: {  	v7 =	vadd.s32 v7, v2;
	v8 =	vmul.f32 v15, v20;
	v17 =	vmul.f32 $6.375000000e+01, v17  }
0x217: {  	v15 =	vld.idx.msk [tilespmem:v16+s30+$0x0], $0xffff;
	v18 =	vadd.f32 $2.000000000e+00, v18;
	v13 =	vmul.f32 $6.375000000e+01, v13;
	v11 =	vadd.f32 $2.000000000e+00, v11  }
0x218: {  	v20 =	vld.idx.msk [tilespmem:v26+s30+$0x0], $0xffff;
	v16 =	vmax.f32 v9, $0.0e+00;
	v21 =	vmax.f32 v17, $0.0e+00;
	v14 =	vadd.f32 $2.000000000e+00, v14  }
0x219: {  	[tilespmem:v1+s10+$0x0 ss:$0x1] =	vst.idx.msk $0xffff, v6;
	v18 =	vmul.f32 $6.375000000e+01, v18;
	v6 =	vmin.f32 v21, $2.540000000e+02;
	v19 =	vmax.f32 v13, $0.0e+00  }
0x21a: {  	[tilespmem:v1+s11+$0x0 ss:$0x1] =	vst.idx.msk $0xffff, v10;
	v11 =	vmul.f32 $6.375000000e+01, v11;
	v19 =	vmin.f32 v19, $2.540000000e+02;
	v12 =	vmul.f32 v12, v35  }
0x21b: {  	[tilespmem:v1+s9+$0x0 ss:$0x1] =	vst.idx.msk $0xffff, v4;
	v4 =	vmin.f32 v16, $2.540000000e+02;
	v10 =	vtrunc.f32 v6;
	v19 =	vtrunc.f32 v19  }
0x21c: {  	v21 =	vmax.f32 v11, $0.0e+00;
	v19 =	vcvt.f32.s32 v19;
	v12 =	vadd.f32 v12, v15  }
0x21d: {  	s23 =	sor.u32 $0x420, s1;
	v6 =	vld.idx.msk [tilespmem:v7+s14+$0x0], $0xffff;
	v10 =	vcvt.f32.s32 v10;
	v8 =	vadd.f32 v8, v20;
	v21 =	vmin.f32 v21, $2.540000000e+02  }
0x21e: {  	s25 =	sor.u32 $0x1C0, s6;
	v22 =	vmax.f32 v18, $0.0e+00;
	v15 =	vld.idx.msk [tilespmem:v3+s23+$0x0 ss:$0x1], $0xffff;
	v21 =	vtrunc.f32 v21;
	v19 =	vadd.s32 v19, v2;
	[tilespmem:v1+s22+$0x0 ss:$0x1] =	vst.idx.msk $0xffff, v12  }
0x21f: {  	s2 =	sor.u32 $0x70, s2;
	v14 =	vmul.f32 $6.375000000e+01, v14;
	v10 =	vadd.s32 v10, v2;
	v16 =	vcvt.f32.s32 v21;
	v21 =	vld.idx.msk [tilespmem:v3+s25+$0x0 ss:$0x1], $0xffff;
	[smem:$0x7D9] =	sst s24  }
0x220: {  	s9 =	sor.u32 $0x420, s24;
	v12 =	vmin.f32 v22, $2.540000000e+02;
	v20 =	vld.idx.msk [tilespmem:v3+s2+$0x0 ss:$0x1], $0xffff  }
0x221: {  	s13 =	sor.u32 $0x420, s31;
	v23 =	vmax.f32 v14, $0.0e+00;
	v12 =	vtrunc.f32 v12;
	v22 =	vld.idx.msk [tilespmem:v3+s9+$0x0 ss:$0x1], $0xffff;
	[tilespmem:v1+s29+$0x0 ss:$0x1] =	vst.idx.msk $0xffff, v8  }
0x222: {  	v23 =	vmin.f32 v23, $2.540000000e+02;
	v16 =	vadd.s32 v16, v2;
	v12 =	vcvt.f32.s32 v12;
	v24 =	vld.idx.msk [tilespmem:v3+s13+$0x0 ss:$0x1], $0xffff  }
0x223: {  	v4 =	vtrunc.f32 v4;
	v23 =	vtrunc.f32 v23;
	v15 =	vadd.f32 $2.000000000e+00, v15;
	v8 =	vld.idx.msk [tilespmem:v19+s14+$0x0], $0xffff  }
0x224: {  	v4 =	vcvt.f32.s32 v4;
	v23 =	vcvt.f32.s32 v23;
	v25 =	vld.idx.msk [tilespmem:v10+s14+$0x0], $0xffff;
	v12 =	vadd.s32 v12, v2  }
0x225: {  	v15 =	vmul.f32 $6.375000000e+01, v15;
	v19 =	vld.idx.msk [tilespmem:v19+s30+$0x0], $0xffff;
	v21 =	vadd.f32 $2.000000000e+00, v21  }
0x226: {  	v4 =	vadd.s32 v4, v2;
	v10 =	vld.idx.msk [tilespmem:v10+s30+$0x0], $0xffff;
	v23 =	vadd.s32 v23, v2  }
0x227: {  	v26 =	vmax.f32 v15, $0.0e+00;
	v27 =	vld.idx.msk [tilespmem:v16+s14+$0x0], $0xffff;
	v20 =	vadd.f32 $2.000000000e+00, v20;
	v21 =	vmul.f32 $6.375000000e+01, v21  }
0x228: {  	v16 =	vld.idx.msk [tilespmem:v16+s30+$0x0], $0xffff;
	v22 =	vadd.f32 $2.000000000e+00, v22;
	v26 =	vmin.f32 v26, $2.540000000e+02;
	v8 =	vmul.f32 v8, v13  }
0x229: {  	v17 =	vmul.f32 v25, v17;
	v13 =	vtrunc.f32 v26;
	v26 =	vld.idx.msk [tilespmem:v12+s14+$0x0], $0xffff;
	v28 =	vmax.f32 v21, $0.0e+00  }
0x22a: {  	v20 =	vmul.f32 $6.375000000e+01, v20;
	v12 =	vld.idx.msk [tilespmem:v12+s30+$0x0], $0xffff;
	v28 =	vmin.f32 v28, $2.540000000e+02;
	v8 =	vadd.f32 v8, v19  }
0x22b: {  	v10 =	vadd.f32 v17, v10;
	v13 =	vcvt.f32.s32 v13;
	v19 =	vld.idx.msk [tilespmem:v4+s14+$0x0], $0xffff;
	v28 =	vtrunc.f32 v28  }
0x22c: {  	s11 =	sor.u32 $0x420, s5;
	v29 =	vmax.f32 v20, $0.0e+00;
	v11 =	vmul.f32 v27, v11;
	v4 =	vld.idx.msk [tilespmem:v4+s30+$0x0], $0xffff;
	v25 =	vcvt.f32.s32 v28;
	[tilespmem:v1+s8+$0x0 ss:$0x1] =	vst.idx.msk $0xffff, v8  }
0x22d: {  	v13 =	vadd.s32 v13, v2;
	v8 =	vadd.f32 $2.000000000e+00, v24;
	v24 =	vmin.f32 v29, $2.540000000e+02;
	v27 =	vld.idx.msk [tilespmem:v3+s11+$0x0 ss:$0x1], $0xffff  }
0x22e: {  	v28 =	vld.idx.msk [tilespmem:v23+s14+$0x0], $0xffff;
	v11 =	vadd.f32 v11, v16;
	v16 =	vmul.f32 $6.375000000e+01, v22;
	v17 =	vadd.s32 v25, v2  }
0x22f: {  	s16 =	sor.u32 $0xC0, s6;
	[tilespmem:v1+s15+$0x0 ss:$0x1] =	vst.idx.msk $0xffff, v10;
	v22 =	vld.idx.msk [tilespmem:v23+s30+$0x0], $0xffff;
	v24 =	vtrunc.f32 v24;
	v18 =	vmul.f32 v26, v18  }
0x230: {  	s21 =	sor.u32 $0x140, s6;
	v23 =	vld.idx.msk [tilespmem:v3+s16+$0x0 ss:$0x1], $0xffff;
	v24 =	vcvt.f32.s32 v24;
	v8 =	vmul.f32 $6.375000000e+01, v8;
	[tilespmem:v1+s17+$0x0 ss:$0x1] =	vst.idx.msk $0xffff, v11;
	v11 =	vmax.f32 v16, $0.0e+00  }
0x231: {  	v12 =	vadd.f32 v18, v12;
	v9 =	vmul.f32 v19, v9;
	v18 =	vld.idx.msk [tilespmem:v3+s21+$0x0 ss:$0x1], $0xffff;
	v11 =	vmin.f32 v11, $2.540000000e+02  }
0x232: {  	v10 =	vadd.s32 v24, v2;
	v11 =	vtrunc.f32 v11;
	v26 =	vld.idx.msk [tilespmem:v13+s14+$0x0], $0xffff;
	v19 =	vadd.f32 $2.000000000e+00, v27  }
0x233: {  	s0 =	sor.u32 $0x40, s6;
	[tilespmem:v1+s19+$0x0 ss:$0x1] =	vst.idx.msk $0xffff, v12;
	v11 =	vcvt.f32.s32 v11;
	v12 =	vld.idx.msk [tilespmem:v17+s14+$0x0], $0xffff  }
0x234: {  	v14 =	vmul.f32 v28, v14;
	v24 =	vmax.f32 v8, $0.0e+00;
	v25 =	vld.idx.msk [tilespmem:v3+s0+$0x0 ss:$0x1], $0xffff;
	v19 =	vmul.f32 $6.375000000e+01, v19  }
0x235: {  	v9 =	vadd.f32 v9, v4;
	v4 =	vmin.f32 v24, $2.540000000e+02;
	v17 =	vld.idx.msk [tilespmem:v17+s30+$0x0], $0xffff;
	v11 =	vadd.s32 v11, v2  }
0x236: {  	v13 =	vld.idx.msk [tilespmem:v13+s30+$0x0], $0xffff;
	v23 =	vadd.f32 $2.000000000e+00, v23;
	v4 =	vtrunc.f32 v4;
	v24 =	vmax.f32 v19, $0.0e+00  }
0x237: {  	v14 =	vadd.f32 v14, v22;
	v27 =	vcvt.f32.s32 v4;
	v22 =	vld.idx.msk [tilespmem:v10+s14+$0x0], $0xffff;
	v4 =	vmin.f32 v24, $2.540000000e+02  }
0x238: {  	[tilespmem:v1+s26+$0x0 ss:$0x1] =	vst.idx.msk $0xffff, v9;
	v10 =	vld.idx.msk [tilespmem:v10+s30+$0x0], $0xffff;
	v12 =	vmul.f32 v12, v21;
	v21 =	vtrunc.f32 v4  }
0x239: {  	v9 =	vadd.f32 $2.000000000e+00, v18;
	[tilespmem:v1+s18+$0x0 ss:$0x1] =	vst.idx.msk $0xffff, v14;
	v14 =	vmul.f32 $6.375000000e+01, v23;
	v4 =	vld.idx.msk [tilespmem:v7+s30+$0x0], $0xffff;
	v18 =	vcvt.f32.s32 v21  }
0x23a: {  	s29 =	sadd.s32 $0x80, s28;
	v7 =	vadd.s32 v27, v2;
	v24 =	vld.idx.msk [tilespmem:v11+s14+$0x0], $0xffff;
	v21 =	vadd.f32 $2.000000000e+00, v25;
	v12 =	vadd.f32 v12, v17  }
0x23b: {  	s19 =	sor.u32 $0x400, s29;
	v15 =	vmul.f32 v26, v15;
	v11 =	vld.idx.msk [tilespmem:v11+s30+$0x0], $0xffff;
	v18 =	vadd.s32 v18, v2  }
0x23c: {  	s12 =	sor.u32 $0x1D0, s6;
	s26 =	sadd.s32 $0x100, s28;
	v23 =	vmax.f32 v14, $0.0e+00;
	v17 =	vld.idx.msk [tilespmem:v3+s19+$0x0 ss:$0x1], $0xffff;
	v20 =	vmul.f32 v22, v20;
	v21 =	vmul.f32 $6.375000000e+01, v21;
	[tilespmem:v1+s25+$0x0 ss:$0x1] =	vst.idx.msk $0xffff, v12  }
0x23d: {  	v5 =	vmul.f32 v6, v5;
	s18 =	sor.u32 $0x400, s26;
	v9 =	vmul.f32 $6.375000000e+01, v9;
	v12 =	vmin.f32 v23, $2.540000000e+02;
	v23 =	vld.idx.msk [tilespmem:v3+s12+$0x0 ss:$0x1], $0xffff  }
0x23e: {  	v13 =	vadd.f32 v15, v13;
	v22 =	vld.idx.msk [tilespmem:v3+s18+$0x0 ss:$0x1], $0xffff;
	v10 =	vadd.f32 v20, v10;
	v25 =	vmax.f32 v21, $0.0e+00  }
0x23f: {  	s4 =	smov.u32 s24;
	v20 =	vmax.f32 v9, $0.0e+00;
	v12 =	vtrunc.f32 v12;
	v26 =	vld.idx.msk [tilespmem:v7+s14+$0x0], $0xffff;
	v25 =	vmin.f32 v25, $2.540000000e+02  }
0x240: {  	s22 =	simm.s32 $0x600;
	s24 =	simm.s32 $0xC00;
	s17 =	sor.u32 $0x400, s28;
	v20 =	vmin.f32 v20, $2.540000000e+02;
	v12 =	vcvt.f32.s32 v12;
	[tilespmem:v1+s2+$0x0 ss:$0x1] =	vst.idx.msk $0xffff, v10;
	v10 =	vtrunc.f32 v25;
	v25 =	vld.idx.msk [tilespmem:v18+s14+$0x0], $0xffff  }
0x241: {  	s7 =	sand.u32 $0x3800, s24;
	v16 =	vmul.f32 v24, v16;
	v20 =	vtrunc.f32 v20;
	v17 =	vadd.f32 $2.000000000e+00, v17;
	s2 =	sand.u32 $0x200, s22;
	v15 =	vld.idx.msk [tilespmem:v3+s17+$0x0 ss:$0x1], $0xffff  }
0x242: {  	v20 =	vcvt.f32.s32 v20;
	v12 =	vadd.s32 v12, v2;
	s2 =	sor.u32 s2, s7;
	v18 =	vld.idx.msk [tilespmem:v18+s30+$0x0], $0xffff;
	[smem:$0x7D7] =	sst s1;
	v23 =	vadd.f32 $2.000000000e+00, v23  }
0x243: {  	v6 =	vadd.f32 $2.000000000e+00, v22;
	v11 =	vadd.f32 v16, v11;
	v10 =	vcvt.f32.s32 v10;
	v31 =	vld.idx.msk [tilespmem:v3+s2+$0x0 ss:$0x1], $0xffff  }
0x244: {  	s10 =	sor.u32 $0x430, s1;
	v20 =	vadd.s32 v20, v2;
	[tilespmem:v1+s23+$0x0 ss:$0x1] =	vst.idx.msk $0xffff, v13;
	v13 =	vmul.f32 $6.375000000e+01, v17;
	v7 =	vld.idx.msk [tilespmem:v7+s30+$0x0], $0xffff;
	v17 =	vmul.f32 $6.375000000e+01, v23  }
0x245: {  	v10 =	vadd.s32 v10, v2;
	v22 =	vld.idx.msk [tilespmem:v3+s10+$0x0 ss:$0x1], $0xffff;
	v8 =	vmul.f32 v26, v8;
	v19 =	vmul.f32 v25, v19  }
0x246: {  	v23 =	vmul.f32 $6.375000000e+01, v6;
	v6 =	vadd.f32 $2.000000000e+00, v15;
	v24 =	vmax.f32 v17, $0.0e+00  }
0x247: {  	v15 =	vld.idx.msk [tilespmem:v12+s14+$0x0], $0xffff;
	v25 =	vmax.f32 v13, $0.0e+00;
	v24 =	vmin.f32 v24, $2.540000000e+02;
	v18 =	vadd.f32 v19, v18  }
0x248: {  	v12 =	vld.idx.msk [tilespmem:v12+s30+$0x0], $0xffff;
	v28 =	vmul.f32 $6.375000000e+01, v6;
	v31 =	vadd.f32 $2.000000000e+00, v31;
	v6 =	vtrunc.f32 v24  }
0x249: {  	s23 =	sor.u32 $0x430, s5;
	v27 =	vld.idx.msk [tilespmem:v20+s14+$0x0], $0xffff;
	v7 =	vadd.f32 v8, v7;
	v19 =	vmax.f32 v23, $0.0e+00;
	v6 =	vcvt.f32.s32 v6;
	[tilespmem:v1+s11+$0x0 ss:$0x1] =	vst.idx.msk $0xffff, v18  }
0x24a: {  	v24 =	vmin.f32 v25, $2.540000000e+02;
	v22 =	vadd.f32 $2.000000000e+00, v22;
	v19 =	vmin.f32 v19, $2.540000000e+02;
	v25 =	vld.idx.msk [tilespmem:v3+s23+$0x0 ss:$0x1], $0xffff  }
0x24b: {  	s25 =	sor.u32 $0x180, s2;
	v29 =	vld.idx.msk [tilespmem:v10+s14+$0x0], $0xffff;
	v18 =	vtrunc.f32 v24;
	v19 =	vtrunc.f32 v19;
	v30 =	vadd.s32 v6, v2  }
0x24c: {  	v24 =	vmax.f32 v28, $0.0e+00;
	v18 =	vcvt.f32.s32 v18;
	v6 =	vmul.f32 $6.375000000e+01, v22;
	v22 =	vld.idx.msk [tilespmem:v3+s25+$0x0 ss:$0x1], $0xffff  }
0x24d: {  	v20 =	vld.idx.msk [tilespmem:v20+s30+$0x0], $0xffff;
	v14 =	vmul.f32 v15, v14;
	v24 =	vmin.f32 v24, $2.540000000e+02;
	v19 =	vcvt.f32.s32 v19  }
0x24e: {  	s24 =	sor.u32 $0x80, s2;
	v10 =	vld.idx.msk [tilespmem:v10+s30+$0x0], $0xffff;
	v24 =	vtrunc.f32 v24;
	v18 =	vadd.s32 v18, v2;
	v26 =	vmax.f32 v6, $0.0e+00  }
0x24f: {  	v19 =	vadd.s32 v19, v2;
	v15 =	vmin.f32 v26, $2.540000000e+02;
	v26 =	vld.idx.msk [tilespmem:v3+s24+$0x0 ss:$0x1], $0xffff;
	v25 =	vadd.f32 $2.000000000e+00, v25  }
0x250: {  	s7 =	sor.u32 $0x100, s2;
	v9 =	vmul.f32 v27, v9;
	v12 =	vadd.f32 v14, v12;
	v21 =	vmul.f32 v29, v21;
	v27 =	vld.idx.msk [tilespmem:v30+s14+$0x0], $0xffff  }
0x251: {  	v29 =	vld.idx.msk [tilespmem:v3+s7+$0x0 ss:$0x1], $0xffff;
	v15 =	vtrunc.f32 v15;
	v22 =	vadd.f32 $2.000000000e+00, v22;
	v25 =	vmul.f32 $6.375000000e+01, v25  }
0x252: {  	v24 =	vcvt.f32.s32 v24;
	v9 =	vadd.f32 v9, v20;
	v14 =	vcvt.f32.s32 v15;
	v15 =	vld.idx.msk [tilespmem:v30+s30+$0x0], $0xffff  }
0x253: {  	v10 =	vadd.f32 v21, v10;
	v20 =	vld.idx.msk [tilespmem:v18+s14+$0x0], $0xffff;
	v22 =	vmul.f32 $6.375000000e+01, v22;
	v21 =	vmax.f32 v25, $0.0e+00  }
0x254: {  	s15 =	sor.u32 $0x430, s4;
	[tilespmem:v1+s9+$0x0 ss:$0x1] =	vst.idx.msk $0xffff, v11;
	v24 =	vadd.s32 v24, v2;
	v30 =	vld.idx.msk [tilespmem:v19+s14+$0x0], $0xffff;
	v26 =	vadd.f32 $2.000000000e+00, v26;
	v21 =	vmin.f32 v21, $2.540000000e+02  }
0x255: {  	[tilespmem:v1+s13+$0x0 ss:$0x1] =	vst.idx.msk $0xffff, v7;
	v7 =	vld.idx.msk [tilespmem:v3+s15+$0x0 ss:$0x1], $0xffff;
	v17 =	vmul.f32 v27, v17;
	v27 =	vmax.f32 v22, $0.0e+00;
	v21 =	vtrunc.f32 v21  }
0x256: {  	s22 =	sor.u32 $0xD0, s6;
	[tilespmem:v1+s16+$0x0 ss:$0x1] =	vst.idx.msk $0xffff, v12;
	v12 =	vld.idx.msk [tilespmem:v18+s30+$0x0], $0xffff;
	v18 =	vmul.f32 $6.375000000e+01, v26;
	v26 =	vmin.f32 v27, $2.540000000e+02;
	v21 =	vcvt.f32.s32 v21  }
0x257: {  	[tilespmem:v1+s21+$0x0 ss:$0x1] =	vst.idx.msk $0xffff, v9;
	v9 =	vld.idx.msk [tilespmem:v3+s22+$0x0 ss:$0x1], $0xffff;
	s21 =	sor.u32 $0x150, s6;
	v27 =	vadd.f32 $2.000000000e+00, v29;
	v15 =	vadd.f32 v17, v15;
	v17 =	vtrunc.f32 v26  }
0x258: {  	[tilespmem:v1+s0+$0x0 ss:$0x1] =	vst.idx.msk $0xffff, v10;
	v10 =	vld.idx.msk [tilespmem:v3+s21+$0x0 ss:$0x1], $0xffff;
	v26 =	vmax.f32 v18, $0.0e+00;
	v17 =	vcvt.f32.s32 v17;
	v21 =	vadd.s32 v21, v2  }
0x259: {  	v58 =	vld.idx.msk [tilespmem:v24+s14+$0x0], $0xffff;
	v13 =	vmul.f32 v20, v13;
	v16 =	vmul.f32 v30, v23;
	v26 =	vmin.f32 v26, $2.540000000e+02  }
0x25a: {  	s0 =	sor.u32 $0x1E0, s6;
	v20 =	vmul.f32 $6.375000000e+01, v31;
	[tilespmem:v1+s12+$0x0 ss:$0x1] =	vst.idx.msk $0xffff, v15;
	v15 =	vld.idx.msk [tilespmem:v19+s30+$0x0], $0xffff;
	v26 =	vtrunc.f32 v26;
	v17 =	vadd.s32 v17, v2  }
0x25b: {  	s20 =	sor.u32 $0x50, s6;
	v19 =	vmul.f32 $6.375000000e+01, v27;
	v23 =	vld.idx.msk [tilespmem:v3+s0+$0x0 ss:$0x1], $0xffff;
	v26 =	vcvt.f32.s32 v26  }
0x25c: {  	v9 =	vadd.f32 $2.000000000e+00, v9;
	v29 =	vld.idx.msk [tilespmem:v3+s20+$0x0 ss:$0x1], $0xffff;
	v12 =	vadd.f32 v13, v12;
	v13 =	vmax.f32 v20, $0.0e+00  }
0x25d: {  	v13 =	vmin.f32 v13, $2.540000000e+02;
	v27 =	vmax.f32 v19, $0.0e+00;
	v26 =	vadd.s32 v26, v2;
	v30 =	vld.idx.msk [tilespmem:v21+s14+$0x0], $0xffff  }
0x25e: {  	v9 =	vmul.f32 $6.375000000e+01, v9;
	v13 =	vtrunc.f32 v13;
	v27 =	vmin.f32 v27, $2.540000000e+02;
	v21 =	vld.idx.msk [tilespmem:v21+s30+$0x0], $0xffff  }
0x25f: {  	[tilespmem:v1+s19+$0x0 ss:$0x1] =	vst.idx.msk $0xffff, v12;
	v12 =	vcvt.f32.s32 v13;
	v27 =	vtrunc.f32 v27;
	v13 =	vld.idx.msk [tilespmem:v17+s14+$0x0], $0xffff  }
0x260: {  	v24 =	vld.idx.msk [tilespmem:v24+s30+$0x0], $0xffff;
	v10 =	vadd.f32 $2.000000000e+00, v10;
	v8 =	vcvt.f32.s32 v27;
	v23 =	vadd.f32 $2.000000000e+00, v23  }
0x261: {  	v11 =	vmax.f32 v9, $0.0e+00;
	v29 =	vadd.f32 $2.000000000e+00, v29;
	v12 =	vadd.s32 v12, v2;
	v17 =	vld.idx.msk [tilespmem:v17+s30+$0x0], $0xffff  }
0x262: {  	s11 =	sor.u32 $0x410, s29;
	v8 =	vadd.s32 v8, v2;
	v23 =	vmul.f32 $6.375000000e+01, v23;
	v31 =	vld.idx.msk [tilespmem:v26+s14+$0x0], $0xffff;
	v25 =	vmul.f32 v30, v25  }
0x263: {  	v11 =	vmin.f32 v11, $2.540000000e+02;
	v29 =	vmul.f32 $6.375000000e+01, v29;
	v27 =	vmul.f32 v58, v28;
	v28 =	vld.idx.msk [tilespmem:v3+s11+$0x0 ss:$0x1], $0xffff  }
0x264: {  	s16 =	sor.u32 $0x430, s31;
	v30 =	vmax.f32 v23, $0.0e+00;
	v13 =	vmul.f32 v13, v22;
	v21 =	vadd.f32 v25, v21;
	v25 =	vld.idx.msk [tilespmem:v26+s30+$0x0], $0xffff;
	[smem:$0x7DA] =	sst s31  }
0x265: {  	v26 =	vmul.f32 $6.375000000e+01, v10;
	v10 =	vtrunc.f32 v11;
	v11 =	vmin.f32 v30, $2.540000000e+02;
	v22 =	vld.idx.msk [tilespmem:v3+s16+$0x0 ss:$0x1], $0xffff  }
0x266: {  	v10 =	vcvt.f32.s32 v10;
	v11 =	vtrunc.f32 v11;
	v13 =	vadd.f32 v13, v17;
	v17 =	vld.idx.msk [tilespmem:v12+s14+$0x0], $0xffff  }
0x267: {  	v14 =	vadd.s32 v14, v2;
	v18 =	vmul.f32 v31, v18;
	v59 =	vld.idx.msk [tilespmem:v8+s30+$0x0], $0xffff;
	v11 =	vcvt.f32.s32 v11  }
0x268: {  	[tilespmem:v1+s23+$0x0 ss:$0x1] =	vst.idx.msk $0xffff, v21;
	v21 =	vld.idx.msk [tilespmem:v8+s14+$0x0], $0xffff;
	v31 =	vmax.f32 v26, $0.0e+00;
	s23 =	sor.u32 $0x440, s5;
	v60 =	vadd.s32 v10, v2  }
0x269: {  	v30 =	vmax.f32 v29, $0.0e+00;
	[tilespmem:v1+s25+$0x0 ss:$0x1] =	vst.idx.msk $0xffff, v13;
	v8 =	vmin.f32 v31, $2.540000000e+02;
	v10 =	vld.idx.msk [tilespmem:v3+s23+$0x0 ss:$0x1], $0xffff;
	s25 =	sor.u32 $0x190, s2;
	v13 =	vadd.s32 v11, v2  }
0x26a: {  	v8 =	vtrunc.f32 v8;
	v11 =	vadd.f32 v18, v25;
	v25 =	vadd.f32 $2.000000000e+00, v28;
	v28 =	vld.idx.msk [tilespmem:v3+s25+$0x0 ss:$0x1], $0xffff  }
0x26b: {  	v15 =	vadd.f32 v16, v15;
	v12 =	vld.idx.msk [tilespmem:v12+s30+$0x0], $0xffff;
	v18 =	vmin.f32 v30, $2.540000000e+02;
	v30 =	vcvt.f32.s32 v8  }
0x26c: {  	v8 =	vld.idx.msk [tilespmem:v14+s14+$0x0], $0xffff;
	v18 =	vtrunc.f32 v18;
	v17 =	vmul.f32 v17, v20;
	[tilespmem:v1+s24+$0x0 ss:$0x1] =	vst.idx.msk $0xffff, v11  }
0x26d: {  	v11 =	vmul.f32 $6.375000000e+01, v25;
	v16 =	vmul.f32 v21, v19;
	v19 =	vadd.f32 v27, v24;
	v24 =	vld.idx.msk [tilespmem:v60+s14+$0x0], $0xffff  }
0x26e: {  	s4 =	sor.u32 $0x90, s2;
	v18 =	vcvt.f32.s32 v18;
	v21 =	vadd.s32 v30, v2;
	v10 =	vadd.f32 $2.000000000e+00, v10;
	v25 =	vld.idx.msk [tilespmem:v13+s14+$0x0], $0xffff  }
0x26f: {  	v27 =	vld.idx.msk [tilespmem:v3+s4+$0x0 ss:$0x1], $0xffff;
	v20 =	vmax.f32 v11, $0.0e+00;
	v16 =	vadd.f32 v16, v59;
	v28 =	vadd.f32 $2.000000000e+00, v28  }
0x270: {  	v12 =	vadd.f32 v17, v12;
	v13 =	vld.idx.msk [tilespmem:v13+s30+$0x0], $0xffff;
	v17 =	vadd.s32 v18, v2;
	v20 =	vmin.f32 v20, $2.540000000e+02  }
0x271: {  	s8 =	sor.u32 $0x110, s2;
	v18 =	vmul.f32 $6.375000000e+01, v10;
	v10 =	vadd.f32 $2.000000000e+00, v22;
	v22 =	vld.idx.msk [tilespmem:v60+s30+$0x0], $0xffff;
	[tilespmem:v1+s7+$0x0 ss:$0x1] =	vst.idx.msk $0xffff, v16;
	v28 =	vmul.f32 $6.375000000e+01, v28  }
0x272: {  	[tilespmem:v1+s2+$0x0 ss:$0x1] =	vst.idx.msk $0xffff, v12;
	v16 =	vtrunc.f32 v20;
	s7 =	sor.u32 $0x10, s2;
	v20 =	vld.idx.msk [tilespmem:v3+s8+$0x0 ss:$0x1], $0xffff  }
0x273: {  	v12 =	vld.idx.msk [tilespmem:v3+s7+$0x0 ss:$0x1], $0xffff;
	v30 =	vmax.f32 v18, $0.0e+00;
	v23 =	vmul.f32 v25, v23;
	v25 =	vmax.f32 v28, $0.0e+00  }
0x274: {  	v31 =	vld.idx.msk [tilespmem:v21+s14+$0x0], $0xffff;
	v24 =	vmul.f32 v24, v9;
	v30 =	vmin.f32 v30, $2.540000000e+02;
	v25 =	vmin.f32 v25, $2.540000000e+02  }
0x275: {  	v9 =	vld.idx.msk [tilespmem:v14+s30+$0x0], $0xffff;
	v14 =	vadd.f32 $2.000000000e+00, v27;
	v13 =	vadd.f32 v23, v13;
	v23 =	vtrunc.f32 v25  }
0x276: {  	[tilespmem:v1+s18+$0x0 ss:$0x1] =	vst.idx.msk $0xffff, v15;
	v15 =	vld.idx.msk [tilespmem:v17+s14+$0x0], $0xffff;
	v22 =	vadd.f32 v24, v22;
	v25 =	vtrunc.f32 v30;
	v23 =	vcvt.f32.s32 v23  }
0x277: {  	v21 =	vld.idx.msk [tilespmem:v21+s30+$0x0], $0xffff;
	v14 =	vmul.f32 $6.375000000e+01, v14;
	v20 =	vadd.f32 $2.000000000e+00, v20;
	v24 =	vcvt.f32.s32 v25  }
0x278: {  	s12 =	sor.u32 $0x1F0, s6;
	v16 =	vcvt.f32.s32 v16;
	v17 =	vld.idx.msk [tilespmem:v17+s30+$0x0], $0xffff;
	v12 =	vadd.f32 $2.000000000e+00, v12;
	[tilespmem:v1+s0+$0x0 ss:$0x1] =	vst.idx.msk $0xffff, v13;
	v23 =	vadd.s32 v23, v2  }
0x279: {  	s13 =	sor.u32 $0x410, s26;
	v27 =	vmax.f32 v14, $0.0e+00;
	v20 =	vmul.f32 $6.375000000e+01, v20;
	v25 =	vld.idx.msk [tilespmem:v3+s12+$0x0 ss:$0x1], $0xffff;
	v24 =	vadd.s32 v24, v2  }
0x27a: {  	v26 =	vmul.f32 v31, v26;
	[tilespmem:v1+s22+$0x0 ss:$0x1] =	vst.idx.msk $0xffff, v22;
	v13 =	vld.idx.msk [tilespmem:v3+s13+$0x0 ss:$0x1], $0xffff;
	s0 =	sor.u32 $0xE0, s6;
	v22 =	vmul.f32 $6.375000000e+01, v12;
	v12 =	vmin.f32 v27, $2.540000000e+02  }
0x27b: {  	s19 =	sor.u32 $0x410, s28;
	[tilespmem:v1+s17+$0x0 ss:$0x1] =	vst.idx.msk $0xffff, v19;
	v19 =	vld.idx.msk [tilespmem:v3+s0+$0x0 ss:$0x1], $0xffff;
	v15 =	vmul.f32 v15, v29;
	v12 =	vtrunc.f32 v12;
	v27 =	vmax.f32 v20, $0.0e+00  }
0x27c: {  	v29 =	vld.idx.msk [tilespmem:v3+s19+$0x0 ss:$0x1], $0xffff;
	v12 =	vcvt.f32.s32 v12;
	v30 =	vmax.f32 v22, $0.0e+00;
	v27 =	vmin.f32 v27, $2.540000000e+02  }
0x27d: {  	v21 =	vadd.f32 v26, v21;
	v30 =	vmin.f32 v30, $2.540000000e+02;
	v27 =	vtrunc.f32 v27;
	v31 =	vld.idx.msk [tilespmem:v23+s14+$0x0], $0xffff  }
0x27e: {  	v26 =	vadd.s32 v12, v2;
	v27 =	vcvt.f32.s32 v27;
	v25 =	vadd.f32 $2.000000000e+00, v25;
	v61 =	vld.idx.msk [tilespmem:v24+s14+$0x0], $0xffff  }
0x27f: {  	[tilespmem:v1+s21+$0x0 ss:$0x1] =	vst.idx.msk $0xffff, v21;
	v13 =	vadd.f32 $2.000000000e+00, v13;
	v12 =	vadd.f32 v15, v17;
	v21 =	vtrunc.f32 v30;
	v15 =	vld.idx.msk [tilespmem:v23+s30+$0x0], $0xffff  }
0x280: {  	s24 =	sor.u32 $0x160, s6;
	v23 =	vld.idx.msk [tilespmem:v24+s30+$0x0], $0xffff;
	v19 =	vadd.f32 $2.000000000e+00, v19;
	v27 =	vadd.s32 v27, v2;
	v17 =	vmul.f32 $6.375000000e+01, v25  }
0x281: {  	s18 =	sor.u32 $0x60, s6;
	v16 =	vadd.s32 v16, v2;
	[tilespmem:v1+s20+$0x0 ss:$0x1] =	vst.idx.msk $0xffff, v12;
	v12 =	vmul.f32 $6.375000000e+01, v13;
	v13 =	vcvt.f32.s32 v21;
	v21 =	vld.idx.msk [tilespmem:v3+s24+$0x0 ss:$0x1], $0xffff  }
0x282: {  	v19 =	vmul.f32 $6.375000000e+01, v19;
	v25 =	vld.idx.msk [tilespmem:v3+s18+$0x0 ss:$0x1], $0xffff;
	v24 =	vmax.f32 v17, $0.0e+00;
	v28 =	vmul.f32 v31, v28  }
0x283: {  	v30 =	vmax.f32 v12, $0.0e+00;
	v62 =	vld.idx.msk [tilespmem:v26+s14+$0x0], $0xffff;
	v24 =	vmin.f32 v24, $2.540000000e+02;
	v31 =	vadd.s32 v13, v2  }
0x284: {  	v26 =	vld.idx.msk [tilespmem:v26+s30+$0x0], $0xffff;
	v18 =	vmul.f32 v61, v18;
	v13 =	vtrunc.f32 v24;
	v15 =	vadd.f32 v28, v15  }
0x285: {  	v24 =	vmax.f32 v19, $0.0e+00;
	v63 =	vld.idx.msk [tilespmem:v27+s14+$0x0], $0xffff;
	v13 =	vcvt.f32.s32 v13;
	v28 =	vadd.f32 $2.000000000e+00, v29  }
0x286: {  	s20 =	sor.u32 $0x1A0, s2;
	v21 =	vadd.f32 $2.000000000e+00, v21;
	v24 =	vmin.f32 v24, $2.540000000e+02;
	v27 =	vld.idx.msk [tilespmem:v27+s30+$0x0], $0xffff;
	v29 =	vmin.f32 v30, $2.540000000e+02;
	[tilespmem:v1+s25+$0x0 ss:$0x1] =	vst.idx.msk $0xffff, v15  }
0x287: {  	v15 =	vtrunc.f32 v24;
	v24 =	vadd.s32 v13, v2;
	v13 =	vmul.f32 $6.375000000e+01, v28;
	v28 =	vld.idx.msk [tilespmem:v3+s20+$0x0 ss:$0x1], $0xffff  }
0x288: {  	v18 =	vadd.f32 v18, v23;
	v21 =	vmul.f32 $6.375000000e+01, v21;
	v14 =	vmul.f32 v62, v14;
	v23 =	vld.idx.msk [tilespmem:v31+s14+$0x0], $0xffff  }
0x289: {  	v30 =	vld.idx.msk [tilespmem:v16+s14+$0x0], $0xffff;
	v25 =	vadd.f32 $2.000000000e+00, v25;
	v29 =	vtrunc.f32 v29;
	v15 =	vcvt.f32.s32 v15  }
0x28a: {  	v16 =	vld.idx.msk [tilespmem:v16+s30+$0x0], $0xffff;
	v36 =	vmax.f32 v21, $0.0e+00;
	v14 =	vadd.f32 v14, v26;
	v20 =	vmul.f32 v63, v20  }
0x28b: {  	s21 =	sor.u32 $0x450, s5;
	[tilespmem:v1+s23+$0x0 ss:$0x1] =	vst.idx.msk $0xffff, v18;
	v18 =	vmul.f32 $6.375000000e+01, v25;
	v31 =	vld.idx.msk [tilespmem:v31+s30+$0x0], $0xffff;
	v25 =	vmin.f32 v36, $2.540000000e+02;
	v15 =	vadd.s32 v15, v2  }
0x28c: {  	v26 =	vld.idx.msk [tilespmem:v3+s21+$0x0 ss:$0x1], $0xffff;
	v25 =	vtrunc.f32 v25;
	[tilespmem:v1+s4+$0x0 ss:$0x1] =	vst.idx.msk $0xffff, v14;
	v14 =	vmax.f32 v13, $0.0e+00;
	v20 =	vadd.f32 v20, v27  }
0x28d: {  	v37 =	vld.idx.msk [tilespmem:v24+s14+$0x0], $0xffff;
	v14 =	vmin.f32 v14, $2.540000000e+02;
	v27 =	vadd.f32 $2.000000000e+00, v28;
	v22 =	vmul.f32 v23, v22  }
0x28e: {  	s4 =	sor.u32 $0xA0, s2;
	v23 =	vld.idx.msk [tilespmem:v24+s30+$0x0], $0xffff;
	v24 =	vcvt.f32.s32 v25;
	v28 =	vmax.f32 v18, $0.0e+00;
	v14 =	vtrunc.f32 v14  }
0x28f: {  	v29 =	vcvt.f32.s32 v29;
	v25 =	vld.idx.msk [tilespmem:v3+s4+$0x0 ss:$0x1], $0xffff;
	v28 =	vmin.f32 v28, $2.540000000e+02;
	v14 =	vcvt.f32.s32 v14  }
0x290: {  	s5 =	sor.u32 $0x120, s2;
	[tilespmem:v1+s8+$0x0 ss:$0x1] =	vst.idx.msk $0xffff, v20;
	v27 =	vmul.f32 $6.375000000e+01, v27;
	v22 =	vadd.f32 v22, v31;
	v24 =	vadd.s32 v24, v2  }
0x291: {  	v20 =	vadd.s32 v29, v2;
	v29 =	vld.idx.msk [tilespmem:v3+s5+$0x0 ss:$0x1], $0xffff;
	v28 =	vtrunc.f32 v28;
	v14 =	vadd.s32 v14, v2  }
0x292: {  	p5 =	por !p5, !p5;
	s8 =	simm.s32 $0x1;
	v17 =	vmul.f32 v37, v17;
	v31 =	vmax.f32 v27, $0.0e+00;
	[tilespmem:v1+s7+$0x0 ss:$0x1] =	vst.idx.msk $0xffff, v22;
	v22 =	vadd.f32 $2.000000000e+00, v26;
	v26 =	vld.idx.msk [tilespmem:v15+s14+$0x0], $0xffff;
	s7 =	sor.u32 $0x20, s2  }
0x293: {  	v4 =	vadd.f32 v5, v4;
	s8 =	simm.s32 @!p5 $0x0;
	v28 =	vcvt.f32.s32 v28;
	v31 =	vmin.f32 v31, $2.540000000e+02;
	v38 =	vld.idx.msk [tilespmem:v3+s7+$0x0 ss:$0x1], $0xffff  }
0x294: {  	s8 =	sshll.u32 s8, $0x9;
	v25 =	vadd.f32 $2.000000000e+00, v25;
	v17 =	vadd.f32 v17, v23;
	v23 =	vtrunc.f32 v31;
	v31 =	vld.idx.msk [tilespmem:v15+s30+$0x0], $0xffff  }
0x295: {  	v7 =	vadd.f32 $2.000000000e+00, v7;
	v11 =	vmul.f32 v30, v11;
	s25 =	sadd.s32 $0x800, s8;
	v15 =	vmul.f32 $6.375000000e+01, v22;
	v22 =	vld.idx.msk [tilespmem:v24+s14+$0x0], $0xffff  }
0x296: {  	s9 =	sadd.s32 $0x180, s25;
	v23 =	vcvt.f32.s32 v23;
	v25 =	vmul.f32 $6.375000000e+01, v25;
	v24 =	vld.idx.msk [tilespmem:v24+s30+$0x0], $0xffff;
	[tilespmem:v1+s12+$0x0 ss:$0x1] =	vst.idx.msk $0xffff, v17;
	v17 =	vadd.s32 v28, v2  }
0x297: {  	v7 =	vmul.f32 $6.375000000e+01, v7;
	v11 =	vadd.f32 v11, v16;
	s22 =	sor.u32 $0x400, s9;
	v28 =	vadd.f32 $2.000000000e+00, v29;
	v45 =	vld.idx.msk [tilespmem:v14+s30+$0x0], $0xffff  }
0x298: {  	v39 =	vmax.f32 v15, $0.0e+00;
	v29 =	vld.idx.msk [tilespmem:v3+s22+$0x0 ss:$0x1], $0xffff;
	v23 =	vadd.s32 v23, v2;
	v40 =	vmax.f32 v25, $0.0e+00  }
0x299: {  	v19 =	vmul.f32 v26, v19;
	v26 =	vld.idx.msk [tilespmem:v20+s14+$0x0], $0xffff;
	v28 =	vmul.f32 $6.375000000e+01, v28;
	v30 =	vmin.f32 v40, $2.540000000e+02  }
0x29a: {  	[tilespmem:v1+s11+$0x0 ss:$0x1] =	vst.idx.msk $0xffff, v11;
	v20 =	vld.idx.msk [tilespmem:v20+s30+$0x0], $0xffff;
	v11 =	vmin.f32 v39, $2.540000000e+02;
	v32 =	vadd.f32 $2.000000000e+00, v38;
	v30 =	vtrunc.f32 v30  }
0x29b: {  	v19 =	vadd.f32 v19, v31;
	v41 =	vmax.f32 v28, $0.0e+00;
	v30 =	vcvt.f32.s32 v30;
	v31 =	vld.idx.msk [tilespmem:v17+s14+$0x0], $0xffff  }
0x29c: {  	v32 =	vmul.f32 $6.375000000e+01, v32;
	v21 =	vmul.f32 v22, v21;
	v34 =	vmin.f32 v41, $2.540000000e+02;
	v17 =	vld.idx.msk [tilespmem:v17+s30+$0x0], $0xffff  }
0x29d: {  	v22 =	vld.idx.msk [tilespmem:v23+s14+$0x0], $0xffff;
	v29 =	vadd.f32 $2.000000000e+00, v29;
	v34 =	vtrunc.f32 v34;
	v30 =	vadd.s32 v30, v2  }
0x29e: {  	s23 =	sor.u32 $0xF0, s6;
	[tilespmem:v1+s0+$0x0 ss:$0x1] =	vst.idx.msk $0xffff, v19;
	v42 =	vmax.f32 v32, $0.0e+00;
	v23 =	vld.idx.msk [tilespmem:v23+s30+$0x0], $0xffff;
	v21 =	vadd.f32 v21, v24;
	v19 =	vcvt.f32.s32 v34  }
0x29f: {  	v11 =	vtrunc.f32 v11;
	v16 =	vmin.f32 v42, $2.540000000e+02;
	v24 =	vmul.f32 $6.375000000e+01, v29;
	v29 =	vld.idx.msk [tilespmem:v3+s23+$0x0 ss:$0x1], $0xffff  }
0x2a0: {  	s8 =	sor.u32 $0x170, s6;
	v11 =	vcvt.f32.s32 v11;
	[tilespmem:v1+s24+$0x0 ss:$0x1] =	vst.idx.msk $0xffff, v21;
	v16 =	vtrunc.f32 v16;
	v21 =	vld.idx.msk [tilespmem:v14+s14+$0x0], $0xffff;
	v19 =	vadd.s32 v19, v2  }
0x2a1: {  	v16 =	vcvt.f32.s32 v16;
	v44 =	vld.idx.msk [tilespmem:v3+s8+$0x0 ss:$0x1], $0xffff;
	[smem:$0x7D8] =	sst s29;
	v43 =	vmax.f32 v24, $0.0e+00;
	v18 =	vmul.f32 v31, v18  }
0x2a2: {  	v31 =	vadd.s32 v11, v2;
	v34 =	vmin.f32 v43, $2.540000000e+02;
	v22 =	vmul.f32 v22, v27;
	v46 =	vld.idx.msk [tilespmem:v30+s14+$0x0], $0xffff  }
0x2a3: {  	s17 =	sor.u32 $0x420, s29;
	v11 =	vmul.f32 v26, v12;
	v16 =	vadd.s32 v16, v2;
	v26 =	vld.idx.msk [tilespmem:v30+s30+$0x0], $0xffff;
	v27 =	vtrunc.f32 v34  }
0x2a4: {  	v17 =	vadd.f32 v18, v17;
	v14 =	vcvt.f32.s32 v27;
	v27 =	vld.idx.msk [tilespmem:v3+s17+$0x0 ss:$0x1], $0xffff;
	v22 =	vadd.f32 v22, v23  }
0x2a5: {  	v6 =	vmul.f32 v8, v6;
	v20 =	vadd.f32 v11, v20;
	v29 =	vadd.f32 $2.000000000e+00, v29;
	v36 =	vld.idx.msk [tilespmem:v19+s14+$0x0], $0xffff  }
0x2a6: {  	s11 =	sor.u32 $0x1B0, s2;
	v12 =	vmul.f32 v21, v13;
	v19 =	vld.idx.msk [tilespmem:v19+s30+$0x0], $0xffff;
	[tilespmem:v1+s20+$0x0 ss:$0x1] =	vst.idx.msk $0xffff, v22;
	v37 =	vadd.s32 v14, v2  }
0x2a7: {  	v23 =	vmax.f32 v7, $0.0e+00;
	v11 =	vadd.f32 $2.000000000e+00, v44;
	v14 =	vmul.f32 $6.375000000e+01, v29;
	v29 =	vld.idx.msk [tilespmem:v3+s11+$0x0 ss:$0x1], $0xffff  }
0x2a8: {  	v10 =	vmul.f32 $6.375000000e+01, v10;
	v23 =	vmin.f32 v23, $2.540000000e+02;
	v21 =	vadd.f32 v12, v45;
	v13 =	vld.idx.msk [tilespmem:v16+s14+$0x0], $0xffff  }
0x2a9: {  	[tilespmem:v1+s18+$0x0 ss:$0x1] =	vst.idx.msk $0xffff, v17;
	v17 =	vld.idx.msk [tilespmem:v31+s14+$0x0], $0xffff;
	v25 =	vmul.f32 v46, v25;
	v12 =	vmul.f32 $6.375000000e+01, v11;
	v18 =	vmax.f32 v14, $0.0e+00  }
0x2aa: {  	v22 =	vmax.f32 v10, $0.0e+00;
	v23 =	vtrunc.f32 v23;
	v16 =	vld.idx.msk [tilespmem:v16+s30+$0x0], $0xffff;
	v18 =	vmin.f32 v18, $2.540000000e+02  }
0x2ab: {  	v11 =	vadd.f32 $2.000000000e+00, v27;
	v25 =	vadd.f32 v25, v26;
	v26 =	vmax.f32 v12, $0.0e+00;
	v30 =	vld.idx.msk [tilespmem:v37+s14+$0x0], $0xffff  }
0x2ac: {  	v18 =	vtrunc.f32 v18;
	v27 =	vmul.f32 v36, v28;
	v28 =	vld.idx.msk [tilespmem:v37+s30+$0x0], $0xffff;
	v29 =	vadd.f32 $2.000000000e+00, v29  }
0x2ad: {  	s6 =	sor.u32 $0x70, s6;
	v26 =	vmin.f32 v26, $2.540000000e+02;
	v11 =	vmul.f32 $6.375000000e+01, v11;
	[tilespmem:v1+s4+$0x0 ss:$0x1] =	vst.idx.msk $0xffff, v25;
	v25 =	vld.idx.msk [tilespmem:v31+s30+$0x0], $0xffff;
	v13 =	vmul.f32 v13, v32  }
0x2ae: {  	[tilespmem:v1+s13+$0x0 ss:$0x1] =	vst.idx.msk $0xffff, v20;
	v31 =	vld.idx.msk [tilespmem:v3+s6+$0x0 ss:$0x1], $0xffff;
	v26 =	vtrunc.f32 v26;
	s4 =	sor.u32 $0xB0, s2;
	v19 =	vadd.f32 v27, v19;
	v29 =	vmul.f32 $6.375000000e+01, v29  }
0x2af: {  	v18 =	vcvt.f32.s32 v18;
	v20 =	vcvt.f32.s32 v26;
	v13 =	vadd.f32 v13, v16;
	v16 =	vld.idx.msk [tilespmem:v3+s4+$0x0 ss:$0x1], $0xffff;
	[smem:$0x7DD] =	sst s26  }
0x2b0: {  	[tilespmem:v1+s5+$0x0 ss:$0x1] =	vst.idx.msk $0xffff, v19;
	v19 =	vmax.f32 v11, $0.0e+00;
	s5 =	sor.u32 $0x130, s2;
	v24 =	vmul.f32 v30, v24;
	v26 =	vmax.f32 v29, $0.0e+00  }
0x2b1: {  	[tilespmem:v1+s7+$0x0 ss:$0x1] =	vst.idx.msk $0xffff, v13;
	v13 =	vmin.f32 v19, $2.540000000e+02;
	v19 =	vadd.s32 v20, v2;
	v20 =	vld.idx.msk [tilespmem:v3+s5+$0x0 ss:$0x1], $0xffff;
	v26 =	vmin.f32 v26, $2.540000000e+02  }
0x2b2: {  	v22 =	vmin.f32 v22, $2.540000000e+02;
	v24 =	vadd.f32 v24, v28;
	v26 =	vtrunc.f32 v26  }
0x2b3: {  	s24 =	sor.u32 $0x30, s2;
	v5 =	vtrunc.f32 v22;
	v18 =	vadd.s32 v18, v2;
	v26 =	vcvt.f32.s32 v26  }
0x2b4: {  	s18 =	sor.u32 $0x420, s26;
	s13 =	smov.u32 s26;
	v23 =	vcvt.f32.s32 v23;
	v5 =	vcvt.f32.s32 v5;
	s26 =	sor.u32 $0x410, s9;
	v16 =	vadd.f32 $2.000000000e+00, v16;
	[tilespmem:v1+s22+$0x0 ss:$0x1] =	vst.idx.msk $0xffff, v24;
	v24 =	vld.idx.msk [tilespmem:v3+s24+$0x0 ss:$0x1], $0xffff  }
0x2b5: {  	v15 =	vmul.f32 v17, v15;
	[tilespmem:v1+s19+$0x0 ss:$0x1] =	vst.idx.msk $0xffff, v21;
	v21 =	vld.idx.msk [tilespmem:v3+s26+$0x0 ss:$0x1], $0xffff;
	v22 =	vadd.s32 v26, v2  }
0x2b6: {  	v6 =	vadd.f32 v6, v9;
	s20 =	sor.u32 $0x420, s28;
	v27 =	vld.idx.msk [tilespmem:v3+s18+$0x0 ss:$0x1], $0xffff;
	[smem:$0x7DE] =	sst s28;
	v20 =	vadd.f32 $2.000000000e+00, v20;
	v16 =	vmul.f32 $6.375000000e+01, v16  }
0x2b7: {  	v23 =	vadd.s32 v23, v2;
	v5 =	vadd.s32 v5, v2;
	v15 =	vadd.f32 v15, v25;
	v17 =	vld.idx.msk [tilespmem:v3+s20+$0x0 ss:$0x1], $0xffff  }
0x2b8: {  	v13 =	vtrunc.f32 v13;
	v26 =	vld.idx.msk [tilespmem:v18+s14+$0x0], $0xffff;
	v20 =	vmul.f32 $6.375000000e+01, v20;
	v28 =	vmax.f32 v16, $0.0e+00  }
0x2b9: {  	v13 =	vcvt.f32.s32 v13;
	v25 =	vld.idx.msk [tilespmem:v19+s14+$0x0], $0xffff;
	v28 =	vmin.f32 v28, $2.540000000e+02;
	v24 =	vadd.f32 $2.000000000e+00, v24  }
0x2ba: {  	v47 =	vmax.f32 v20, $0.0e+00;
	v28 =	vtrunc.f32 v28;
	v21 =	vadd.f32 $2.000000000e+00, v21;
	v8 =	vld.idx.msk [tilespmem:v22+s14+$0x0], $0xffff  }
0x2bb: {  	v18 =	vld.idx.msk [tilespmem:v18+s30+$0x0], $0xffff;
	v9 =	vmin.f32 v47, $2.540000000e+02;
	v28 =	vcvt.f32.s32 v28;
	v24 =	vmul.f32 $6.375000000e+01, v24  }
0x2bc: {  	v13 =	vadd.s32 v13, v2;
	v19 =	vld.idx.msk [tilespmem:v19+s30+$0x0], $0xffff;
	v9 =	vtrunc.f32 v9;
	v21 =	vmul.f32 $6.375000000e+01, v21  }
0x2bd: {  	[tilespmem:v1+s10+$0x0 ss:$0x1] =	vst.idx.msk $0xffff, v6;
	v6 =	vadd.f32 $2.000000000e+00, v31;
	v22 =	vld.idx.msk [tilespmem:v22+s30+$0x0], $0xffff;
	v9 =	vcvt.f32.s32 v9  }
0x2be: {  	v50 =	vld.idx.msk [tilespmem:v23+s14+$0x0], $0xffff;
	v28 =	vadd.s32 v28, v2;
	v48 =	vmax.f32 v24, $0.0e+00;
	v49 =	vmax.f32 v21, $0.0e+00  }
0x2bf: {  	[tilespmem:v1+s3+$0x0 ss:$0x1] =	vst.idx.msk $0xffff, v4;
	v51 =	vld.idx.msk [tilespmem:v5+s14+$0x0], $0xffff;
	v4 =	vmin.f32 v48, $2.540000000e+02;
	v33 =	vmin.f32 v49, $2.540000000e+02;
	v8 =	vmul.f32 v8, v29  }
0x2c0: {  	[tilespmem:v1+s21+$0x0 ss:$0x1] =	vst.idx.msk $0xffff, v15;
	v15 =	vld.idx.msk [tilespmem:v23+s30+$0x0], $0xffff;
	v9 =	vadd.s32 v9, v2;
	v4 =	vtrunc.f32 v4;
	v29 =	vtrunc.f32 v33  }
0x2c1: {  	v30 =	vld.idx.msk [tilespmem:v13+s14+$0x0], $0xffff;
	v4 =	vcvt.f32.s32 v4;
	v23 =	vcvt.f32.s32 v29  }
0x2c2: {  	v6 =	vmul.f32 $6.375000000e+01, v6;
	v29 =	vld.idx.msk [tilespmem:v5+s30+$0x0], $0xffff;
	v5 =	vadd.f32 v8, v22  }
0x2c3: {  	v31 =	vld.idx.msk [tilespmem:v28+s14+$0x0], $0xffff;
	v22 =	vadd.s32 v23, v2;
	v23 =	vadd.s32 v4, v2;
	v4 =	vadd.f32 $2.000000000e+00, v27  }
0x2c4: {  	v52 =	vmax.f32 v6, $0.0e+00;
	v17 =	vadd.f32 $2.000000000e+00, v17;
	v14 =	vmul.f32 v26, v14;
	v28 =	vld.idx.msk [tilespmem:v28+s30+$0x0], $0xffff  }
0x2c5: {  	s10 =	sor.u32 $0x1C0, s2;
	v32 =	vmin.f32 v52, $2.540000000e+02;
	v12 =	vmul.f32 v25, v12;
	[tilespmem:v1+s11+$0x0 ss:$0x1] =	vst.idx.msk $0xffff, v5;
	v53 =	vld.idx.msk [tilespmem:v9+s14+$0x0], $0xffff;
	v5 =	vmul.f32 $6.375000000e+01, v4  }
0x2c6: {  	v27 =	vld.idx.msk [tilespmem:v3+s10+$0x0 ss:$0x1], $0xffff;
	v4 =	vmul.f32 $6.375000000e+01, v17;
	v17 =	vtrunc.f32 v32  }
0x2c7: {  	v9 =	vld.idx.msk [tilespmem:v9+s30+$0x0], $0xffff;
	v17 =	vcvt.f32.s32 v17  }
0x2c8: {  	v14 =	vadd.f32 v14, v18;
	v12 =	vadd.f32 v12, v19;
	v16 =	vmul.f32 v31, v16;
	v54 =	vld.idx.msk [tilespmem:v22+s14+$0x0], $0xffff  }
0x2c9: {  	v55 =	vmax.f32 v5, $0.0e+00;
	v56 =	vmax.f32 v4, $0.0e+00;
	v26 =	vld.idx.msk [tilespmem:v23+s14+$0x0], $0xffff;
	v17 =	vadd.s32 v17, v2  }
0x2ca: {  	[tilespmem:v1+s23+$0x0 ss:$0x1] =	vst.idx.msk $0xffff, v14;
	v22 =	vld.idx.msk [tilespmem:v22+s30+$0x0], $0xffff;
	v18 =	vmin.f32 v55, $2.540000000e+02;
	v19 =	vmin.f32 v56, $2.540000000e+02;
	v14 =	vmul.f32 v53, v20  }
0x2cb: {  	s19 =	sor.u32 $0x440, s1;
	v23 =	vld.idx.msk [tilespmem:v23+s30+$0x0], $0xffff;
	v16 =	vadd.f32 v16, v28;
	v25 =	vadd.f32 $2.000000000e+00, v27;
	v18 =	vtrunc.f32 v18  }
0x2cc: {  	v8 =	vld.idx.msk [tilespmem:v3+s19+$0x0 ss:$0x1], $0xffff;
	v19 =	vtrunc.f32 v19;
	v9 =	vadd.f32 v14, v9;
	v14 =	vcvt.f32.s32 v18  }
0x2cd: {  	v13 =	vld.idx.msk [tilespmem:v13+s30+$0x0], $0xffff;
	s23 =	sor.u32 $0xC0, s2;
	[tilespmem:v1+s4+$0x0 ss:$0x1] =	vst.idx.msk $0xffff, v16;
	s4 =	sadd.s32 $0x80, s25;
	v18 =	vcvt.f32.s32 v19;
	v21 =	vmul.f32 v54, v21  }
0x2ce: {  	[tilespmem:v1+s8+$0x0 ss:$0x1] =	vst.idx.msk $0xffff, v12;
	v20 =	vmul.f32 $6.375000000e+01, v25;
	s21 =	sor.u32 $0x400, s4;
	v19 =	vld.idx.msk [tilespmem:v3+s23+$0x0 ss:$0x1], $0xffff;
	v12 =	vmul.f32 v26, v24  }
0x2cf: {  	[tilespmem:v1+s5+$0x0 ss:$0x1] =	vst.idx.msk $0xffff, v9;
	v9 =	vmul.f32 v30, v11;
	v11 =	vld.idx.msk [tilespmem:v3+s21+$0x0 ss:$0x1], $0xffff;
	v21 =	vadd.f32 v21, v22  }
0x2d0: {  	v18 =	vadd.s32 v18, v2;
	v16 =	vmax.f32 v20, $0.0e+00;
	v22 =	vld.idx.msk [tilespmem:v17+s14+$0x0], $0xffff;
	v12 =	vadd.f32 v12, v23  }
0x2d1: {  	s7 =	sor.u32 $0x420, s9;
	v8 =	vadd.f32 $2.000000000e+00, v8;
	v16 =	vmin.f32 v16, $2.540000000e+02;
	v17 =	vld.idx.msk [tilespmem:v17+s30+$0x0], $0xffff;
	[tilespmem:v1+s26+$0x0 ss:$0x1] =	vst.idx.msk $0xffff, v21  }
0x2d2: {  	s11 =	sadd.s32 $0x100, s25;
	v16 =	vtrunc.f32 v16;
	[tilespmem:v1+s24+$0x0 ss:$0x1] =	vst.idx.msk $0xffff, v12;
	v12 =	vadd.s32 v14, v2;
	s26 =	sor.u32 $0x140, s2;
	v14 =	vld.idx.msk [tilespmem:v3+s7+$0x0 ss:$0x1], $0xffff  }
0x2d3: {  	v13 =	vadd.f32 v9, v13;
	v16 =	vcvt.f32.s32 v16;
	s24 =	sor.u32 $0x400, s11;
	v21 =	vmul.f32 $6.375000000e+01, v8;
	v9 =	vld.idx.msk [tilespmem:v3+s26+$0x0 ss:$0x1], $0xffff  }
0x2d4: {  	v10 =	vmul.f32 v51, v10;
	v7 =	vmul.f32 v50, v7;
	v23 =	vld.idx.msk [tilespmem:v3+s24+$0x0 ss:$0x1], $0xffff  }
0x2d5: {  	v26 =	vld.idx.msk [tilespmem:v18+s14+$0x0], $0xffff;
	v16 =	vadd.s32 v16, v2;
	v8 =	vmax.f32 v21, $0.0e+00;
	v6 =	vmul.f32 v22, v6  }
0x2d6: {  	s0 =	sor.u32 $0x40, s2;
	v7 =	vadd.f32 v7, v15;
	v19 =	vadd.f32 $2.000000000e+00, v19;
	v8 =	vmin.f32 v8, $2.540000000e+02  }
0x2d7: {  	v11 =	vadd.f32 $2.000000000e+00, v11;
	v15 =	vld.idx.msk [tilespmem:v3+s0+$0x0 ss:$0x1], $0xffff;
	v8 =	vtrunc.f32 v8;
	v6 =	vadd.f32 v6, v17  }
0x2d8: {  	v17 =	vmul.f32 $6.375000000e+01, v19;
	v14 =	vadd.f32 $2.000000000e+00, v14;
	v24 =	vadd.f32 $2.000000000e+00, v9  }
0x2d9: {  	[tilespmem:v1+s6+$0x0 ss:$0x1] =	vst.idx.msk $0xffff, v6;
	v6 =	vcvt.f32.s32 v8;
	v8 =	vmul.f32 $6.375000000e+01, v11;
	v11 =	vadd.f32 $2.000000000e+00, v23  }
0x2da: {  	s22 =	sor.u32 $0x400, s25;
	v10 =	vadd.f32 v10, v29;
	v4 =	vmul.f32 v26, v4;
	v19 =	vld.idx.msk [tilespmem:v16+s14+$0x0], $0xffff;
	v14 =	vmul.f32 $6.375000000e+01, v14  }
0x2db: {  	[tilespmem:v1+s15+$0x0 ss:$0x1] =	vst.idx.msk $0xffff, v7;
	v23 =	vmax.f32 v17, $0.0e+00;
	v22 =	vld.idx.msk [tilespmem:v3+s22+$0x0 ss:$0x1], $0xffff;
	v24 =	vmul.f32 $6.375000000e+01, v24;
	v9 =	vmul.f32 $6.375000000e+01, v11  }
0x2dc: {  	[tilespmem:v1+s17+$0x0 ss:$0x1] =	vst.idx.msk $0xffff, v13;
	v13 =	vld.idx.msk [tilespmem:v18+s30+$0x0], $0xffff;
	v11 =	vadd.f32 $2.000000000e+00, v15;
	v15 =	vmin.f32 v23, $2.540000000e+02;
	v6 =	vadd.s32 v6, v2  }
0x2dd: {  	v16 =	vld.idx.msk [tilespmem:v16+s30+$0x0], $0xffff;
	s5 =	sld [smem:$0x7D9];
	v15 =	vtrunc.f32 v15;
	v25 =	vmax.f32 v14, $0.0e+00;
	v18 =	vmax.f32 v24, $0.0e+00  }
0x2de: {  	s6 =	sor.u32 $0x430, s29;
	v23 =	vld.idx.msk [tilespmem:v12+s14+$0x0], $0xffff;
	v11 =	vmul.f32 $6.375000000e+01, v11;
	v15 =	vcvt.f32.s32 v15;
	v25 =	vmin.f32 v25, $2.540000000e+02  }
0x2df: {  	v7 =	vld.idx.msk [tilespmem:v3+s6+$0x0 ss:$0x1], $0xffff;
	v19 =	vmul.f32 v19, v20;
	v18 =	vmin.f32 v18, $2.540000000e+02;
	v27 =	vmax.f32 v9, $0.0e+00  }
0x2e0: {  	v12 =	vld.idx.msk [tilespmem:v12+s30+$0x0], $0xffff;
	s5 =	sor.u32 $0x440, s5;
	v20 =	vtrunc.f32 v25;
	v18 =	vtrunc.f32 v18;
	v22 =	vadd.f32 $2.000000000e+00, v22  }
0x2e1: {  	[tilespmem:v1+s16+$0x0 ss:$0x1] =	vst.idx.msk $0xffff, v10;
	v10 =	vld.idx.msk [tilespmem:v3+s5+$0x0 ss:$0x1], $0xffff;
	v20 =	vcvt.f32.s32 v20;
	v25 =	vmax.f32 v11, $0.0e+00;
	v15 =	vadd.s32 v15, v2  }
0x2e2: {  	v16 =	vadd.f32 v19, v16;
	v18 =	vcvt.f32.s32 v18;
	v19 =	vmin.f32 v25, $2.540000000e+02;
	v28 =	vld.idx.msk [tilespmem:v6+s14+$0x0], $0xffff  }
0x2e3: {  	s31 =	sor.u32 $0x440, s31;
	v5 =	vmul.f32 v23, v5;
	v23 =	vmax.f32 v8, $0.0e+00;
	v29 =	vld.idx.msk [tilespmem:v6+s30+$0x0], $0xffff;
	v20 =	vadd.s32 v20, v2  }
0x2e4: {  	s3 =	sor.u32 $0x1D0, s2;
	[tilespmem:v1+s10+$0x0 ss:$0x1] =	vst.idx.msk $0xffff, v16;
	v16 =	vld.idx.msk [tilespmem:v3+s31+$0x0 ss:$0x1], $0xffff;
	v19 =	vtrunc.f32 v19;
	v22 =	vmul.f32 $6.375000000e+01, v22;
	v18 =	vadd.s32 v18, v2  }
0x2e5: {  	v6 =	vmin.f32 v27, $2.540000000e+02;
	v23 =	vmin.f32 v23, $2.540000000e+02;
	v19 =	vcvt.f32.s32 v19;
	v25 =	vld.idx.msk [tilespmem:v3+s3+$0x0 ss:$0x1], $0xffff  }
0x2e6: {  	v6 =	vtrunc.f32 v6;
	v23 =	vtrunc.f32 v23;
	v27 =	vmax.f32 v22, $0.0e+00;
	v31 =	vld.idx.msk [tilespmem:v15+s14+$0x0], $0xffff  }
0x2e7: {  	v23 =	vcvt.f32.s32 v23;
	v19 =	vadd.s32 v19, v2;
	v27 =	vmin.f32 v27, $2.540000000e+02;
	v15 =	vld.idx.msk [tilespmem:v15+s30+$0x0], $0xffff  }
0x2e8: {  	v13 =	vadd.f32 v4, v13;
	v6 =	vcvt.f32.s32 v6;
	v26 =	vtrunc.f32 v27;
	v30 =	vld.idx.msk [tilespmem:v20+s14+$0x0], $0xffff  }
0x2e9: {  	v12 =	vadd.f32 v5, v12;
	v23 =	vadd.s32 v23, v2;
	v5 =	vcvt.f32.s32 v26;
	v26 =	vld.idx.msk [tilespmem:v18+s14+$0x0], $0xffff  }
0x2ea: {  	v4 =	vadd.f32 $2.000000000e+00, v7;
	v27 =	vadd.s32 v6, v2;
	v20 =	vld.idx.msk [tilespmem:v20+s30+$0x0], $0xffff;
	v25 =	vadd.f32 $2.000000000e+00, v25  }
0x2eb: {  	v21 =	vmul.f32 v28, v21;
	v28 =	vadd.s32 v5, v2;
	v5 =	vadd.f32 $2.000000000e+00, v10;
	v10 =	vld.idx.msk [tilespmem:v18+s30+$0x0], $0xffff  }
0x2ec: {  	v57 =	vld.idx.msk [tilespmem:v19+s14+$0x0], $0xffff;
	v25 =	vmul.f32 $6.375000000e+01, v25;
	v17 =	vmul.f32 v31, v17  }
0x2ed: {  	v7 =	vmul.f32 $6.375000000e+01, v4;
	v16 =	vadd.f32 $2.000000000e+00, v16;
	v18 =	vld.idx.msk [tilespmem:v19+s30+$0x0], $0xffff;
	v14 =	vmul.f32 v30, v14  }
0x2ee: {  	v19 =	vld.idx.msk [tilespmem:v23+s14+$0x0], $0xffff;
	v6 =	vmax.f32 v25, $0.0e+00;
	v24 =	vmul.f32 v26, v24;
	v15 =	vadd.f32 v17, v15  }
0x2ef: {  	s12 =	smov.u32 s28;
	s28 =	simm.s32 $0x800;
	s29 =	simm.s32 $0x1000;
	v17 =	vld.idx.msk [tilespmem:v23+s30+$0x0], $0xffff;
	v4 =	vmin.f32 v6, $2.540000000e+02;
	v6 =	vmul.f32 $6.375000000e+01, v5;
	v14 =	vadd.f32 v14, v20  }
0x2f0: {  	s8 =	sand.u32 $0x200, s28;
	s10 =	sand.u32 $0x3800, s29;
	v5 =	vadd.f32 v21, v29;
	v21 =	vld.idx.msk [tilespmem:v27+s14+$0x0], $0xffff;
	v4 =	vtrunc.f32 v4;
	v20 =	vmax.f32 v7, $0.0e+00  }
0x2f1: {  	s10 =	sor.u32 s8, s10;
	s8 =	sor.u32 $0x430, s9;
	v29 =	vcvt.f32.s32 v4;
	v4 =	vmul.f32 $6.375000000e+01, v16;
	v16 =	vmin.f32 v20, $2.540000000e+02;
	v20 =	vld.idx.msk [tilespmem:v28+s14+$0x0], $0xffff;
	[tilespmem:v1+s7+$0x0 ss:$0x1] =	vst.idx.msk $0xffff, v14  }
0x2f2: {  	v24 =	vadd.f32 v24, v10;
	v11 =	vmul.f32 v57, v11;
	v14 =	vmax.f32 v6, $0.0e+00;
	s7 =	sor.u32 $0x180, s10;
	v30 =	vld.idx.msk [tilespmem:v3+s8+$0x0 ss:$0x1], $0xffff  }
0x2f3: {  	s28 =	sor.u32 $0x100, s10;
	v16 =	vtrunc.f32 v16;
	v8 =	vmul.f32 v19, v8;
	v29 =	vadd.s32 v29, v2;
	v31 =	vld.idx.msk [tilespmem:v3+s7+$0x0 ss:$0x1], $0xffff  }
0x2f4: {  	s29 =	sor.u32 $0x80, s10;
	v26 =	vmax.f32 v4, $0.0e+00;
	v14 =	vmin.f32 v14, $2.540000000e+02;
	v11 =	vadd.f32 v11, v18;
	v18 =	vld.idx.msk [tilespmem:v3+s28+$0x0 ss:$0x1], $0xffff  }
0x2f5: {  	v16 =	vcvt.f32.s32 v16;
	v23 =	vmin.f32 v26, $2.540000000e+02;
	v10 =	vtrunc.f32 v14;
	v26 =	vld.idx.msk [tilespmem:v3+s29+$0x0 ss:$0x1], $0xffff  }
0x2f6: {  	v9 =	vmul.f32 v21, v9;
	v14 =	vtrunc.f32 v23  }
0x2f7: {  	[tilespmem:v1+s23+$0x0 ss:$0x1] =	vst.idx.msk $0xffff, v15;
	v10 =	vcvt.f32.s32 v10;
	v15 =	vcvt.f32.s32 v14  }
0x2f8: {  	v8 =	vadd.f32 v8, v17;
	v20 =	vmul.f32 v20, v22;
	v19 =	vld.idx.msk [tilespmem:v29+s14+$0x0], $0xffff;
	v23 =	vadd.f32 $2.000000000e+00, v30  }
0x2f9: {  	v14 =	vadd.s32 v10, v2;
	v21 =	vadd.f32 $2.000000000e+00, v31;
	v30 =	vld.idx.msk [tilespmem:v3+s10+$0x0 ss:$0x1], $0xffff;
	v10 =	vadd.s32 v15, v2  }
0x2fa: {  	s1 =	smov.u32 s25;
	s25 =	sor.u32 $0xD0, s2;
	[tilespmem:v1+s26+$0x0 ss:$0x1] =	vst.idx.msk $0xffff, v24;
	v15 =	vld.idx.msk [tilespmem:v29+s30+$0x0], $0xffff;
	v18 =	vadd.f32 $2.000000000e+00, v18;
	v22 =	vmul.f32 $6.375000000e+01, v23;
	v23 =	vadd.f32 $2.000000000e+00, v26  }
0x2fb: {  	v16 =	vadd.s32 v16, v2;
	v17 =	vmul.f32 $6.375000000e+01, v21;
	v21 =	vld.idx.msk [tilespmem:v3+s25+$0x0 ss:$0x1], $0xffff;
	[tilespmem:v1+s0+$0x0 ss:$0x1] =	vst.idx.msk $0xffff, v11  }
0x2fc: {  	s16 =	sor.u32 $0x150, s2;
	v18 =	vmul.f32 $6.375000000e+01, v18;
	v27 =	vld.idx.msk [tilespmem:v27+s30+$0x0], $0xffff;
	v24 =	vmax.f32 v22, $0.0e+00;
	v23 =	vmul.f32 $6.375000000e+01, v23  }
0x2fd: {  	[tilespmem:v1+s21+$0x0 ss:$0x1] =	vst.idx.msk $0xffff, v8;
	v26 =	vld.idx.msk [tilespmem:v3+s16+$0x0 ss:$0x1], $0xffff;
	v11 =	vmin.f32 v24, $2.540000000e+02;
	v19 =	vmul.f32 v19, v25;
	v24 =	vmax.f32 v17, $0.0e+00  }
0x2fe: {  	s23 =	sor.u32 $0x410, s4;
	[tilespmem:v1+s18+$0x0 ss:$0x1] =	vst.idx.msk $0xffff, v12;
	v8 =	vld.idx.msk [tilespmem:v28+s30+$0x0], $0xffff;
	v29 =	vadd.f32 $2.000000000e+00, v30;
	v11 =	vtrunc.f32 v11;
	v24 =	vmin.f32 v24, $2.540000000e+02  }
0x2ff: {  	[tilespmem:v1+s20+$0x0 ss:$0x1] =	vst.idx.msk $0xffff, v13;
	s21 =	sor.u32 $0x430, s12;
	v28 =	vld.idx.msk [tilespmem:v3+s23+$0x0 ss:$0x1], $0xffff;
	v12 =	vmax.f32 v23, $0.0e+00;
	v11 =	vcvt.f32.s32 v11;
	v24 =	vtrunc.f32 v24  }
0x300: {  	s15 =	sor.u32 $0x50, s2;
	v31 =	vld.idx.msk [tilespmem:v3+s21+$0x0 ss:$0x1], $0xffff;
	v15 =	vadd.f32 v19, v15;
	v21 =	vadd.f32 $2.000000000e+00, v21;
	v19 =	vcvt.f32.s32 v24  }
0x301: {  	s17 =	sor.u32 $0x430, s13;
	v25 =	vld.idx.msk [tilespmem:v3+s15+$0x0 ss:$0x1], $0xffff;
	v24 =	vmul.f32 $6.375000000e+01, v29;
	v9 =	vadd.f32 v9, v27;
	v29 =	vadd.s32 v11, v2  }
0x302: {  	s13 =	sor.u32 $0x1E0, s2;
	[tilespmem:v1+s3+$0x0 ss:$0x1] =	vst.idx.msk $0xffff, v15;
	v15 =	vld.idx.msk [tilespmem:v3+s17+$0x0 ss:$0x1], $0xffff;
	v11 =	vmin.f32 v12, $2.540000000e+02;
	v12 =	vmax.f32 v18, $0.0e+00;
	v19 =	vadd.s32 v19, v2  }
0x303: {  	v13 =	vmax.f32 v24, $0.0e+00;
	v11 =	vtrunc.f32 v11;
	v12 =	vmin.f32 v12, $2.540000000e+02;
	v30 =	vld.idx.msk [tilespmem:v3+s13+$0x0 ss:$0x1], $0xffff  }
0x304: {  	s20 =	sor.u32 $0x410, s11;
	[tilespmem:v1+s24+$0x0 ss:$0x1] =	vst.idx.msk $0xffff, v9;
	v13 =	vmin.f32 v13, $2.540000000e+02;
	v12 =	vtrunc.f32 v12;
	v58 =	vcvt.f32.s32 v11;
	v11 =	vld.idx.msk [tilespmem:v16+s14+$0x0], $0xffff  }
0x305: {  	v44 =	vld.idx.msk [tilespmem:v3+s20+$0x0 ss:$0x1], $0xffff;
	v13 =	vtrunc.f32 v13;
	v12 =	vcvt.f32.s32 v12  }
0x306: {  	v21 =	vmul.f32 $6.375000000e+01, v21;
	v13 =	vcvt.f32.s32 v13;
	v32 =	vadd.s32 v58, v2;
	v59 =	vld.idx.msk [tilespmem:v29+s14+$0x0], $0xffff  }
0x307: {  	v26 =	vadd.f32 $2.000000000e+00, v26;
	v60 =	vadd.s32 v12, v2;
	v29 =	vld.idx.msk [tilespmem:v29+s30+$0x0], $0xffff  }
0x308: {  	v62 =	vmax.f32 v21, $0.0e+00;
	v61 =	vld.idx.msk [tilespmem:v19+s14+$0x0], $0xffff;
	v13 =	vadd.s32 v13, v2  }
0x309: {  	v26 =	vmul.f32 $6.375000000e+01, v26;
	v27 =	vmin.f32 v62, $2.540000000e+02;
	v12 =	vld.idx.msk [tilespmem:v16+s30+$0x0], $0xffff;
	v30 =	vadd.f32 $2.000000000e+00, v30  }
0x30a: {  	v25 =	vadd.f32 $2.000000000e+00, v25;
	v27 =	vtrunc.f32 v27;
	v19 =	vld.idx.msk [tilespmem:v19+s30+$0x0], $0xffff  }
0x30b: {  	v63 =	vmax.f32 v26, $0.0e+00;
	v30 =	vmul.f32 $6.375000000e+01, v30;
	v40 =	vld.idx.msk [tilespmem:v32+s14+$0x0], $0xffff;
	v22 =	vmul.f32 v59, v22  }
0x30c: {  	v25 =	vmul.f32 $6.375000000e+01, v25;
	v9 =	vmin.f32 v63, $2.540000000e+02;
	v27 =	vcvt.f32.s32 v27;
	v41 =	vld.idx.msk [tilespmem:v60+s14+$0x0], $0xffff  }
0x30d: {  	v38 =	vmax.f32 v30, $0.0e+00;
	v17 =	vmul.f32 v61, v17;
	v42 =	vld.idx.msk [tilespmem:v13+s14+$0x0], $0xffff;
	v22 =	vadd.f32 v22, v29  }
0x30e: {  	v16 =	vmax.f32 v25, $0.0e+00;
	v9 =	vtrunc.f32 v9;
	v38 =	vmin.f32 v38, $2.540000000e+02;
	v29 =	vld.idx.msk [tilespmem:v32+s30+$0x0], $0xffff  }
0x30f: {  	v43 =	vtrunc.f32 v38;
	v17 =	vadd.f32 v17, v19;
	[tilespmem:v1+s8+$0x0 ss:$0x1] =	vst.idx.msk $0xffff, v22;
	v22 =	vadd.s32 v27, v2  }
0x310: {  	v16 =	vmin.f32 v16, $2.540000000e+02;
	v9 =	vcvt.f32.s32 v9;
	v13 =	vld.idx.msk [tilespmem:v13+s30+$0x0], $0xffff;
	v27 =	vcvt.f32.s32 v43;
	s8 =	sor.u32 $0x440, s9  }
0x311: {  	v16 =	vtrunc.f32 v16;
	v23 =	vmul.f32 v40, v23;
	[tilespmem:v1+s7+$0x0 ss:$0x1] =	vst.idx.msk $0xffff, v17;
	v17 =	vadd.f32 $2.000000000e+00, v28;
	v28 =	vld.idx.msk [tilespmem:v3+s8+$0x0 ss:$0x1], $0xffff  }
0x312: {  	s12 =	smov.u32 s11;
	s11 =	sor.u32 $0x190, s10;
	v20 =	vadd.f32 v20, v8;
	v8 =	vcvt.f32.s32 v16;
	v19 =	vld.idx.msk [tilespmem:v60+s30+$0x0], $0xffff;
	v16 =	vadd.s32 v27, v2  }
0x313: {  	v27 =	vadd.s32 v9, v2;
	v45 =	vld.idx.msk [tilespmem:v3+s11+$0x0 ss:$0x1], $0xffff;
	v17 =	vmul.f32 $6.375000000e+01, v17;
	v23 =	vadd.f32 v23, v29  }
0x314: {  	v31 =	vadd.f32 $2.000000000e+00, v31;
	v9 =	vmul.f32 v41, v18;
	v29 =	vld.idx.msk [tilespmem:v22+s14+$0x0], $0xffff  }
0x315: {  	s26 =	sor.u32 $0x90, s10;
	v15 =	vadd.f32 $2.000000000e+00, v15;
	v18 =	vadd.s32 v8, v2;
	v8 =	vmax.f32 v17, $0.0e+00;
	v22 =	vld.idx.msk [tilespmem:v22+s30+$0x0], $0xffff;
	[tilespmem:v1+s29+$0x0 ss:$0x1] =	vst.idx.msk $0xffff, v23  }
0x316: {  	v24 =	vmul.f32 v42, v24;
	v8 =	vmin.f32 v8, $2.540000000e+02;
	v28 =	vadd.f32 $2.000000000e+00, v28;
	v23 =	vld.idx.msk [tilespmem:v3+s26+$0x0 ss:$0x1], $0xffff  }
0x317: {  	v9 =	vadd.f32 v9, v19;
	v19 =	vtrunc.f32 v8;
	v8 =	vmul.f32 $6.375000000e+01, v15;
	v15 =	vld.idx.msk [tilespmem:v16+s14+$0x0], $0xffff  }
0x318: {  	v13 =	vadd.f32 v24, v13;
	v49 =	vld.idx.msk [tilespmem:v27+s14+$0x0], $0xffff;
	v24 =	vmul.f32 $6.375000000e+01, v28  }
0x319: {  	s18 =	sor.u32 $0x110, s10;
	[tilespmem:v1+s28+$0x0 ss:$0x1] =	vst.idx.msk $0xffff, v9;
	v9 =	vmul.f32 $6.375000000e+01, v31;
	v31 =	vadd.f32 $2.000000000e+00, v45;
	v19 =	vcvt.f32.s32 v19;
	v28 =	vld.idx.msk [tilespmem:v16+s30+$0x0], $0xffff  }
0x31a: {  	s3 =	sor.u32 $0x10, s10;
	[tilespmem:v1+s10+$0x0 ss:$0x1] =	vst.idx.msk $0xffff, v13;
	v47 =	vld.idx.msk [tilespmem:v3+s18+$0x0 ss:$0x1], $0xffff;
	v13 =	vmul.f32 v29, v21;
	v21 =	vmax.f32 v24, $0.0e+00  }
0x31b: {  	v31 =	vmul.f32 $6.375000000e+01, v31;
	v29 =	vld.idx.msk [tilespmem:v3+s3+$0x0 ss:$0x1], $0xffff;
	v48 =	vadd.s32 v19, v2;
	v21 =	vmin.f32 v21, $2.540000000e+02  }
0x31c: {  	v27 =	vld.idx.msk [tilespmem:v27+s30+$0x0], $0xffff;
	v23 =	vadd.f32 $2.000000000e+00, v23;
	v19 =	vmul.f32 v15, v30;
	v21 =	vtrunc.f32 v21  }
0x31d: {  	v22 =	vadd.f32 v13, v22;
	v13 =	vmax.f32 v31, $0.0e+00;
	v21 =	vcvt.f32.s32 v21  }
0x31e: {  	v30 =	vld.idx.msk [tilespmem:v18+s14+$0x0], $0xffff;
	v26 =	vmul.f32 v49, v26;
	v50 =	vmin.f32 v13, $2.540000000e+02;
	v19 =	vadd.f32 v19, v28  }
0x31f: {  	v15 =	vld.idx.msk [tilespmem:v14+s14+$0x0], $0xffff;
	v28 =	vadd.f32 $2.000000000e+00, v47;
	v51 =	vtrunc.f32 v50;
	v21 =	vadd.s32 v21, v2  }
0x320: {  	v18 =	vld.idx.msk [tilespmem:v18+s30+$0x0], $0xffff;
	v23 =	vmul.f32 $6.375000000e+01, v23;
	v29 =	vadd.f32 $2.000000000e+00, v29;
	v33 =	vcvt.f32.s32 v51  }
0x321: {  	s0 =	sor.u32 $0x1F0, s2;
	v16 =	vadd.f32 $2.000000000e+00, v44;
	v14 =	vld.idx.msk [tilespmem:v14+s30+$0x0], $0xffff;
	v26 =	vadd.f32 v26, v27;
	[tilespmem:v1+s13+$0x0 ss:$0x1] =	vst.idx.msk $0xffff, v19;
	v28 =	vmul.f32 $6.375000000e+01, v28  }
0x322: {  	s7 =	sor.u32 $0xE0, s2;
	[tilespmem:v1+s25+$0x0 ss:$0x1] =	vst.idx.msk $0xffff, v22;
	v52 =	vld.idx.msk [tilespmem:v3+s0+$0x0 ss:$0x1], $0xffff;
	v22 =	vmul.f32 $6.375000000e+01, v29;
	v29 =	vmax.f32 v23, $0.0e+00;
	v33 =	vadd.s32 v33, v2  }
0x323: {  	[tilespmem:v1+s22+$0x0 ss:$0x1] =	vst.idx.msk $0xffff, v20;
	v20 =	vld.idx.msk [tilespmem:v3+s7+$0x0 ss:$0x1], $0xffff;
	v25 =	vmul.f32 v30, v25;
	v29 =	vmin.f32 v29, $2.540000000e+02;
	v53 =	vmax.f32 v28, $0.0e+00  }
0x324: {  	s22 =	sor.u32 $0x410, s1;
	v54 =	vmax.f32 v22, $0.0e+00;
	v29 =	vtrunc.f32 v29;
	v36 =	vmin.f32 v53, $2.540000000e+02;
	v55 =	vld.idx.msk [tilespmem:v21+s14+$0x0], $0xffff  }
0x325: {  	v30 =	vld.idx.msk [tilespmem:v3+s22+$0x0 ss:$0x1], $0xffff;
	v37 =	vmin.f32 v54, $2.540000000e+02;
	v29 =	vcvt.f32.s32 v29;
	v36 =	vtrunc.f32 v36  }
0x326: {  	s25 =	sor.u32 $0x160, s2;
	[tilespmem:v1+s16+$0x0 ss:$0x1] =	vst.idx.msk $0xffff, v26;
	v18 =	vadd.f32 v25, v18;
	v21 =	vld.idx.msk [tilespmem:v21+s30+$0x0], $0xffff;
	v37 =	vtrunc.f32 v37;
	v36 =	vcvt.f32.s32 v36  }
0x327: {  	v57 =	vld.idx.msk [tilespmem:v3+s25+$0x0 ss:$0x1], $0xffff;
	v35 =	vadd.f32 $2.000000000e+00, v52;
	v27 =	vcvt.f32.s32 v37;
	v29 =	vadd.s32 v29, v2  }
0x328: {  	v16 =	vmul.f32 $6.375000000e+01, v16;
	v20 =	vadd.f32 $2.000000000e+00, v20;
	[tilespmem:v1+s15+$0x0 ss:$0x1] =	vst.idx.msk $0xffff, v18;
	v56 =	vld.idx.msk [tilespmem:v33+s14+$0x0], $0xffff;
	v36 =	vadd.s32 v36, v2  }
0x329: {  	s24 =	sor.u32 $0x60, s2;
	v33 =	vld.idx.msk [tilespmem:v33+s30+$0x0], $0xffff;
	v25 =	vmul.f32 $6.375000000e+01, v35;
	v27 =	vadd.s32 v27, v2;
	v18 =	vmul.f32 v55, v24  }
0x32a: {  	v46 =	vmax.f32 v8, $0.0e+00;
	v26 =	vmax.f32 v16, $0.0e+00;
	v30 =	vadd.f32 $2.000000000e+00, v30;
	v58 =	vld.idx.msk [tilespmem:v3+s24+$0x0 ss:$0x1], $0xffff  }
0x32b: {  	v13 =	vld.idx.msk [tilespmem:v10+s14+$0x0], $0xffff;
	v20 =	vmul.f32 $6.375000000e+01, v20;
	v24 =	vmax.f32 v25, $0.0e+00;
	v21 =	vadd.f32 v18, v21  }
0x32c: {  	v26 =	vmin.f32 v26, $2.540000000e+02;
	v61 =	vadd.f32 $2.000000000e+00, v57;
	v24 =	vmin.f32 v24, $2.540000000e+02;
	v39 =	vld.idx.msk [tilespmem:v29+s14+$0x0], $0xffff  }
0x32d: {  	s9 =	sor.u32 $0x450, s9;
	v31 =	vmul.f32 v56, v31;
	v18 =	vmul.f32 $6.375000000e+01, v30;
	v30 =	vmax.f32 v20, $0.0e+00;
	v59 =	vld.idx.msk [tilespmem:v36+s14+$0x0], $0xffff;
	[tilespmem:v1+s8+$0x0 ss:$0x1] =	vst.idx.msk $0xffff, v21  }
0x32e: {  	v24 =	vtrunc.f32 v24;
	v21 =	vtrunc.f32 v26;
	v26 =	vmin.f32 v30, $2.540000000e+02;
	v30 =	vld.idx.msk [tilespmem:v27+s14+$0x0], $0xffff;
	[smem:$0x7E7] =	sst s9  }
0x32f: {  	v62 =	vadd.f32 $2.000000000e+00, v58;
	v24 =	vcvt.f32.s32 v24;
	v31 =	vadd.f32 v31, v33;
	v40 =	vld.idx.msk [tilespmem:v3+s9+$0x0 ss:$0x1], $0xffff  }
0x330: {  	v32 =	vmin.f32 v46, $2.540000000e+02;
	v29 =	vld.idx.msk [tilespmem:v29+s30+$0x0], $0xffff  }
0x331: {  	v33 =	vmul.f32 $6.375000000e+01, v61;
	v35 =	vmul.f32 $6.375000000e+01, v62;
	v24 =	vadd.s32 v24, v2;
	[tilespmem:v1+s11+$0x0 ss:$0x1] =	vst.idx.msk $0xffff, v31;
	v36 =	vld.idx.msk [tilespmem:v36+s30+$0x0], $0xffff  }
0x332: {  	s15 =	sor.u32 $0x1A0, s10;
	v60 =	vmax.f32 v18, $0.0e+00;
	v26 =	vtrunc.f32 v26;
	v21 =	vcvt.f32.s32 v21;
	v27 =	vld.idx.msk [tilespmem:v27+s30+$0x0], $0xffff;
	[tilespmem:v1+s19+$0x0 ss:$0x1] =	vst.idx.msk $0xffff, v5  }
0x333: {  	v26 =	vcvt.f32.s32 v26;
	v31 =	vmin.f32 v60, $2.540000000e+02;
	v41 =	vmax.f32 v35, $0.0e+00;
	v63 =	vld.idx.msk [tilespmem:v3+s15+$0x0 ss:$0x1], $0xffff;
	s29 =	sld [smem:$0x7D7]  }
0x334: {  	v23 =	vmul.f32 v39, v23;
	v22 =	vmul.f32 v30, v22;
	v30 =	vmax.f32 v33, $0.0e+00  }
0x335: {  	v45 =	vld.idx.msk [tilespmem:v48+s14+$0x0], $0xffff;
	v26 =	vadd.s32 v26, v2;
	v28 =	vmul.f32 v59, v28;
	v30 =	vmin.f32 v30, $2.540000000e+02  }
0x336: {  	s13 =	smov.u32 s1;
	s1 =	sor.u32 $0x450, s29;
	v44 =	vld.idx.msk [tilespmem:v24+s14+$0x0], $0xffff;
	v23 =	vadd.f32 v23, v29;
	v29 =	vmin.f32 v41, $2.540000000e+02;
	v30 =	vtrunc.f32 v30  }
0x337: {  	v24 =	vld.idx.msk [tilespmem:v24+s30+$0x0], $0xffff;
	[smem:$0x7E9] =	sst s1;
	v46 =	vadd.f32 $2.000000000e+00, v40;
	v28 =	vadd.f32 v28, v36;
	v30 =	vcvt.f32.s32 v30  }
0x338: {  	v22 =	vadd.f32 v22, v27;
	v38 =	vadd.f32 $2.000000000e+00, v63;
	v5 =	vld.idx.msk [tilespmem:v48+s30+$0x0], $0xffff;
	v29 =	vtrunc.f32 v29  }
0x339: {  	[tilespmem:v1+s26+$0x0 ss:$0x1] =	vst.idx.msk $0xffff, v23;
	v23 =	vld.idx.msk [tilespmem:v3+s1+$0x0 ss:$0x1], $0xffff;
	v34 =	vmul.f32 $6.375000000e+01, v46;
	v27 =	vcvt.f32.s32 v29;
	v29 =	vadd.s32 v30, v2  }
0x33a: {  	v31 =	vtrunc.f32 v31;
	s29 =	sor.u32 $0xA0, s10;
	v48 =	vld.idx.msk [tilespmem:v26+s14+$0x0], $0xffff;
	[tilespmem:v1+s18+$0x0 ss:$0x1] =	vst.idx.msk $0xffff, v28  }
0x33b: {  	v21 =	vadd.s32 v21, v2;
	[tilespmem:v1+s3+$0x0 ss:$0x1] =	vst.idx.msk $0xffff, v22;
	s18 =	sor.u32 $0x20, s10;
	v47 =	vmul.f32 $6.375000000e+01, v38;
	v28 =	vld.idx.msk [tilespmem:v3+s29+$0x0 ss:$0x1], $0xffff;
	v22 =	vmax.f32 v34, $0.0e+00  }
0x33c: {  	s28 =	sor.u32 $0x120, s10;
	v31 =	vcvt.f32.s32 v31;
	v50 =	vld.idx.msk [tilespmem:v3+s18+$0x0 ss:$0x1], $0xffff;
	v25 =	vmul.f32 v44, v25;
	v22 =	vmin.f32 v22, $2.540000000e+02  }
0x33d: {  	v49 =	vld.idx.msk [tilespmem:v3+s28+$0x0 ss:$0x1], $0xffff;
	v27 =	vadd.s32 v27, v2;
	v30 =	vmax.f32 v47, $0.0e+00;
	v22 =	vtrunc.f32 v22  }
0x33e: {  	p5 =	por !p5, !p5;
	s1 =	simm.s32 $0x1;
	v30 =	vmin.f32 v30, $2.540000000e+02;
	v24 =	vadd.f32 v25, v24;
	v22 =	vcvt.f32.s32 v22;
	v51 =	vld.idx.msk [tilespmem:v29+s14+$0x0], $0xffff  }
0x33f: {  	v31 =	vadd.s32 v31, v2;
	s1 =	simm.s32 @!p5 $0x0;
	v30 =	vtrunc.f32 v30;
	v29 =	vld.idx.msk [tilespmem:v29+s30+$0x0], $0xffff  }
0x340: {  	s1 =	sshll.u32 s1, $0x9;
	v28 =	vadd.f32 $2.000000000e+00, v28;
	[tilespmem:v1+s0+$0x0 ss:$0x1] =	vst.idx.msk $0xffff, v24;
	v24 =	vld.idx.msk [tilespmem:v26+s30+$0x0], $0xffff;
	v26 =	vcvt.f32.s32 v30;
	v22 =	vadd.s32 v22, v2  }
0x341: {  	v17 =	vmul.f32 v45, v17;
	s16 =	sadd.s32 $0xC00, s1;
	v25 =	vtrunc.f32 v32;
	v32 =	vadd.f32 $2.000000000e+00, v50;
	v30 =	vld.idx.msk [tilespmem:v21+s14+$0x0], $0xffff  }
0x342: {  	s8 =	sadd.s32 $0x180, s16;
	v21 =	vld.idx.msk [tilespmem:v21+s30+$0x0], $0xffff;
	v28 =	vmul.f32 $6.375000000e+01, v28;
	v26 =	vadd.s32 v26, v2  }
0x343: {  	v7 =	vmul.f32 v11, v7;
	v5 =	vadd.f32 v17, v5;
	s3 =	sor.u32 $0x400, s8;
	v53 =	vld.idx.msk [tilespmem:v27+s14+$0x0], $0xffff;
	v32 =	vmul.f32 $6.375000000e+01, v32  }
0x344: {  	v20 =	vmul.f32 v48, v20;
	v37 =	vadd.f32 $2.000000000e+00, v49;
	v52 =	vld.idx.msk [tilespmem:v3+s3+$0x0 ss:$0x1], $0xffff;
	v17 =	vmax.f32 v28, $0.0e+00  }
0x345: {  	[tilespmem:v1+s23+$0x0 ss:$0x1] =	vst.idx.msk $0xffff, v5;
	v42 =	vmax.f32 v32, $0.0e+00;
	v17 =	vmin.f32 v17, $2.540000000e+02;
	v33 =	vmul.f32 v51, v33;
	v56 =	vld.idx.msk [tilespmem:v22+s14+$0x0], $0xffff  }
0x346: {  	v5 =	vmin.f32 v42, $2.540000000e+02;
	v20 =	vadd.f32 v20, v24;
	v16 =	vmul.f32 v30, v16;
	v30 =	vld.idx.msk [tilespmem:v31+s14+$0x0], $0xffff  }
0x347: {  	v24 =	vcvt.f32.s32 v25;
	v25 =	vmul.f32 $6.375000000e+01, v37;
	v29 =	vadd.f32 v33, v29;
	v55 =	vld.idx.msk [tilespmem:v26+s14+$0x0], $0xffff  }
0x348: {  	v19 =	vmax.f32 v9, $0.0e+00;
	s19 =	sor.u32 $0xF0, s2;
	v17 =	vtrunc.f32 v17;
	v5 =	vtrunc.f32 v5;
	[tilespmem:v1+s7+$0x0 ss:$0x1] =	vst.idx.msk $0xffff, v20;
	v26 =	vld.idx.msk [tilespmem:v26+s30+$0x0], $0xffff  }
0x349: {  	v39 =	vadd.f32 $2.000000000e+00, v52;
	v5 =	vcvt.f32.s32 v5;
	v54 =	vmax.f32 v25, $0.0e+00;
	[tilespmem:v1+s25+$0x0 ss:$0x1] =	vst.idx.msk $0xffff, v29;
	v29 =	vld.idx.msk [tilespmem:v3+s19+$0x0 ss:$0x1], $0xffff  }
0x34a: {  	v6 =	vmul.f32 v15, v6;
	v31 =	vld.idx.msk [tilespmem:v31+s30+$0x0], $0xffff;
	v17 =	vcvt.f32.s32 v17;
	v40 =	vmin.f32 v54, $2.540000000e+02  }
0x34b: {  	v27 =	vld.idx.msk [tilespmem:v27+s30+$0x0], $0xffff;
	v57 =	vmul.f32 $6.375000000e+01, v39;
	v59 =	vadd.s32 v5, v2;
	v20 =	vtrunc.f32 v40  }
0x34c: {  	s26 =	sor.u32 $0x170, s2;
	v22 =	vld.idx.msk [tilespmem:v22+s30+$0x0], $0xffff;
	v17 =	vadd.s32 v17, v2;
	v20 =	vcvt.f32.s32 v20;
	v36 =	vmul.f32 v55, v47  }
0x34d: {  	v61 =	vmul.f32 v53, v35;
	s25 =	sor.u32 $0x420, s4;
	v60 =	vld.idx.msk [tilespmem:v3+s26+$0x0 ss:$0x1], $0xffff;
	[smem:$0x7DB] =	sst s4;
	v58 =	vmax.f32 v57, $0.0e+00;
	v18 =	vmul.f32 v30, v18  }
0x34e: {  	v63 =	vld.idx.msk [tilespmem:v3+s25+$0x0 ss:$0x1], $0xffff;
	v20 =	vadd.s32 v20, v2;
	v29 =	vadd.f32 $2.000000000e+00, v29;
	v5 =	vadd.f32 v36, v26  }
0x34f: {  	v62 =	vmin.f32 v58, $2.540000000e+02;
	v18 =	vadd.f32 v18, v31;
	v31 =	vld.idx.msk [tilespmem:v10+s30+$0x0], $0xffff;
	v26 =	vmul.f32 v56, v34  }
0x350: {  	v19 =	vmin.f32 v19, $2.540000000e+02;
	v35 =	vtrunc.f32 v62;
	v30 =	vld.idx.msk [tilespmem:v59+s14+$0x0], $0xffff;
	v29 =	vmul.f32 $6.375000000e+01, v29;
	[tilespmem:v1+s15+$0x0 ss:$0x1] =	vst.idx.msk $0xffff, v5  }
0x351: {  	v5 =	vadd.f32 v26, v22;
	v22 =	vadd.f32 v61, v27;
	v26 =	vcvt.f32.s32 v35;
	v27 =	vld.idx.msk [tilespmem:v17+s14+$0x0], $0xffff  }
0x352: {  	v19 =	vtrunc.f32 v19;
	v16 =	vadd.f32 v16, v21;
	v15 =	vld.idx.msk [tilespmem:v17+s30+$0x0], $0xffff;
	v41 =	vmax.f32 v29, $0.0e+00  }
0x353: {  	s11 =	sor.u32 $0x1B0, s10;
	v21 =	vadd.s32 v24, v2;
	v24 =	vld.idx.msk [tilespmem:v20+s14+$0x0], $0xffff;
	v26 =	vadd.s32 v26, v2;
	v17 =	vmin.f32 v41, $2.540000000e+02  }
0x354: {  	v4 =	vmul.f32 v13, v4;
	v42 =	vadd.f32 $2.000000000e+00, v60;
	v11 =	vld.idx.msk [tilespmem:v3+s11+$0x0 ss:$0x1], $0xffff;
	v10 =	vtrunc.f32 v17  }
0x355: {  	v44 =	vadd.f32 v7, v12;
	[tilespmem:v1+s20+$0x0 ss:$0x1] =	vst.idx.msk $0xffff, v16;
	v43 =	vadd.f32 $2.000000000e+00, v63;
	v7 =	vld.idx.msk [tilespmem:v20+s30+$0x0], $0xffff;
	v10 =	vcvt.f32.s32 v10  }
0x356: {  	s2 =	sor.u32 $0x70, s2;
	[tilespmem:v1+s24+$0x0 ss:$0x1] =	vst.idx.msk $0xffff, v22;
	v22 =	vld.idx.msk [tilespmem:v59+s30+$0x0], $0xffff;
	v17 =	vmul.f32 $6.375000000e+01, v42;
	v20 =	vmul.f32 v27, v28  }
0x357: {  	v19 =	vcvt.f32.s32 v19;
	[tilespmem:v1+s22+$0x0 ss:$0x1] =	vst.idx.msk $0xffff, v18;
	v12 =	vmul.f32 $6.375000000e+01, v43;
	v18 =	vadd.s32 v10, v2;
	v10 =	vld.idx.msk [tilespmem:v3+s2+$0x0 ss:$0x1], $0xffff  }
0x358: {  	v24 =	vmul.f32 v24, v25;
	v25 =	vmax.f32 v17, $0.0e+00;
	v27 =	vld.idx.msk [tilespmem:v26+s14+$0x0], $0xffff;
	v15 =	vadd.f32 v20, v15  }
0x359: {  	v19 =	vadd.s32 v19, v2;
	v28 =	vmul.f32 v30, v32;
	v25 =	vmin.f32 v25, $2.540000000e+02;
	v16 =	vld.idx.msk [tilespmem:v26+s30+$0x0], $0xffff;
	[smem:$0x7E1] =	sst s12  }
0x35a: {  	s24 =	sor.u32 $0x420, s12;
	v11 =	vadd.f32 $2.000000000e+00, v11;
	v26 =	vmax.f32 v12, $0.0e+00;
	v25 =	vtrunc.f32 v25;
	[tilespmem:v1+s29+$0x0 ss:$0x1] =	vst.idx.msk $0xffff, v15  }
0x35b: {  	s22 =	sor.u32 $0x420, s13;
	v7 =	vadd.f32 v24, v7;
	v20 =	vcvt.f32.s32 v25;
	v25 =	vmin.f32 v26, $2.540000000e+02;
	v15 =	vld.idx.msk [tilespmem:v3+s24+$0x0 ss:$0x1], $0xffff;
	[smem:$0x7E2] =	sst s13  }
0x35c: {  	v14 =	vadd.f32 v6, v14;
	v24 =	vmul.f32 $6.375000000e+01, v11;
	v11 =	vtrunc.f32 v25;
	v25 =	vld.idx.msk [tilespmem:v3+s22+$0x0 ss:$0x1], $0xffff  }
0x35d: {  	v23 =	vadd.f32 $2.000000000e+00, v23;
	[tilespmem:v1+s28+$0x0 ss:$0x1] =	vst.idx.msk $0xffff, v7;
	v7 =	vadd.f32 v28, v22;
	v13 =	vld.idx.msk [tilespmem:v18+s14+$0x0], $0xffff  }
0x35e: {  	s9 =	sor.u32 $0xB0, s10;
	v22 =	vmax.f32 v24, $0.0e+00;
	v51 =	vld.idx.msk [tilespmem:v19+s14+$0x0], $0xffff;
	v26 =	vmul.f32 v27, v57;
	v27 =	vcvt.f32.s32 v11  }
0x35f: {  	s0 =	sor.u32 $0x130, s10;
	v10 =	vadd.f32 $2.000000000e+00, v10;
	v11 =	vmul.f32 $6.375000000e+01, v23;
	v23 =	vld.idx.msk [tilespmem:v3+s9+$0x0 ss:$0x1], $0xffff;
	v22 =	vmin.f32 v22, $2.540000000e+02  }
0x360: {  	v22 =	vtrunc.f32 v22;
	v16 =	vadd.f32 v26, v16;
	v26 =	vadd.s32 v27, v2;
	v27 =	vld.idx.msk [tilespmem:v3+s0+$0x0 ss:$0x1], $0xffff  }
0x361: {  	s20 =	sor.u32 $0x30, s10;
	v4 =	vadd.f32 v4, v31;
	v49 =	vld.idx.msk [tilespmem:v21+s14+$0x0], $0xffff;
	[tilespmem:v1+s18+$0x0 ss:$0x1] =	vst.idx.msk $0xffff, v7;
	v10 =	vmul.f32 $6.375000000e+01, v10;
	v7 =	vcvt.f32.s32 v22  }
0x362: {  	v20 =	vadd.s32 v20, v2;
	s18 =	sor.u32 $0x410, s8;
	v15 =	vadd.f32 $2.000000000e+00, v15;
	[tilespmem:v1+s3+$0x0 ss:$0x1] =	vst.idx.msk $0xffff, v16;
	v16 =	vld.idx.msk [tilespmem:v3+s20+$0x0 ss:$0x1], $0xffff  }
0x363: {  	v30 =	vmax.f32 v10, $0.0e+00;
	v6 =	vadd.f32 $2.000000000e+00, v25;
	v25 =	vadd.s32 v7, v2;
	v22 =	vld.idx.msk [tilespmem:v3+s18+$0x0 ss:$0x1], $0xffff  }
0x364: {  	v7 =	vmul.f32 $6.375000000e+01, v15;
	v15 =	vmax.f32 v11, $0.0e+00;
	v23 =	vadd.f32 $2.000000000e+00, v23  }
0x365: {  	v13 =	vmul.f32 v13, v29;
	v9 =	vmul.f32 v51, v9;
	v27 =	vadd.f32 $2.000000000e+00, v27  }
0x366: {  	v18 =	vld.idx.msk [tilespmem:v18+s30+$0x0], $0xffff;
	v30 =	vmin.f32 v30, $2.540000000e+02;
	v56 =	vmul.f32 v49, v8;
	v23 =	vmul.f32 $6.375000000e+01, v23  }
0x367: {  	[tilespmem:v1+s5+$0x0 ss:$0x1] =	vst.idx.msk $0xffff, v14;
	v14 =	vld.idx.msk [tilespmem:v21+s30+$0x0], $0xffff;
	v30 =	vtrunc.f32 v30;
	v16 =	vadd.f32 $2.000000000e+00, v16;
	v27 =	vmul.f32 $6.375000000e+01, v27  }
0x368: {  	[tilespmem:v1+s6+$0x0 ss:$0x1] =	vst.idx.msk $0xffff, v44;
	v19 =	vld.idx.msk [tilespmem:v19+s30+$0x0], $0xffff;
	v15 =	vmin.f32 v15, $2.540000000e+02;
	v47 =	vmax.f32 v23, $0.0e+00;
	v22 =	vadd.f32 $2.000000000e+00, v22  }
0x369: {  	s15 =	smov.u32 s12;
	s12 =	sld [smem:$0x7D8];
	[tilespmem:v1+s31+$0x0 ss:$0x1] =	vst.idx.msk $0xffff, v4;
	v29 =	vld.idx.msk [tilespmem:v25+s14+$0x0], $0xffff;
	v34 =	vmin.f32 v47, $2.540000000e+02;
	v16 =	vmul.f32 $6.375000000e+01, v16;
	v48 =	vmax.f32 v27, $0.0e+00  }
0x36a: {  	v28 =	vld.idx.msk [tilespmem:v20+s14+$0x0], $0xffff;
	v6 =	vmul.f32 $6.375000000e+01, v6;
	s3 =	sld [smem:$0x7D9];
	v34 =	vtrunc.f32 v34;
	v36 =	vmin.f32 v48, $2.540000000e+02  }
0x36b: {  	v25 =	vld.idx.msk [tilespmem:v25+s30+$0x0], $0xffff;
	v22 =	vmul.f32 $6.375000000e+01, v22;
	v34 =	vcvt.f32.s32 v34;
	v50 =	vmax.f32 v16, $0.0e+00  }
0x36c: {  	v20 =	vld.idx.msk [tilespmem:v20+s30+$0x0], $0xffff;
	v31 =	vmax.f32 v7, $0.0e+00;
	s29 =	sld [smem:$0x7DA];
	v36 =	vtrunc.f32 v36;
	v38 =	vmin.f32 v50, $2.540000000e+02  }
0x36d: {  	v46 =	vld.idx.msk [tilespmem:v26+s14+$0x0], $0xffff;
	s28 =	sor.u32 $0x450, s3;
	v36 =	vcvt.f32.s32 v36;
	v52 =	vmax.f32 v22, $0.0e+00;
	v34 =	vadd.s32 v34, v2  }
0x36e: {  	v26 =	vld.idx.msk [tilespmem:v26+s30+$0x0], $0xffff;
	s23 =	sor.u32 $0x440, s12;
	[smem:$0x7EA] =	sst s28;
	v24 =	vmul.f32 v29, v24;
	v21 =	vtrunc.f32 v38;
	v53 =	vmin.f32 v52, $2.540000000e+02  }
0x36f: {  	v13 =	vadd.f32 v13, v18;
	s3 =	sor.u32 $0x450, s29;
	v4 =	vld.idx.msk [tilespmem:v3+s23+$0x0 ss:$0x1], $0xffff;
	v29 =	vtrunc.f32 v53;
	v21 =	vcvt.f32.s32 v21  }
0x370: {  	v54 =	vld.idx.msk [tilespmem:v3+s28+$0x0 ss:$0x1], $0xffff;
	[dreg:$0x4] =	wrdreg s3;
	v36 =	vadd.s32 v36, v2;
	v24 =	vadd.f32 v24, v25;
	v29 =	vcvt.f32.s32 v29  }
0x371: {  	v19 =	vadd.f32 v9, v19;
	v17 =	vmul.f32 v28, v17;
	v18 =	vld.idx.msk [tilespmem:v3+s3+$0x0 ss:$0x1], $0xffff;
	v21 =	vadd.s32 v21, v2  }
0x372: {  	s6 =	sor.u32 $0x1C0, s10;
	v30 =	vcvt.f32.s32 v30;
	v28 =	vmin.f32 v31, $2.540000000e+02;
	[tilespmem:v1+s11+$0x0 ss:$0x1] =	vst.idx.msk $0xffff, v24;
	v25 =	vadd.s32 v29, v2;
	v24 =	vld.idx.msk [tilespmem:v34+s14+$0x0], $0xffff  }
0x373: {  	v45 =	vmax.f32 v6, $0.0e+00;
	v28 =	vtrunc.f32 v28;
	v17 =	vadd.f32 v17, v20;
	v29 =	vld.idx.msk [tilespmem:v3+s6+$0x0 ss:$0x1], $0xffff  }
0x374: {  	v20 =	vmin.f32 v45, $2.540000000e+02;
	v28 =	vcvt.f32.s32 v28;
	v4 =	vadd.f32 $2.000000000e+00, v4;
	v55 =	vld.idx.msk [tilespmem:v34+s30+$0x0], $0xffff  }
0x375: {  	v14 =	vadd.f32 v56, v14;
	v20 =	vtrunc.f32 v20;
	v12 =	vmul.f32 v46, v12;
	v31 =	vld.idx.msk [tilespmem:v36+s14+$0x0], $0xffff  }
0x376: {  	v30 =	vadd.s32 v30, v2;
	v20 =	vcvt.f32.s32 v20;
	v8 =	vmul.f32 $6.375000000e+01, v4;
	v4 =	vld.idx.msk [tilespmem:v21+s14+$0x0], $0xffff  }
0x377: {  	v28 =	vadd.s32 v28, v2;
	v26 =	vadd.f32 v12, v26;
	v12 =	vtrunc.f32 v15;
	v57 =	vld.idx.msk [tilespmem:v25+s14+$0x0], $0xffff  }
0x378: {  	v9 =	vmul.f32 v24, v23;
	v23 =	vmax.f32 v8, $0.0e+00;
	v24 =	vadd.f32 $2.000000000e+00, v29;
	v29 =	vld.idx.msk [tilespmem:v36+s30+$0x0], $0xffff  }
0x379: {  	[tilespmem:v1+s19+$0x0 ss:$0x1] =	vst.idx.msk $0xffff, v13;
	v20 =	vadd.s32 v20, v2;
	v15 =	vld.idx.msk [tilespmem:v25+s30+$0x0], $0xffff;
	v25 =	vadd.f32 $2.000000000e+00, v54;
	v23 =	vmin.f32 v23, $2.540000000e+02  }
0x37a: {  	[tilespmem:v1+s26+$0x0 ss:$0x1] =	vst.idx.msk $0xffff, v17;
	v13 =	vadd.f32 $2.000000000e+00, v18;
	v18 =	vld.idx.msk [tilespmem:v21+s30+$0x0], $0xffff;
	v21 =	vtrunc.f32 v23;
	v23 =	vmul.f32 $6.375000000e+01, v24  }
0x37b: {  	s11 =	sadd.s32 $0x80, s16;
	v27 =	vmul.f32 v31, v27;
	v24 =	vadd.f32 v9, v55;
	v31 =	vld.idx.msk [tilespmem:v30+s14+$0x0], $0xffff;
	v9 =	vmul.f32 $6.375000000e+01, v25  }
0x37c: {  	v17 =	vld.idx.msk [tilespmem:v30+s30+$0x0], $0xffff;
	s29 =	sor.u32 $0x400, s11;
	v16 =	vmul.f32 v4, v16;
	v25 =	vmax.f32 v23, $0.0e+00;
	v22 =	vmul.f32 v57, v22  }
0x37d: {  	s31 =	sor.u32 $0xC0, s10;
	[tilespmem:v1+s9+$0x0 ss:$0x1] =	vst.idx.msk $0xffff, v24;
	v24 =	vld.idx.msk [tilespmem:v3+s29+$0x0 ss:$0x1], $0xffff;
	v4 =	vmul.f32 $6.375000000e+01, v13;
	v13 =	vmin.f32 v25, $2.540000000e+02;
	v25 =	vadd.f32 v27, v29  }
0x37e: {  	[tilespmem:v1+s17+$0x0 ss:$0x1] =	vst.idx.msk $0xffff, v14;
	v12 =	vcvt.f32.s32 v12;
	v27 =	vmax.f32 v9, $0.0e+00;
	v15 =	vadd.f32 v22, v15;
	v22 =	vld.idx.msk [tilespmem:v3+s31+$0x0 ss:$0x1], $0xffff  }
0x37f: {  	v13 =	vtrunc.f32 v13;
	v29 =	vmax.f32 v4, $0.0e+00;
	v16 =	vadd.f32 v16, v18;
	[tilespmem:v1+s0+$0x0 ss:$0x1] =	vst.idx.msk $0xffff, v25;
	v25 =	vld.idx.msk [tilespmem:v28+s14+$0x0], $0xffff  }
0x380: {  	s7 =	sor.u32 $0x420, s8;
	s19 =	sadd.s32 $0x100, s16;
	v27 =	vmin.f32 v27, $2.540000000e+02;
	v13 =	vcvt.f32.s32 v13;
	v10 =	vmul.f32 v31, v10;
	v31 =	vld.idx.msk [tilespmem:v20+s14+$0x0], $0xffff;
	[tilespmem:v1+s18+$0x0 ss:$0x1] =	vst.idx.msk $0xffff, v15  }
0x381: {  	s28 =	sor.u32 $0x400, s19;
	v21 =	vcvt.f32.s32 v21;
	v29 =	vmin.f32 v29, $2.540000000e+02;
	v27 =	vtrunc.f32 v27;
	[tilespmem:v1+s20+$0x0 ss:$0x1] =	vst.idx.msk $0xffff, v16;
	v18 =	vld.idx.msk [tilespmem:v3+s7+$0x0 ss:$0x1], $0xffff  }
0x382: {  	s1 =	sor.u32 $0x40, s10;
	v15 =	vld.idx.msk [tilespmem:v3+s28+$0x0 ss:$0x1], $0xffff;
	v30 =	vadd.s32 v13, v2;
	v10 =	vadd.f32 v10, v17;
	v17 =	vadd.f32 $2.000000000e+00, v24  }
0x383: {  	[tilespmem:v1+s25+$0x0 ss:$0x1] =	vst.idx.msk $0xffff, v26;
	v27 =	vcvt.f32.s32 v27;
	v13 =	vtrunc.f32 v29;
	s18 =	sor.u32 $0x140, s10;
	v24 =	vld.idx.msk [tilespmem:v3+s1+$0x0 ss:$0x1], $0xffff  }
0x384: {  	v21 =	vadd.s32 v21, v2;
	v16 =	vld.idx.msk [tilespmem:v3+s18+$0x0 ss:$0x1], $0xffff;
	v29 =	vcvt.f32.s32 v13;
	v13 =	vmul.f32 $6.375000000e+01, v17;
	[tilespmem:v1+s2+$0x0 ss:$0x1] =	vst.idx.msk $0xffff, v10  }
0x385: {  	v10 =	vld.idx.msk [tilespmem:v28+s30+$0x0], $0xffff;
	v28 =	vadd.s32 v12, v2;
	v12 =	vadd.s32 v27, v2;
	v22 =	vadd.f32 $2.000000000e+00, v22  }
0x386: {  	v20 =	vld.idx.msk [tilespmem:v20+s30+$0x0], $0xffff;
	v7 =	vmul.f32 v25, v7;
	s0 =	sld [smem:$0x7DD];
	v6 =	vmul.f32 v31, v6;
	v17 =	vadd.f32 $2.000000000e+00, v18  }
0x387: {  	s20 =	sor.u32 $0x430, s4;
	v25 =	vmax.f32 v13, $0.0e+00;
	v15 =	vadd.f32 $2.000000000e+00, v15;
	v22 =	vmul.f32 $6.375000000e+01, v22;
	v27 =	vld.idx.msk [tilespmem:v30+s14+$0x0], $0xffff  }
0x388: {  	v59 =	vld.idx.msk [tilespmem:v3+s20+$0x0 ss:$0x1], $0xffff;
	v25 =	vmin.f32 v25, $2.540000000e+02;
	v24 =	vadd.f32 $2.000000000e+00, v24;
	v58 =	vmul.f32 $6.375000000e+01, v17  }
0x389: {  	s26 =	sor.u32 $0x400, s16;
	v26 =	vld.idx.msk [tilespmem:v30+s30+$0x0], $0xffff;
	v16 =	vadd.f32 $2.000000000e+00, v16;
	s0 =	sor.u32 $0x440, s0;
	v25 =	vtrunc.f32 v25;
	v17 =	vmax.f32 v22, $0.0e+00  }
0x38a: {  	v18 =	vld.idx.msk [tilespmem:v3+s26+$0x0 ss:$0x1], $0xffff;
	v24 =	vmul.f32 $6.375000000e+01, v24;
	[smem:$0x7DC] =	sst s0;
	v17 =	vmin.f32 v17, $2.540000000e+02;
	v30 =	vmax.f32 v58, $0.0e+00  }
0x38b: {  	v16 =	vmul.f32 $6.375000000e+01, v16;
	[tilespmem:v1+s21+$0x0 ss:$0x1] =	vst.idx.msk $0xffff, v19;
	v14 =	vtrunc.f32 v17;
	v17 =	vmin.f32 v30, $2.540000000e+02  }
0x38c: {  	v19 =	vld.idx.msk [tilespmem:v3+s0+$0x0 ss:$0x1], $0xffff;
	s4 =	sld [smem:$0x7DE];
	v23 =	vmul.f32 v27, v23;
	v17 =	vtrunc.f32 v17  }
0x38d: {  	v15 =	vmul.f32 $6.375000000e+01, v15;
	v62 =	vld.idx.msk [tilespmem:v28+s14+$0x0], $0xffff;
	v61 =	vmax.f32 v24, $0.0e+00;
	v17 =	vcvt.f32.s32 v17  }
0x38e: {  	v27 =	vld.idx.msk [tilespmem:v21+s14+$0x0], $0xffff;
	v14 =	vcvt.f32.s32 v14;
	v30 =	vmax.f32 v16, $0.0e+00;
	v23 =	vadd.f32 v23, v26  }
0x38f: {  	v21 =	vld.idx.msk [tilespmem:v21+s30+$0x0], $0xffff;
	v18 =	vadd.f32 $2.000000000e+00, v18;
	s9 =	sor.u32 $0x440, s4;
	v30 =	vmin.f32 v30, $2.540000000e+02;
	v26 =	vadd.s32 v17, v2  }
0x390: {  	s3 =	sor.u32 $0x1D0, s10;
	v35 =	vmin.f32 v61, $2.540000000e+02;
	v60 =	vld.idx.msk [tilespmem:v3+s9+$0x0 ss:$0x1], $0xffff;
	v30 =	vtrunc.f32 v30;
	v63 =	vadd.s32 v14, v2;
	[tilespmem:v1+s6+$0x0 ss:$0x1] =	vst.idx.msk $0xffff, v23  }
0x391: {  	v14 =	vmax.f32 v15, $0.0e+00;
	v18 =	vmul.f32 $6.375000000e+01, v18;
	v30 =	vcvt.f32.s32 v30;
	v44 =	vld.idx.msk [tilespmem:v3+s3+$0x0 ss:$0x1], $0xffff  }
0x392: {  	v25 =	vcvt.f32.s32 v25;
	v43 =	vmin.f32 v14, $2.540000000e+02;
	v14 =	vld.idx.msk [tilespmem:v28+s30+$0x0], $0xffff;
	v17 =	vtrunc.f32 v35  }
0x393: {  	v28 =	vmax.f32 v18, $0.0e+00;
	v23 =	vcvt.f32.s32 v17;
	v17 =	vld.idx.msk [tilespmem:v12+s14+$0x0], $0xffff;
	v30 =	vadd.s32 v30, v2  }
0x394: {  	v46 =	vadd.f32 v7, v10;
	v37 =	vtrunc.f32 v43;
	v28 =	vmin.f32 v28, $2.540000000e+02;
	v31 =	vld.idx.msk [tilespmem:v26+s14+$0x0], $0xffff  }
0x395: {  	v37 =	vcvt.f32.s32 v37;
	v28 =	vtrunc.f32 v28;
	v23 =	vadd.s32 v23, v2;
	v45 =	vld.idx.msk [tilespmem:v63+s14+$0x0], $0xffff  }
0x396: {  	v7 =	vcvt.f32.s32 v28;
	v28 =	vadd.f32 v6, v20;
	v6 =	vld.idx.msk [tilespmem:v26+s30+$0x0], $0xffff;
	v20 =	vadd.f32 $2.000000000e+00, v44  }
0x397: {  	v25 =	vadd.s32 v25, v2;
	v19 =	vadd.f32 $2.000000000e+00, v19;
	v8 =	vmul.f32 v27, v8;
	v49 =	vld.idx.msk [tilespmem:v63+s30+$0x0], $0xffff  }
0x398: {  	v26 =	vadd.s32 v37, v2;
	v47 =	vld.idx.msk [tilespmem:v30+s14+$0x0], $0xffff;
	v50 =	vmul.f32 $6.375000000e+01, v20  }
0x399: {  	v20 =	vadd.f32 v8, v21;
	v8 =	vmul.f32 $6.375000000e+01, v19;
	v19 =	vld.idx.msk [tilespmem:v30+s30+$0x0], $0xffff;
	v31 =	vmul.f32 v31, v58  }
0x39a: {  	v10 =	vadd.f32 $2.000000000e+00, v59;
	v27 =	vadd.s32 v7, v2;
	v48 =	vld.idx.msk [tilespmem:v23+s14+$0x0], $0xffff  }
0x39b: {  	v7 =	vadd.f32 $2.000000000e+00, v60;
	v21 =	vld.idx.msk [tilespmem:v23+s30+$0x0], $0xffff;
	v23 =	vmax.f32 v50, $0.0e+00;
	v30 =	vadd.f32 v31, v6  }
0x39c: {  	s5 =	simm.s32 $0xA00;
	v10 =	vmul.f32 $6.375000000e+01, v10;
	v11 =	vmul.f32 v62, v11;
	v23 =	vmin.f32 v23, $2.540000000e+02;
	v31 =	vld.idx.msk [tilespmem:v25+s14+$0x0], $0xffff  }
0x39d: {  	s25 =	simm.s32 $0x1400;
	s6 =	simm.s32 $0x1400;
	v7 =	vmul.f32 $6.375000000e+01, v7;
	v23 =	vtrunc.f32 v23;
	[tilespmem:v1+s7+$0x0 ss:$0x1] =	vst.idx.msk $0xffff, v30;
	v30 =	vld.idx.msk [tilespmem:v26+s14+$0x0], $0xffff;
	s7 =	sor.u32 $0x430, s8  }
0x39e: {  	s0 =	sand.u32 $0x200, s5;
	s4 =	sand.u32 $0x3800, s6;
	v22 =	vmul.f32 v45, v22;
	v51 =	vmax.f32 v8, $0.0e+00;
	v23 =	vcvt.f32.s32 v23;
	v52 =	vld.idx.msk [tilespmem:v3+s7+$0x0 ss:$0x1], $0xffff;
	[dreg:$0x7] =	wrdreg s25  }
0x39f: {  	s21 =	sor.u32 s0, s4;
	v53 =	vmax.f32 v7, $0.0e+00;
	v32 =	vmin.f32 v51, $2.540000000e+02;
	v16 =	vmul.f32 v47, v16;
	v54 =	vld.idx.msk [tilespmem:v27+s14+$0x0], $0xffff  }
0x3a0: {  	s5 =	sor.u32 $0x180, s21;
	v6 =	vadd.s32 v29, v2;
	v29 =	vmax.f32 v10, $0.0e+00;
	v23 =	vadd.s32 v23, v2;
	v55 =	vld.idx.msk [tilespmem:v3+s21+$0x0 ss:$0x1], $0xffff  }
0x3a1: {  	v22 =	vadd.f32 v22, v49;
	v29 =	vmin.f32 v29, $2.540000000e+02;
	v24 =	vmul.f32 v48, v24;
	v56 =	vld.idx.msk [tilespmem:v3+s5+$0x0 ss:$0x1], $0xffff  }
0x3a2: {  	s17 =	sor.u32 $0x80, s21;
	v19 =	vadd.f32 v16, v19;
	v16 =	vtrunc.f32 v32;
	v29 =	vtrunc.f32 v29;
	v25 =	vld.idx.msk [tilespmem:v25+s30+$0x0], $0xffff  }
0x3a3: {  	s0 =	sor.u32 $0x100, s21;
	v29 =	vcvt.f32.s32 v29;
	v21 =	vadd.f32 v24, v21;
	v24 =	vmul.f32 v31, v13;
	v31 =	vld.idx.msk [tilespmem:v3+s17+$0x0 ss:$0x1], $0xffff  }
0x3a4: {  	v33 =	vmin.f32 v53, $2.540000000e+02;
	v16 =	vcvt.f32.s32 v16;
	v30 =	vmul.f32 v30, v15;
	v15 =	vld.idx.msk [tilespmem:v3+s0+$0x0 ss:$0x1], $0xffff  }
0x3a5: {  	v13 =	vtrunc.f32 v33;
	v29 =	vadd.s32 v29, v2;
	v58 =	vld.idx.msk [tilespmem:v23+s14+$0x0], $0xffff;
	v57 =	vadd.f32 $2.000000000e+00, v52  }
0x3a6: {  	v33 =	vmul.f32 v54, v18;
	v18 =	vcvt.f32.s32 v13;
	v13 =	vadd.s32 v16, v2  }
0x3a7: {  	[tilespmem:v1+s31+$0x0 ss:$0x1] =	vst.idx.msk $0xffff, v22;
	v16 =	vld.idx.msk [tilespmem:v12+s30+$0x0], $0xffff;
	v22 =	vadd.f32 $2.000000000e+00, v55;
	v59 =	vadd.f32 $2.000000000e+00, v56;
	v32 =	vmul.f32 $6.375000000e+01, v57  }
0x3a8: {  	v24 =	vadd.f32 v24, v25;
	v31 =	vadd.f32 $2.000000000e+00, v31;
	v12 =	vadd.s32 v18, v2;
	v18 =	vld.idx.msk [tilespmem:v23+s30+$0x0], $0xffff  }
0x3a9: {  	s4 =	sor.u32 $0xD0, s10;
	[tilespmem:v1+s18+$0x0 ss:$0x1] =	vst.idx.msk $0xffff, v19;
	v27 =	vld.idx.msk [tilespmem:v27+s30+$0x0], $0xffff;
	v25 =	vmul.f32 $6.375000000e+01, v22;
	v22 =	vmul.f32 $6.375000000e+01, v59;
	v23 =	vmax.f32 v32, $0.0e+00  }
0x3aa: {  	[tilespmem:v1+s22+$0x0 ss:$0x1] =	vst.idx.msk $0xffff, v28;
	v19 =	vld.idx.msk [tilespmem:v3+s4+$0x0 ss:$0x1], $0xffff;
	v15 =	vadd.f32 $2.000000000e+00, v15;
	v61 =	vmul.f32 v58, v50;
	v23 =	vmin.f32 v23, $2.540000000e+02  }
0x3ab: {  	s31 =	sor.u32 $0x150, s10;
	[tilespmem:v1+s29+$0x0 ss:$0x1] =	vst.idx.msk $0xffff, v24;
	v24 =	vld.idx.msk [tilespmem:v26+s30+$0x0], $0xffff;
	v26 =	vmul.f32 $6.375000000e+01, v31;
	v62 =	vmax.f32 v22, $0.0e+00;
	v23 =	vtrunc.f32 v23  }
0x3ac: {  	s13 =	sor.u32 $0x430, s13;
	[tilespmem:v1+s1+$0x0 ss:$0x1] =	vst.idx.msk $0xffff, v21;
	v21 =	vld.idx.msk [tilespmem:v3+s31+$0x0 ss:$0x1], $0xffff;
	v31 =	vmul.f32 $6.375000000e+01, v15;
	v15 =	vmin.f32 v62, $2.540000000e+02;
	v23 =	vcvt.f32.s32 v23  }
0x3ad: {  	s18 =	sor.u32 $0x50, s10;
	v51 =	vld.idx.msk [tilespmem:v3+s13+$0x0 ss:$0x1], $0xffff;
	v15 =	vtrunc.f32 v15;
	v35 =	vadd.f32 v61, v18;
	v18 =	vmul.f32 v17, v9  }
0x3ae: {  	s25 =	sor.u32 $0x410, s11;
	v60 =	vld.idx.msk [tilespmem:v3+s18+$0x0 ss:$0x1], $0xffff;
	v9 =	vmax.f32 v26, $0.0e+00;
	v15 =	vcvt.f32.s32 v15;
	v23 =	vadd.s32 v23, v2  }
0x3af: {  	s2 =	sor.u32 $0x430, s15;
	[tilespmem:v1+s24+$0x0 ss:$0x1] =	vst.idx.msk $0xffff, v46;
	v63 =	vld.idx.msk [tilespmem:v3+s25+$0x0 ss:$0x1], $0xffff;
	v17 =	vmax.f32 v25, $0.0e+00;
	v48 =	vmax.f32 v31, $0.0e+00;
	v9 =	vmin.f32 v9, $2.540000000e+02  }
0x3b0: {  	s1 =	sor.u32 $0x1E0, s10;
	v28 =	vmin.f32 v48, $2.540000000e+02;
	[tilespmem:v1+s3+$0x0 ss:$0x1] =	vst.idx.msk $0xffff, v35;
	v35 =	vld.idx.msk [tilespmem:v3+s2+$0x0 ss:$0x1], $0xffff;
	v9 =	vtrunc.f32 v9;
	v50 =	vadd.s32 v15, v2  }
0x3b1: {  	v15 =	vmin.f32 v17, $2.540000000e+02;
	v17 =	vtrunc.f32 v28;
	v49 =	vld.idx.msk [tilespmem:v3+s1+$0x0 ss:$0x1], $0xffff;
	v9 =	vcvt.f32.s32 v9  }
0x3b2: {  	v19 =	vadd.f32 $2.000000000e+00, v19;
	v15 =	vtrunc.f32 v15;
	v28 =	vcvt.f32.s32 v17;
	v17 =	vld.idx.msk [tilespmem:v29+s14+$0x0], $0xffff  }
0x3b3: {  	v15 =	vcvt.f32.s32 v15;
	v53 =	vadd.s32 v9, v2;
	v52 =	vld.idx.msk [tilespmem:v23+s14+$0x0], $0xffff  }
0x3b4: {  	v21 =	vadd.f32 $2.000000000e+00, v21;
	v54 =	vmul.f32 $6.375000000e+01, v19;
	v28 =	vadd.s32 v28, v2;
	v19 =	vld.idx.msk [tilespmem:v23+s30+$0x0], $0xffff  }
0x3b5: {  	v34 =	vadd.f32 $2.000000000e+00, v60;
	v9 =	vadd.f32 v11, v14;
	v11 =	vadd.s32 v15, v2;
	v15 =	vld.idx.msk [tilespmem:v29+s30+$0x0], $0xffff  }
0x3b6: {  	v24 =	vadd.f32 v30, v24;
	v14 =	vld.idx.msk [tilespmem:v50+s14+$0x0], $0xffff;
	v23 =	vadd.f32 $2.000000000e+00, v49  }
0x3b7: {  	v29 =	vmul.f32 $6.375000000e+01, v34;
	v34 =	vmul.f32 $6.375000000e+01, v21;
	v21 =	vmax.f32 v54, $0.0e+00;
	v30 =	vld.idx.msk [tilespmem:v50+s30+$0x0], $0xffff  }
0x3b8: {  	v47 =	vadd.f32 $2.000000000e+00, v51;
	v21 =	vmin.f32 v21, $2.540000000e+02;
	v23 =	vmul.f32 $6.375000000e+01, v23;
	v57 =	vld.idx.msk [tilespmem:v53+s14+$0x0], $0xffff  }
0x3b9: {  	v27 =	vadd.f32 v33, v27;
	v45 =	vadd.f32 $2.000000000e+00, v35;
	v21 =	vtrunc.f32 v21;
	v43 =	vld.idx.msk [tilespmem:v28+s14+$0x0], $0xffff  }
0x3ba: {  	v21 =	vcvt.f32.s32 v21;
	v59 =	vld.idx.msk [tilespmem:v53+s30+$0x0], $0xffff;
	v32 =	vmul.f32 v52, v32;
	v44 =	vmax.f32 v23, $0.0e+00  }
0x3bb: {  	[tilespmem:v1+s28+$0x0 ss:$0x1] =	vst.idx.msk $0xffff, v24;
	s28 =	sor.u32 $0x410, s19;
	v56 =	vmax.f32 v34, $0.0e+00;
	v28 =	vld.idx.msk [tilespmem:v28+s30+$0x0], $0xffff;
	v14 =	vmul.f32 v14, v22;
	v44 =	vmin.f32 v44, $2.540000000e+02  }
0x3bc: {  	v53 =	vld.idx.msk [tilespmem:v3+s28+$0x0 ss:$0x1], $0xffff;
	v21 =	vadd.s32 v21, v2;
	v19 =	vadd.f32 v32, v19;
	v60 =	vtrunc.f32 v44  }
0x3bd: {  	v58 =	vld.idx.msk [tilespmem:v11+s14+$0x0], $0xffff;
	v22 =	vmin.f32 v56, $2.540000000e+02;
	v14 =	vadd.f32 v14, v30;
	v38 =	vcvt.f32.s32 v60  }
0x3be: {  	s15 =	sor.u32 $0x440, s8;
	v22 =	vtrunc.f32 v22;
	v30 =	vadd.f32 $2.000000000e+00, v63;
	v63 =	vld.idx.msk [tilespmem:v11+s30+$0x0], $0xffff;
	[tilespmem:v1+s7+$0x0 ss:$0x1] =	vst.idx.msk $0xffff, v19;
	v11 =	vmul.f32 v57, v26  }
0x3bf: {  	s3 =	sor.u32 $0x190, s21;
	v55 =	vmax.f32 v29, $0.0e+00;
	v61 =	vld.idx.msk [tilespmem:v3+s15+$0x0 ss:$0x1], $0xffff;
	[tilespmem:v1+s5+$0x0 ss:$0x1] =	vst.idx.msk $0xffff, v14;
	v14 =	vcvt.f32.s32 v22;
	v38 =	vadd.s32 v38, v2  }
0x3c0: {  	v19 =	vmin.f32 v55, $2.540000000e+02;
	v22 =	vmul.f32 $6.375000000e+01, v30;
	v26 =	vld.idx.msk [tilespmem:v3+s3+$0x0 ss:$0x1], $0xffff;
	v11 =	vadd.f32 v11, v59  }
0x3c1: {  	v19 =	vtrunc.f32 v19;
	v46 =	vld.idx.msk [tilespmem:v21+s14+$0x0], $0xffff;
	v30 =	vadd.s32 v14, v2;
	v14 =	vmul.f32 v43, v31  }
0x3c2: {  	s6 =	sor.u32 $0x90, s21;
	v25 =	vmul.f32 v58, v25;
	v21 =	vld.idx.msk [tilespmem:v21+s30+$0x0], $0xffff;
	v62 =	vcvt.f32.s32 v19;
	v31 =	vmax.f32 v22, $0.0e+00;
	[tilespmem:v1+s17+$0x0 ss:$0x1] =	vst.idx.msk $0xffff, v11  }
0x3c3: {  	v31 =	vmin.f32 v31, $2.540000000e+02;
	v11 =	vmul.f32 $6.375000000e+01, v45;
	v14 =	vadd.f32 v14, v28;
	v49 =	vld.idx.msk [tilespmem:v3+s6+$0x0 ss:$0x1], $0xffff  }
0x3c4: {  	v25 =	vadd.f32 v25, v63;
	v28 =	vtrunc.f32 v31;
	v48 =	vadd.f32 $2.000000000e+00, v61;
	v31 =	vld.idx.msk [tilespmem:v38+s14+$0x0], $0xffff  }
0x3c5: {  	s22 =	sor.u32 $0x110, s21;
	v50 =	vadd.s32 v62, v2;
	v28 =	vcvt.f32.s32 v28;
	v26 =	vadd.f32 $2.000000000e+00, v26;
	[tilespmem:v1+s0+$0x0 ss:$0x1] =	vst.idx.msk $0xffff, v14;
	v51 =	vld.idx.msk [tilespmem:v38+s30+$0x0], $0xffff  }
0x3c6: {  	[tilespmem:v1+s21+$0x0 ss:$0x1] =	vst.idx.msk $0xffff, v25;
	v33 =	vmul.f32 v46, v54;
	s0 =	sor.u32 $0x10, s21;
	v32 =	vmul.f32 $6.375000000e+01, v48;
	v25 =	vld.idx.msk [tilespmem:v3+s22+$0x0 ss:$0x1], $0xffff  }
0x3c7: {  	v14 =	vmul.f32 $6.375000000e+01, v47;
	v38 =	vmul.f32 $6.375000000e+01, v26;
	v26 =	vld.idx.msk [tilespmem:v3+s0+$0x0 ss:$0x1], $0xffff  }
0x3c8: {  	v33 =	vadd.f32 v33, v21;
	v54 =	vld.idx.msk [tilespmem:v30+s14+$0x0], $0xffff;
	v52 =	vmax.f32 v32, $0.0e+00;
	v36 =	vadd.f32 $2.000000000e+00, v49  }
0x3c9: {  	v19 =	vld.idx.msk [tilespmem:v13+s14+$0x0], $0xffff;
	v39 =	vmin.f32 v52, $2.540000000e+02;
	v21 =	vmax.f32 v38, $0.0e+00;
	v23 =	vmul.f32 v31, v23  }
0x3ca: {  	v28 =	vadd.s32 v28, v2;
	v30 =	vld.idx.msk [tilespmem:v30+s30+$0x0], $0xffff;
	v31 =	vtrunc.f32 v39;
	v21 =	vmin.f32 v21, $2.540000000e+02  }
0x3cb: {  	[tilespmem:v1+s26+$0x0 ss:$0x1] =	vst.idx.msk $0xffff, v27;
	s26 =	sor.u32 $0x410, s16;
	v55 =	vld.idx.msk [tilespmem:v50+s14+$0x0], $0xffff;
	v36 =	vmul.f32 $6.375000000e+01, v36;
	v31 =	vcvt.f32.s32 v31;
	v23 =	vadd.f32 v23, v51  }
0x3cc: {  	v61 =	vld.idx.msk [tilespmem:v3+s26+$0x0 ss:$0x1], $0xffff;
	v56 =	vtrunc.f32 v21;
	v25 =	vadd.f32 $2.000000000e+00, v25;
	v26 =	vadd.f32 $2.000000000e+00, v26  }
0x3cd: {  	s17 =	sor.u32 $0x1F0, s10;
	v37 =	vld.idx.msk [tilespmem:v50+s30+$0x0], $0xffff;
	v58 =	vmul.f32 v54, v34;
	v57 =	vcvt.f32.s32 v56;
	[tilespmem:v1+s1+$0x0 ss:$0x1] =	vst.idx.msk $0xffff, v23  }
0x3ce: {  	[tilespmem:v1+s4+$0x0 ss:$0x1] =	vst.idx.msk $0xffff, v33;
	s4 =	sor.u32 $0xE0, s10;
	v40 =	vmul.f32 $6.375000000e+01, v25;
	v35 =	vmul.f32 $6.375000000e+01, v26;
	v26 =	vmax.f32 v36, $0.0e+00;
	v59 =	vld.idx.msk [tilespmem:v3+s17+$0x0 ss:$0x1], $0xffff  }
0x3cf: {  	v27 =	vld.idx.msk [tilespmem:v3+s4+$0x0 ss:$0x1], $0xffff;
	v31 =	vadd.s32 v31, v2;
	v30 =	vadd.f32 v58, v30;
	v26 =	vmin.f32 v26, $2.540000000e+02  }
0x3d0: {  	v21 =	vld.idx.msk [tilespmem:v12+s14+$0x0], $0xffff;
	v29 =	vmul.f32 v55, v29;
	v60 =	vmax.f32 v40, $0.0e+00;
	v26 =	vtrunc.f32 v26  }
0x3d1: {  	v25 =	vadd.s32 v57, v2;
	[tilespmem:v1+s31+$0x0 ss:$0x1] =	vst.idx.msk $0xffff, v30;
	v30 =	vld.idx.msk [tilespmem:v28+s14+$0x0], $0xffff;
	v41 =	vmin.f32 v60, $2.540000000e+02;
	v26 =	vcvt.f32.s32 v26  }
0x3d2: {  	s5 =	sor.u32 $0x160, s10;
	v23 =	vadd.f32 $2.000000000e+00, v53;
	v28 =	vld.idx.msk [tilespmem:v28+s30+$0x0], $0xffff;
	v62 =	vmax.f32 v35, $0.0e+00;
	v41 =	vtrunc.f32 v41  }
0x3d3: {  	v52 =	vld.idx.msk [tilespmem:v3+s5+$0x0 ss:$0x1], $0xffff;
	v41 =	vcvt.f32.s32 v41;
	v49 =	vadd.s32 v26, v2;
	v26 =	vadd.f32 $2.000000000e+00, v59  }
0x3d4: {  	v29 =	vadd.f32 v29, v37;
	v27 =	vadd.f32 $2.000000000e+00, v27;
	v42 =	vmin.f32 v62, $2.540000000e+02;
	v63 =	vld.idx.msk [tilespmem:v31+s14+$0x0], $0xffff  }
0x3d5: {  	v42 =	vtrunc.f32 v42;
	v31 =	vld.idx.msk [tilespmem:v31+s30+$0x0], $0xffff;
	v50 =	vadd.s32 v41, v2;
	v41 =	vmul.f32 $6.375000000e+01, v26  }
0x3d6: {  	s31 =	sor.u32 $0x60, s10;
	v23 =	vmul.f32 $6.375000000e+01, v23;
	[tilespmem:v1+s18+$0x0 ss:$0x1] =	vst.idx.msk $0xffff, v29;
	v48 =	vld.idx.msk [tilespmem:v25+s14+$0x0], $0xffff;
	v42 =	vcvt.f32.s32 v42  }
0x3d7: {  	v54 =	vadd.f32 $2.000000000e+00, v61;
	v27 =	vmul.f32 $6.375000000e+01, v27;
	v53 =	vld.idx.msk [tilespmem:v3+s31+$0x0 ss:$0x1], $0xffff;
	v45 =	vmax.f32 v41, $0.0e+00  }
0x3d8: {  	v29 =	vmax.f32 v23, $0.0e+00;
	v25 =	vld.idx.msk [tilespmem:v25+s30+$0x0], $0xffff;
	v51 =	vadd.s32 v42, v2;
	v45 =	vmin.f32 v45, $2.540000000e+02  }
0x3d9: {  	v29 =	vmin.f32 v29, $2.540000000e+02;
	v32 =	vmul.f32 v63, v32;
	v55 =	vld.idx.msk [tilespmem:v49+s14+$0x0], $0xffff;
	v45 =	vtrunc.f32 v45  }
0x3da: {  	v56 =	vmax.f32 v27, $0.0e+00;
	v29 =	vtrunc.f32 v29;
	v44 =	vld.idx.msk [tilespmem:v49+s30+$0x0], $0xffff;
	v58 =	vcvt.f32.s32 v45  }
0x3db: {  	v22 =	vmul.f32 v30, v22;
	v33 =	vmul.f32 v48, v38;
	v31 =	vadd.f32 v32, v31;
	v46 =	vld.idx.msk [tilespmem:v50+s14+$0x0], $0xffff  }
0x3dc: {  	v42 =	vadd.f32 $2.000000000e+00, v52;
	v29 =	vcvt.f32.s32 v29;
	v34 =	vld.idx.msk [tilespmem:v50+s30+$0x0], $0xffff;
	v38 =	vadd.s32 v58, v2  }
0x3dd: {  	v43 =	vadd.f32 $2.000000000e+00, v53;
	v33 =	vadd.f32 v33, v25;
	v57 =	vld.idx.msk [tilespmem:v51+s14+$0x0], $0xffff;
	[tilespmem:v1+s15+$0x0 ss:$0x1] =	vst.idx.msk $0xffff, v31;
	v31 =	vmin.f32 v56, $2.540000000e+02  }
0x3de: {  	v26 =	vmax.f32 v14, $0.0e+00;
	v42 =	vmul.f32 $6.375000000e+01, v42;
	v37 =	vld.idx.msk [tilespmem:v51+s30+$0x0], $0xffff;
	s15 =	sor.u32 $0x450, s8;
	v31 =	vtrunc.f32 v31  }
0x3df: {  	s1 =	sor.u32 $0x1A0, s21;
	v26 =	vmin.f32 v26, $2.540000000e+02;
	v43 =	vmul.f32 $6.375000000e+01, v43;
	[tilespmem:v1+s3+$0x0 ss:$0x1] =	vst.idx.msk $0xffff, v33;
	v59 =	vld.idx.msk [tilespmem:v3+s15+$0x0 ss:$0x1], $0xffff;
	v31 =	vcvt.f32.s32 v31  }
0x3e0: {  	[tilespmem:v1+s23+$0x0 ss:$0x1] =	vst.idx.msk $0xffff, v20;
	s18 =	sor.u32 $0x450, s12;
	v22 =	vadd.f32 v22, v28;
	v26 =	vtrunc.f32 v26;
	v62 =	vmax.f32 v42, $0.0e+00;
	v47 =	vld.idx.msk [tilespmem:v3+s1+$0x0 ss:$0x1], $0xffff  }
0x3e1: {  	v25 =	vmul.f32 $6.375000000e+01, v54;
	v50 =	vmax.f32 v43, $0.0e+00;
	v31 =	vadd.s32 v31, v2;
	v63 =	vld.idx.msk [tilespmem:v38+s14+$0x0], $0xffff;
	[dreg:$0x5] =	wrdreg s18  }
0x3e2: {  	v51 =	vmin.f32 v50, $2.540000000e+02;
	v36 =	vmul.f32 v55, v36;
	v61 =	vmul.f32 v46, v40;
	v46 =	vld.idx.msk [tilespmem:v3+s18+$0x0 ss:$0x1], $0xffff  }
0x3e3: {  	v60 =	vmax.f32 v25, $0.0e+00;
	v53 =	vtrunc.f32 v51;
	v40 =	vmin.f32 v62, $2.540000000e+02;
	v38 =	vld.idx.msk [tilespmem:v38+s30+$0x0], $0xffff  }
0x3e4: {  	v20 =	vmul.f32 v57, v35;
	v48 =	vtrunc.f32 v40;
	v36 =	vadd.f32 v36, v44;
	v13 =	vld.idx.msk [tilespmem:v13+s30+$0x0], $0xffff  }
0x3e5: {  	v35 =	vcvt.f32.s32 v48;
	v34 =	vadd.f32 v61, v34;
	v33 =	vadd.f32 $2.000000000e+00, v59;
	v12 =	vld.idx.msk [tilespmem:v12+s30+$0x0], $0xffff  }
0x3e6: {  	s3 =	sor.u32 $0xA0, s21;
	v45 =	vmin.f32 v60, $2.540000000e+02;
	v20 =	vadd.f32 v20, v37;
	v49 =	vadd.f32 $2.000000000e+00, v47;
	[tilespmem:v1+s6+$0x0 ss:$0x1] =	vst.idx.msk $0xffff, v36;
	v52 =	vld.idx.msk [tilespmem:v31+s14+$0x0], $0xffff  }
0x3e7: {  	v60 =	vtrunc.f32 v45;
	v35 =	vadd.s32 v35, v2;
	v33 =	vmul.f32 $6.375000000e+01, v33;
	[tilespmem:v1+s22+$0x0 ss:$0x1] =	vst.idx.msk $0xffff, v34;
	s22 =	sor.u32 $0x120, s21;
	v54 =	vld.idx.msk [tilespmem:v3+s3+$0x0 ss:$0x1], $0xffff  }
0x3e8: {  	v29 =	vadd.s32 v29, v2;
	[tilespmem:v1+s0+$0x0 ss:$0x1] =	vst.idx.msk $0xffff, v20;
	v20 =	vcvt.f32.s32 v53;
	v39 =	vmul.f32 $6.375000000e+01, v49;
	v57 =	vld.idx.msk [tilespmem:v3+s22+$0x0 ss:$0x1], $0xffff  }
0x3e9: {  	s7 =	sor.u32 $0x20, s21;
	[tilespmem:v1+s25+$0x0 ss:$0x1] =	vst.idx.msk $0xffff, v22;
	v22 =	vadd.f32 v18, v16;
	v16 =	vcvt.f32.s32 v26;
	v31 =	vld.idx.msk [tilespmem:v31+s30+$0x0], $0xffff;
	v56 =	vmax.f32 v33, $0.0e+00  }
0x3ea: {  	s23 =	sor.u32 $0x420, s11;
	v59 =	vld.idx.msk [tilespmem:v3+s7+$0x0 ss:$0x1], $0xffff;
	v20 =	vadd.s32 v20, v2;
	v55 =	vmax.f32 v39, $0.0e+00;
	v58 =	vmin.f32 v56, $2.540000000e+02  }
0x3eb: {  	p5 =	por !p5, !p5;
	s8 =	simm.s32 $0x1;
	v26 =	vld.idx.msk [tilespmem:v3+s23+$0x0 ss:$0x1], $0xffff;
	v32 =	vmul.f32 v63, v41;
	v37 =	vmin.f32 v55, $2.540000000e+02;
	v34 =	vtrunc.f32 v58  }
0x3ec: {  	s8 =	simm.s32 @!p5 $0x0;
	v61 =	vld.idx.msk [tilespmem:v35+s14+$0x0], $0xffff;
	v37 =	vtrunc.f32 v37;
	v34 =	vcvt.f32.s32 v34  }
0x3ed: {  	s8 =	sshll.u32 s8, $0x9;
	v63 =	vld.idx.msk [tilespmem:v29+s14+$0x0], $0xffff;
	v32 =	vadd.f32 v32, v38;
	v37 =	vcvt.f32.s32 v37;
	v36 =	vadd.f32 $2.000000000e+00, v54  }
0x3ee: {  	s8 =	sadd.s32 $0x1000, s8;
	v35 =	vld.idx.msk [tilespmem:v35+s30+$0x0], $0xffff;
	v27 =	vmul.f32 v52, v27;
	v51 =	vadd.f32 $2.000000000e+00, v57;
	v34 =	vadd.s32 v34, v2  }
0x3ef: {  	v62 =	vcvt.f32.s32 v60;
	v29 =	vld.idx.msk [tilespmem:v29+s30+$0x0], $0xffff;
	[tilespmem:v1+s17+$0x0 ss:$0x1] =	vst.idx.msk $0xffff, v32;
	v37 =	vadd.s32 v37, v2;
	s17 =	sadd.s32 $0x180, s8;
	v36 =	vmul.f32 $6.375000000e+01, v36  }
0x3f0: {  	v30 =	vld.idx.msk [tilespmem:v20+s14+$0x0], $0xffff;
	v27 =	vadd.f32 v27, v31;
	v31 =	vadd.f32 $2.000000000e+00, v59;
	v40 =	vmul.f32 $6.375000000e+01, v51;
	s24 =	sor.u32 $0x400, s17  }
0x3f1: {  	v32 =	vadd.s32 v62, v2;
	v42 =	vmul.f32 v61, v42;
	v52 =	vld.idx.msk [tilespmem:v3+s24+$0x0 ss:$0x1], $0xffff;
	v53 =	vmax.f32 v36, $0.0e+00  }
0x3f2: {  	v20 =	vld.idx.msk [tilespmem:v20+s30+$0x0], $0xffff;
	v31 =	vmul.f32 $6.375000000e+01, v31;
	v54 =	vmax.f32 v40, $0.0e+00;
	v41 =	vmin.f32 v53, $2.540000000e+02  }
0x3f3: {  	v44 =	vmin.f32 v54, $2.540000000e+02;
	v35 =	vadd.f32 v42, v35;
	v48 =	vld.idx.msk [tilespmem:v34+s14+$0x0], $0xffff;
	v41 =	vtrunc.f32 v41  }
0x3f4: {  	v56 =	vmax.f32 v31, $0.0e+00;
	v44 =	vtrunc.f32 v44;
	v34 =	vld.idx.msk [tilespmem:v34+s30+$0x0], $0xffff;
	v41 =	vcvt.f32.s32 v41  }
0x3f5: {  	[tilespmem:v1+s4+$0x0 ss:$0x1] =	vst.idx.msk $0xffff, v27;
	v55 =	vld.idx.msk [tilespmem:v37+s14+$0x0], $0xffff;
	v27 =	vmin.f32 v56, $2.540000000e+02;
	v57 =	vcvt.f32.s32 v44  }
0x3f6: {  	v37 =	vld.idx.msk [tilespmem:v37+s30+$0x0], $0xffff;
	[tilespmem:v1+s5+$0x0 ss:$0x1] =	vst.idx.msk $0xffff, v35;
	s5 =	sor.u32 $0xF0, s10;
	v27 =	vtrunc.f32 v27;
	v45 =	vadd.f32 $2.000000000e+00, v52;
	v41 =	vadd.s32 v41, v2  }
0x3f7: {  	v24 =	vmax.f32 v11, $0.0e+00;
	v59 =	vld.idx.msk [tilespmem:v3+s5+$0x0 ss:$0x1], $0xffff;
	v27 =	vcvt.f32.s32 v27;
	v42 =	vadd.s32 v57, v2  }
0x3f8: {  	v24 =	vmin.f32 v24, $2.540000000e+02;
	v28 =	vld.idx.msk [tilespmem:v32+s14+$0x0], $0xffff;
	v58 =	vmul.f32 $6.375000000e+01, v45  }
0x3f9: {  	v10 =	vmul.f32 v17, v10;
	v24 =	vtrunc.f32 v24;
	s12 =	sor.u32 $0x170, s10;
	v32 =	vld.idx.msk [tilespmem:v32+s30+$0x0], $0xffff;
	v27 =	vadd.s32 v27, v2  }
0x3fa: {  	v8 =	vmul.f32 v19, v8;
	v24 =	vcvt.f32.s32 v24;
	v60 =	vld.idx.msk [tilespmem:v3+s12+$0x0 ss:$0x1], $0xffff;
	v45 =	vmax.f32 v58, $0.0e+00  }
0x3fb: {  	v38 =	vmul.f32 v63, v23;
	v39 =	vmul.f32 v55, v39;
	v45 =	vmin.f32 v45, $2.540000000e+02;
	v62 =	vld.idx.msk [tilespmem:v41+s14+$0x0], $0xffff  }
0x3fc: {  	v63 =	vadd.f32 $2.000000000e+00, v46;
	v61 =	vadd.f32 $2.000000000e+00, v59;
	v46 =	vld.idx.msk [tilespmem:v42+s14+$0x0], $0xffff;
	v18 =	vtrunc.f32 v45  }
0x3fd: {  	v25 =	vmul.f32 v28, v25;
	v37 =	vadd.f32 v39, v37;
	v54 =	vld.idx.msk [tilespmem:v41+s30+$0x0], $0xffff;
	v18 =	vcvt.f32.s32 v18  }
0x3fe: {  	v24 =	vadd.s32 v24, v2;
	v30 =	vmul.f32 v30, v43;
	v47 =	vmul.f32 $6.375000000e+01, v61;
	v52 =	vld.idx.msk [tilespmem:v27+s14+$0x0], $0xffff  }
0x3ff: {  	s18 =	sor.u32 $0x1B0, s21;
	v25 =	vadd.f32 v25, v32;
	[tilespmem:v1+s1+$0x0 ss:$0x1] =	vst.idx.msk $0xffff, v37;
	v27 =	vld.idx.msk [tilespmem:v27+s30+$0x0], $0xffff;
	v18 =	vadd.s32 v18, v2  }
0x400: {  	v29 =	vadd.f32 v38, v29;
	v20 =	vadd.f32 v30, v20;
	v30 =	vld.idx.msk [tilespmem:v3+s18+$0x0 ss:$0x1], $0xffff;
	v28 =	vmax.f32 v47, $0.0e+00  }
0x401: {  	v53 =	vadd.f32 $2.000000000e+00, v60;
	v39 =	vadd.s32 v16, v2;
	[tilespmem:v1+s26+$0x0 ss:$0x1] =	vst.idx.msk $0xffff, v25;
	s26 =	sor.u32 $0x70, s10;
	s10 =	sor.u32 $0x420, s16;
	v16 =	vmin.f32 v28, $2.540000000e+02;
	v28 =	vld.idx.msk [tilespmem:v42+s30+$0x0], $0xffff  }
0x402: {  	v17 =	vadd.f32 $2.000000000e+00, v26;
	[tilespmem:v1+s28+$0x0 ss:$0x1] =	vst.idx.msk $0xffff, v29;
	v19 =	vld.idx.msk [tilespmem:v3+s10+$0x0 ss:$0x1], $0xffff;
	v26 =	vmul.f32 v62, v36  }
0x403: {  	[tilespmem:v1+s31+$0x0 ss:$0x1] =	vst.idx.msk $0xffff, v20;
	v20 =	vmul.f32 $6.375000000e+01, v53;
	v31 =	vmul.f32 v52, v31;
	v52 =	vld.idx.msk [tilespmem:v24+s14+$0x0], $0xffff  }
0x404: {  	v16 =	vtrunc.f32 v16;
	v29 =	vmul.f32 v46, v40;
	v26 =	vadd.f32 v26, v54;
	v55 =	vld.idx.msk [tilespmem:v18+s14+$0x0], $0xffff  }
0x405: {  	v17 =	vmul.f32 $6.375000000e+01, v17;
	v56 =	vmax.f32 v20, $0.0e+00;
	v16 =	vcvt.f32.s32 v16;
	v24 =	vld.idx.msk [tilespmem:v24+s30+$0x0], $0xffff  }
0x406: {  	v57 =	vmin.f32 v56, $2.540000000e+02;
	v25 =	vadd.f32 $2.000000000e+00, v30;
	v18 =	vld.idx.msk [tilespmem:v18+s30+$0x0], $0xffff;
	v28 =	vadd.f32 v29, v28;
	[tilespmem:v1+s3+$0x0 ss:$0x1] =	vst.idx.msk $0xffff, v26  }
0x407: {  	v26 =	vadd.s32 v16, v2;
	v16 =	vld.idx.msk [tilespmem:v3+s26+$0x0 ss:$0x1], $0xffff;
	v29 =	vmax.f32 v17, $0.0e+00;
	s3 =	sor.u32 $0x420, s19;
	v27 =	vadd.f32 v31, v27  }
0x408: {  	v7 =	vmul.f32 v21, v7;
	v30 =	vtrunc.f32 v57;
	[tilespmem:v1+s22+$0x0 ss:$0x1] =	vst.idx.msk $0xffff, v28;
	v28 =	vmin.f32 v29, $2.540000000e+02;
	v29 =	vld.idx.msk [tilespmem:v3+s3+$0x0 ss:$0x1], $0xffff;
	s22 =	sor.u32 $0xB0, s21  }
0x409: {  	s31 =	sor.u32 $0x30, s21;
	v25 =	vmul.f32 $6.375000000e+01, v25;
	[tilespmem:v1+s7+$0x0 ss:$0x1] =	vst.idx.msk $0xffff, v27;
	v31 =	vld.idx.msk [tilespmem:v3+s22+$0x0 ss:$0x1], $0xffff;
	v32 =	vmul.f32 v55, v58  }
0x40a: {  	v15 =	vadd.f32 v10, v15;
	s4 =	sor.u32 $0x130, s21;
	v30 =	vcvt.f32.s32 v30;
	v28 =	vtrunc.f32 v28;
	v21 =	vld.idx.msk [tilespmem:v3+s31+$0x0 ss:$0x1], $0xffff  }
0x40b: {  	v27 =	vcvt.f32.s32 v28;
	v28 =	vld.idx.msk [tilespmem:v3+s4+$0x0 ss:$0x1], $0xffff;
	v58 =	vmax.f32 v25, $0.0e+00;
	v18 =	vadd.f32 v32, v18  }
0x40c: {  	[tilespmem:v1+s20+$0x0 ss:$0x1] =	vst.idx.msk $0xffff, v15;
	v30 =	vadd.s32 v30, v2;
	v60 =	vld.idx.msk [tilespmem:v26+s14+$0x0], $0xffff;
	v59 =	vmin.f32 v58, $2.540000000e+02  }
0x40d: {  	v26 =	vld.idx.msk [tilespmem:v26+s30+$0x0], $0xffff;
	[tilespmem:v1+s24+$0x0 ss:$0x1] =	vst.idx.msk $0xffff, v18;
	v18 =	vtrunc.f32 v59  }
0x40e: {  	v55 =	vld.idx.msk [tilespmem:v39+s14+$0x0], $0xffff;
	v27 =	vadd.s32 v27, v2;
	v18 =	vcvt.f32.s32 v18;
	s0 =	sld [smem:$0x7DC]  }
0x40f: {  	v13 =	vadd.f32 v8, v13;
	v19 =	vadd.f32 $2.000000000e+00, v19;
	v39 =	vld.idx.msk [tilespmem:v39+s30+$0x0], $0xffff;
	s24 =	sor.u32 $0x410, s17  }
0x410: {  	v7 =	vadd.f32 v7, v12;
	v61 =	vld.idx.msk [tilespmem:v3+s24+$0x0 ss:$0x1], $0xffff;
	v18 =	vadd.s32 v18, v2  }
0x411: {  	v12 =	vmul.f32 $6.375000000e+01, v19;
	v16 =	vadd.f32 $2.000000000e+00, v16;
	v35 =	vld.idx.msk [tilespmem:v30+s14+$0x0], $0xffff;
	v19 =	vadd.f32 $2.000000000e+00, v28;
	s28 =	sld [smem:$0x7DB];
	[tilespmem:v1+s0+$0x0 ss:$0x1] =	vst.idx.msk $0xffff, v13  }
0x412: {  	v33 =	vmul.f32 v48, v33;
	v29 =	vadd.f32 $2.000000000e+00, v29;
	v31 =	vadd.f32 $2.000000000e+00, v31;
	v28 =	vld.idx.msk [tilespmem:v30+s30+$0x0], $0xffff;
	s0 =	sld [smem:$0x7DD]  }
0x413: {  	v16 =	vmul.f32 $6.375000000e+01, v16;
	v21 =	vadd.f32 $2.000000000e+00, v21;
	v48 =	vld.idx.msk [tilespmem:v27+s14+$0x0], $0xffff;
	v19 =	vmul.f32 $6.375000000e+01, v19  }
0x414: {  	v23 =	vadd.f32 v33, v34;
	v8 =	vmul.f32 $6.375000000e+01, v29;
	v31 =	vmul.f32 $6.375000000e+01, v31;
	v27 =	vld.idx.msk [tilespmem:v27+s30+$0x0], $0xffff  }
0x415: {  	v21 =	vmul.f32 $6.375000000e+01, v21;
	v53 =	vmax.f32 v19, $0.0e+00;
	v34 =	vadd.f32 $2.000000000e+00, v61;
	v51 =	vld.idx.msk [tilespmem:v18+s14+$0x0], $0xffff;
	s0 =	sor.u32 $0x450, s0  }
0x416: {  	v32 =	vmul.f32 v60, v47;
	v50 =	vmax.f32 v31, $0.0e+00;
	v54 =	vmin.f32 v53, $2.540000000e+02;
	v18 =	vld.idx.msk [tilespmem:v18+s30+$0x0], $0xffff;
	[dreg:$0x17] =	wrdreg s0  }
0x417: {  	v40 =	vmin.f32 v50, $2.540000000e+02;
	v33 =	vtrunc.f32 v54;
	v34 =	vmul.f32 $6.375000000e+01, v34;
	[tilespmem:v1+s9+$0x0 ss:$0x1] =	vst.idx.msk $0xffff, v7  }
0x418: {  	v40 =	vtrunc.f32 v40;
	v15 =	vcvt.f32.s32 v33;
	s1 =	sld [smem:$0x7DE]  }
0x419: {  	v56 =	vmax.f32 v21, $0.0e+00;
	v40 =	vcvt.f32.s32 v40;
	v57 =	vmax.f32 v34, $0.0e+00  }
0x41a: {  	s20 =	sor.u32 $0x440, s28;
	v13 =	vmin.f32 v56, $2.540000000e+02;
	v15 =	vadd.s32 v15, v2;
	v59 =	vmin.f32 v57, $2.540000000e+02  }
0x41b: {  	v58 =	vadd.s32 v40, v2;
	v60 =	vld.idx.msk [tilespmem:v3+s20+$0x0 ss:$0x1], $0xffff;
	v40 =	vtrunc.f32 v59;
	v25 =	vmul.f32 v51, v25;
	s1 =	sor.u32 $0x450, s1  }
0x41c: {  	v7 =	vtrunc.f32 v13;
	v61 =	vld.idx.msk [tilespmem:v3+s0+$0x0 ss:$0x1], $0xffff;
	v13 =	vcvt.f32.s32 v40;
	[smem:$0x7DF] =	sst s1  }
0x41d: {  	v62 =	vmax.f32 v16, $0.0e+00;
	v7 =	vcvt.f32.s32 v7;
	v18 =	vadd.f32 v25, v18;
	v25 =	vld.idx.msk [tilespmem:v3+s1+$0x0 ss:$0x1], $0xffff  }
0x41e: {  	v10 =	vmul.f32 $6.375000000e+01, v63;
	v30 =	vmin.f32 v62, $2.540000000e+02;
	v62 =	vadd.s32 v13, v2;
	v13 =	vld.idx.msk [tilespmem:v6+s14+$0x0], $0xffff  }
0x41f: {  	v63 =	vmax.f32 v8, $0.0e+00;
	v20 =	vmul.f32 v35, v20;
	v7 =	vadd.s32 v7, v2;
	v46 =	vld.idx.msk [tilespmem:v15+s14+$0x0], $0xffff  }
0x420: {  	v30 =	vtrunc.f32 v30;
	s9 =	sor.u32 $0x1C0, s21;
	[tilespmem:v1+s18+$0x0 ss:$0x1] =	vst.idx.msk $0xffff, v18;
	v18 =	vmin.f32 v63, $2.540000000e+02;
	v63 =	vld.idx.msk [tilespmem:v58+s14+$0x0], $0xffff  }
0x421: {  	v49 =	vmax.f32 v12, $0.0e+00;
	v30 =	vcvt.f32.s32 v30;
	v20 =	vadd.f32 v20, v28;
	v28 =	vld.idx.msk [tilespmem:v3+s9+$0x0 ss:$0x1], $0xffff  }
0x422: {  	v45 =	vmin.f32 v49, $2.540000000e+02;
	v17 =	vmul.f32 v48, v17;
	v41 =	vadd.f32 $2.000000000e+00, v60;
	v33 =	vld.idx.msk [tilespmem:v58+s30+$0x0], $0xffff  }
0x423: {  	v47 =	vmul.f32 v52, v11;
	v26 =	vadd.f32 v32, v26;
	v30 =	vadd.s32 v30, v2;
	v51 =	vld.idx.msk [tilespmem:v15+s30+$0x0], $0xffff  }
0x424: {  	v17 =	vadd.f32 v17, v27;
	v11 =	vmul.f32 $6.375000000e+01, v41;
	v18 =	vtrunc.f32 v18;
	v27 =	vld.idx.msk [tilespmem:v7+s14+$0x0], $0xffff  }
0x425: {  	v36 =	vtrunc.f32 v45;
	[tilespmem:v1+s5+$0x0 ss:$0x1] =	vst.idx.msk $0xffff, v26;
	v26 =	vld.idx.msk [tilespmem:v7+s30+$0x0], $0xffff;
	v18 =	vcvt.f32.s32 v18  }
0x426: {  	v49 =	vmax.f32 v11, $0.0e+00;
	v48 =	vld.idx.msk [tilespmem:v62+s14+$0x0], $0xffff;
	v31 =	vmul.f32 v63, v31;
	v15 =	vadd.f32 $2.000000000e+00, v28  }
0x427: {  	v36 =	vcvt.f32.s32 v36;
	v32 =	vld.idx.msk [tilespmem:v62+s30+$0x0], $0xffff;
	v18 =	vadd.s32 v18, v2;
	v28 =	vmin.f32 v49, $2.540000000e+02  }
0x428: {  	[tilespmem:v1+s12+$0x0 ss:$0x1] =	vst.idx.msk $0xffff, v20;
	s1 =	sadd.s32 $0x80, s8;
	v7 =	vtrunc.f32 v28;
	v20 =	vadd.f32 v31, v33;
	v28 =	vld.idx.msk [tilespmem:v30+s14+$0x0], $0xffff;
	v31 =	vmul.f32 $6.375000000e+01, v15  }
0x429: {  	s6 =	sadd.s32 $0x100, s8;
	v36 =	vadd.s32 v36, v2;
	v29 =	vmax.f32 v10, $0.0e+00;
	s18 =	sor.u32 $0x400, s1;
	v25 =	vadd.f32 $2.000000000e+00, v25;
	v30 =	vld.idx.msk [tilespmem:v30+s30+$0x0], $0xffff  }
0x42a: {  	v29 =	vmin.f32 v29, $2.540000000e+02;
	s12 =	smov.u32 s18;
	[tilespmem:v1+s22+$0x0 ss:$0x1] =	vst.idx.msk $0xffff, v20;
	v20 =	vmul.f32 v27, v21;
	v27 =	vld.idx.msk [tilespmem:v3+s18+$0x0 ss:$0x1], $0xffff;
	s18 =	sor.u32 $0xC0, s21;
	s22 =	sor.u32 $0x400, s6;
	v21 =	vmax.f32 v31, $0.0e+00  }
0x42b: {  	v52 =	vcvt.f32.s32 v7;
	v7 =	vmul.f32 $6.375000000e+01, v25;
	v25 =	vld.idx.msk [tilespmem:v3+s18+$0x0 ss:$0x1], $0xffff;
	[smem:$0x7E0] =	sst s22;
	v21 =	vmin.f32 v21, $2.540000000e+02  }
0x42c: {  	v50 =	vadd.f32 $2.000000000e+00, v61;
	v34 =	vmul.f32 v48, v34;
	v53 =	vld.idx.msk [tilespmem:v3+s22+$0x0 ss:$0x1], $0xffff;
	v21 =	vtrunc.f32 v21  }
0x42d: {  	v19 =	vmul.f32 v46, v19;
	v20 =	vadd.f32 v20, v26;
	v26 =	vld.idx.msk [tilespmem:v18+s14+$0x0], $0xffff;
	v21 =	vcvt.f32.s32 v21  }
0x42e: {  	v14 =	vmul.f32 v55, v14;
	v29 =	vtrunc.f32 v29;
	v32 =	vadd.f32 v34, v32;
	v58 =	vld.idx.msk [tilespmem:v36+s14+$0x0], $0xffff  }
0x42f: {  	v19 =	vadd.f32 v19, v51;
	v15 =	vmul.f32 $6.375000000e+01, v50;
	v59 =	vld.idx.msk [tilespmem:v18+s30+$0x0], $0xffff;
	v21 =	vadd.s32 v21, v2  }
0x430: {  	v14 =	vadd.f32 v14, v39;
	s0 =	sor.u32 $0x420, s17;
	v36 =	vld.idx.msk [tilespmem:v36+s30+$0x0], $0xffff;
	[tilespmem:v1+s24+$0x0 ss:$0x1] =	vst.idx.msk $0xffff, v32;
	v16 =	vmul.f32 v28, v16  }
0x431: {  	v24 =	vadd.f32 v47, v24;
	v54 =	vmax.f32 v15, $0.0e+00;
	v55 =	vmax.f32 v7, $0.0e+00;
	[tilespmem:v1+s4+$0x0 ss:$0x1] =	vst.idx.msk $0xffff, v19;
	s24 =	sor.u32 $0x140, s21;
	v28 =	vld.idx.msk [tilespmem:v3+s0+$0x0 ss:$0x1], $0xffff  }
0x432: {  	s4 =	smov.u32 s17;
	v19 =	vmin.f32 v55, $2.540000000e+02;
	v56 =	vmin.f32 v54, $2.540000000e+02;
	s17 =	sor.u32 $0x40, s21;
	[tilespmem:v1+s31+$0x0 ss:$0x1] =	vst.idx.msk $0xffff, v20;
	v20 =	vld.idx.msk [tilespmem:v3+s24+$0x0 ss:$0x1], $0xffff;
	v16 =	vadd.f32 v16, v30  }
0x433: {  	v33 =	vadd.s32 v52, v2;
	[tilespmem:v1+s23+$0x0 ss:$0x1] =	vst.idx.msk $0xffff, v17;
	v19 =	vtrunc.f32 v19;
	v32 =	vtrunc.f32 v56;
	v57 =	vld.idx.msk [tilespmem:v3+s17+$0x0 ss:$0x1], $0xffff  }
0x434: {  	s22 =	sor.u32 $0x400, s8;
	v27 =	vadd.f32 $2.000000000e+00, v27;
	v30 =	vcvt.f32.s32 v29;
	[tilespmem:v1+s26+$0x0 ss:$0x1] =	vst.idx.msk $0xffff, v16;
	v61 =	vmul.f32 v26, v8;
	v26 =	vld.idx.msk [tilespmem:v21+s14+$0x0], $0xffff  }
0x435: {  	s25 =	sor.u32 $0x430, s11;
	[tilespmem:v1+s2+$0x0 ss:$0x1] =	vst.idx.msk $0xffff, v24;
	v32 =	vcvt.f32.s32 v32;
	v29 =	vcvt.f32.s32 v19;
	v25 =	vadd.f32 $2.000000000e+00, v25;
	v60 =	vld.idx.msk [tilespmem:v3+s22+$0x0 ss:$0x1], $0xffff  }
0x436: {  	v19 =	vmul.f32 $6.375000000e+01, v27;
	v16 =	vadd.f32 $2.000000000e+00, v53;
	v30 =	vadd.s32 v30, v2;
	v21 =	vld.idx.msk [tilespmem:v21+s30+$0x0], $0xffff;
	[dreg:$0x11] =	wrdreg s25  }
0x437: {  	v8 =	vadd.s32 v32, v2;
	v25 =	vmul.f32 $6.375000000e+01, v25;
	v48 =	vld.idx.msk [tilespmem:v3+s25+$0x0 ss:$0x1], $0xffff;
	s25 =	sld [smem:$0x7E1];
	[tilespmem:v1+s13+$0x0 ss:$0x1] =	vst.idx.msk $0xffff, v14  }
0x438: {  	v27 =	vmax.f32 v19, $0.0e+00;
	v18 =	vmul.f32 $6.375000000e+01, v16;
	v16 =	vadd.f32 $2.000000000e+00, v28;
	s13 =	sld [smem:$0x7E2]  }
0x439: {  	v20 =	vadd.f32 $2.000000000e+00, v20;
	v28 =	vmax.f32 v25, $0.0e+00;
	v26 =	vmul.f32 v26, v31  }
0x43a: {  	v62 =	vmin.f32 v27, $2.540000000e+02;
	v27 =	vmin.f32 v28, $2.540000000e+02;
	v63 =	vmul.f32 $6.375000000e+01, v16;
	s26 =	sor.u32 $0x440, s25  }
0x43b: {  	v17 =	vadd.f32 $2.000000000e+00, v57;
	v16 =	vtrunc.f32 v27;
	[dreg:$0xc] =	wrdreg s26;
	s29 =	sor.u32 $0x440, s13;
	v21 =	vadd.f32 v26, v21  }
0x43c: {  	v28 =	vmul.f32 $6.375000000e+01, v20;
	v14 =	vcvt.f32.s32 v16;
	v16 =	vmax.f32 v63, $0.0e+00;
	v49 =	vld.idx.msk [tilespmem:v3+s26+$0x0 ss:$0x1], $0xffff;
	[dreg:$0xd] =	wrdreg s29  }
0x43d: {  	v16 =	vmin.f32 v16, $2.540000000e+02;
	v50 =	vld.idx.msk [tilespmem:v3+s29+$0x0 ss:$0x1], $0xffff;
	[tilespmem:v1+s9+$0x0 ss:$0x1] =	vst.idx.msk $0xffff, v21  }
0x43e: {  	v27 =	vmul.f32 $6.375000000e+01, v17;
	v17 =	vmax.f32 v28, $0.0e+00;
	v16 =	vtrunc.f32 v16;
	v31 =	vld.idx.msk [tilespmem:v33+s14+$0x0], $0xffff;
	s9 =	sld [smem:$0x7F0]  }
0x43f: {  	s5 =	simm.s32 $0x1;
	v17 =	vmin.f32 v17, $2.540000000e+02;
	v16 =	vcvt.f32.s32 v16;
	v33 =	vld.idx.msk [tilespmem:v33+s30+$0x0], $0xffff;
	s2 =	sld [smem:$0x7EE]  }
0x440: {  	s7 =	simm.s32 $0x1;
	s5 =	simm.s32 @!p3 $0x0;
	v52 =	vtrunc.f32 v17;
	v17 =	vld.idx.msk [tilespmem:v30+s14+$0x0], $0xffff  }
0x441: {  	s7 =	simm.s32 @!p4 $0x0;
	v54 =	vadd.s32 v16, v2;
	v16 =	vld.idx.msk [tilespmem:v8+s14+$0x0], $0xffff;
	s9 =	sadd.s32 s5, s9  }
0x442: {  	v55 =	vadd.s32 v14, v2;
	v14 =	vld.idx.msk [tilespmem:v30+s30+$0x0], $0xffff;
	s5 =	sadd.s32 s7, s2;
	[smem:$0x7F0] =	sst s9  }
0x443: {  	[smem:$0x7EE] =	sst s5  }
0x444: {  	s5 =	sld [smem:$0x7FD]  }
0x445: {  	s9 =	smov.u32 s18;
	s18 =	sld [smem:$0x7EF];
	_ =	sdelay $0x2  }
0x446: {  	s23 =	sor.u32 $0x1D0, s21;
	s5 =	sadd.s32 s5, s18  }
0x447: {  	s31 =	smov.u32 s24;
	s24 =	sor.u32 $0x450, s28;
	v24 =	vmax.f32 v18, $0.0e+00;
	[smem:$0x7E3] =	sst s5  }
0x448: {  	s26 =	sor.u32 $0x450, s25;
	v21 =	vmin.f32 v24, $2.540000000e+02;
	v24 =	vld.idx.msk [tilespmem:v3+s23+$0x0 ss:$0x1], $0xffff;
	[dreg:$0x6] =	wrdreg s24  }
0x449: {  	s28 =	sor.u32 $0x450, s13;
	[dreg:$0x15] =	wrdreg s26  }
0x44a: {  	s29 =	sor.u32 $0x440, s11;
	[dreg:$0x1c] =	wrdreg s28  }
0x44b: {  	s7 =	sor.u32 $0x450, s11;
	v8 =	vld.idx.msk [tilespmem:v8+s30+$0x0], $0xffff;
	[dreg:$0xa] =	wrdreg s29  }
0x44c: {  	[smem:$0x7E4] =	sst s7  }
0x44d: {  	s11 =	sor.u32 $0x430, s19;
	s7 =	sld [smem:$0x7E7]  }
0x44e: {  	s18 =	sor.u32 $0x440, s19;
	v6 =	vld.idx.msk [tilespmem:v6+s30+$0x0], $0xffff;
	[smem:$0x7E5] =	sst s11  }
0x44f: {  	s13 =	smov.u32 s22;
	s22 =	sor.u32 $0x450, s19;
	[dreg:$0xb] =	wrdreg s18  }
0x450: {  	v51 =	vmax.f32 v27, $0.0e+00;
	s24 =	sor.u32 $0x430, s16;
	[dreg:$0x12] =	wrdreg s22  }
0x451: {  	v42 =	vmin.f32 v51, $2.540000000e+02;
	v53 =	vcvt.f32.s32 v52;
	s25 =	sor.u32 $0x440, s16;
	v57 =	vld.idx.msk [tilespmem:v54+s14+$0x0], $0xffff;
	[smem:$0x7E6] =	sst s24  }
0x452: {  	v42 =	vtrunc.f32 v42;
	s26 =	sor.u32 $0x410, s1;
	[dreg:$0x9] =	wrdreg s25  }
0x453: {  	v12 =	vmul.f32 v58, v12;
	v26 =	vcvt.f32.s32 v42;
	v42 =	vadd.s32 v53, v2;
	s28 =	sor.u32 $0x420, s1;
	v58 =	vld.idx.msk [tilespmem:v55+s14+$0x0], $0xffff;
	[dreg:$0x19] =	wrdreg s26  }
0x454: {  	v34 =	vadd.f32 v61, v59;
	s29 =	sor.u32 $0x430, s1;
	v59 =	vld.idx.msk [tilespmem:v54+s30+$0x0], $0xffff;
	[dreg:$0x16] =	wrdreg s28  }
0x455: {  	[dreg:$0x10] =	wrdreg s29  }
0x456: {  	[tilespmem:v1+s7+$0x0 ss:$0x1] =	vst.idx.msk $0xffff, v5  }
0x457: {  	s11 =	sor.u32 $0x410, s6;
	s22 =	sld [smem:$0x7E9]  }
0x458: {  	v20 =	vadd.f32 $2.000000000e+00, v60;
	s19 =	sor.u32 $0x420, s6;
	v60 =	vld.idx.msk [tilespmem:v42+s14+$0x0], $0xffff;
	[smem:$0x7E8] =	sst s11  }
0x459: {  	[dreg:$0x14] =	wrdreg s19  }
0x45a: {  	v56 =	vadd.s32 v26, v2;
	s24 =	sor.u32 $0x430, s6;
	[tilespmem:v1+s22+$0x0 ss:$0x1] =	vst.idx.msk $0xffff, v9  }
0x45b: {  	[dreg:$0xf] =	wrdreg s24  }
0x45c: {  	s26 =	sor.u32 $0x440, s6;
	s29 =	sld [smem:$0x7EA]  }
0x45d: {  	s28 =	sor.u32 $0x450, s6;
	[dreg:$0x1a] =	wrdreg s26  }
0x45e: {  	v11 =	vmul.f32 v31, v11;
	v31 =	vadd.f32 $2.000000000e+00, v49;
	[dreg:$0x8] =	wrdreg s28  }
0x45f: {  	s5 =	sor.u32 $0x410, s8;
	v61 =	vld.idx.msk [tilespmem:v56+s14+$0x0], $0xffff;
	[tilespmem:v1+s29+$0x0 ss:$0x1] =	vst.idx.msk $0xffff, v22  }
0x460: {  	v26 =	vtrunc.f32 v62;
	v62 =	vadd.f32 v11, v33;
	v11 =	vmul.f32 $6.375000000e+01, v31;
	s6 =	sor.u32 $0x430, s8;
	v31 =	vld.idx.msk [tilespmem:v55+s30+$0x0], $0xffff;
	[dreg:$0x18] =	wrdreg s5  }
0x461: {  	v20 =	vmul.f32 $6.375000000e+01, v20;
	[dreg:$0xe] =	wrdreg s6  }
0x462: {  	v26 =	vcvt.f32.s32 v26;
	s7 =	sor.u32 $0x440, s8;
	[tilespmem:v1+s15+$0x0 ss:$0x1] =	vst.idx.msk $0xffff, v23  }
0x463: {  	v30 =	vmax.f32 v20, $0.0e+00;
	s15 =	sor.u32 $0x450, s8;
	[dreg:$0x13] =	wrdreg s7  }
0x464: {  	v30 =	vmin.f32 v30, $2.540000000e+02;
	v26 =	vadd.s32 v26, v2;
	[smem:$0x7EB] =	sst s15  }
0x465: {  	v36 =	vadd.f32 v12, v36;
	v30 =	vtrunc.f32 v30;
	v21 =	vtrunc.f32 v21;
	s19 =	sor.u32 $0xD0, s21;
	v33 =	vld.idx.msk [tilespmem:v42+s30+$0x0], $0xffff;
	[tilespmem:v1+s3+$0x0 ss:$0x1] =	vst.idx.msk $0xffff, v34  }
0x466: {  	v12 =	vadd.f32 $2.000000000e+00, v48;
	v30 =	vcvt.f32.s32 v30;
	v21 =	vcvt.f32.s32 v21;
	s22 =	sor.u32 $0x150, s21;
	v32 =	vld.idx.msk [tilespmem:v56+s30+$0x0], $0xffff;
	[smem:$0x7EC] =	sst s19  }
0x467: {  	v38 =	vadd.f32 $2.000000000e+00, v50;
	v5 =	vadd.f32 $2.000000000e+00, v24;
	[dreg:$0x1e] =	wrdreg s22  }
0x468: {  	v12 =	vmul.f32 $6.375000000e+01, v12;
	s2 =	smov.u32 s21;
	v21 =	vadd.s32 v21, v2;
	s16 =	sor.u32 $0x450, s16;
	v24 =	vadd.s32 v30, v2;
	s24 =	sor.u32 $0x60, s21;
	[tilespmem:v1+s10+$0x0 ss:$0x1] =	vst.idx.msk $0xffff, v36  }
0x469: {  	s18 =	sor.u32 $0x450, s1;
	v30 =	vmul.f32 $6.375000000e+01, v5;
	v5 =	vadd.s32 v29, v2;
	v9 =	vmul.f32 $6.375000000e+01, v38;
	s26 =	sor.u32 $0xE0, s21;
	v29 =	vld.idx.msk [tilespmem:v26+s14+$0x0], $0xffff;
	[dreg:$0x1b] =	wrdreg s24  }
0x46a: {  	s25 =	sor.u32 $0x440, s1;
	s28 =	sor.u32 $0x160, s21;
	v22 =	vmul.f32 v57, v63;
	v63 =	vmax.f32 v11, $0.0e+00;
	v23 =	vmax.f32 v12, $0.0e+00;
	[dreg:$0x1f] =	wrdreg s26  }
0x46b: {  	s1 =	simm.s32 $0xC00;
	s11 =	sor.u32 $0x420, s8;
	v23 =	vmin.f32 v23, $2.540000000e+02;
	v34 =	vmul.f32 v58, v25;
	v25 =	vmax.f32 v30, $0.0e+00;
	[dreg:$0x1d] =	wrdreg s28  }
0x46c: {  	s29 =	sor.u32 $0xF0, s21;
	s6 =	simm.s32 $0x14;
	s5 =	sor.u32 $0x50, s21;
	v35 =	vadd.f32 v22, v59;
	v22 =	vtrunc.f32 v23;
	v25 =	vmin.f32 v25, $2.540000000e+02;
	[tilespmem:v1+s20+$0x0 ss:$0x1] =	vst.idx.msk $0xffff, v62  }
0x46d: {  	s15 =	sor.u32 $0x70, s21;
	s7 =	simm.s32 $0x1800;
	v23 =	vmax.f32 v9, $0.0e+00;
	v36 =	vmul.f32 v60, v28;
	v25 =	vtrunc.f32 v25;
	v28 =	vld.idx.msk [tilespmem:v21+s14+$0x0], $0xffff;
	[smem:$0x7ED] =	sst s29  }
0x46e: {  	s3 =	smov.u32 s17;
	s17 =	sor.u32 $0x170, s21;
	v37 =	vcvt.f32.s32 v25;
	v25 =	vmin.f32 v63, $2.540000000e+02;
	s20 =	sor.u32 $0x430, s4;
	[tilespmem:v1+s0+$0x0 ss:$0x1] =	vst.idx.msk $0xffff, v35;
	v35 =	vmul.f32 v61, v27;
	v27 =	vld.idx.msk [tilespmem:v24+s14+$0x0], $0xffff  }
.LBB2_7:
0x46f: {  	[smem:$0x7D1] =	sst s1  }
0x470: {  	s1 =	sld [smem:$0x7D1];
	_ =	sdelay $0x1  }
0x471: {  	[smem:$0x7BA] =	sst s17  }
0x472: {  	[smem:$0x7D0] =	sst s7;
	s0 =	sand.u32 $0x3800, s7;
	v44 =	vld.idx.msk [tilespmem:v3+s20+$0x0 ss:$0x1], $0xffff;
	v22 =	vcvt.f32.s32 v22;
	v23 =	vmin.f32 v23, $2.540000000e+02;
	v25 =	vtrunc.f32 v25;
	s1 =	sand.u32 $0x200, s1  }
0x473: {  	[smem:$0x7C7] =	sst s16;
	v26 =	vld.idx.msk [tilespmem:v26+s30+$0x0], $0xffff;
	v10 =	vmul.f32 v17, v10;
	v45 =	vadd.s32 v37, v2;
	v31 =	vadd.f32 v34, v31;
	s16 =	sor.u32 s1, s0  }
0x474: {  	[smem:$0x7CF] =	sst s25;
	v32 =	vadd.f32 v35, v32;
	v23 =	vtrunc.f32 v23;
	v33 =	vadd.f32 v36, v33;
	v46 =	vld.idx.msk [tilespmem:v3+s16+$0x0 ss:$0x1], $0xffff;
	s17 =	sor.u32 $0x180, s16  }
0x475: {  	s25 =	sld [smem:$0x7EC];
	s6 =	sadd.s32 $0x4, s6;
	v10 =	vadd.f32 v10, v14;
	v19 =	vmul.f32 v29, v19;
	[tilespmem:v1+s9+$0x0 ss:$0x1] =	vst.idx.msk $0xffff, v31;
	s7 =	sor.u32 $0x80, s16;
	v31 =	vld.idx.msk [tilespmem:v3+s17+$0x0 ss:$0x1], $0xffff  }
0x476: {  	[smem:$0x7CB] =	sst s6;
	p3 =	slt.u32 s6, $0x34;
	v28 =	vmul.f32 v28, v18;
	v18 =	vcvt.f32.s32 v25;
	[tilespmem:v1+s31+$0x0 ss:$0x1] =	vst.idx.msk $0xffff, v33;
	s6 =	sor.u32 $0x100, s16;
	v29 =	vld.idx.msk [tilespmem:v3+s7+$0x0 ss:$0x1], $0xffff  }
0x477: {  	[smem:$0x7BC] =	sst s15;
	v27 =	vmul.f32 v27, v20;
	v20 =	vcvt.f32.s32 v23;
	v47 =	vadd.f32 $2.000000000e+00, v44;
	v25 =	vld.idx.msk [tilespmem:v3+s6+$0x0 ss:$0x1], $0xffff  }
0x478: {  	s31 =	rddreg [dreg:$0x1e];
	[tilespmem:v1+s3+$0x0 ss:$0x1] =	vst.idx.msk $0xffff, v32;
	v23 =	vld.idx.msk [tilespmem:v45+s14+$0x0], $0xffff;
	v48 =	vadd.s32 v18, v2;
	v17 =	vadd.f32 v19, v26;
	s24 =	sor.u32 $0xE0, s16  }
0x479: {  	v18 =	vld.idx.msk [tilespmem:v3+s25+$0x0 ss:$0x1], $0xffff;
	v19 =	vadd.s32 v20, v2;
	v20 =	vmul.f32 v16, v15;
	[smem:$0x7B8] =	sst s24;
	v32 =	vmul.f32 $6.375000000e+01, v47  }
0x47a: {  	v26 =	vld.idx.msk [tilespmem:v45+s30+$0x0], $0xffff;
	v16 =	vmul.f32 v13, v4;
	s24 =	rddreg [dreg:$0x5];
	[tilespmem:v1+s12+$0x0 ss:$0x1] =	vst.idx.msk $0xffff, v17;
	v15 =	vadd.f32 $2.000000000e+00, v46;
	v13 =	vadd.f32 $2.000000000e+00, v31  }
0x47b: {  	v22 =	vadd.s32 v22, v2;
	s19 =	sor.u32 $0x60, s16;
	v21 =	vld.idx.msk [tilespmem:v21+s30+$0x0], $0xffff;
	v17 =	vmax.f32 v32, $0.0e+00;
	[tilespmem:v1+s24+$0x0 ss:$0x1] =	vst.idx.msk $0xffff, v10;
	s24 =	sld [smem:$0x7E6];
	v14 =	vadd.f32 $2.000000000e+00, v29  }
0x47c: {  	v4 =	vmovc v7;
	[smem:$0x7BB] =	sst s19;
	s19 =	sor.u32 $0x170, s16;
	v24 =	vld.idx.msk [tilespmem:v24+s30+$0x0], $0xffff;
	v25 =	vadd.f32 $2.000000000e+00, v25;
	v7 =	vmul.f32 $6.375000000e+01, v15;
	v29 =	vmul.f32 $6.375000000e+01, v13  }
0x47d: {  	[smem:$0x7C2] =	sst s19;
	v31 =	vld.idx.msk [tilespmem:v3+s31+$0x0 ss:$0x1], $0xffff;
	v13 =	vmin.f32 v17, $2.540000000e+02;
	v17 =	vmul.f32 v23, v30;
	v14 =	vmul.f32 $6.375000000e+01, v14  }
0x47e: {  	s19 =	sld [smem:$0x7E5];
	v51 =	vld.idx.msk [tilespmem:v3+s24+$0x0 ss:$0x1], $0xffff;
	v49 =	vmul.f32 $6.375000000e+01, v25;
	v13 =	vtrunc.f32 v13  }
0x47f: {  	s15 =	sor.u32 $0x140, s16;
	s12 =	smov.u32 s18;
	s18 =	rddreg [dreg:$0x19];
	v15 =	vld.idx.msk [tilespmem:v3+s5+$0x0 ss:$0x1], $0xffff;
	v10 =	vmax.f32 v7, $0.0e+00;
	v23 =	vmax.f32 v29, $0.0e+00;
	v13 =	vcvt.f32.s32 v13  }
0x480: {  	s28 =	sor.u32 $0x160, s16;
	[smem:$0x7C8] =	sst s15;
	v30 =	vld.idx.msk [tilespmem:v3+s18+$0x0 ss:$0x1], $0xffff;
	v17 =	vadd.f32 v17, v26;
	v10 =	vmin.f32 v10, $2.540000000e+02;
	v23 =	vmin.f32 v23, $2.540000000e+02  }
0x481: {  	[smem:$0x7B9] =	sst s28;
	v26 =	vld.idx.msk [tilespmem:v3+s19+$0x0 ss:$0x1], $0xffff;
	v25 =	vmax.f32 v14, $0.0e+00;
	v38 =	vtrunc.f32 v10;
	v23 =	vtrunc.f32 v23  }
0x482: {  	s15 =	sor.u32 $0xF0, s16;
	s28 =	rddreg [dreg:$0x6];
	v10 =	vld.idx.msk [tilespmem:v22+s30+$0x0], $0xffff;
	v50 =	vadd.s32 v13, v2;
	v13 =	vmin.f32 v25, $2.540000000e+02;
	v23 =	vcvt.f32.s32 v23  }
0x483: {  	[smem:$0x7C1] =	sst s15;
	s15 =	smov.u32 s28;
	s28 =	sor.u32 $0x1E0, s2;
	v25 =	vmax.f32 v49, $0.0e+00;
	[tilespmem:v1+s23+$0x0 ss:$0x1] =	vst.idx.msk $0xffff, v17;
	v17 =	vld.idx.msk [tilespmem:v22+s14+$0x0], $0xffff;
	v13 =	vtrunc.f32 v13  }
0x484: {  	v25 =	vmin.f32 v25, $2.540000000e+02;
	v52 =	vld.idx.msk [tilespmem:v3+s28+$0x0 ss:$0x1], $0xffff;
	v13 =	vcvt.f32.s32 v13;
	v39 =	vadd.s32 v23, v2  }
0x485: {  	s0 =	sor.u32 $0x30, s16;
	v31 =	vadd.f32 $2.000000000e+00, v31;
	v25 =	vtrunc.f32 v25;
	v23 =	vadd.f32 $2.000000000e+00, v18;
	v18 =	vld.idx.msk [tilespmem:v48+s14+$0x0], $0xffff  }
0x486: {  	[smem:$0x7C0] =	sst s0;
	v22 =	vcvt.f32.s32 v25;
	v25 =	vcvt.f32.s32 v38;
	v40 =	vadd.s32 v13, v2;
	v13 =	vld.idx.msk [tilespmem:v19+s14+$0x0], $0xffff  }
0x487: {  	s0 =	sld [smem:$0x7E4];
	v15 =	vadd.f32 $2.000000000e+00, v15;
	v53 =	vld.idx.msk [tilespmem:v50+s14+$0x0], $0xffff;
	v41 =	vmul.f32 $6.375000000e+01, v23  }
0x488: {  	[smem:$0x7E4] =	sst s12;
	v22 =	vadd.s32 v22, v2;
	v42 =	vadd.s32 v25, v2;
	v25 =	vmul.f32 $6.375000000e+01, v31;
	v31 =	vld.idx.msk [tilespmem:v50+s30+$0x0], $0xffff  }
0x489: {  	s12 =	sld [smem:$0x7E0];
	v23 =	vmul.f32 $6.375000000e+01, v15;
	v37 =	vadd.f32 $2.000000000e+00, v52;
	v15 =	vmax.f32 v41, $0.0e+00;
	v54 =	vld.idx.msk [tilespmem:v39+s14+$0x0], $0xffff  }
0x48a: {  	v21 =	vadd.f32 v28, v21;
	v43 =	vmin.f32 v15, $2.540000000e+02;
	v15 =	vld.idx.msk [tilespmem:v48+s30+$0x0], $0xffff  }
0x48b: {  	v24 =	vadd.f32 v27, v24;
	v55 =	vld.idx.msk [tilespmem:v39+s30+$0x0], $0xffff;
	v37 =	vmul.f32 $6.375000000e+01, v37  }
0x48c: {  	[smem:$0x7BD] =	sst s11;
	s11 =	sor.u32 $0xC0, s16;
	[tilespmem:v1+s12+$0x0 ss:$0x1] =	vst.idx.msk $0xffff, v21;
	v57 =	vld.idx.msk [tilespmem:v40+s14+$0x0], $0xffff;
	v21 =	vtrunc.f32 v43;
	v27 =	vmul.f32 v53, v32  }
0x48d: {  	[smem:$0x7C4] =	sst s11;
	s11 =	sor.u32 $0x70, s16;
	v30 =	vadd.f32 $2.000000000e+00, v30;
	v58 =	vld.idx.msk [tilespmem:v22+s14+$0x0], $0xffff;
	v60 =	vmax.f32 v37, $0.0e+00;
	v21 =	vcvt.f32.s32 v21  }
0x48e: {  	[smem:$0x7C9] =	sst s11;
	s11 =	smov.u32 s0;
	v28 =	vmax.f32 v23, $0.0e+00;
	v61 =	vld.idx.msk [tilespmem:v42+s14+$0x0], $0xffff;
	[tilespmem:v1+s13+$0x0 ss:$0x1] =	vst.idx.msk $0xffff, v24;
	v39 =	vmin.f32 v60, $2.540000000e+02;
	v24 =	vadd.f32 v27, v31  }
0x48f: {  	[dreg:$0x6] =	wrdreg s11;
	v27 =	vld.idx.msk [tilespmem:v40+s30+$0x0], $0xffff;
	v31 =	vtrunc.f32 v39;
	v62 =	vadd.s32 v21, v2;
	v29 =	vmul.f32 v54, v29  }
0x490: {  	s11 =	sld [smem:$0x7E8];
	v44 =	vmax.f32 v25, $0.0e+00;
	v28 =	vmin.f32 v28, $2.540000000e+02;
	v22 =	vld.idx.msk [tilespmem:v22+s30+$0x0], $0xffff;
	v31 =	vcvt.f32.s32 v31  }
0x491: {  	v56 =	vmin.f32 v44, $2.540000000e+02;
	v21 =	vmul.f32 $6.375000000e+01, v30;
	v30 =	vld.idx.msk [tilespmem:v42+s30+$0x0], $0xffff;
	[tilespmem:v1+s20+$0x0 ss:$0x1] =	vst.idx.msk $0xffff, v24;
	s20 =	sor.u32 $0x440, s4;
	v24 =	vadd.f32 v29, v55  }
0x492: {  	v59 =	vtrunc.f32 v56;
	v14 =	vmul.f32 v57, v14;
	v29 =	vld.idx.msk [tilespmem:v3+s20+$0x0 ss:$0x1], $0xffff;
	v31 =	vadd.s32 v31, v2  }
0x493: {  	v28 =	vtrunc.f32 v28;
	v38 =	vcvt.f32.s32 v59;
	[tilespmem:v1+s17+$0x0 ss:$0x1] =	vst.idx.msk $0xffff, v24;
	v24 =	vld.idx.msk [tilespmem:v3+s11+$0x0 ss:$0x1], $0xffff  }
0x494: {  	v28 =	vcvt.f32.s32 v28;
	v32 =	vmul.f32 v58, v49;
	v14 =	vadd.f32 v14, v27;
	v27 =	vld.idx.msk [tilespmem:v62+s14+$0x0], $0xffff  }
0x495: {  	v26 =	vadd.f32 $2.000000000e+00, v26;
	s12 =	sor.u32 $0x190, s16;
	v63 =	vadd.s32 v38, v2;
	v44 =	vmul.f32 v61, v7;
	v46 =	vld.idx.msk [tilespmem:v62+s30+$0x0], $0xffff  }
0x496: {  	v28 =	vadd.s32 v28, v2;
	v7 =	vmax.f32 v21, $0.0e+00;
	v22 =	vadd.f32 v32, v22;
	v45 =	vld.idx.msk [tilespmem:v3+s12+$0x0 ss:$0x1], $0xffff  }
0x497: {  	s26 =	sor.u32 $0x90, s16;
	v7 =	vmin.f32 v7, $2.540000000e+02;
	v30 =	vadd.f32 v44, v30;
	[tilespmem:v1+s7+$0x0 ss:$0x1] =	vst.idx.msk $0xffff, v14;
	v48 =	vld.idx.msk [tilespmem:v31+s14+$0x0], $0xffff  }
0x498: {  	s10 =	sor.u32 $0x110, s16;
	s1 =	sor.u32 $0xB0, s16;
	v47 =	vtrunc.f32 v7;
	v7 =	vmul.f32 $6.375000000e+01, v26;
	[tilespmem:v1+s6+$0x0 ss:$0x1] =	vst.idx.msk $0xffff, v22;
	v49 =	vld.idx.msk [tilespmem:v3+s26+$0x0 ss:$0x1], $0xffff  }
0x499: {  	s29 =	sor.u32 $0x10, s16;
	[smem:$0x7BE] =	sst s1;
	s1 =	sor.u32 $0xD0, s16;
	v36 =	vadd.f32 $2.000000000e+00, v51;
	v12 =	vmul.f32 v17, v12;
	v26 =	vcvt.f32.s32 v47;
	[tilespmem:v1+s16+$0x0 ss:$0x1] =	vst.idx.msk $0xffff, v30;
	v30 =	vld.idx.msk [tilespmem:v3+s10+$0x0 ss:$0x1], $0xffff  }
0x49a: {  	[dreg:$0x19] =	wrdreg s18;
	s18 =	smov.u32 s1;
	v18 =	vmul.f32 v18, v11;
	v22 =	vmax.f32 v7, $0.0e+00;
	v29 =	vadd.f32 $2.000000000e+00, v29;
	v52 =	vld.idx.msk [tilespmem:v3+s29+$0x0 ss:$0x1], $0xffff  }
0x49b: {  	[smem:$0x7EC] =	sst s18;
	v14 =	vmul.f32 $6.375000000e+01, v36;
	v35 =	vadd.s32 v26, v2;
	v26 =	vmin.f32 v22, $2.540000000e+02;
	v53 =	vld.idx.msk [tilespmem:v63+s14+$0x0], $0xffff  }
0x49c: {  	s18 =	rddreg [dreg:$0x18];
	v55 =	vld.idx.msk [tilespmem:v28+s14+$0x0], $0xffff;
	v24 =	vadd.f32 $2.000000000e+00, v24;
	v29 =	vmul.f32 $6.375000000e+01, v29;
	v27 =	vmul.f32 v27, v41  }
0x49d: {  	v61 =	vld.idx.msk [tilespmem:v3+s18+$0x0 ss:$0x1], $0xffff;
	v51 =	vmax.f32 v14, $0.0e+00;
	v26 =	vtrunc.f32 v26;
	v50 =	vadd.f32 $2.000000000e+00, v45  }
0x49e: {  	v31 =	vld.idx.msk [tilespmem:v31+s30+$0x0], $0xffff;
	v22 =	vmul.f32 $6.375000000e+01, v24;
	v24 =	vmax.f32 v29, $0.0e+00;
	v27 =	vadd.f32 v27, v46  }
0x49f: {  	v36 =	vmul.f32 $6.375000000e+01, v50;
	v54 =	vmin.f32 v24, $2.540000000e+02;
	v24 =	vmin.f32 v51, $2.540000000e+02  }
0x4a0: {  	v33 =	vld.idx.msk [tilespmem:v63+s30+$0x0], $0xffff;
	v56 =	vmul.f32 v48, v37;
	v34 =	vadd.f32 $2.000000000e+00, v49;
	v30 =	vadd.f32 $2.000000000e+00, v30  }
0x4a1: {  	v28 =	vld.idx.msk [tilespmem:v28+s30+$0x0], $0xffff;
	v40 =	vadd.f32 $2.000000000e+00, v52;
	v41 =	vmul.f32 v53, v25;
	v23 =	vmul.f32 v55, v23  }
0x4a2: {  	v57 =	vtrunc.f32 v54;
	v54 =	vadd.f32 $2.000000000e+00, v61;
	v58 =	vmax.f32 v36, $0.0e+00  }
0x4a3: {  	s17 =	rddreg [dreg:$0x1f];
	[tilespmem:v1+s25+$0x0 ss:$0x1] =	vst.idx.msk $0xffff, v27;
	v37 =	vcvt.f32.s32 v57;
	v27 =	vadd.f32 v56, v31;
	v34 =	vmul.f32 $6.375000000e+01, v34  }
0x4a4: {  	v60 =	vld.idx.msk [tilespmem:v3+s17+$0x0 ss:$0x1], $0xffff;
	v30 =	vmul.f32 $6.375000000e+01, v30;
	v40 =	vmul.f32 $6.375000000e+01, v40;
	v39 =	vmin.f32 v58, $2.540000000e+02  }
0x4a5: {  	s6 =	sor.u32 $0x1F0, s2;
	v33 =	vadd.f32 v41, v33;
	v59 =	vtrunc.f32 v39;
	v37 =	vadd.s32 v37, v2;
	[tilespmem:v1+s28+$0x0 ss:$0x1] =	vst.idx.msk $0xffff, v27  }
0x4a6: {  	v23 =	vadd.f32 v23, v28;
	v45 =	vmax.f32 v30, $0.0e+00;
	v32 =	vcvt.f32.s32 v59;
	v62 =	vld.idx.msk [tilespmem:v3+s6+$0x0 ss:$0x1], $0xffff  }
0x4a7: {  	v19 =	vld.idx.msk [tilespmem:v19+s30+$0x0], $0xffff;
	v25 =	vmax.f32 v34, $0.0e+00;
	v48 =	vmax.f32 v40, $0.0e+00;
	v50 =	vmin.f32 v45, $2.540000000e+02  }
0x4a8: {  	v27 =	vld.idx.msk [tilespmem:v35+s14+$0x0], $0xffff;
	v63 =	vmin.f32 v25, $2.540000000e+02;
	v44 =	vtrunc.f32 v50;
	v32 =	vadd.s32 v32, v2  }
0x4a9: {  	v25 =	vld.idx.msk [tilespmem:v35+s30+$0x0], $0xffff;
	v35 =	vmin.f32 v48, $2.540000000e+02;
	v49 =	vtrunc.f32 v63;
	v44 =	vcvt.f32.s32 v44  }
0x4aa: {  	v35 =	vtrunc.f32 v35;
	v38 =	vcvt.f32.s32 v49;
	v28 =	vadd.f32 $2.000000000e+00, v60;
	v51 =	vld.idx.msk [tilespmem:v37+s14+$0x0], $0xffff  }
0x4ab: {  	s3 =	sor.u32 $0x130, s16;
	s13 =	rddreg [dreg:$0x1d];
	[tilespmem:v1+s31+$0x0 ss:$0x1] =	vst.idx.msk $0xffff, v33;
	v35 =	vcvt.f32.s32 v35;
	v37 =	vld.idx.msk [tilespmem:v37+s30+$0x0], $0xffff;
	v44 =	vadd.s32 v44, v2;
	v43 =	vadd.f32 $2.000000000e+00, v62  }
0x4ac: {  	[smem:$0x7BF] =	sst s3;
	v31 =	vmax.f32 v22, $0.0e+00;
	v38 =	vadd.s32 v38, v2;
	v42 =	vmul.f32 $6.375000000e+01, v28;
	v28 =	vld.idx.msk [tilespmem:v3+s13+$0x0 ss:$0x1], $0xffff  }
0x4ad: {  	s9 =	sor.u32 $0x40, s16;
	v31 =	vmin.f32 v31, $2.540000000e+02;
	[tilespmem:v1+s5+$0x0 ss:$0x1] =	vst.idx.msk $0xffff, v23;
	s5 =	rddreg [dreg:$0x1b];
	v53 =	vadd.s32 v35, v2;
	v52 =	vld.idx.msk [tilespmem:v32+s14+$0x0], $0xffff;
	v35 =	vmul.f32 $6.375000000e+01, v43  }
0x4ae: {  	[smem:$0x7C6] =	sst s9;
	v20 =	vadd.f32 v20, v8;
	v23 =	vmul.f32 $6.375000000e+01, v54;
	v31 =	vtrunc.f32 v31;
	v55 =	vld.idx.msk [tilespmem:v3+s5+$0x0 ss:$0x1], $0xffff  }
0x4af: {  	[dreg:$0x5] =	wrdreg s15;
	v31 =	vcvt.f32.s32 v31;
	v46 =	vmax.f32 v42, $0.0e+00;
	v32 =	vld.idx.msk [tilespmem:v32+s30+$0x0], $0xffff;
	v56 =	vmax.f32 v35, $0.0e+00  }
0x4b0: {  	[smem:$0x7E5] =	sst s19;
	v59 =	vmin.f32 v46, $2.540000000e+02;
	v29 =	vmul.f32 v51, v29;
	v58 =	vld.idx.msk [tilespmem:v44+s14+$0x0], $0xffff;
	v45 =	vmin.f32 v56, $2.540000000e+02  }
0x4b1: {  	[smem:$0x7E6] =	sst s24;
	v41 =	vtrunc.f32 v59;
	v57 =	vld.idx.msk [tilespmem:v38+s14+$0x0], $0xffff;
	v28 =	vadd.f32 $2.000000000e+00, v28;
	v45 =	vtrunc.f32 v45  }
0x4b2: {  	s9 =	sor.u32 $0x50, s16;
	s25 =	rddreg [dreg:$0x17];
	v44 =	vld.idx.msk [tilespmem:v44+s30+$0x0], $0xffff;
	v29 =	vadd.f32 v29, v37;
	v36 =	vmul.f32 v52, v36;
	v45 =	vcvt.f32.s32 v45  }
0x4b3: {  	s3 =	sor.u32 $0x150, s16;
	s24 =	smov.u32 s9;
	s9 =	rddreg [dreg:$0x8];
	v47 =	vmax.f32 v23, $0.0e+00;
	v60 =	vld.idx.msk [tilespmem:v53+s14+$0x0], $0xffff;
	v61 =	vcvt.f32.s32 v41;
	[tilespmem:v1+s25+$0x0 ss:$0x1] =	vst.idx.msk $0xffff, v20;
	v28 =	vmul.f32 $6.375000000e+01, v28  }
0x4b4: {  	[smem:$0x7CE] =	sst s24;
	s19 =	smov.u32 s3;
	s3 =	sor.u32 $0x450, s4;
	v38 =	vld.idx.msk [tilespmem:v38+s30+$0x0], $0xffff;
	[tilespmem:v1+s20+$0x0 ss:$0x1] =	vst.idx.msk $0xffff, v29;
	v29 =	vadd.f32 v36, v32;
	v45 =	vadd.s32 v45, v2  }
0x4b5: {  	[dreg:$0x1e] =	wrdreg s19;
	s28 =	smov.u32 s16;
	v49 =	vmax.f32 v28, $0.0e+00;
	v63 =	vld.idx.msk [tilespmem:v3+s3+$0x0 ss:$0x1], $0xffff;
	v32 =	vadd.s32 v61, v2;
	v30 =	vmul.f32 v58, v30  }
0x4b6: {  	s4 =	rddreg [dreg:$0x12];
	s1 =	sor.u32 $0x1A0, s28;
	v62 =	vmin.f32 v47, $2.540000000e+02;
	v33 =	vld.idx.msk [tilespmem:v53+s30+$0x0], $0xffff;
	v37 =	vmin.f32 v49, $2.540000000e+02;
	[tilespmem:v1+s12+$0x0 ss:$0x1] =	vst.idx.msk $0xffff, v29;
	v29 =	vadd.f32 $2.000000000e+00, v55  }
0x4b7: {  	p5 =	por !p5, !p5;
	s2 =	rddreg [dreg:$0x15];
	v34 =	vmul.f32 v57, v34;
	v37 =	vtrunc.f32 v37;
	v30 =	vadd.f32 v30, v44;
	v48 =	vld.idx.msk [tilespmem:v3+s1+$0x0 ss:$0x1], $0xffff  }
0x4b8: {  	s7 =	smov.u32 s4;
	s25 =	smov.u32 s2;
	s2 =	simm.s32 $0x6000;
	v8 =	vmul.f32 $6.375000000e+01, v29;
	v29 =	vadd.s32 v31, v2;
	v31 =	vmul.f32 v60, v40;
	v40 =	vld.idx.msk [tilespmem:v3+s15+$0x0 ss:$0x1], $0xffff  }
0x4b9: {  	s22 =	sor.u32 $0x20, s16;
	s8 =	sor.u32 $0xA0, s16;
	v10 =	vadd.f32 v12, v10;
	[dreg:$0x15] =	wrdreg s7;
	v36 =	vtrunc.f32 v62;
	v37 =	vcvt.f32.s32 v37;
	v50 =	vld.idx.msk [tilespmem:v45+s2+$0x0], $0xffff  }
0x4ba: {  	s21 =	sor.u32 $0x120, s16;
	s7 =	simm.s32 $0x1;
	s16 =	sld [smem:$0x7D0];
	v36 =	vcvt.f32.s32 v36;
	v34 =	vadd.f32 v34, v38;
	[tilespmem:v1+s10+$0x0 ss:$0x1] =	vst.idx.msk $0xffff, v30;
	v41 =	vadd.f32 $2.000000000e+00, v63;
	v51 =	vld.idx.msk [tilespmem:v32+s2+$0x0], $0xffff  }
0x4bb: {  	s23 =	sld [smem:$0x7ED];
	s7 =	simm.s32 @!p5 $0x0;
	s14 =	simm.s32 $0x0;
	v37 =	vadd.s32 v37, v2;
	v55 =	vld.idx.msk [tilespmem:v3+s21+$0x0 ss:$0x1], $0xffff;
	v20 =	vmax.f32 v8, $0.0e+00;
	v31 =	vadd.f32 v31, v33  }
0x4bc: {  	s7 =	sshll.u32 s7, $0x9;
	s12 =	smov.u32 s9;
	s15 =	rddreg [dreg:$0x7];
	v52 =	vld.idx.msk [tilespmem:v45+s14+$0x0], $0xffff;
	[tilespmem:v1+s26+$0x0 ss:$0x1] =	vst.idx.msk $0xffff, v34;
	v20 =	vmin.f32 v20, $2.540000000e+02;
	v41 =	vmul.f32 $6.375000000e+01, v41;
	v53 =	vadd.f32 $2.000000000e+00, v48  }
0x4bd: {  	s19 =	smov.u32 s16;
	v21 =	vmul.f32 v27, v21;
	[dreg:$0x12] =	wrdreg s12;
	v36 =	vadd.s32 v36, v2;
	s26 =	sadd.s32 s7, s15;
	v32 =	vld.idx.msk [tilespmem:v32+s14+$0x0], $0xffff;
	v20 =	vtrunc.f32 v20  }
0x4be: {  	s10 =	smov.u32 s21;
	v54 =	vld.idx.msk [tilespmem:v3+s8+$0x0 ss:$0x1], $0xffff;
	s12 =	sadd.s32 $0x80, s26;
	s30 =	sadd.s32 $0x100, s26;
	[tilespmem:v1+s29+$0x0 ss:$0x1] =	vst.idx.msk $0xffff, v31;
	v20 =	vcvt.f32.s32 v20;
	v30 =	vmax.f32 v41, $0.0e+00;
	v34 =	vmul.f32 $6.375000000e+01, v53  }
0x4bf: {  	s21 =	smov.u32 s22;
	s16 =	sor.u32 $0x400, s12;
	s7 =	sor.u32 $0x420, s30;
	v56 =	vld.idx.msk [tilespmem:v3+s22+$0x0 ss:$0x1], $0xffff;
	v30 =	vmin.f32 v30, $2.540000000e+02;
	v31 =	vmul.f32 v50, v35;
	v38 =	vmul.f32 v51, v42  }
0x4c0: {  	s24 =	sor.u32 $0x410, s12;
	s0 =	sor.u32 $0x450, s30;
	[smem:$0x7CC] =	sst s7;
	v59 =	vld.idx.msk [tilespmem:v29+s2+$0x0], $0xffff;
	v27 =	vadd.f32 $2.000000000e+00, v55;
	v20 =	vadd.s32 v20, v2;
	v57 =	vmax.f32 v34, $0.0e+00  }
0x4c1: {  	s7 =	sor.u32 $0x440, s12;
	[dreg:$0x8] =	wrdreg s0;
	v61 =	vld.idx.msk [tilespmem:v37+s2+$0x0], $0xffff;
	s22 =	sor.u32 $0x420, s12;
	v30 =	vtrunc.f32 v30;
	v31 =	vadd.f32 v31, v52;
	v58 =	vmin.f32 v57, $2.540000000e+02  }
0x4c2: {  	v29 =	vld.idx.msk [tilespmem:v29+s14+$0x0], $0xffff;
	[smem:$0x7C3] =	sst s22;
	s22 =	sor.u32 $0x430, s12;
	s12 =	sor.u32 $0x450, s12;
	v30 =	vcvt.f32.s32 v30;
	v32 =	vadd.f32 v38, v32;
	v42 =	vtrunc.f32 v58  }
0x4c3: {  	v21 =	vadd.f32 v21, v25;
	s31 =	sadd.s32 $0x180, s26;
	v48 =	vld.idx.msk [tilespmem:v37+s14+$0x0], $0xffff;
	v33 =	vadd.f32 $2.000000000e+00, v54;
	[smem:$0x7CA] =	sst s12;
	[tilespmem:v1+s6+$0x0 ss:$0x1] =	vst.idx.msk $0xffff, v31;
	v60 =	vcvt.f32.s32 v42  }
0x4c4: {  	v24 =	vtrunc.f32 v24;
	s12 =	sld [smem:$0x7B8];
	v27 =	vmul.f32 $6.375000000e+01, v27;
	v57 =	vld.idx.msk [tilespmem:v36+s2+$0x0], $0xffff;
	v30 =	vadd.s32 v30, v2;
	s6 =	sor.u32 $0x400, s31;
	[tilespmem:v1+s17+$0x0 ss:$0x1] =	vst.idx.msk $0xffff, v32;
	s17 =	sor.u32 $0x430, s26  }
0x4c5: {  	v49 =	vcvt.f32.s32 v24;
	v32 =	vmul.f32 $6.375000000e+01, v33;
	v31 =	vld.idx.msk [tilespmem:v3+s6+$0x0 ss:$0x1], $0xffff;
	[smem:$0x7C5] =	sst s17;
	v62 =	vadd.s32 v60, v2  }
0x4c6: {  	v25 =	vadd.f32 $2.000000000e+00, v56;
	v51 =	vmax.f32 v27, $0.0e+00;
	v28 =	vmul.f32 v61, v28;
	s17 =	rddreg [dreg:$0x19];
	v63 =	vld.idx.msk [tilespmem:v20+s2+$0x0], $0xffff  }
0x4c7: {  	s0 =	smov.u32 s12;
	s12 =	smov.u32 s24;
	s24 =	sld [smem:$0x7B9];
	v24 =	vmax.f32 v32, $0.0e+00;
	[tilespmem:v1+s17+$0x0 ss:$0x1] =	vst.idx.msk $0xffff, v21;
	v21 =	vmul.f32 v59, v22;
	v22 =	vadd.f32 $2.000000000e+00, v40;
	v20 =	vld.idx.msk [tilespmem:v20+s14+$0x0], $0xffff  }
0x4c8: {  	v25 =	vmul.f32 $6.375000000e+01, v25;
	v40 =	vmin.f32 v51, $2.540000000e+02;
	v24 =	vmin.f32 v24, $2.540000000e+02;
	v54 =	vld.idx.msk [tilespmem:v3+s23+$0x0 ss:$0x1], $0xffff  }
0x4c9: {  	v28 =	vadd.f32 v28, v48;
	v40 =	vtrunc.f32 v40;
	v24 =	vtrunc.f32 v24;
	v50 =	vld.idx.msk [tilespmem:v30+s2+$0x0], $0xffff  }
0x4ca: {  	[dreg:$0x19] =	wrdreg s12;
	v52 =	vmax.f32 v25, $0.0e+00;
	v24 =	vcvt.f32.s32 v24;
	v31 =	vadd.f32 $2.000000000e+00, v31;
	v53 =	vld.idx.msk [tilespmem:v62+s2+$0x0], $0xffff;
	s2 =	smov.u32 s28;
	s28 =	smov.u32 s24  }
0x4cb: {  	v26 =	vcvt.f32.s32 v26;
	v40 =	vcvt.f32.s32 v40;
	v30 =	vld.idx.msk [tilespmem:v30+s14+$0x0], $0xffff;
	v42 =	vmin.f32 v52, $2.540000000e+02;
	[dreg:$0x1d] =	wrdreg s28  }
0x4cc: {  	[tilespmem:v1+s13+$0x0 ss:$0x1] =	vst.idx.msk $0xffff, v28;
	v42 =	vtrunc.f32 v42;
	v56 =	vadd.s32 v24, v2;
	v31 =	vmul.f32 $6.375000000e+01, v31;
	s28 =	sld [smem:$0x7BA]  }
0x4cd: {  	s12 =	rddreg [dreg:$0x16];
	v58 =	vadd.s32 v40, v2;
	v55 =	vcvt.f32.s32 v42;
	v8 =	vmul.f32 v63, v8;
	v33 =	vld.idx.msk [tilespmem:v62+s14+$0x0], $0xffff  }
0x4ce: {  	v29 =	vadd.f32 v21, v29;
	v62 =	vld.idx.msk [tilespmem:v3+s12+$0x0 ss:$0x1], $0xffff;
	v24 =	vmul.f32 v50, v41;
	v28 =	vmax.f32 v31, $0.0e+00  }
0x4cf: {  	[dreg:$0x7] =	wrdreg s19;
	v35 =	vadd.s32 v55, v2;
	v8 =	vadd.f32 v8, v20;
	v28 =	vmin.f32 v28, $2.540000000e+02;
	v59 =	vld.idx.msk [tilespmem:v3+s28+$0x0 ss:$0x1], $0xffff  }
0x4d0: {  	s9 =	sor.u32 $0x420, s26;
	s19 =	sor.u32 $0x400, s30;
	v60 =	vadd.f32 $2.000000000e+00, v54;
	v24 =	vadd.f32 v24, v30;
	v20 =	vtrunc.f32 v28;
	v28 =	vld.idx.msk [tilespmem:v36+s14+$0x0], $0xffff;
	s14 =	simm.s32 $0x6000  }
0x4d1: {  	[smem:$0x7CD] =	sst s9;
	s9 =	sor.u32 $0x430, s30;
	s29 =	sor.u32 $0x410, s30;
	v23 =	vmul.f32 v57, v23;
	[tilespmem:v1+s5+$0x0 ss:$0x1] =	vst.idx.msk $0xffff, v8;
	v61 =	vcvt.f32.s32 v20;
	v63 =	vld.idx.msk [tilespmem:v56+s14+$0x0], $0xffff  }
0x4d2: {  	[smem:$0x7D2] =	sst s7;
	s7 =	sor.u32 $0x440, s30;
	s30 =	simm.s32 $0x0;
	v30 =	vmul.f32 v53, v34;
	v8 =	vld.idx.msk [tilespmem:v58+s14+$0x0], $0xffff;
	[tilespmem:v1+s3+$0x0 ss:$0x1] =	vst.idx.msk $0xffff, v24;
	v24 =	vmul.f32 $6.375000000e+01, v60  }
0x4d3: {  	[dreg:$0x1f] =	wrdreg s0;
	v20 =	vadd.s32 v26, v2;
	[tilespmem:v1+s11+$0x0 ss:$0x1] =	vst.idx.msk $0xffff, v29;
	v29 =	vld.idx.msk [tilespmem:v56+s30+$0x0], $0xffff;
	v26 =	vadd.s32 v61, v2  }
0x4d4: {  	v9 =	vmul.f32 v13, v9;
	s0 =	sld [smem:$0x7BB];
	v21 =	vadd.f32 v30, v33;
	v30 =	vld.idx.msk [tilespmem:v35+s14+$0x0], $0xffff;
	v17 =	vmax.f32 v24, $0.0e+00  }
0x4d5: {  	s15 =	sor.u32 $0x410, s26;
	s13 =	smov.u32 s29;
	s29 =	rddreg [dreg:$0x11];
	v12 =	vld.idx.msk [tilespmem:v58+s30+$0x0], $0xffff;
	v44 =	vadd.f32 $2.000000000e+00, v59;
	v11 =	vmin.f32 v17, $2.540000000e+02;
	v23 =	vadd.f32 v23, v28  }
0x4d6: {  	s24 =	smov.u32 s15;
	s15 =	sld [smem:$0x7BC];
	[tilespmem:v1+s1+$0x0 ss:$0x1] =	vst.idx.msk $0xffff, v21;
	s1 =	sor.u32 $0x1B0, s2;
	v28 =	vadd.f32 $2.000000000e+00, v62;
	v11 =	vtrunc.f32 v11;
	v32 =	vmul.f32 v63, v32  }
0x4d7: {  	[dreg:$0x18] =	wrdreg s24;
	[tilespmem:v1+s29+$0x0 ss:$0x1] =	vst.idx.msk $0xffff, v10;
	v43 =	vld.idx.msk [tilespmem:v3+s1+$0x0 ss:$0x1], $0xffff;
	v8 =	vmul.f32 v8, v27;
	v17 =	vmul.f32 $6.375000000e+01, v44  }
0x4d8: {  	v6 =	vadd.f32 v16, v6;
	s24 =	rddreg [dreg:$0x14];
	v45 =	vcvt.f32.s32 v11;
	[tilespmem:v1+s18+$0x0 ss:$0x1] =	vst.idx.msk $0xffff, v23;
	v11 =	vmul.f32 $6.375000000e+01, v28;
	v36 =	vld.idx.msk [tilespmem:v26+s14+$0x0], $0xffff  }
0x4d9: {  	s5 =	smov.u32 s0;
	s11 =	sld [smem:$0x7BD];
	v21 =	vadd.s32 v49, v2;
	v23 =	vld.idx.msk [tilespmem:v35+s30+$0x0], $0xffff;
	v10 =	vmul.f32 v30, v25;
	v29 =	vadd.f32 v32, v29  }
0x4da: {  	[dreg:$0x1b] =	wrdreg s5;
	v26 =	vld.idx.msk [tilespmem:v26+s30+$0x0], $0xffff;
	v8 =	vadd.f32 v8, v12;
	v27 =	vmax.f32 v17, $0.0e+00;
	v46 =	vmax.f32 v11, $0.0e+00  }
0x4db: {  	s5 =	smov.u32 s22;
	s22 =	sld [smem:$0x7BE];
	v30 =	vld.idx.msk [tilespmem:v3+s15+$0x0 ss:$0x1], $0xffff;
	v25 =	vadd.s32 v45, v2;
	v27 =	vmin.f32 v27, $2.540000000e+02;
	v47 =	vmin.f32 v46, $2.540000000e+02  }
0x4dc: {  	s18 =	sld [smem:$0x7BF];
	v49 =	vld.idx.msk [tilespmem:v3+s11+$0x0 ss:$0x1], $0xffff;
	v28 =	vadd.f32 $2.000000000e+00, v43;
	v27 =	vtrunc.f32 v27;
	v12 =	vtrunc.f32 v47  }
0x4dd: {  	v48 =	vld.idx.msk [tilespmem:v3+s24+$0x0 ss:$0x1], $0xffff;
	[tilespmem:v1+s8+$0x0 ss:$0x1] =	vst.idx.msk $0xffff, v29;
	v27 =	vcvt.f32.s32 v27;
	v29 =	vmul.f32 v36, v31  }
0x4de: {  	[smem:$0x7E8] =	sst s13;
	[tilespmem:v1+s10+$0x0 ss:$0x1] =	vst.idx.msk $0xffff, v8;
	v12 =	vcvt.f32.s32 v12;
	v28 =	vmul.f32 $6.375000000e+01, v28;
	v23 =	vadd.f32 v10, v23;
	v31 =	vld.idx.msk [tilespmem:v3+s22+$0x0 ss:$0x1], $0xffff  }
0x4df: {  	s13 =	sld [smem:$0x7C0];
	v10 =	vmul.f32 $6.375000000e+01, v22;
	v22 =	vld.idx.msk [tilespmem:v3+s18+$0x0 ss:$0x1], $0xffff;
	v27 =	vadd.s32 v27, v2;
	v26 =	vadd.f32 v29, v26  }
0x4e0: {  	v8 =	vmax.f32 v28, $0.0e+00;
	v29 =	vadd.s32 v12, v2;
	[tilespmem:v1+s21+$0x0 ss:$0x1] =	vst.idx.msk $0xffff, v23;
	v12 =	vadd.f32 $2.000000000e+00, v30;
	v23 =	vld.idx.msk [tilespmem:v25+s14+$0x0], $0xffff  }
0x4e1: {  	v19 =	vadd.f32 v9, v19;
	v30 =	vadd.f32 $2.000000000e+00, v49;
	s21 =	rddreg [dreg:$0xb];
	v25 =	vld.idx.msk [tilespmem:v25+s30+$0x0], $0xffff;
	v8 =	vmin.f32 v8, $2.540000000e+02  }
0x4e2: {  	v15 =	vadd.f32 v18, v15;
	s0 =	sor.u32 $0x410, s31;
	v13 =	vld.idx.msk [tilespmem:v3+s13+$0x0 ss:$0x1], $0xffff;
	v8 =	vtrunc.f32 v8;
	[tilespmem:v1+s6+$0x0 ss:$0x1] =	vst.idx.msk $0xffff, v26;
	v12 =	vmul.f32 $6.375000000e+01, v12;
	s6 =	smov.u32 s21;
	s21 =	rddreg [dreg:$0xd]  }
0x4e3: {  	s10 =	rddreg [dreg:$0xc];
	v26 =	vadd.f32 $2.000000000e+00, v48;
	v9 =	vmul.f32 $6.375000000e+01, v30;
	v8 =	vcvt.f32.s32 v8;
	v18 =	vld.idx.msk [tilespmem:v3+s0+$0x0 ss:$0x1], $0xffff;
	[tilespmem:v1+s21+$0x0 ss:$0x1] =	vst.idx.msk $0xffff, v19  }
0x4e4: {  	v19 =	vadd.f32 $2.000000000e+00, v22;
	v51 =	vld.idx.msk [tilespmem:v27+s14+$0x0], $0xffff;
	[tilespmem:v1+s10+$0x0 ss:$0x1] =	vst.idx.msk $0xffff, v15;
	v15 =	vadd.f32 $2.000000000e+00, v31;
	v31 =	vmax.f32 v12, $0.0e+00  }
0x4e5: {  	v58 =	vld.idx.msk [tilespmem:v21+s14+$0x0], $0xffff;
	v50 =	vadd.s32 v8, v2;
	v8 =	vmul.f32 $6.375000000e+01, v26;
	v26 =	vmax.f32 v10, $0.0e+00  }
0x4e6: {  	v21 =	vld.idx.msk [tilespmem:v21+s30+$0x0], $0xffff;
	v22 =	vmin.f32 v31, $2.540000000e+02;
	v19 =	vmul.f32 $6.375000000e+01, v19;
	v15 =	vmul.f32 $6.375000000e+01, v15  }
0x4e7: {  	[dreg:$0x17] =	wrdreg s25;
	v27 =	vld.idx.msk [tilespmem:v27+s30+$0x0], $0xffff;
	v23 =	vmul.f32 v23, v24;
	v22 =	vtrunc.f32 v22;
	v13 =	vadd.f32 $2.000000000e+00, v13  }
0x4e8: {  	s20 =	rddreg [dreg:$0x1c];
	v52 =	vld.idx.msk [tilespmem:v29+s14+$0x0], $0xffff;
	v22 =	vcvt.f32.s32 v22;
	v53 =	vmax.f32 v15, $0.0e+00;
	v18 =	vadd.f32 $2.000000000e+00, v18  }
0x4e9: {  	s3 =	rddreg [dreg:$0x10];
	v29 =	vld.idx.msk [tilespmem:v29+s30+$0x0], $0xffff;
	v55 =	vmax.f32 v19, $0.0e+00;
	v24 =	vmul.f32 $6.375000000e+01, v13;
	v13 =	vmin.f32 v53, $2.540000000e+02  }
0x4ea: {  	[dreg:$0x10] =	wrdreg s5;
	v35 =	vmin.f32 v55, $2.540000000e+02;
	v54 =	vld.idx.msk [tilespmem:v50+s14+$0x0], $0xffff;
	v13 =	vtrunc.f32 v13;
	v18 =	vmul.f32 $6.375000000e+01, v18  }
0x4eb: {  	s5 =	rddreg [dreg:$0x9];
	v31 =	vmax.f32 v9, $0.0e+00;
	v56 =	vld.idx.msk [tilespmem:v20+s14+$0x0], $0xffff;
	v35 =	vtrunc.f32 v35;
	v13 =	vcvt.f32.s32 v13  }
0x4ec: {  	s29 =	smov.u32 s3;
	s3 =	rddreg [dreg:$0x1a];
	v32 =	vld.idx.msk [tilespmem:v50+s30+$0x0], $0xffff;
	v57 =	vmax.f32 v24, $0.0e+00;
	v35 =	vcvt.f32.s32 v35;
	v59 =	vmax.f32 v18, $0.0e+00  }
0x4ed: {  	s10 =	smov.u32 s7;
	s7 =	smov.u32 s5;
	s5 =	rddreg [dreg:$0xa];
	v20 =	vld.idx.msk [tilespmem:v20+s30+$0x0], $0xffff;
	v38 =	vmin.f32 v57, $2.540000000e+02;
	v60 =	vadd.s32 v13, v2;
	v13 =	vmin.f32 v59, $2.540000000e+02  }
0x4ee: {  	s8 =	smov.u32 s3;
	s3 =	sld [smem:$0x7C1];
	v61 =	vld.idx.msk [tilespmem:v3+s5+$0x0 ss:$0x1], $0xffff;
	v30 =	vmax.f32 v8, $0.0e+00;
	v38 =	vtrunc.f32 v38;
	v13 =	vtrunc.f32 v13  }
0x4ef: {  	s17 =	sor.u32 $0x440, s26;
	[dreg:$0xb] =	wrdreg s8;
	v62 =	vld.idx.msk [tilespmem:v3+s25+$0x0 ss:$0x1], $0xffff;
	v23 =	vadd.f32 v23, v25;
	v28 =	vmul.f32 v54, v28;
	v13 =	vcvt.f32.s32 v13  }
0x4f0: {  	s8 =	rddreg [dreg:$0x13];
	s21 =	smov.u32 s17;
	v25 =	vld.idx.msk [tilespmem:v3+s20+$0x0 ss:$0x1], $0xffff;
	v17 =	vmul.f32 v51, v17;
	v35 =	vadd.s32 v35, v2;
	v38 =	vcvt.f32.s32 v38  }
0x4f1: {  	[dreg:$0x13] =	wrdreg s21;
	v11 =	vmul.f32 v52, v11;
	v28 =	vadd.f32 v28, v32;
	v42 =	vadd.s32 v13, v2;
	v13 =	vld.idx.msk [tilespmem:v5+s14+$0x0], $0xffff  }
0x4f2: {  	s21 =	sld [smem:$0x7C3];
	v7 =	vmul.f32 v56, v7;
	v63 =	vadd.s32 v38, v2;
	v43 =	vld.idx.msk [tilespmem:v60+s14+$0x0], $0xffff;
	[tilespmem:v1+s23+$0x0 ss:$0x1] =	vst.idx.msk $0xffff, v23  }
0x4f3: {  	[dreg:$0x1a] =	wrdreg s10;
	v30 =	vmin.f32 v30, $2.540000000e+02;
	v17 =	vadd.f32 v17, v27;
	v27 =	vmin.f32 v31, $2.540000000e+02;
	[tilespmem:v1+s1+$0x0 ss:$0x1] =	vst.idx.msk $0xffff, v28;
	s1 =	sor.u32 $0x1C0, s2;
	v31 =	vld.idx.msk [tilespmem:v60+s30+$0x0], $0xffff  }
0x4f4: {  	s10 =	smov.u32 s8;
	s25 =	sld [smem:$0x7E5];
	v7 =	vadd.f32 v7, v20;
	v23 =	vtrunc.f32 v27;
	v28 =	vtrunc.f32 v30;
	v30 =	vld.idx.msk [tilespmem:v3+s1+$0x0 ss:$0x1], $0xffff  }
0x4f5: {  	[dreg:$0x9] =	wrdreg s10;
	v27 =	vcvt.f32.s32 v28;
	v28 =	vld.idx.msk [tilespmem:v35+s14+$0x0], $0xffff;
	[tilespmem:v1+s28+$0x0 ss:$0x1] =	vst.idx.msk $0xffff, v17;
	v17 =	vcvt.f32.s32 v23;
	v23 =	vadd.f32 $2.000000000e+00, v61  }
0x4f6: {  	s8 =	smov.u32 s3;
	v26 =	vmin.f32 v26, $2.540000000e+02;
	s10 =	sld [smem:$0x7C2];
	v14 =	vmul.f32 v58, v14;
	v29 =	vadd.f32 v11, v29;
	v45 =	vld.idx.msk [tilespmem:v35+s30+$0x0], $0xffff  }
0x4f7: {  	[smem:$0x7ED] =	sst s8;
	v22 =	vadd.s32 v22, v2;
	[tilespmem:v1+s25+$0x0 ss:$0x1] =	vst.idx.msk $0xffff, v7;
	v7 =	vadd.f32 $2.000000000e+00, v25;
	v25 =	vld.idx.msk [tilespmem:v63+s30+$0x0], $0xffff;
	v11 =	vmul.f32 $6.375000000e+01, v23  }
0x4f8: {  	v14 =	vadd.f32 v14, v21;
	v20 =	vtrunc.f32 v26;
	[tilespmem:v1+s12+$0x0 ss:$0x1] =	vst.idx.msk $0xffff, v29;
	s12 =	sld [smem:$0x7E6];
	v44 =	vld.idx.msk [tilespmem:v42+s14+$0x0], $0xffff  }
0x4f9: {  	s17 =	smov.u32 s10;
	s10 =	smov.u32 s9;
	s9 =	sld [smem:$0x7C4];
	v20 =	vcvt.f32.s32 v20;
	v23 =	vld.idx.msk [tilespmem:v63+s14+$0x0], $0xffff;
	v15 =	vmul.f32 v43, v15;
	v26 =	vmax.f32 v11, $0.0e+00  }
0x4fa: {  	v29 =	vadd.f32 $2.000000000e+00, v62;
	s28 =	rddreg [dreg:$0xf];
	v21 =	vld.idx.msk [tilespmem:v42+s30+$0x0], $0xffff;
	v30 =	vadd.f32 $2.000000000e+00, v30;
	v26 =	vmin.f32 v26, $2.540000000e+02  }
0x4fb: {  	s25 =	sld [smem:$0x7C5];
	v27 =	vadd.s32 v27, v2;
	[tilespmem:v1+s12+$0x0 ss:$0x1] =	vst.idx.msk $0xffff, v14;
	v14 =	vtrunc.f32 v26;
	v26 =	vadd.f32 v15, v31  }
0x4fc: {  	s23 =	smov.u32 s21;
	s21 =	rddreg [dreg:$0xe];
	s8 =	smov.u32 s28;
	v17 =	vadd.s32 v17, v2;
	v19 =	vmul.f32 v28, v19;
	v28 =	vmul.f32 $6.375000000e+01, v30;
	v30 =	vld.idx.msk [tilespmem:v22+s14+$0x0], $0xffff  }
0x4fd: {  	[smem:$0x7E5] =	sst s8;
	v7 =	vmul.f32 $6.375000000e+01, v7;
	v22 =	vld.idx.msk [tilespmem:v22+s30+$0x0], $0xffff;
	v18 =	vmul.f32 v44, v18;
	[tilespmem:v1+s22+$0x0 ss:$0x1] =	vst.idx.msk $0xffff, v26  }
0x4fe: {  	s8 =	rddreg [dreg:$0x4];
	s28 =	smov.u32 s25;
	v15 =	vmul.f32 $6.375000000e+01, v29;
	v16 =	vmul.f32 v23, v24;
	v23 =	vmax.f32 v28, $0.0e+00;
	v24 =	vld.idx.msk [tilespmem:v3+s16+$0x0 ss:$0x1], $0xffff  }
0x4ff: {  	[dreg:$0xe] =	wrdreg s28;
	v14 =	vcvt.f32.s32 v14;
	v26 =	vld.idx.msk [tilespmem:v3+s9+$0x0 ss:$0x1], $0xffff;
	v18 =	vadd.f32 v18, v21;
	v23 =	vmin.f32 v23, $2.540000000e+02  }
0x500: {  	s28 =	sld [smem:$0x7C8];
	v19 =	vadd.f32 v19, v45;
	[tilespmem:v1+s8+$0x0 ss:$0x1] =	vst.idx.msk $0xffff, v6;
	v29 =	vmax.f32 v15, $0.0e+00;
	v21 =	vtrunc.f32 v23;
	v23 =	vld.idx.msk [tilespmem:v3+s19+$0x0 ss:$0x1], $0xffff  }
0x501: {  	s3 =	sld [smem:$0x7C6];
	v6 =	vadd.f32 v16, v25;
	[tilespmem:v1+s0+$0x0 ss:$0x1] =	vst.idx.msk $0xffff, v18;
	s0 =	sor.u32 $0x420, s31;
	v18 =	vld.idx.msk [tilespmem:v27+s14+$0x0], $0xffff;
	v12 =	vmul.f32 v30, v12  }
0x502: {  	v14 =	vadd.s32 v14, v2;
	[tilespmem:v1+s18+$0x0 ss:$0x1] =	vst.idx.msk $0xffff, v19;
	v16 =	vcvt.f32.s32 v21;
	v21 =	vmax.f32 v7, $0.0e+00;
	v25 =	vld.idx.msk [tilespmem:v3+s0+$0x0 ss:$0x1], $0xffff  }
0x503: {  	[tilespmem:v1+s13+$0x0 ss:$0x1] =	vst.idx.msk $0xffff, v6;
	v6 =	vld.idx.msk [tilespmem:v3+s28+$0x0 ss:$0x1], $0xffff;
	v19 =	vmin.f32 v21, $2.540000000e+02;
	v21 =	vmin.f32 v29, $2.540000000e+02;
	v12 =	vadd.f32 v12, v22  }
0x504: {  	v29 =	vld.idx.msk [tilespmem:v3+s3+$0x0 ss:$0x1], $0xffff;
	v19 =	vtrunc.f32 v19;
	v22 =	vadd.f32 $2.000000000e+00, v24;
	v24 =	vadd.f32 $2.000000000e+00, v26  }
0x505: {  	v16 =	vadd.s32 v16, v2;
	v21 =	vtrunc.f32 v21;
	v26 =	vld.idx.msk [tilespmem:v17+s14+$0x0], $0xffff;
	v46 =	vcvt.f32.s32 v19  }
0x506: {  	[tilespmem:v1+s15+$0x0 ss:$0x1] =	vst.idx.msk $0xffff, v12;
	v19 =	vmul.f32 $6.375000000e+01, v22;
	v12 =	vadd.f32 $2.000000000e+00, v23;
	v22 =	vld.idx.msk [tilespmem:v27+s30+$0x0], $0xffff;
	v27 =	vmul.f32 $6.375000000e+01, v24  }
0x507: {  	s4 =	sor.u32 $0x400, s26;
	[smem:$0x7E0] =	sst s19;
	v47 =	vld.idx.msk [tilespmem:v3+s29+$0x0 ss:$0x1], $0xffff;
	v21 =	vcvt.f32.s32 v21;
	v23 =	vadd.s32 v20, v2;
	v24 =	vmul.f32 v18, v8  }
0x508: {  	[dreg:$0x11] =	wrdreg s29;
	v20 =	vld.idx.msk [tilespmem:v3+s4+$0x0 ss:$0x1], $0xffff;
	v18 =	vmul.f32 $6.375000000e+01, v12;
	v12 =	vadd.f32 $2.000000000e+00, v25;
	v25 =	vmax.f32 v27, $0.0e+00  }
0x509: {  	[dreg:$0xc] =	wrdreg s6;
	v6 =	vadd.f32 $2.000000000e+00, v6;
	v31 =	vld.idx.msk [tilespmem:v17+s30+$0x0], $0xffff;
	v17 =	vadd.f32 $2.000000000e+00, v29;
	v25 =	vmin.f32 v25, $2.540000000e+02  }
0x50a: {  	[dreg:$0xd] =	wrdreg s7;
	v8 =	vadd.s32 v21, v2;
	v21 =	vld.idx.msk [tilespmem:v16+s14+$0x0], $0xffff;
	v29 =	vmul.f32 $6.375000000e+01, v12;
	v12 =	vtrunc.f32 v25  }
0x50b: {  	[dreg:$0x16] =	wrdreg s23;
	v49 =	vld.idx.msk [tilespmem:v3+s6+$0x0 ss:$0x1], $0xffff;
	v25 =	vmul.f32 $6.375000000e+01, v6;
	v6 =	vmax.f32 v18, $0.0e+00;
	v48 =	vmul.f32 $6.375000000e+01, v17  }
0x50c: {  	s23 =	smov.u32 s21;
	s21 =	sld [smem:$0x7C7];
	v54 =	vld.idx.msk [tilespmem:v14+s30+$0x0], $0xffff;
	v12 =	vcvt.f32.s32 v12;
	v6 =	vmin.f32 v6, $2.540000000e+02;
	v17 =	vmax.f32 v29, $0.0e+00  }
0x50d: {  	[dreg:$0xf] =	wrdreg s10;
	v16 =	vld.idx.msk [tilespmem:v16+s30+$0x0], $0xffff;
	v50 =	vmax.f32 v25, $0.0e+00;
	v20 =	vadd.f32 $2.000000000e+00, v20;
	v6 =	vtrunc.f32 v6  }
0x50e: {  	[smem:$0x7E6] =	sst s23;
	v51 =	vld.idx.msk [tilespmem:v3+s7+$0x0 ss:$0x1], $0xffff;
	v52 =	vmax.f32 v48, $0.0e+00;
	v17 =	vmin.f32 v17, $2.540000000e+02;
	v56 =	vcvt.f32.s32 v6  }
0x50f: {  	s10 =	sld [smem:$0x7DF];
	v36 =	vmin.f32 v50, $2.540000000e+02;
	v6 =	vld.idx.msk [tilespmem:v5+s30+$0x0], $0xffff;
	v21 =	vmul.f32 v21, v28;
	v17 =	vtrunc.f32 v17  }
0x510: {  	s26 =	sor.u32 $0x450, s26;
	s23 =	sld [smem:$0x7EB];
	v38 =	vmin.f32 v52, $2.540000000e+02;
	v28 =	vld.idx.msk [tilespmem:v14+s14+$0x0], $0xffff;
	v36 =	vtrunc.f32 v36;
	v53 =	vcvt.f32.s32 v17  }
0x511: {  	s25 =	smov.u32 s26;
	s26 =	sld [smem:$0x7D0];
	v55 =	vadd.s32 v12, v2;
	v14 =	vtrunc.f32 v38;
	v17 =	vld.idx.msk [tilespmem:v23+s14+$0x0], $0xffff;
	v36 =	vcvt.f32.s32 v36  }
0x512: {  	[smem:$0x7EB] =	sst s25;
	s22 =	smov.u32 s21;
	v38 =	vcvt.f32.s32 v14;
	v14 =	vld.idx.msk [tilespmem:v23+s30+$0x0], $0xffff;
	v21 =	vadd.f32 v21, v16;
	v39 =	vadd.s32 v53, v2  }
0x513: {  	s12 =	smov.u32 s16;
	s16 =	smov.u32 s10;
	[dreg:$0x1c] =	wrdreg s22;
	v9 =	vmul.f32 v26, v9;
	v16 =	vld.idx.msk [tilespmem:v8+s14+$0x0], $0xffff;
	v36 =	vadd.s32 v36, v2  }
0x514: {  	[dreg:$0x4] =	wrdreg s16;
	s16 =	smov.u32 s23;
	s23 =	sor.u32 $0x1D0, s2;
	v30 =	vmax.f32 v19, $0.0e+00;
	v20 =	vmul.f32 $6.375000000e+01, v20;
	v8 =	vld.idx.msk [tilespmem:v8+s30+$0x0], $0xffff;
	v23 =	vadd.s32 v38, v2;
	[tilespmem:v1+s1+$0x0 ss:$0x1] =	vst.idx.msk $0xffff, v21  }
0x515: {  	s22 =	sld [smem:$0x7CD];
	v30 =	vmin.f32 v30, $2.540000000e+02;
	v22 =	vadd.f32 v24, v22;
	v12 =	vld.idx.msk [tilespmem:v3+s23+$0x0 ss:$0x1], $0xffff  }
0x516: {  	s29 =	sld [smem:$0x7D2];
	v9 =	vadd.f32 v9, v31;
	v21 =	vtrunc.f32 v30;
	v30 =	vmax.f32 v20, $0.0e+00;
	v58 =	vld.idx.msk [tilespmem:v55+s14+$0x0], $0xffff  }
0x517: {  	s18 =	sld [smem:$0x7CA];
	[tilespmem:v1+s24+$0x0 ss:$0x1] =	vst.idx.msk $0xffff, v22;
	v22 =	vadd.f32 $2.000000000e+00, v49;
	v21 =	vcvt.f32.s32 v21;
	v30 =	vmin.f32 v30, $2.540000000e+02;
	v57 =	vld.idx.msk [tilespmem:v39+s14+$0x0], $0xffff  }
0x518: {  	s19 =	smov.u32 s20;
	s20 =	sld [smem:$0x7CC];
	[tilespmem:v1+s11+$0x0 ss:$0x1] =	vst.idx.msk $0xffff, v9;
	v11 =	vmul.f32 v28, v11;
	v5 =	vtrunc.f32 v30;
	v30 =	vadd.f32 $2.000000000e+00, v47;
	v28 =	vld.idx.msk [tilespmem:v36+s14+$0x0], $0xffff  }
0x519: {  	[smem:$0x7DF] =	sst s19;
	v26 =	vadd.s32 v21, v2;
	v5 =	vcvt.f32.s32 v5;
	v21 =	vadd.s32 v56, v2;
	v61 =	vld.idx.msk [tilespmem:v23+s14+$0x0], $0xffff  }
0x51a: {  	s19 =	sld [smem:$0x7C9];
	v62 =	vadd.f32 v11, v54;
	v11 =	vmul.f32 $6.375000000e+01, v22;
	v59 =	vld.idx.msk [tilespmem:v39+s30+$0x0], $0xffff;
	v60 =	vadd.f32 $2.000000000e+00, v12  }
0x51b: {  	s6 =	sld [smem:$0x7CB];
	v24 =	vadd.s32 v5, v2;
	v5 =	vadd.f32 $2.000000000e+00, v51;
	v12 =	vmul.f32 $6.375000000e+01, v30  }
0x51c: {  	s21 =	smov.u32 s20;
	s24 =	sld [smem:$0x7CF];
	v31 =	vld.idx.msk [tilespmem:v55+s30+$0x0], $0xffff;
	v63 =	vmax.f32 v11, $0.0e+00;
	v34 =	vmul.f32 v58, v27;
	v30 =	vmul.f32 $6.375000000e+01, v60  }
.Ltmp2:
0x51d: {  	s13 =	smov.u32 s4;
	[dreg:$0x14] =	wrdreg s21;
	v33 =	vld.idx.msk [tilespmem:v36+s30+$0x0], $0xffff;
	v9 =	vmul.f32 $6.375000000e+01, v5;
	v22 =	vmul.f32 v57, v29;
	v29 =	vmax.f32 v12, $0.0e+00;
	(pc) =	sbr.rel @p3 .LBB2_7-.Ltmp2, $4  }
0x51e: {  	s4 =	smov.u32 s31;
	s31 =	smov.u32 s28;
	s28 =	sld [smem:$0x7D1];
	v32 =	vld.idx.msk [tilespmem:v23+s30+$0x0], $0xffff;
	v36 =	vmul.f32 v28, v25;
	v35 =	vmul.f32 v61, v48;
	v23 =	vmax.f32 v30, $0.0e+00  }
0x51f: {  	s15 =	smov.u32 s19;
	s7 =	sadd.s32 $0x400, s26;
	s25 =	smov.u32 s24;
	[tilespmem:v1+s5+$0x0 ss:$0x1] =	vst.idx.msk $0xffff, v62;
	v28 =	vld.idx.msk [tilespmem:v21+s14+$0x0], $0xffff;
	v27 =	vmin.f32 v29, $2.540000000e+02;
	v23 =	vmin.f32 v23, $2.540000000e+02;
	v38 =	vadd.f32 v22, v59  }
0x520: {  	s20 =	sor.u32 $0x430, s4;
	s11 =	smov.u32 s22;
	[dreg:$0xa] =	wrdreg s25;
	v5 =	vadd.s32 v46, v2;
	v29 =	vld.idx.msk [tilespmem:v26+s14+$0x0], $0xffff;
	v22 =	vtrunc.f32 v27;
	v25 =	vtrunc.f32 v23  }
0x521: {  	s1 =	sadd.s32 $0x200, s28;
	s25 =	smov.u32 s29;
	s5 =	sld [smem:$0x7CE];
	v27 =	vld.idx.msk [tilespmem:v24+s14+$0x0], $0xffff;
	v23 =	vmax.f32 v9, $0.0e+00;
	v37 =	vcvt.f32.s32 v25;
	[tilespmem:v1+s0+$0x0 ss:$0x1] =	vst.idx.msk $0xffff, v38;
	v25 =	vmin.f32 v63, $2.540000000e+02  }
0x522: {  	_ = 	snop  }
0x523: {  	v37 =	vadd.s32 v37, v2  }
0x524: {  	v31 =	vadd.f32 v34, v31;
	_ =	sdelay $0x1  }
0x525: {  	[tilespmem:v1+s9+$0x0 ss:$0x1] =	vst.idx.msk $0xffff, v31  }
0x526: {  	s6 =	sld [smem:$0x7EC]  }
0x527: {  	v38 =	vld.idx.msk [tilespmem:v37+s14+$0x0], $0xffff  }
0x528: {  	v63 =	vld.idx.msk [tilespmem:v37+s30+$0x0], $0xffff  }
0x529: {  	v37 =	vld.idx.msk [tilespmem:v3+s6+$0x0 ss:$0x1], $0xffff  }
0x52a: {  	v36 =	vadd.f32 v36, v33;
	_ =	sdelay $0x1  }
0x52b: {  	[tilespmem:v1+s31+$0x0 ss:$0x1] =	vst.idx.msk $0xffff, v36;
	v30 =	vmul.f32 v38, v30  }
0x52c: {  	v32 =	vadd.f32 v35, v32;
	s1 =	rddreg [dreg:$0x1e]  }
0x52d: {  	v31 =	vld.idx.msk [tilespmem:v3+s1+$0x0 ss:$0x1], $0xffff;
	v38 =	vadd.f32 $2.000000000e+00, v37;
	v30 =	vadd.f32 v30, v63  }
0x52e: {  	[tilespmem:v1+s3+$0x0 ss:$0x1] =	vst.idx.msk $0xffff, v32  }
0x52f: {  	[tilespmem:v1+s23+$0x0 ss:$0x1] =	vst.idx.msk $0xffff, v30;
	v30 =	vmul.f32 $6.375000000e+01, v38  }
0x530: {  	v40 =	vld.idx.msk [tilespmem:v3+s5+$0x0 ss:$0x1], $0xffff  }
0x531: {  	s0 =	sor.u32 $0x1E0, s2;
	v41 =	vmax.f32 v30, $0.0e+00  }
0x532: {  	v31 =	vadd.f32 $2.000000000e+00, v31;
	v39 =	vld.idx.msk [tilespmem:v3+s0+$0x0 ss:$0x1], $0xffff;
	v34 =	vmin.f32 v41, $2.540000000e+02  }
0x533: {  	v34 =	vtrunc.f32 v34  }
0x534: {  	v31 =	vmul.f32 $6.375000000e+01, v31;
	v34 =	vcvt.f32.s32 v34  }
0x535: {  	v33 =	vadd.f32 $2.000000000e+00, v40  }
0x536: {  	v42 =	vmax.f32 v31, $0.0e+00;
	v34 =	vadd.s32 v34, v2  }
0x537: {  	v33 =	vmul.f32 $6.375000000e+01, v33;
	v35 =	vmin.f32 v42, $2.540000000e+02;
	v32 =	vadd.f32 $2.000000000e+00, v39  }
0x538: {  	v35 =	vtrunc.f32 v35  }
0x539: {  	v44 =	vmax.f32 v33, $0.0e+00;
	v35 =	vcvt.f32.s32 v35;
	v32 =	vmul.f32 $6.375000000e+01, v32  }
0x53a: {  	v37 =	vmin.f32 v44, $2.540000000e+02  }
0x53b: {  	v37 =	vtrunc.f32 v37;
	v35 =	vadd.s32 v35, v2;
	v43 =	vmax.f32 v32, $0.0e+00;
	v45 =	vld.idx.msk [tilespmem:v34+s14+$0x0], $0xffff  }
0x53c: {  	v37 =	vcvt.f32.s32 v37;
	v36 =	vmin.f32 v43, $2.540000000e+02  }
0x53d: {  	v36 =	vtrunc.f32 v36;
	v34 =	vld.idx.msk [tilespmem:v34+s30+$0x0], $0xffff  }
0x53e: {  	v37 =	vadd.s32 v37, v2;
	v36 =	vcvt.f32.s32 v36;
	_ =	sdelay $0x1  }
0x53f: {  	v39 =	vld.idx.msk [tilespmem:v35+s14+$0x0], $0xffff;
	v36 =	vadd.s32 v36, v2;
	v30 =	vmul.f32 v45, v30;
	_ =	sdelay $0x1  }
0x540: {  	v35 =	vld.idx.msk [tilespmem:v35+s30+$0x0], $0xffff;
	v30 =	vadd.f32 v30, v34  }
0x541: {  	v40 =	vld.idx.msk [tilespmem:v37+s14+$0x0], $0xffff  }
0x542: {  	v48 =	vld.idx.msk [tilespmem:v37+s30+$0x0], $0xffff;
	[tilespmem:v1+s6+$0x0 ss:$0x1] =	vst.idx.msk $0xffff, v30  }
0x543: {  	v31 =	vmul.f32 v39, v31;
	v46 =	vld.idx.msk [tilespmem:v36+s14+$0x0], $0xffff;
	s6 =	rddreg [dreg:$0x1f]  }
0x544: {  	v49 =	vld.idx.msk [tilespmem:v3+s6+$0x0 ss:$0x1], $0xffff  }
0x545: {  	v31 =	vadd.f32 v31, v35;
	v47 =	vld.idx.msk [tilespmem:v36+s30+$0x0], $0xffff;
	_ =	sdelay $0x1  }
0x546: {  	v50 =	vmul.f32 v40, v33;
	[tilespmem:v1+s1+$0x0 ss:$0x1] =	vst.idx.msk $0xffff, v31  }
0x547: {  	s10 =	rddreg [dreg:$0x1d];
	v32 =	vmul.f32 v46, v32  }
0x548: {  	v30 =	vadd.f32 v50, v48;
	v51 =	vld.idx.msk [tilespmem:v3+s10+$0x0 ss:$0x1], $0xffff;
	v52 =	vadd.f32 $2.000000000e+00, v49  }
0x549: {  	s9 =	smov.u32 s5;
	v32 =	vadd.f32 v32, v47  }
0x54a: {  	[tilespmem:v1+s9+$0x0 ss:$0x1] =	vst.idx.msk $0xffff, v30;
	v31 =	vmul.f32 $6.375000000e+01, v52  }
0x54b: {  	s19 =	sor.u32 $0x1F0, s2;
	[tilespmem:v1+s0+$0x0 ss:$0x1] =	vst.idx.msk $0xffff, v32  }
0x54c: {  	v53 =	vld.idx.msk [tilespmem:v3+s19+$0x0 ss:$0x1], $0xffff;
	s3 =	rddreg [dreg:$0x1b];
	v55 =	vmax.f32 v31, $0.0e+00  }
0x54d: {  	v33 =	vadd.f32 $2.000000000e+00, v51;
	v54 =	vld.idx.msk [tilespmem:v3+s3+$0x0 ss:$0x1], $0xffff;
	v34 =	vmin.f32 v55, $2.540000000e+02  }
0x54e: {  	v34 =	vtrunc.f32 v34  }
0x54f: {  	v33 =	vmul.f32 $6.375000000e+01, v33;
	v34 =	vcvt.f32.s32 v34;
	_ =	sdelay $0x1  }
0x550: {  	v56 =	vmax.f32 v33, $0.0e+00;
	v30 =	vadd.f32 $2.000000000e+00, v53;
	v34 =	vadd.s32 v34, v2  }
0x551: {  	v35 =	vmin.f32 v56, $2.540000000e+02;
	v32 =	vadd.f32 $2.000000000e+00, v54  }
0x552: {  	v35 =	vtrunc.f32 v35;
	v30 =	vmul.f32 $6.375000000e+01, v30  }
0x553: {  	v35 =	vcvt.f32.s32 v35;
	v32 =	vmul.f32 $6.375000000e+01, v32  }
0x554: {  	v57 =	vmax.f32 v30, $0.0e+00  }
0x555: {  	v35 =	vadd.s32 v35, v2;
	v36 =	vmin.f32 v57, $2.540000000e+02;
	v58 =	vmax.f32 v32, $0.0e+00;
	v59 =	vld.idx.msk [tilespmem:v34+s14+$0x0], $0xffff  }
0x556: {  	v36 =	vtrunc.f32 v36;
	v37 =	vmin.f32 v58, $2.540000000e+02  }
0x557: {  	v36 =	vcvt.f32.s32 v36;
	v37 =	vtrunc.f32 v37;
	v34 =	vld.idx.msk [tilespmem:v34+s30+$0x0], $0xffff  }
0x558: {  	v37 =	vcvt.f32.s32 v37  }
0x559: {  	v36 =	vadd.s32 v36, v2  }
0x55a: {  	v60 =	vld.idx.msk [tilespmem:v35+s14+$0x0], $0xffff;
	v37 =	vadd.s32 v37, v2;
	v31 =	vmul.f32 v59, v31;
	_ =	sdelay $0x1  }
0x55b: {  	v35 =	vld.idx.msk [tilespmem:v35+s30+$0x0], $0xffff;
	v31 =	vadd.f32 v31, v34  }
0x55c: {  	v61 =	vld.idx.msk [tilespmem:v3+s20+$0x0 ss:$0x1], $0xffff  }
0x55d: {  	v62 =	vld.idx.msk [tilespmem:v36+s14+$0x0], $0xffff;
	[tilespmem:v1+s6+$0x0 ss:$0x1] =	vst.idx.msk $0xffff, v31  }
0x55e: {  	v33 =	vmul.f32 v60, v33;
	v63 =	vld.idx.msk [tilespmem:v37+s14+$0x0], $0xffff;
	s6 =	sld [smem:$0x7ED]  }
0x55f: {  	v36 =	vld.idx.msk [tilespmem:v36+s30+$0x0], $0xffff  }
0x560: {  	v41 =	vld.idx.msk [tilespmem:v37+s30+$0x0], $0xffff;
	v33 =	vadd.f32 v33, v35  }
0x561: {  	p3 =	por !p5, !p5;
	s1 =	simm.s32 $0x1;
	v42 =	vld.idx.msk [tilespmem:v3+s6+$0x0 ss:$0x1], $0xffff  }
0x562: {  	s1 =	simm.s32 @!p3 $0x0;
	[tilespmem:v1+s10+$0x0 ss:$0x1] =	vst.idx.msk $0xffff, v33;
	v30 =	vmul.f32 v62, v30  }
0x563: {  	s1 =	sshll.u32 s1, $0x9;
	s21 =	rddreg [dreg:$0x7];
	v32 =	vmul.f32 v63, v32  }
0x564: {  	v33 =	vld.idx.msk [tilespmem:v3+s17+$0x0 ss:$0x1], $0xffff;
	s1 =	sadd.s32 s1, s21;
	v30 =	vadd.f32 v30, v36  }
0x565: {  	v43 =	vadd.f32 $2.000000000e+00, v61;
	s5 =	sadd.s32 $0x180, s1;
	v31 =	vadd.f32 v32, v41  }
0x566: {  	s7 =	sor.u32 $0x400, s5;
	[tilespmem:v1+s19+$0x0 ss:$0x1] =	vst.idx.msk $0xffff, v30;
	v44 =	vadd.f32 $2.000000000e+00, v42  }
0x567: {  	v45 =	vmul.f32 $6.375000000e+01, v43;
	[tilespmem:v1+s3+$0x0 ss:$0x1] =	vst.idx.msk $0xffff, v31;
	v46 =	vld.idx.msk [tilespmem:v3+s7+$0x0 ss:$0x1], $0xffff  }
0x568: {  	v47 =	vld.idx.msk [tilespmem:v3+s15+$0x0 ss:$0x1], $0xffff;
	v30 =	vmul.f32 $6.375000000e+01, v44  }
0x569: {  	v48 =	vmax.f32 v45, $0.0e+00;
	v33 =	vadd.f32 $2.000000000e+00, v33  }
0x56a: {  	v35 =	vmin.f32 v48, $2.540000000e+02;
	v49 =	vmax.f32 v30, $0.0e+00  }
0x56b: {  	v35 =	vtrunc.f32 v35;
	v33 =	vmul.f32 $6.375000000e+01, v33;
	v36 =	vmin.f32 v49, $2.540000000e+02  }
0x56c: {  	v35 =	vcvt.f32.s32 v35;
	v32 =	vadd.f32 $2.000000000e+00, v46;
	v36 =	vtrunc.f32 v36  }
0x56d: {  	v50 =	vmax.f32 v33, $0.0e+00;
	v34 =	vadd.f32 $2.000000000e+00, v47;
	v36 =	vcvt.f32.s32 v36  }
0x56e: {  	v35 =	vadd.s32 v35, v2;
	v37 =	vmin.f32 v50, $2.540000000e+02;
	v32 =	vmul.f32 $6.375000000e+01, v32  }
0x56f: {  	v26 =	vld.idx.msk [tilespmem:v26+s30+$0x0], $0xffff;
	v37 =	vtrunc.f32 v37;
	v34 =	vmul.f32 $6.375000000e+01, v34;
	v36 =	vadd.s32 v36, v2  }
0x570: {  	v37 =	vcvt.f32.s32 v37;
	v51 =	vmax.f32 v32, $0.0e+00  }
0x571: {  	v19 =	vmul.f32 v29, v19;
	v52 =	vmin.f32 v51, $2.540000000e+02;
	v53 =	vmax.f32 v34, $0.0e+00  }
0x572: {  	v21 =	vld.idx.msk [tilespmem:v21+s30+$0x0], $0xffff;
	v37 =	vadd.s32 v37, v2;
	v29 =	vtrunc.f32 v52;
	v38 =	vmin.f32 v53, $2.540000000e+02  }
0x573: {  	v54 =	vld.idx.msk [tilespmem:v35+s14+$0x0], $0xffff;
	v29 =	vcvt.f32.s32 v29;
	v38 =	vtrunc.f32 v38  }
0x574: {  	v19 =	vadd.f32 v19, v26;
	v38 =	vcvt.f32.s32 v38;
	v55 =	vld.idx.msk [tilespmem:v36+s14+$0x0], $0xffff  }
0x575: {  	v56 =	vld.idx.msk [tilespmem:v35+s30+$0x0], $0xffff;
	v29 =	vadd.s32 v29, v2  }
0x576: {  	[tilespmem:v1+s12+$0x0 ss:$0x1] =	vst.idx.msk $0xffff, v19;
	v57 =	vld.idx.msk [tilespmem:v36+s30+$0x0], $0xffff;
	v58 =	vadd.s32 v38, v2  }
0x577: {  	s10 =	rddreg [dreg:$0x19];
	v59 =	vld.idx.msk [tilespmem:v37+s14+$0x0], $0xffff  }
0x578: {  	v60 =	vld.idx.msk [tilespmem:v3+s10+$0x0 ss:$0x1], $0xffff;
	v31 =	vmul.f32 v54, v45  }
0x579: {  	v37 =	vld.idx.msk [tilespmem:v37+s30+$0x0], $0xffff;
	v30 =	vmul.f32 v55, v30  }
0x57a: {  	v26 =	vadd.f32 v31, v56;
	v61 =	vld.idx.msk [tilespmem:v29+s14+$0x0], $0xffff  }
0x57b: {  	v63 =	vld.idx.msk [tilespmem:v58+s14+$0x0], $0xffff;
	v62 =	vadd.f32 v30, v57  }
0x57c: {  	[tilespmem:v1+s20+$0x0 ss:$0x1] =	vst.idx.msk $0xffff, v26;
	v19 =	vmul.f32 v59, v33;
	v29 =	vld.idx.msk [tilespmem:v29+s30+$0x0], $0xffff  }
0x57d: {  	v18 =	vmul.f32 v28, v18;
	v35 =	vld.idx.msk [tilespmem:v58+s30+$0x0], $0xffff;
	[tilespmem:v1+s6+$0x0 ss:$0x1] =	vst.idx.msk $0xffff, v62  }
0x57e: {  	v24 =	vld.idx.msk [tilespmem:v24+s30+$0x0], $0xffff;
	s23 =	sor.u32 $0x440, s4;
	v19 =	vadd.f32 v19, v37;
	s0 =	sld [smem:$0x7E0]  }
0x57f: {  	v18 =	vadd.f32 v18, v21;
	s2 =	sadd.s32 $0x80, s1;
	v38 =	vld.idx.msk [tilespmem:v3+s23+$0x0 ss:$0x1], $0xffff;
	v39 =	vmul.f32 v61, v32  }
0x580: {  	s22 =	sor.u32 $0x400, s2;
	v36 =	vadd.f32 $2.000000000e+00, v60;
	[tilespmem:v1+s17+$0x0 ss:$0x1] =	vst.idx.msk $0xffff, v19;
	v30 =	vmul.f32 v63, v34  }
0x581: {  	v20 =	vmul.f32 v27, v20;
	v28 =	vld.idx.msk [tilespmem:v3+s22+$0x0 ss:$0x1], $0xffff;
	v29 =	vadd.f32 v39, v29;
	[tilespmem:v1+s0+$0x0 ss:$0x1] =	vst.idx.msk $0xffff, v18  }
0x582: {  	v19 =	vmul.f32 $6.375000000e+01, v36;
	v21 =	vadd.f32 v30, v35;
	s0 =	sadd.s32 $0x100, s1;
	s28 =	sld [smem:$0x7E8]  }
0x583: {  	v20 =	vadd.f32 v20, v24;
	s19 =	sld [smem:$0x7E6];
	s8 =	sor.u32 $0x400, s0;
	[tilespmem:v1+s7+$0x0 ss:$0x1] =	vst.idx.msk $0xffff, v29  }
0x584: {  	s24 =	sor.u32 $0x410, s5;
	v42 =	vmax.f32 v19, $0.0e+00;
	v18 =	vadd.f32 $2.000000000e+00, v38;
	[tilespmem:v1+s15+$0x0 ss:$0x1] =	vst.idx.msk $0xffff, v21;
	v41 =	vld.idx.msk [tilespmem:v3+s8+$0x0 ss:$0x1], $0xffff  }
0x585: {  	s26 =	sor.u32 $0x400, s1;
	v27 =	vmin.f32 v42, $2.540000000e+02;
	[tilespmem:v1+s13+$0x0 ss:$0x1] =	vst.idx.msk $0xffff, v20;
	v44 =	vld.idx.msk [tilespmem:v3+s24+$0x0 ss:$0x1], $0xffff  }
0x586: {  	v43 =	vtrunc.f32 v27;
	v28 =	vadd.f32 $2.000000000e+00, v28;
	v46 =	vld.idx.msk [tilespmem:v3+s26+$0x0 ss:$0x1], $0xffff;
	v18 =	vmul.f32 $6.375000000e+01, v18;
	s17 =	rddreg [dreg:$0x18]  }
0x587: {  	v21 =	vcvt.f32.s32 v43;
	v53 =	vld.idx.msk [tilespmem:v3+s17+$0x0 ss:$0x1], $0xffff  }
0x588: {  	v40 =	vld.idx.msk [tilespmem:v3+s28+$0x0 ss:$0x1], $0xffff;
	v45 =	vmul.f32 $6.375000000e+01, v28;
	v49 =	vmax.f32 v18, $0.0e+00  }
0x589: {  	v21 =	vadd.s32 v21, v2;
	v51 =	vmin.f32 v49, $2.540000000e+02  }
0x58a: {  	v48 =	vmax.f32 v45, $0.0e+00;
	v20 =	vtrunc.f32 v51;
	v47 =	vadd.f32 $2.000000000e+00, v41  }
0x58b: {  	v30 =	vmin.f32 v48, $2.540000000e+02;
	v24 =	vadd.f32 $2.000000000e+00, v44;
	v20 =	vcvt.f32.s32 v20  }
0x58c: {  	v28 =	vadd.f32 $2.000000000e+00, v46;
	v30 =	vtrunc.f32 v30;
	v29 =	vmul.f32 $6.375000000e+01, v47  }
0x58d: {  	v32 =	vadd.f32 $2.000000000e+00, v53;
	v26 =	vadd.f32 $2.000000000e+00, v40;
	v30 =	vcvt.f32.s32 v30  }
0x58e: {  	v24 =	vmul.f32 $6.375000000e+01, v24;
	v28 =	vmul.f32 $6.375000000e+01, v28;
	v50 =	vmax.f32 v29, $0.0e+00  }
0x58f: {  	v20 =	vadd.s32 v20, v2;
	v32 =	vmul.f32 $6.375000000e+01, v32;
	v52 =	vmin.f32 v50, $2.540000000e+02  }
0x590: {  	v30 =	vadd.s32 v30, v2;
	v54 =	vmax.f32 v24, $0.0e+00;
	v31 =	vtrunc.f32 v52  }
0x591: {  	v55 =	vmax.f32 v28, $0.0e+00;
	v33 =	vmin.f32 v54, $2.540000000e+02;
	v31 =	vcvt.f32.s32 v31  }
0x592: {  	v56 =	vld.idx.msk [tilespmem:v21+s14+$0x0], $0xffff;
	v26 =	vmul.f32 $6.375000000e+01, v26;
	v34 =	vmin.f32 v55, $2.540000000e+02;
	v33 =	vtrunc.f32 v33  }
0x593: {  	v21 =	vld.idx.msk [tilespmem:v21+s30+$0x0], $0xffff;
	v34 =	vtrunc.f32 v34;
	v33 =	vcvt.f32.s32 v33;
	v31 =	vadd.s32 v31, v2  }
0x594: {  	v61 =	vmax.f32 v32, $0.0e+00;
	v34 =	vcvt.f32.s32 v34;
	v60 =	vld.idx.msk [tilespmem:v20+s14+$0x0], $0xffff  }
0x595: {  	v58 =	vmax.f32 v26, $0.0e+00;
	v40 =	vmin.f32 v61, $2.540000000e+02;
	v20 =	vld.idx.msk [tilespmem:v20+s30+$0x0], $0xffff;
	v33 =	vadd.s32 v33, v2  }
0x596: {  	v37 =	vmin.f32 v58, $2.540000000e+02;
	v62 =	vtrunc.f32 v40;
	v57 =	vld.idx.msk [tilespmem:v30+s14+$0x0], $0xffff;
	v34 =	vadd.s32 v34, v2  }
0x597: {  	v37 =	vtrunc.f32 v37;
	v36 =	vcvt.f32.s32 v62;
	v30 =	vld.idx.msk [tilespmem:v30+s30+$0x0], $0xffff  }
0x598: {  	v37 =	vcvt.f32.s32 v37;
	v59 =	vld.idx.msk [tilespmem:v31+s14+$0x0], $0xffff  }
0x599: {  	v43 =	vadd.s32 v36, v2;
	v31 =	vld.idx.msk [tilespmem:v31+s30+$0x0], $0xffff  }
0x59a: {  	v37 =	vadd.s32 v37, v2;
	v63 =	vld.idx.msk [tilespmem:v33+s14+$0x0], $0xffff  }
0x59b: {  	v27 =	vmul.f32 v57, v45;
	v41 =	vld.idx.msk [tilespmem:v34+s14+$0x0], $0xffff  }
0x59c: {  	v42 =	vld.idx.msk [tilespmem:v33+s30+$0x0], $0xffff  }
0x59d: {  	v19 =	vmul.f32 v56, v19;
	v44 =	vld.idx.msk [tilespmem:v34+s30+$0x0], $0xffff;
	v27 =	vadd.f32 v27, v30  }
0x59e: {  	v52 =	vld.idx.msk [tilespmem:v43+s14+$0x0], $0xffff;
	v29 =	vmul.f32 v59, v29  }
0x59f: {  	s29 =	sor.u32 $0x410, s2;
	v19 =	vadd.f32 v19, v21;
	v46 =	vld.idx.msk [tilespmem:v37+s14+$0x0], $0xffff;
	[tilespmem:v1+s22+$0x0 ss:$0x1] =	vst.idx.msk $0xffff, v27;
	v24 =	vmul.f32 v63, v24  }
0x5a0: {  	v45 =	vld.idx.msk [tilespmem:v3+s29+$0x0 ss:$0x1], $0xffff;
	v48 =	vmul.f32 v41, v28;
	v29 =	vadd.f32 v29, v31  }
0x5a1: {  	[tilespmem:v1+s10+$0x0 ss:$0x1] =	vst.idx.msk $0xffff, v19;
	v47 =	vld.idx.msk [tilespmem:v37+s30+$0x0], $0xffff;
	v24 =	vadd.f32 v24, v42  }
0x5a2: {  	s31 =	sor.u32 $0x410, s0;
	v50 =	vmin.f32 v23, $2.540000000e+02;
	v53 =	vld.idx.msk [tilespmem:v43+s30+$0x0], $0xffff;
	v21 =	vadd.f32 v48, v44;
	[tilespmem:v1+s8+$0x0 ss:$0x1] =	vst.idx.msk $0xffff, v29  }
0x5a3: {  	v22 =	vcvt.f32.s32 v22;
	s6 =	sor.u32 $0x420, s5;
	v19 =	vtrunc.f32 v50;
	[tilespmem:v1+s24+$0x0 ss:$0x1] =	vst.idx.msk $0xffff, v24;
	v49 =	vld.idx.msk [tilespmem:v3+s31+$0x0 ss:$0x1], $0xffff  }
0x5a4: {  	s10 =	sor.u32 $0x410, s1;
	v19 =	vcvt.f32.s32 v19;
	v57 =	vmul.f32 v46, v26;
	[tilespmem:v1+s26+$0x0 ss:$0x1] =	vst.idx.msk $0xffff, v21;
	v55 =	vld.idx.msk [tilespmem:v3+s6+$0x0 ss:$0x1], $0xffff  }
0x5a5: {  	v51 =	vtrunc.f32 v25;
	v25 =	vmul.f32 v52, v32;
	v54 =	vadd.f32 $2.000000000e+00, v45;
	v56 =	vld.idx.msk [tilespmem:v3+s10+$0x0 ss:$0x1], $0xffff;
	s20 =	rddreg [dreg:$0x16]  }
0x5a6: {  	v23 =	vcvt.f32.s32 v51;
	v33 =	vadd.s32 v19, v2;
	v19 =	vadd.f32 v57, v47;
	v58 =	vld.idx.msk [tilespmem:v3+s20+$0x0 ss:$0x1], $0xffff  }
0x5a7: {  	v18 =	vmul.f32 v60, v18;
	v24 =	vadd.f32 v25, v53;
	v27 =	vmul.f32 $6.375000000e+01, v54  }
0x5a8: {  	v22 =	vadd.s32 v22, v2;
	s24 =	sld [smem:$0x7E5];
	[tilespmem:v1+s28+$0x0 ss:$0x1] =	vst.idx.msk $0xffff, v19;
	v28 =	vadd.f32 $2.000000000e+00, v49  }
0x5a9: {  	v23 =	vadd.s32 v23, v2;
	v18 =	vadd.f32 v18, v20;
	[tilespmem:v1+s17+$0x0 ss:$0x1] =	vst.idx.msk $0xffff, v24;
	v59 =	vmax.f32 v27, $0.0e+00  }
0x5aa: {  	s17 =	rddreg [dreg:$0x14];
	v60 =	vmin.f32 v59, $2.540000000e+02;
	v21 =	vadd.f32 $2.000000000e+00, v55;
	v28 =	vmul.f32 $6.375000000e+01, v28  }
0x5ab: {  	v44 =	vld.idx.msk [tilespmem:v3+s17+$0x0 ss:$0x1], $0xffff;
	v30 =	vadd.f32 $2.000000000e+00, v56;
	v62 =	vtrunc.f32 v60;
	v42 =	vadd.f32 $2.000000000e+00, v58  }
0x5ac: {  	v25 =	vcvt.f32.s32 v62;
	v21 =	vmul.f32 $6.375000000e+01, v21;
	v41 =	vmax.f32 v28, $0.0e+00  }
0x5ad: {  	v45 =	vld.idx.msk [tilespmem:v3+s11+$0x0 ss:$0x1], $0xffff;
	v30 =	vmul.f32 $6.375000000e+01, v30;
	v35 =	vmul.f32 $6.375000000e+01, v42;
	v43 =	vmin.f32 v41, $2.540000000e+02  }
0x5ae: {  	v34 =	vld.idx.msk [tilespmem:v22+s14+$0x0], $0xffff;
	v25 =	vadd.s32 v25, v2;
	v46 =	vmax.f32 v21, $0.0e+00;
	v26 =	vtrunc.f32 v43  }
0x5af: {  	v22 =	vld.idx.msk [tilespmem:v22+s30+$0x0], $0xffff;
	v47 =	vmax.f32 v30, $0.0e+00;
	v20 =	vmin.f32 v46, $2.540000000e+02;
	v26 =	vcvt.f32.s32 v26  }
0x5b0: {  	v63 =	vld.idx.msk [tilespmem:v3+s19+$0x0 ss:$0x1], $0xffff;
	v24 =	vadd.f32 $2.000000000e+00, v44;
	v49 =	vmin.f32 v47, $2.540000000e+02;
	v48 =	vtrunc.f32 v20  }
0x5b1: {  	v19 =	vld.idx.msk [tilespmem:v23+s14+$0x0], $0xffff;
	[tilespmem:v1+s23+$0x0 ss:$0x1] =	vst.idx.msk $0xffff, v18;
	v20 =	vtrunc.f32 v49;
	v18 =	vcvt.f32.s32 v48;
	v26 =	vadd.s32 v26, v2  }
0x5b2: {  	s3 =	sor.u32 $0x450, s4;
	v61 =	vld.idx.msk [tilespmem:v3+s24+$0x0 ss:$0x1], $0xffff;
	v32 =	vadd.f32 $2.000000000e+00, v45;
	v51 =	vmax.f32 v35, $0.0e+00;
	v53 =	vcvt.f32.s32 v20  }
0x5b3: {  	v50 =	vld.idx.msk [tilespmem:v3+s3+$0x0 ss:$0x1], $0xffff;
	v24 =	vmul.f32 $6.375000000e+01, v24;
	v37 =	vmin.f32 v51, $2.540000000e+02;
	v18 =	vadd.s32 v18, v2  }
0x5b4: {  	v32 =	vmul.f32 $6.375000000e+01, v32;
	v37 =	vtrunc.f32 v37;
	v52 =	vld.idx.msk [tilespmem:v25+s14+$0x0], $0xffff;
	v39 =	vadd.s32 v53, v2  }
0x5b5: {  	v55 =	vmax.f32 v24, $0.0e+00;
	v37 =	vcvt.f32.s32 v37;
	v25 =	vld.idx.msk [tilespmem:v25+s30+$0x0], $0xffff  }
0x5b6: {  	v17 =	vmul.f32 v17, v10;
	v42 =	vmax.f32 v32, $0.0e+00;
	v41 =	vmin.f32 v55, $2.540000000e+02;
	v54 =	vld.idx.msk [tilespmem:v26+s14+$0x0], $0xffff  }
0x5b7: {  	v56 =	vmin.f32 v42, $2.540000000e+02;
	v41 =	vtrunc.f32 v41;
	v37 =	vadd.s32 v37, v2;
	v26 =	vld.idx.msk [tilespmem:v26+s30+$0x0], $0xffff  }
0x5b8: {  	v38 =	vtrunc.f32 v56;
	v41 =	vcvt.f32.s32 v41;
	v57 =	vld.idx.msk [tilespmem:v18+s14+$0x0], $0xffff  }
0x5b9: {  	v38 =	vcvt.f32.s32 v38;
	v27 =	vmul.f32 v52, v27;
	v58 =	vld.idx.msk [tilespmem:v39+s14+$0x0], $0xffff  }
0x5ba: {  	v4 =	vmul.f32 v13, v4;
	v36 =	vadd.f32 $2.000000000e+00, v50;
	v59 =	vadd.s32 v41, v2;
	v18 =	vld.idx.msk [tilespmem:v18+s30+$0x0], $0xffff  }
0x5bb: {  	v29 =	vadd.f32 $2.000000000e+00, v63;
	v38 =	vadd.s32 v38, v2;
	v39 =	vld.idx.msk [tilespmem:v39+s30+$0x0], $0xffff;
	v25 =	vadd.f32 v27, v25  }
0x5bc: {  	v12 =	vmul.f32 v34, v12;
	v31 =	vadd.f32 $2.000000000e+00, v61;
	v36 =	vmul.f32 $6.375000000e+01, v36;
	v61 =	vld.idx.msk [tilespmem:v37+s14+$0x0], $0xffff  }
0x5bd: {  	s12 =	sor.u32 $0x420, s2;
	v29 =	vmul.f32 $6.375000000e+01, v29;
	v37 =	vld.idx.msk [tilespmem:v37+s30+$0x0], $0xffff;
	[tilespmem:v1+s29+$0x0 ss:$0x1] =	vst.idx.msk $0xffff, v25;
	v28 =	vmul.f32 v54, v28  }
0x5be: {  	v60 =	vmax.f32 v36, $0.0e+00;
	v25 =	vmul.f32 $6.375000000e+01, v31;
	v21 =	vmul.f32 v57, v21;
	v63 =	vld.idx.msk [tilespmem:v3+s12+$0x0 ss:$0x1], $0xffff  }
0x5bf: {  	v40 =	vmin.f32 v60, $2.540000000e+02;
	v47 =	vld.idx.msk [tilespmem:v59+s14+$0x0], $0xffff;
	v27 =	vmul.f32 v58, v30;
	v26 =	vadd.f32 v28, v26  }
0x5c0: {  	v40 =	vtrunc.f32 v40;
	v48 =	vld.idx.msk [tilespmem:v38+s14+$0x0], $0xffff;
	v62 =	vmax.f32 v25, $0.0e+00;
	v18 =	vadd.f32 v21, v18  }
0x5c1: {  	s13 =	sor.u32 $0x420, s0;
	v45 =	vcvt.f32.s32 v40;
	v31 =	vld.idx.msk [tilespmem:v59+s30+$0x0], $0xffff;
	v28 =	vmin.f32 v62, $2.540000000e+02;
	v27 =	vadd.f32 v27, v39;
	[tilespmem:v1+s31+$0x0 ss:$0x1] =	vst.idx.msk $0xffff, v26  }
0x5c2: {  	s15 =	sor.u32 $0x430, s5;
	v44 =	vmax.f32 v29, $0.0e+00;
	v52 =	vmul.f32 v61, v35;
	v28 =	vtrunc.f32 v28;
	[tilespmem:v1+s6+$0x0 ss:$0x1] =	vst.idx.msk $0xffff, v18;
	v46 =	vld.idx.msk [tilespmem:v3+s13+$0x0 ss:$0x1], $0xffff  }
0x5c3: {  	s22 =	sor.u32 $0x420, s1;
	v26 =	vmin.f32 v44, $2.540000000e+02;
	v28 =	vcvt.f32.s32 v28;
	[tilespmem:v1+s10+$0x0 ss:$0x1] =	vst.idx.msk $0xffff, v27;
	v49 =	vld.idx.msk [tilespmem:v3+s15+$0x0 ss:$0x1], $0xffff;
	v50 =	vadd.f32 $2.000000000e+00, v63  }
0x5c4: {  	v12 =	vadd.f32 v12, v22;
	v24 =	vmul.f32 v47, v24;
	v26 =	vtrunc.f32 v26;
	v53 =	vld.idx.msk [tilespmem:v3+s22+$0x0 ss:$0x1], $0xffff  }
0x5c5: {  	v23 =	vld.idx.msk [tilespmem:v23+s30+$0x0], $0xffff;
	v51 =	vadd.s32 v28, v2;
	v28 =	vadd.f32 v52, v37;
	v39 =	vmul.f32 $6.375000000e+01, v50  }
0x5c6: {  	v38 =	vld.idx.msk [tilespmem:v38+s30+$0x0], $0xffff;
	v30 =	vmul.f32 v48, v32;
	v18 =	vadd.s32 v45, v2;
	v26 =	vcvt.f32.s32 v26  }
0x5c7: {  	s26 =	smov.u32 s11;
	v20 =	vld.idx.msk [tilespmem:v33+s14+$0x0], $0xffff;
	s11 =	rddreg [dreg:$0x6];
	v60 =	vadd.f32 v24, v31;
	[tilespmem:v1+s20+$0x0 ss:$0x1] =	vst.idx.msk $0xffff, v28;
	v55 =	vmax.f32 v39, $0.0e+00;
	v21 =	vadd.f32 $2.000000000e+00, v46  }
0x5c8: {  	v33 =	vld.idx.msk [tilespmem:v33+s30+$0x0], $0xffff;
	v26 =	vadd.s32 v26, v2;
	s23 =	rddreg [dreg:$0x10];
	v27 =	vadd.f32 $2.000000000e+00, v49;
	v56 =	vmin.f32 v55, $2.540000000e+02  }
0x5c9: {  	v35 =	vadd.f32 $2.000000000e+00, v53;
	v58 =	vld.idx.msk [tilespmem:v3+s23+$0x0 ss:$0x1], $0xffff;
	v32 =	vtrunc.f32 v56;
	v21 =	vmul.f32 $6.375000000e+01, v21  }
0x5ca: {  	v54 =	vld.idx.msk [tilespmem:v3+s11+$0x0 ss:$0x1], $0xffff;
	s6 =	rddreg [dreg:$0x11];
	[tilespmem:v1+s17+$0x0 ss:$0x1] =	vst.idx.msk $0xffff, v60;
	v27 =	vmul.f32 $6.375000000e+01, v27;
	v32 =	vcvt.f32.s32 v32  }
0x5cb: {  	v50 =	vadd.f32 v30, v38;
	v34 =	vld.idx.msk [tilespmem:v18+s14+$0x0], $0xffff;
	[tilespmem:v1+s6+$0x0 ss:$0x1] =	vst.idx.msk $0xffff, v12;
	v35 =	vmul.f32 $6.375000000e+01, v35;
	v57 =	vmax.f32 v21, $0.0e+00  }
0x5cc: {  	v37 =	vld.idx.msk [tilespmem:v51+s14+$0x0], $0xffff;
	s21 =	rddreg [dreg:$0xf];
	v59 =	vmax.f32 v27, $0.0e+00;
	v32 =	vadd.s32 v32, v2;
	v40 =	vmin.f32 v57, $2.540000000e+02  }
0x5cd: {  	v49 =	vld.idx.msk [tilespmem:v3+s21+$0x0 ss:$0x1], $0xffff;
	v62 =	vmax.f32 v35, $0.0e+00;
	v61 =	vmin.f32 v59, $2.540000000e+02;
	v40 =	vtrunc.f32 v40  }
0x5ce: {  	s17 =	rddreg [dreg:$0xa];
	[tilespmem:v1+s26+$0x0 ss:$0x1] =	vst.idx.msk $0xffff, v50;
	v28 =	vld.idx.msk [tilespmem:v26+s14+$0x0], $0xffff;
	v63 =	vmin.f32 v62, $2.540000000e+02;
	v48 =	vadd.f32 $2.000000000e+00, v58;
	v40 =	vcvt.f32.s32 v40  }
0x5cf: {  	s20 =	rddreg [dreg:$0xe];
	v12 =	vld.idx.msk [tilespmem:v26+s30+$0x0], $0xffff;
	v24 =	vtrunc.f32 v61;
	v47 =	vtrunc.f32 v63  }
0x5d0: {  	v26 =	vld.idx.msk [tilespmem:v3+s20+$0x0 ss:$0x1], $0xffff;
	v46 =	vcvt.f32.s32 v24;
	v13 =	vmul.f32 $6.375000000e+01, v48;
	v44 =	vadd.s32 v40, v2  }
0x5d1: {  	v11 =	vmul.f32 v19, v11;
	v24 =	vcvt.f32.s32 v47;
	v52 =	vld.idx.msk [tilespmem:v32+s14+$0x0], $0xffff  }
0x5d2: {  	v15 =	vmul.f32 v16, v15;
	v42 =	vld.idx.msk [tilespmem:v51+s30+$0x0], $0xffff;
	v51 =	vadd.s32 v46, v2;
	v56 =	vmax.f32 v13, $0.0e+00  }
0x5d3: {  	v23 =	vadd.f32 v11, v23;
	v53 =	vld.idx.msk [tilespmem:v32+s30+$0x0], $0xffff;
	v24 =	vadd.s32 v24, v2;
	v11 =	vmin.f32 v56, $2.540000000e+02  }
0x5d4: {  	v16 =	vadd.f32 $2.000000000e+00, v54;
	v54 =	vmul.f32 v20, v9;
	v45 =	vld.idx.msk [tilespmem:v3+s17+$0x0 ss:$0x1], $0xffff;
	v11 =	vtrunc.f32 v11  }
0x5d5: {  	v25 =	vmul.f32 v37, v25;
	v41 =	vadd.f32 $2.000000000e+00, v26;
	v11 =	vcvt.f32.s32 v11;
	v55 =	vld.idx.msk [tilespmem:v44+s14+$0x0], $0xffff  }
0x5d6: {  	v9 =	vmul.f32 v34, v36;
	v59 =	vadd.f32 $2.000000000e+00, v49;
	v31 =	vld.idx.msk [tilespmem:v44+s30+$0x0], $0xffff;
	v60 =	vmul.f32 v52, v39  }
0x5d7: {  	v36 =	vadd.f32 v25, v42;
	v25 =	vmul.f32 $6.375000000e+01, v41;
	v58 =	vld.idx.msk [tilespmem:v51+s14+$0x0], $0xffff;
	v11 =	vadd.s32 v11, v2  }
0x5d8: {  	v10 =	vmul.f32 $6.375000000e+01, v16;
	v38 =	vmul.f32 $6.375000000e+01, v59;
	v62 =	vld.idx.msk [tilespmem:v24+s14+$0x0], $0xffff;
	v19 =	vadd.f32 v60, v53  }
0x5d9: {  	v61 =	vadd.f32 $2.000000000e+00, v45;
	v63 =	vmul.f32 v28, v29;
	v49 =	vmax.f32 v25, $0.0e+00;
	v30 =	vld.idx.msk [tilespmem:v51+s30+$0x0], $0xffff  }
0x5da: {  	s28 =	sor.u32 $0x430, s2;
	v28 =	vmin.f32 v49, $2.540000000e+02;
	v24 =	vld.idx.msk [tilespmem:v24+s30+$0x0], $0xffff;
	v39 =	vmax.f32 v38, $0.0e+00;
	[tilespmem:v1+s12+$0x0 ss:$0x1] =	vst.idx.msk $0xffff, v19;
	v20 =	vmul.f32 v55, v21  }
0x5db: {  	v16 =	vmul.f32 $6.375000000e+01, v61;
	v53 =	vtrunc.f32 v28;
	v19 =	vmin.f32 v39, $2.540000000e+02;
	v42 =	vld.idx.msk [tilespmem:v3+s28+$0x0 ss:$0x1], $0xffff  }
0x5dc: {  	v40 =	vmul.f32 v58, v27;
	v48 =	vld.idx.msk [tilespmem:v11+s14+$0x0], $0xffff;
	v27 =	vcvt.f32.s32 v53;
	v20 =	vadd.f32 v20, v31  }
0x5dd: {  	[tilespmem:v1+s24+$0x0 ss:$0x1] =	vst.idx.msk $0xffff, v36;
	v19 =	vtrunc.f32 v19;
	v45 =	vmul.f32 v62, v35;
	v56 =	vld.idx.msk [tilespmem:v11+s30+$0x0], $0xffff  }
0x5de: {  	s29 =	sor.u32 $0x430, s0;
	v19 =	vcvt.f32.s32 v19;
	v22 =	vadd.f32 v40, v30;
	v27 =	vadd.s32 v27, v2;
	[tilespmem:v1+s13+$0x0 ss:$0x1] =	vst.idx.msk $0xffff, v20  }
0x5df: {  	v12 =	vadd.f32 v63, v12;
	v24 =	vadd.f32 v45, v24;
	s10 =	rddreg [dreg:$0xb];
	v46 =	vld.idx.msk [tilespmem:v3+s29+$0x0 ss:$0x1], $0xffff  }
0x5e0: {  	s31 =	sor.u32 $0x440, s5;
	v47 =	vmax.f32 v16, $0.0e+00;
	v19 =	vadd.s32 v19, v2;
	[tilespmem:v1+s15+$0x0 ss:$0x1] =	vst.idx.msk $0xffff, v22;
	v44 =	vld.idx.msk [tilespmem:v3+s10+$0x0 ss:$0x1], $0xffff  }
0x5e1: {  	v14 =	vadd.f32 v17, v14;
	s12 =	sor.u32 $0x430, s1;
	v21 =	vmin.f32 v47, $2.540000000e+02;
	[tilespmem:v1+s22+$0x0 ss:$0x1] =	vst.idx.msk $0xffff, v24;
	v26 =	vadd.f32 $2.000000000e+00, v42;
	v50 =	vld.idx.msk [tilespmem:v3+s31+$0x0 ss:$0x1], $0xffff  }
0x5e2: {  	v57 =	vmax.f32 v10, $0.0e+00;
	v32 =	vadd.f32 v54, v33;
	v21 =	vtrunc.f32 v21;
	[tilespmem:v1+s19+$0x0 ss:$0x1] =	vst.idx.msk $0xffff, v12;
	v54 =	vld.idx.msk [tilespmem:v3+s12+$0x0 ss:$0x1], $0xffff  }
0x5e3: {  	v43 =	vmin.f32 v57, $2.540000000e+02;
	v51 =	vcvt.f32.s32 v21;
	s24 =	rddreg [dreg:$0x9];
	v26 =	vmul.f32 $6.375000000e+01, v26;
	v36 =	vld.idx.msk [tilespmem:v27+s14+$0x0], $0xffff  }
0x5e4: {  	v15 =	vadd.f32 v15, v8;
	v20 =	vtrunc.f32 v43;
	v13 =	vmul.f32 v48, v13;
	v55 =	vld.idx.msk [tilespmem:v3+s24+$0x0 ss:$0x1], $0xffff  }
0x5e5: {  	v12 =	vadd.s32 v51, v2;
	v57 =	vld.idx.msk [tilespmem:v19+s14+$0x0], $0xffff;
	v58 =	vmax.f32 v26, $0.0e+00;
	v29 =	vadd.f32 $2.000000000e+00, v46  }
0x5e6: {  	v13 =	vadd.f32 v13, v56;
	v60 =	vmin.f32 v58, $2.540000000e+02;
	v52 =	vadd.f32 $2.000000000e+00, v44  }
0x5e7: {  	v19 =	vld.idx.msk [tilespmem:v19+s30+$0x0], $0xffff;
	v59 =	vadd.f32 $2.000000000e+00, v50;
	v22 =	vtrunc.f32 v60;
	v29 =	vmul.f32 $6.375000000e+01, v29  }
0x5e8: {  	v11 =	vld.idx.msk [tilespmem:v18+s30+$0x0], $0xffff;
	s19 =	rddreg [dreg:$0xc];
	v61 =	vadd.f32 $2.000000000e+00, v54;
	v22 =	vcvt.f32.s32 v22;
	v25 =	vmul.f32 v36, v25  }
0x5e9: {  	[tilespmem:v1+s19+$0x0 ss:$0x1] =	vst.idx.msk $0xffff, v23;
	v27 =	vld.idx.msk [tilespmem:v27+s30+$0x0], $0xffff;
	v30 =	vadd.f32 $2.000000000e+00, v55;
	v21 =	vmul.f32 $6.375000000e+01, v52;
	v18 =	vmul.f32 $6.375000000e+01, v59  }
0x5ea: {  	s19 =	rddreg [dreg:$0xd];
	v23 =	vmul.f32 $6.375000000e+01, v61;
	v33 =	vmul.f32 v57, v38;
	v62 =	vmax.f32 v29, $0.0e+00  }
0x5eb: {  	[tilespmem:v1+s19+$0x0 ss:$0x1] =	vst.idx.msk $0xffff, v32;
	v34 =	vld.idx.msk [tilespmem:v12+s14+$0x0], $0xffff;
	v22 =	vadd.s32 v22, v2;
	v30 =	vmul.f32 $6.375000000e+01, v30;
	v24 =	vmin.f32 v62, $2.540000000e+02  }
0x5ec: {  	s4 =	rddreg [dreg:$0x15];
	v28 =	vld.idx.msk [tilespmem:v12+s30+$0x0], $0xffff;
	v38 =	vmax.f32 v23, $0.0e+00;
	v19 =	vadd.f32 v33, v19;
	v24 =	vtrunc.f32 v24  }
0x5ed: {  	s13 =	rddreg [dreg:$0x1c];
	[tilespmem:v1+s23+$0x0 ss:$0x1] =	vst.idx.msk $0xffff, v13;
	v63 =	vld.idx.msk [tilespmem:v3+s4+$0x0 ss:$0x1], $0xffff;
	v37 =	vmax.f32 v18, $0.0e+00;
	v39 =	vmin.f32 v38, $2.540000000e+02;
	v24 =	vcvt.f32.s32 v24  }
0x5ee: {  	v40 =	vld.idx.msk [tilespmem:v3+s25+$0x0 ss:$0x1], $0xffff;
	v51 =	vadd.f32 v25, v27;
	v13 =	vmin.f32 v37, $2.540000000e+02;
	v33 =	vtrunc.f32 v39;
	[tilespmem:v1+s21+$0x0 ss:$0x1] =	vst.idx.msk $0xffff, v19  }
0x5ef: {  	v32 =	vld.idx.msk [tilespmem:v3+s13+$0x0 ss:$0x1], $0xffff;
	v42 =	vtrunc.f32 v13;
	v43 =	vcvt.f32.s32 v33;
	s22 =	rddreg [dreg:$0x1a];
	v24 =	vadd.s32 v24, v2  }
0x5f0: {  	v20 =	vcvt.f32.s32 v20;
	v44 =	vmax.f32 v21, $0.0e+00;
	v12 =	vcvt.f32.s32 v42;
	v45 =	vld.idx.msk [tilespmem:v3+s22+$0x0 ss:$0x1], $0xffff  }
0x5f1: {  	v46 =	vmax.f32 v30, $0.0e+00;
	v33 =	vmin.f32 v44, $2.540000000e+02;
	[tilespmem:v1+s20+$0x0 ss:$0x1] =	vst.idx.msk $0xffff, v51;
	v47 =	vld.idx.msk [tilespmem:v22+s14+$0x0], $0xffff;
	v48 =	vadd.s32 v43, v2  }
0x5f2: {  	v53 =	vmin.f32 v46, $2.540000000e+02;
	v49 =	vtrunc.f32 v33;
	v22 =	vld.idx.msk [tilespmem:v22+s30+$0x0], $0xffff;
	s19 =	rddreg [dreg:$0x13];
	v50 =	vadd.s32 v12, v2  }
0x5f3: {  	v35 =	vadd.f32 $2.000000000e+00, v40;
	v56 =	vtrunc.f32 v53;
	v54 =	vcvt.f32.s32 v49;
	v58 =	vld.idx.msk [tilespmem:v3+s19+$0x0 ss:$0x1], $0xffff  }
0x5f4: {  	v16 =	vmul.f32 v34, v16;
	v41 =	vadd.f32 $2.000000000e+00, v63;
	v19 =	vcvt.f32.s32 v56;
	v52 =	vld.idx.msk [tilespmem:v24+s14+$0x0], $0xffff  }
0x5f5: {  	v55 =	vadd.f32 $2.000000000e+00, v32;
	v32 =	vmul.f32 $6.375000000e+01, v35;
	v57 =	vadd.s32 v54, v2;
	v24 =	vld.idx.msk [tilespmem:v24+s30+$0x0], $0xffff  }
0x5f6: {  	v4 =	vadd.f32 v4, v6;
	v20 =	vadd.s32 v20, v2;
	v19 =	vadd.s32 v19, v2;
	v60 =	vld.idx.msk [tilespmem:v48+s14+$0x0], $0xffff  }
0x5f7: {  	v16 =	vadd.f32 v16, v28;
	v13 =	vmul.f32 $6.375000000e+01, v41;
	v62 =	vmax.f32 v32, $0.0e+00;
	v61 =	vld.idx.msk [tilespmem:v50+s14+$0x0], $0xffff  }
0x5f8: {  	v12 =	vmul.f32 $6.375000000e+01, v55;
	v40 =	vmin.f32 v62, $2.540000000e+02;
	v26 =	vmul.f32 v47, v26;
	v41 =	vld.idx.msk [tilespmem:v48+s30+$0x0], $0xffff  }
0x5f9: {  	v59 =	vmax.f32 v13, $0.0e+00;
	v42 =	vtrunc.f32 v40;
	v31 =	vadd.f32 $2.000000000e+00, v45;
	v33 =	vld.idx.msk [tilespmem:v50+s30+$0x0], $0xffff  }
0x5fa: {  	v35 =	vadd.f32 $2.000000000e+00, v58;
	v22 =	vadd.f32 v26, v22;
	v43 =	vld.idx.msk [tilespmem:v57+s14+$0x0], $0xffff;
	v25 =	vmul.f32 v52, v29  }
0x5fb: {  	v63 =	vmax.f32 v12, $0.0e+00;
	v44 =	vcvt.f32.s32 v42;
	v31 =	vmul.f32 $6.375000000e+01, v31;
	v46 =	vld.idx.msk [tilespmem:v19+s14+$0x0], $0xffff  }
0x5fc: {  	s15 =	sor.u32 $0x440, s2;
	v35 =	vmul.f32 $6.375000000e+01, v35;
	v27 =	vld.idx.msk [tilespmem:v57+s30+$0x0], $0xffff;
	[tilespmem:v1+s28+$0x0 ss:$0x1] =	vst.idx.msk $0xffff, v22;
	v22 =	vmin.f32 v63, $2.540000000e+02;
	v24 =	vadd.f32 v25, v24  }
0x5fd: {  	v47 =	vmax.f32 v31, $0.0e+00;
	v45 =	vld.idx.msk [tilespmem:v3+s15+$0x0 ss:$0x1], $0xffff;
	v29 =	vadd.s32 v44, v2;
	v23 =	vmul.f32 v60, v23  }
0x5fe: {  	s21 =	sor.u32 $0x440, s0;
	v19 =	vld.idx.msk [tilespmem:v19+s30+$0x0], $0xffff;
	v49 =	vmax.f32 v35, $0.0e+00;
	v38 =	vmin.f32 v47, $2.540000000e+02;
	v18 =	vmul.f32 v61, v18;
	[tilespmem:v1+s29+$0x0 ss:$0x1] =	vst.idx.msk $0xffff, v24  }
0x5ff: {  	v51 =	vtrunc.f32 v38;
	v23 =	vadd.f32 v23, v41;
	v21 =	vmul.f32 v43, v21;
	v48 =	vld.idx.msk [tilespmem:v3+s21+$0x0 ss:$0x1], $0xffff  }
0x600: {  	v17 =	vld.idx.msk [tilespmem:v20+s14+$0x0], $0xffff;
	[tilespmem:v1+s17+$0x0 ss:$0x1] =	vst.idx.msk $0xffff, v16;
	v50 =	vmin.f32 v49, $2.540000000e+02;
	v53 =	vcvt.f32.s32 v51;
	v18 =	vadd.f32 v18, v33  }
0x601: {  	s23 =	sor.u32 $0x440, s1;
	v52 =	vtrunc.f32 v50;
	v30 =	vmul.f32 v46, v30;
	[tilespmem:v1+s12+$0x0 ss:$0x1] =	vst.idx.msk $0xffff, v23;
	v21 =	vadd.f32 v21, v27  }
0x602: {  	[tilespmem:v1+s31+$0x0 ss:$0x1] =	vst.idx.msk $0xffff, v18;
	v54 =	vadd.f32 $2.000000000e+00, v45;
	v18 =	vcvt.f32.s32 v52;
	v23 =	vadd.s32 v53, v2;
	v55 =	vld.idx.msk [tilespmem:v3+s23+$0x0 ss:$0x1], $0xffff  }
0x603: {  	v22 =	vtrunc.f32 v22;
	v24 =	vmin.f32 v59, $2.540000000e+02;
	v19 =	vadd.f32 v30, v19;
	v56 =	vld.idx.msk [tilespmem:v29+s14+$0x0], $0xffff;
	[tilespmem:v1+s10+$0x0 ss:$0x1] =	vst.idx.msk $0xffff, v21  }
0x604: {  	s5 =	sor.u32 $0x450, s5;
	v58 =	vld.idx.msk [tilespmem:v29+s30+$0x0], $0xffff;
	v33 =	vmul.f32 $6.375000000e+01, v54;
	v59 =	vadd.s32 v18, v2;
	s20 =	sld [smem:$0x7E4];
	v26 =	vadd.f32 $2.000000000e+00, v48  }
0x605: {  	v9 =	vadd.f32 v9, v11;
	v22 =	vcvt.f32.s32 v22;
	v57 =	vld.idx.msk [tilespmem:v3+s5+$0x0 ss:$0x1], $0xffff;
	s17 =	rddreg [dreg:$0x12];
	[tilespmem:v1+s24+$0x0 ss:$0x1] =	vst.idx.msk $0xffff, v19  }
0x606: {  	v10 =	vmul.f32 v17, v10;
	v60 =	vmax.f32 v33, $0.0e+00;
	v46 =	vld.idx.msk [tilespmem:v3+s16+$0x0 ss:$0x1], $0xffff;
	v26 =	vmul.f32 $6.375000000e+01, v26  }
0x607: {  	v22 =	vadd.s32 v22, v2;
	v18 =	vmin.f32 v60, $2.540000000e+02;
	v41 =	vld.idx.msk [tilespmem:v23+s14+$0x0], $0xffff;
	v62 =	vadd.f32 $2.000000000e+00, v55  }
0x608: {  	v25 =	vmul.f32 v56, v32;
	v43 =	vld.idx.msk [tilespmem:v23+s30+$0x0], $0xffff;
	v18 =	vtrunc.f32 v18;
	v40 =	vmax.f32 v26, $0.0e+00  }
0x609: {  	v18 =	vcvt.f32.s32 v18;
	v42 =	vld.idx.msk [tilespmem:v59+s14+$0x0], $0xffff;
	v30 =	vmul.f32 $6.375000000e+01, v62;
	v32 =	vmin.f32 v40, $2.540000000e+02  }
0x60a: {  	v24 =	vtrunc.f32 v24;
	v61 =	vld.idx.msk [tilespmem:v3+s20+$0x0 ss:$0x1], $0xffff;
	v28 =	vadd.f32 $2.000000000e+00, v57;
	v32 =	vtrunc.f32 v32  }
0x60b: {  	v48 =	vld.idx.msk [tilespmem:v59+s30+$0x0], $0xffff;
	v44 =	vadd.s32 v18, v2;
	v45 =	vmax.f32 v30, $0.0e+00;
	v32 =	vcvt.f32.s32 v32  }
0x60c: {  	v20 =	vld.idx.msk [tilespmem:v20+s30+$0x0], $0xffff;
	v25 =	vadd.f32 v25, v58;
	v18 =	vmul.f32 $6.375000000e+01, v28;
	v47 =	vmin.f32 v45, $2.540000000e+02  }
0x60d: {  	v16 =	vld.idx.msk [tilespmem:v5+s14+$0x0], $0xffff;
	v31 =	vmul.f32 v41, v31;
	v49 =	vtrunc.f32 v47;
	v50 =	vadd.s32 v32, v2  }
0x60e: {  	v63 =	vld.idx.msk [tilespmem:v3+s17+$0x0 ss:$0x1], $0xffff;
	[tilespmem:v1+s25+$0x0 ss:$0x1] =	vst.idx.msk $0xffff, v25;
	v55 =	vadd.f32 $2.000000000e+00, v46;
	v27 =	vmul.f32 v42, v35;
	v28 =	vcvt.f32.s32 v49  }
0x60f: {  	v24 =	vcvt.f32.s32 v24;
	v52 =	vld.idx.msk [tilespmem:v3+s18+$0x0 ss:$0x1], $0xffff;
	v21 =	vadd.f32 $2.000000000e+00, v61;
	v19 =	vadd.f32 v31, v43  }
0x610: {  	v8 =	vmul.f32 $6.375000000e+01, v55;
	v53 =	vld.idx.msk [tilespmem:v44+s14+$0x0], $0xffff;
	v25 =	vadd.f32 v27, v48;
	v28 =	vadd.s32 v28, v2  }
0x611: {  	v24 =	vadd.s32 v24, v2;
	v51 =	vmax.f32 v18, $0.0e+00;
	v23 =	vld.idx.msk [tilespmem:v44+s30+$0x0], $0xffff;
	[tilespmem:v1+s22+$0x0 ss:$0x1] =	vst.idx.msk $0xffff, v19  }
0x612: {  	v21 =	vmul.f32 $6.375000000e+01, v21;
	v60 =	vmax.f32 v8, $0.0e+00;
	v32 =	vmin.f32 v51, $2.540000000e+02;
	s26 =	rddreg [dreg:$0x8];
	[tilespmem:v1+s19+$0x0 ss:$0x1] =	vst.idx.msk $0xffff, v25;
	v56 =	vld.idx.msk [tilespmem:v50+s14+$0x0], $0xffff  }
0x613: {  	v34 =	vadd.f32 $2.000000000e+00, v63;
	v37 =	vmin.f32 v60, $2.540000000e+02;
	v54 =	vtrunc.f32 v32;
	v57 =	vld.idx.msk [tilespmem:v3+s26+$0x0 ss:$0x1], $0xffff;
	s12 =	sld [smem:$0x7EB]  }
0x614: {  	v58 =	vmax.f32 v21, $0.0e+00;
	v39 =	vtrunc.f32 v37;
	v19 =	vcvt.f32.s32 v54;
	v29 =	vld.idx.msk [tilespmem:v50+s30+$0x0], $0xffff  }
0x615: {  	v25 =	vmul.f32 $6.375000000e+01, v34;
	v32 =	vmin.f32 v58, $2.540000000e+02;
	v43 =	vcvt.f32.s32 v39;
	v59 =	vld.idx.msk [tilespmem:v28+s14+$0x0], $0xffff  }
0x616: {  	v41 =	vadd.f32 $2.000000000e+00, v52;
	v62 =	vtrunc.f32 v32;
	v31 =	vmul.f32 v53, v33;
	v61 =	vld.idx.msk [tilespmem:v3+s12+$0x0 ss:$0x1], $0xffff  }
0x617: {  	v19 =	vadd.s32 v19, v2;
	v34 =	vmax.f32 v25, $0.0e+00;
	v28 =	vld.idx.msk [tilespmem:v28+s30+$0x0], $0xffff;
	v26 =	vmul.f32 v56, v26  }
0x618: {  	v5 =	vld.idx.msk [tilespmem:v5+s30+$0x0], $0xffff;
	v42 =	vcvt.f32.s32 v62;
	v63 =	vmin.f32 v34, $2.540000000e+02;
	v23 =	vadd.f32 v31, v23  }
0x619: {  	v27 =	vld.idx.msk [tilespmem:v24+s14+$0x0], $0xffff;
	v31 =	vmul.f32 $6.375000000e+01, v41;
	v44 =	vadd.f32 $2.000000000e+00, v57;
	v26 =	vadd.f32 v26, v29  }
0x61a: {  	s2 =	sor.u32 $0x450, s2;
	v24 =	vld.idx.msk [tilespmem:v24+s30+$0x0], $0xffff;
	v40 =	vtrunc.f32 v63;
	[tilespmem:v1+s15+$0x0 ss:$0x1] =	vst.idx.msk $0xffff, v23;
	v30 =	vmul.f32 v59, v30  }
0x61b: {  	s0 =	sor.u32 $0x450, s0;
	v23 =	vcvt.f32.s32 v40;
	v48 =	vmax.f32 v31, $0.0e+00;
	v32 =	vmul.f32 $6.375000000e+01, v44;
	v45 =	vld.idx.msk [tilespmem:v3+s2+$0x0 ss:$0x1], $0xffff;
	[tilespmem:v1+s21+$0x0 ss:$0x1] =	vst.idx.msk $0xffff, v26  }
0x61c: {  	v35 =	vmin.f32 v48, $2.540000000e+02;
	v46 =	vadd.f32 $2.000000000e+00, v61;
	v28 =	vadd.f32 v30, v28;
	v47 =	vld.idx.msk [tilespmem:v3+s0+$0x0 ss:$0x1], $0xffff  }
0x61d: {  	v49 =	vld.idx.msk [tilespmem:v19+s14+$0x0], $0xffff;
	v23 =	vadd.s32 v23, v2;
	v35 =	vtrunc.f32 v35;
	v50 =	vmax.f32 v32, $0.0e+00  }
0x61e: {  	s1 =	sor.u32 $0x450, s1;
	v52 =	vld.idx.msk [tilespmem:v22+s14+$0x0], $0xffff;
	v63 =	vmul.f32 v27, v13;
	v36 =	vmin.f32 v50, $2.540000000e+02;
	v35 =	vcvt.f32.s32 v35;
	[tilespmem:v1+s23+$0x0 ss:$0x1] =	vst.idx.msk $0xffff, v28  }
0x61f: {  	v29 =	vadd.s32 v42, v2;
	v34 =	vmul.f32 $6.375000000e+01, v46;
	v36 =	vtrunc.f32 v36;
	v3 =	vld.idx.msk [tilespmem:v3+s1+$0x0 ss:$0x1], $0xffff  }
0x620: {  	v22 =	vld.idx.msk [tilespmem:v22+s30+$0x0], $0xffff;
	v26 =	vadd.s32 v43, v2;
	v36 =	vcvt.f32.s32 v36;
	v33 =	vadd.f32 $2.000000000e+00, v45  }
0x621: {  	v19 =	vld.idx.msk [tilespmem:v19+s30+$0x0], $0xffff;
	v35 =	vadd.s32 v35, v2;
	v43 =	vadd.f32 v10, v20;
	v30 =	vadd.f32 $2.000000000e+00, v47  }
0x622: {  	v44 =	vmul.f32 v49, v18;
	v51 =	vmax.f32 v34, $0.0e+00;
	v54 =	vld.idx.msk [tilespmem:v23+s14+$0x0], $0xffff;
	v33 =	vmul.f32 $6.375000000e+01, v33  }
0x623: {  	v37 =	vmin.f32 v51, $2.540000000e+02;
	v36 =	vadd.s32 v36, v2;
	v23 =	vld.idx.msk [tilespmem:v23+s30+$0x0], $0xffff;
	v30 =	vmul.f32 $6.375000000e+01, v30  }
0x624: {  	v53 =	vld.idx.msk [tilespmem:v29+s14+$0x0], $0xffff;
	v37 =	vtrunc.f32 v37;
	v55 =	vmax.f32 v33, $0.0e+00;
	v3 =	vadd.f32 $2.000000000e+00, v3  }
0x625: {  	v29 =	vld.idx.msk [tilespmem:v29+s30+$0x0], $0xffff;
	v37 =	vcvt.f32.s32 v37;
	v41 =	vmin.f32 v55, $2.540000000e+02;
	v56 =	vmax.f32 v30, $0.0e+00  }
0x626: {  	s6 =	rddreg [dreg:$0x5];
	v11 =	vld.idx.msk [tilespmem:v26+s14+$0x0], $0xffff;
	v41 =	vtrunc.f32 v41;
	v3 =	vmul.f32 $6.375000000e+01, v3;
	v42 =	vmin.f32 v56, $2.540000000e+02  }
0x627: {  	[tilespmem:v1+s6+$0x0 ss:$0x1] =	vst.idx.msk $0xffff, v14;
	v58 =	vld.idx.msk [tilespmem:v35+s14+$0x0], $0xffff;
	v37 =	vadd.s32 v37, v2;
	v41 =	vcvt.f32.s32 v41;
	v57 =	vtrunc.f32 v42  }
0x628: {  	s6 =	rddreg [dreg:$0x17];
	[tilespmem:v1+s3+$0x0 ss:$0x1] =	vst.idx.msk $0xffff, v9;
	v9 =	vadd.f32 v63, v24;
	v61 =	vld.idx.msk [tilespmem:v35+s30+$0x0], $0xffff;
	v59 =	vmax.f32 v3, $0.0e+00;
	v14 =	vcvt.f32.s32 v57  }
0x629: {  	[tilespmem:v1+s6+$0x0 ss:$0x1] =	vst.idx.msk $0xffff, v15;
	v45 =	vld.idx.msk [tilespmem:v26+s30+$0x0], $0xffff;
	v41 =	vadd.s32 v41, v2;
	v42 =	vmin.f32 v59, $2.540000000e+02  }
0x62a: {  	s3 =	rddreg [dreg:$0x4];
	[tilespmem:v1+s11+$0x0 ss:$0x1] =	vst.idx.msk $0xffff, v43;
	v60 =	vld.idx.msk [tilespmem:v36+s14+$0x0], $0xffff;
	v62 =	vtrunc.f32 v42;
	v14 =	vadd.s32 v14, v2  }
0x62b: {  	[tilespmem:v1+s4+$0x0 ss:$0x1] =	vst.idx.msk $0xffff, v9;
	v36 =	vld.idx.msk [tilespmem:v36+s30+$0x0], $0xffff;
	v42 =	vcvt.f32.s32 v62  }
0x62c: {  	v52 =	vmul.f32 v52, v12;
	v47 =	vadd.f32 v44, v19;
	[tilespmem:v1+s3+$0x0 ss:$0x1] =	vst.idx.msk $0xffff, v4;
	v46 =	vld.idx.msk [tilespmem:v37+s14+$0x0], $0xffff  }
0x62d: {  	v50 =	vmul.f32 v54, v25;
	v55 =	vmul.f32 v58, v31;
	v58 =	vld.idx.msk [tilespmem:v37+s30+$0x0], $0xffff;
	v2 =	vadd.s32 v42, v2  }
0x62e: {  	v7 =	vmul.f32 v16, v7;
	v4 =	vadd.f32 v52, v22;
	[tilespmem:v1+s5+$0x0 ss:$0x1] =	vst.idx.msk $0xffff, v47;
	v49 =	vld.idx.msk [tilespmem:v41+s14+$0x0], $0xffff  }
0x62f: {  	v48 =	vmul.f32 v53, v21;
	s3 =	sld [smem:$0x7DF];
	v54 =	vadd.f32 v50, v23;
	v51 =	vld.idx.msk [tilespmem:v14+s14+$0x0], $0xffff  }
0x630: {  	v5 =	vadd.f32 v7, v5;
	[tilespmem:v1+s13+$0x0 ss:$0x1] =	vst.idx.msk $0xffff, v4;
	v53 =	vld.idx.msk [tilespmem:v41+s30+$0x0], $0xffff  }
0x631: {  	v10 =	vadd.f32 v48, v29;
	[tilespmem:v1+s17+$0x0 ss:$0x1] =	vst.idx.msk $0xffff, v54;
	v6 =	vmul.f32 v60, v32;
	v14 =	vld.idx.msk [tilespmem:v14+s30+$0x0], $0xffff  }
0x632: {  	[tilespmem:v1+s3+$0x0 ss:$0x1] =	vst.idx.msk $0xffff, v5;
	v7 =	vadd.f32 v55, v61;
	v57 =	vmul.f32 v11, v8;
	v56 =	vld.idx.msk [tilespmem:v2+s14+$0x0], $0xffff  }
0x633: {  	s25 =	smov.u32 s18;
	[tilespmem:v1+s20+$0x0 ss:$0x1] =	vst.idx.msk $0xffff, v10;
	v59 =	vadd.f32 v6, v36;
	v60 =	vmul.f32 v49, v33  }
0x634: {  	[tilespmem:v1+s25+$0x0 ss:$0x1] =	vst.idx.msk $0xffff, v7;
	v5 =	vadd.f32 v57, v45;
	v2 =	vld.idx.msk [tilespmem:v2+s30+$0x0], $0xffff;
	v61 =	vmul.f32 v51, v30  }
0x635: {  	[tilespmem:v1+s26+$0x0 ss:$0x1] =	vst.idx.msk $0xffff, v59;
	v62 =	vmul.f32 v46, v34;
	v6 =	vadd.f32 v60, v53  }
0x636: {  	[tilespmem:v1+s16+$0x0 ss:$0x1] =	vst.idx.msk $0xffff, v5;
	v63 =	vadd.f32 v61, v14  }
0x637: {  	s11 =	sld [smem:$0x7F6];
	v4 =	vadd.f32 v62, v58;
	[tilespmem:v1+s2+$0x0 ss:$0x1] =	vst.idx.msk $0xffff, v6;
	v3 =	vmul.f32 v56, v3  }
0x638: {  	[tilespmem:v1+s0+$0x0 ss:$0x1] =	vst.idx.msk $0xffff, v63  }
0x639: {  	v2 =	vadd.f32 v3, v2;
	s0 =	sld [smem:$0x7E3];
	[tilespmem:v1+s12+$0x0 ss:$0x1] =	vst.idx.msk $0xffff, v4  }
0x63a: {  	p6 =	seq.s32 s11, $0x5F;
	s2 =	sld [smem:$0x7F4]  }
0x63b: {  	p1 =	por p6, p1;
	[tilespmem:v1+s1+$0x0 ss:$0x1] =	vst.idx.msk $0xffff, v2  }
0x63c: {  	_ =	strace $0x9000004D;
	s0 =	smul.u32 @p1 $0xE000, s0  }
0x63d: {  	_ =	strace @p1 $0x8000004E;
	s2 =	smul.u32 @p1 $0x3800, s2  }
0x63e: {  	s1 =	sld [smem:$0x7D5]  }
0x63f: {  	s3 =	sld [smem:$0x7D6];
	s0 =	sadd.s32 @p1 s2, s0  }
0x640: {  	s2 =	rddreg [dreg:$0x2];
	s0 =	sshrl.u32 @p1 s0, $0x3  }
0x641: {  	s1 =	sadd.s32 @p1 $0x5, s1;
	s0 =	sadd.s32 @p1 s2, s0;
	s2 =	simm.s32 @p1 $0x0  }
0x642: {  	[hbm4b:s0+s2] =	stream.linear.scatter @p1 [tilespmem:s3], [sflag:s1], $0x3800, $0x200038;
	[tilespmem:$0x1A800] =	vst v63  }
0x643: {  	_ =	strace @p1 $0x9000004E  }
0x644: {  	s3 =	sld [smem:$0x7F1];
	_ =	sdelay $0x2  }
0x645: {  	s0 =	sand.u32 @!p2 $0x1, s3  }
0x646: {  	_ =	strace @!p2 $0x8000004F;
	s0 =	sadd.s32 @!p2 $0x5, s0  }
0x647: {  	_ =	swait.ge @!p2 [sflag:s0], $0x3800  }
0x648: {  	p4 =	sne.s32 s11, $0x0;
	s11 =	sadd.s32 $0x1, s11;
	s28 =	sld [smem:$0x7D4]  }
0x649: {  	p0 =	por p6, p0;
	[sflag:s0] =	ssyncset.done @!p2 $0x0;
	s29 =	sld [smem:$0x7F5]  }
0x64a: {  	s31 =	sld [smem:$0x7D3];
	[sflag:s0] =	ssyncadd.s32 @!p2 $0xFFFFC800;
	s0 =	simm.s32 $0x1  }
0x64b: {  	s0 =	simm.s32 @!p0 $0x0;
	p0 =	sne.s32 s11, $0x60;
	_ =	strace @!p2 $0x9000004F  }
.Ltmp3:
0x64c: {  	s12 =	sld [smem:$0x7F3];
	(pc) =	sbr.rel @p0 .LBB2_6-.Ltmp3, $4  }
0x64d: {  	s1 =	simm.s32 $0x1;
	s2 =	simm.s32 $0x1;
	s13 =	sld [smem:$0x7F2]  }
0x64e: {  	s1 =	simm.s32 @!p4 $0x0;
	s2 =	simm.s32 @!p1 $0x0;
	s9 =	sld [smem:$0x7FD]  }
0x64f: {  	s3 =	sadd.s32 s1, s3;
	s7 =	sadd.s32 s2, s28;
	s6 =	sld [smem:$0x7EE]  }
0x650: {  	s10 =	sadd.s32 s2, s29;
	s8 =	sadd.s32 s0, s31;
	s5 =	sld [smem:$0x7F0]  }
0x651: {  	_ =	strace $0x80000050;
	s0 =	simm.s32 $0x6  }
0x652: {  	_ =	swait.ge [sflag:s0], $0x3800  }
0x653: {  	s1 =	sld [smem:$0x7F7]  }
0x654: {  	s31 =	sld [smem:$0x7FC];
	_ =	sdelay $0x1  }
0x655: {  	s1 =	sadd.s32 $0x1, s1  }
0x656: {  	p0 =	sne.s32 s1, s31  }
.Ltmp4:
0x657: {  	_ = 	snop;
	(pc) =	sbr.rel @p0 .LBB2_1-.Ltmp4, $4  }
0x658: {  	_ = 	snop  }
0x659: {  	[sflag:s0] =	ssyncset.done $0x0  }
0x65a: {  	[sflag:s0] =	ssyncadd.s32 $0xFFFFC800  }
0x65b: {  	_ =	strace $0x90000050  }
0x65c: {  	_ =	sfence.sel $0x180000  }
0x65d: {  	[bflag:$0x0] =	sbarrier.arrive $0xFFFF  }
0x65e: {  	_ =	strace $0x90000047  }
0x65f: {  	s0 =	stileid.u32;
	[bflag:$0x2] =	sbarrier.arrive $0xFFFF  }
0x660: {  	p0 =	sne.s32 s0, $0x0;
	s0 =	rddreg [dreg:$0x3]  }
0x661: {  	s0 =	sadd.s32 @!p0 $0x100000, s0  }
0x662: {  	[sflag:s0] =	ssyncadd.tile.s32 @!p0 $0x1;
	_ =	shalt  }
.Lfunc_end2:
_tile_overlayer_lowered:
.L_overlay_start_2:
0x663: {  	(tag) =	ssettag $0x2  }
0x664: {  	s0 =	rddreg [dreg:$0x0];
	s2 =	stileid.u32  }
0x665: {  	s1 =	rddreg [dreg:$0x1];
	p0 =	sne.s32 s2, $0x0  }
0x666: {  	s3 =	rddreg [dreg:$0x2];
	[bflag:$0x3] =	sbarrier.arrive $0xFFFF;
	s2 =	simm.s32 @!p0 $0x1C01  }
0x667: {  	[timem:s3], [sflag:s2] =	dma.local @!p0 [hbm:s0], s1  }
0x668: {  	s0 =	simm.s32 @!p0 $0x1  }
0x669: {  	_ =	swait.ge @!p0 [sflag:s0], s1  }
0x66a: {  	s1 =	ssub.s32 @!p0 $0x0, s1;
	[sflag:s0] =	ssyncset.done @!p0 $0x0  }
0x66b: {  	[sflag:s0] =	ssyncadd.s32 @!p0 s1  }
0x66c: {  	[bflag:$0x3] =	sbarrier.arrive $0xFFFF  }
0x66d: {  	_ =	shalt  }

</sc_bundles>
